<compile_context>
chip_gen: v7x
topology: tpu7x:2x2x1
jax: 0.10.2.dev20260603
libtpu: 0.0.44.dev20260713+nightly
codegen_flags: <defaults>
</compile_context>

<pallas_src>
import functools

import jax
import jax.numpy as jnp
from jax import lax
from jax.experimental import pallas as pl
from jax.experimental.pallas import tpu as pltpu
from jax.experimental.pallas import tpu_sc as plsc

_N = 10000
_E = 320000
_D_IN = 128
_H1 = 100
_F1 = 112
_H2 = 60
_FW = 64
_N_CLS = 4

_NC = 2
_NS = 16
_NW = _NC * _NS
_CH = 128
_NBUF = 5
_CHUNKS = 80
_EPW = _CHUNKS * _CH
_E_PAD = _NW * _EPW
_RPT = 632
_NH = _NS * _RPT

_mesh = plsc.VectorSubcoreMesh(core_axis_name="c", subcore_axis_name="s")

_STRIPE_CHUNKS = []
_off = 0
while _off < _RPT:
  _STRIPE_CHUNKS.append((_off, min(_CH, _RPT - _off)))
  _off += _CH


def _deg_body(dsts_hbm, zeros_hbm, out_hbm, idxd_v, ones_v, zbuf, hist, dsem):
  c = lax.axis_index("c")
  s = lax.axis_index("s")
  w = s * _NC + c
  pltpu.sync_copy(zeros_hbm, zbuf)
  for off, sz in _STRIPE_CHUNKS:
    pltpu.sync_copy(zbuf.at[pl.ds(0, sz)],
                    hist.at[pl.ds(s * _RPT + off, sz)])
  pltpu.sync_copy(dsts_hbm.at[w], idxd_v)
  one = jnp.ones((16,), jnp.float32)
  for i in range(_CH // 16):
    ones_v[pl.ds(i * 16, 16)] = one
  plsc.subcore_barrier()

  def chunk(cc, carry):
    pltpu.async_copy(ones_v, hist.at[idxd_v.at[cc]], dsem, add=True)
    return carry

  lax.fori_loop(0, _CHUNKS, chunk, 0)

  def drain(cc, carry):
    pltpu.make_async_copy(ones_v, hist.at[idxd_v.at[0]], dsem).wait()
    return carry

  lax.fori_loop(0, _CHUNKS, drain, 0)
  plsc.subcore_barrier()
  for off, sz in _STRIPE_CHUNKS:
    pltpu.sync_copy(hist.at[pl.ds(s * _RPT + off, sz)], zbuf.at[pl.ds(0, sz)])
    pltpu.sync_copy(zbuf.at[pl.ds(0, sz)],
                    out_hbm.at[pl.ds(c * _NH + s * _RPT + off, sz)])


_deg_kernel = functools.partial(
    pl.kernel,
    out_type=jax.ShapeDtypeStruct((_NC * _NH,), jnp.float32),
    mesh=_mesh,
    scratch_types=[
        pltpu.VMEM((_CHUNKS, _CH), jnp.int32),
        pltpu.VMEM((_CH,), jnp.float32),
        pltpu.VMEM((_CH,), jnp.float32),
        pltpu.VMEM_SHARED((_NH,), jnp.float32),
        pltpu.SemaphoreType.DMA,
    ],
)(_deg_body)


def _seg_sum_body(y_hbm, srcs_hbm, dsts_hbm, zeros_hbm, out_hbm,
                  idxs_v, idxd_v, rows_v, acc, *sems):
  gsem = sems[:_NBUF]
  ssem = sems[_NBUF:]
  c = lax.axis_index("c")
  s = lax.axis_index("s")
  w = s * _NC + c
  pltpu.sync_copy(zeros_hbm, rows_v.at[0])
  for off, sz in _STRIPE_CHUNKS:
    pltpu.sync_copy(rows_v.at[0].at[pl.ds(0, sz)],
                    acc.at[pl.ds(s * _RPT + off, sz)])
  pltpu.sync_copy(srcs_hbm.at[w], idxs_v)
  pltpu.sync_copy(dsts_hbm.at[w], idxd_v)
  plsc.subcore_barrier()

  def sg(cc, b):
    pltpu.async_copy(y_hbm.at[idxs_v.at[cc]], rows_v.at[b], gsem[b])

  def wg(cc, b):
    pltpu.make_async_copy(y_hbm.at[idxs_v.at[cc]], rows_v.at[b],
                          gsem[b]).wait()

  def ss(cc, b):
    pltpu.async_copy(rows_v.at[b], acc.at[idxd_v.at[cc]], ssem[b], add=True)

  def ws(cc, b):
    pltpu.make_async_copy(rows_v.at[b], acc.at[idxd_v.at[cc]],
                          ssem[b]).wait()

  for b in range(_NBUF):
    sg(b, b)

  def group(g, carry):
    for b in range(_NBUF):
      cc = g * _NBUF + b
      wg(cc, b)
      ss(cc, b)
      ws(cc, b)
      sg(cc + _NBUF, b)
    return carry

  n_groups = _CHUNKS // _NBUF
  lax.fori_loop(0, n_groups - 1, group, 0)
  for b in range(_NBUF):
    cc = (n_groups - 1) * _NBUF + b
    wg(cc, b)
    ss(cc, b)
    ws(cc, b)

  plsc.subcore_barrier()
  for off, sz in _STRIPE_CHUNKS:
    pltpu.sync_copy(acc.at[pl.ds(s * _RPT + off, sz)],
                    rows_v.at[0].at[pl.ds(0, sz)])
    pltpu.sync_copy(rows_v.at[0].at[pl.ds(0, sz)],
                    out_hbm.at[pl.ds(c * _NH + s * _RPT + off, sz)])


def _make_seg(F):
  return functools.partial(
      pl.kernel,
      out_type=jax.ShapeDtypeStruct((_NC * _NH, F), jnp.bfloat16),
      mesh=_mesh,
      compiler_params=pltpu.CompilerParams(use_tc_tiling_on_sc=False),
      scratch_types=(
          [pltpu.VMEM((_CHUNKS, _CH), jnp.int32),
           pltpu.VMEM((_CHUNKS, _CH), jnp.int32),
           pltpu.VMEM((_NBUF, _CH, F), jnp.bfloat16),
           pltpu.VMEM_SHARED((_NH, F), jnp.bfloat16)]
          + [pltpu.SemaphoreType.DMA] * (2 * _NBUF)
      ),
  )(_seg_sum_body)


_seg_sum_f1 = _make_seg(_F1)
_seg_sum_f2 = _make_seg(_FW)



def _tc1_body(cnt_ref, x_ref, w1_ref, dis_ref, y1_ref):
  cnt = cnt_ref[...]
  deg = cnt[:_NH] + cnt[_NH:] + 1.0
  dis = lax.rsqrt(jnp.maximum(deg, 1.0))
  dis_ref[...] = dis
  xw = jnp.dot(x_ref[...], w1_ref[...], preferred_element_type=jnp.float32)
  y1_ref[...] = (dis[:_N, None] * xw).astype(jnp.bfloat16)


def _tc2_body(acc_ref, y1_ref, dis_ref, b1_ref, w2_ref, y2_ref):
  dis = dis_ref[...]
  a = (acc_ref[0:_N, :].astype(jnp.float32)
       + acc_ref[_NH:_NH + _N, :].astype(jnp.float32)
       + y1_ref[...].astype(jnp.float32))
  h1 = jax.nn.relu(dis[:_N, None] * a + b1_ref[...][None, :])
  xw = jnp.dot(h1, w2_ref[...], preferred_element_type=jnp.float32)
  y2_ref[...] = (dis[:_N, None] * xw).astype(jnp.bfloat16)


def _tc3_body(acc_ref, y2_ref, dis_ref, b2_ref, wc_ref, bc_ref, out_ref):
  dis = dis_ref[...]
  a = (acc_ref[0:_N, :].astype(jnp.float32)
       + acc_ref[_NH:_NH + _N, :].astype(jnp.float32)
       + y2_ref[...].astype(jnp.float32))
  h2 = jax.nn.relu(dis[:_N, None] * a + b2_ref[...][None, :])
  logits = jnp.dot(h2, wc_ref[...], preferred_element_type=jnp.float32)
  logits = logits + bc_ref[...][None, :]
  m = jnp.max(logits, axis=1, keepdims=True)
  z = logits - m
  lse = jnp.log(jnp.sum(jnp.exp(z), axis=1, keepdims=True))
  out_ref[...] = z - lse


_tc1 = pl.pallas_call(
    _tc1_body,
    out_shape=(jax.ShapeDtypeStruct((_NH,), jnp.float32),
               jax.ShapeDtypeStruct((_N, _F1), jnp.bfloat16)),
)

_tc2 = pl.pallas_call(
    _tc2_body,
    out_shape=jax.ShapeDtypeStruct((_N, _FW), jnp.bfloat16),
)

_tc3 = pl.pallas_call(
    _tc3_body,
    out_shape=jax.ShapeDtypeStruct((_N, _N_CLS), jnp.float32),
)


def kernel(x, edge_index, W1, b1, W2, b2, Wc, bc):
  src = edge_index[0].astype(jnp.int32)
  dst = edge_index[1].astype(jnp.int32)
  pad = _E_PAD - _E
  pad_src = (jnp.arange(pad, dtype=jnp.int32) * 37) % _N
  pad_dst = _N + jnp.arange(pad, dtype=jnp.int32) % (_NH - _N)
  srcs = jnp.concatenate([src, pad_src]).reshape(_NW, _CHUNKS, _CH)
  dsts = jnp.concatenate([dst, pad_dst]).reshape(_NW, _CHUNKS, _CH)

  zeros1 = jnp.zeros((_CH,), jnp.float32)
  zeros_f1 = jnp.zeros((_CH, _F1), jnp.bfloat16)
  zeros_f2 = jnp.zeros((_CH, _FW), jnp.bfloat16)

  w1p = jnp.pad(W1, ((0, 0), (0, _F1 - _H1)))
  b1p = jnp.pad(b1, (0, _F1 - _H1))
  w2p = jnp.pad(W2, ((0, _F1 - _H1), (0, _FW - _H2)))
  b2p = jnp.pad(b2, (0, _FW - _H2))
  wcp = jnp.pad(Wc, ((0, _FW - _H2), (0, 0)))

  cnt = _deg_kernel(dsts, zeros1)
  dis, y1 = _tc1(cnt, x, w1p)
  acc1 = _seg_sum_f1(y1, srcs, dsts, zeros_f1)
  y2 = _tc2(acc1, y1, dis, b1p, w2p)
  acc2 = _seg_sum_f2(y2, srcs, dsts, zeros_f2)
  return _tc3(acc2, y2, dis, b2p, wcp, bc)

# --- scband reference (transcript-rebuilt; emitter-appended) ---
"""Pipeline reference for scband-net-10754598109861 (READ-ONLY COPY).

The authoritative reference and input builder live on the scoring server;
editing this copy changes nothing except your own understanding.
"""

import jax, jax.numpy as jnp
import numpy as np

N = 10000
E = 320000
D_IN = 128
H1 = 100
H2 = 60
N_CLS = 4


def setup_inputs(seed: int = 0) -> dict:
    key = jax.random.key(seed)
    ks = jax.random.split(key, 8)
    x = jax.random.normal(ks[0], (N, D_IN), dtype=jnp.float32)
    edge_index = jax.random.randint(ks[1], (2, E), 0, N, dtype=jnp.int32)
    W1 = jax.random.normal(ks[2], (D_IN, H1), dtype=jnp.float32) * (1.0 / np.sqrt(D_IN))
    b1 = jnp.zeros((H1,), dtype=jnp.float32)
    W2 = jax.random.normal(ks[3], (H1, H2), dtype=jnp.float32) * (1.0 / np.sqrt(H1))
    b2 = jnp.zeros((H2,), dtype=jnp.float32)
    Wc = jax.random.normal(ks[4], (H2, N_CLS), dtype=jnp.float32) * (1.0 / np.sqrt(H2))
    bc = jnp.zeros((N_CLS,), dtype=jnp.float32)
    return {"x": x, "edge_index": edge_index, "W1": W1, "b1": b1, "W2": W2, "b2": b2, "Wc": Wc, "bc": bc}


def gcn_conv(x, edge_index, W, b):
    src = edge_index[0]
    dst = edge_index[1]
    loop = jnp.arange(N, dtype=src.dtype)
    src = jnp.concatenate([src, loop])
    dst = jnp.concatenate([dst, loop])
    deg = jnp.zeros((N,), dtype=jnp.float32).at[dst].add(1.0)
    deg_inv_sqrt = jax.lax.rsqrt(jnp.maximum(deg, 1.0))
    norm = deg_inv_sqrt[src] * deg_inv_sqrt[dst]
    xw = x @ W
    msg = xw[src] * norm[:, None]
    out = jnp.zeros((N, W.shape[1]), dtype=jnp.float32).at[dst].add(msg)
    return out + b


def reference(x, edge_index, W1, b1, W2, b2, Wc, bc):
    # eval mode: dropout is identity
    h = jax.nn.relu(gcn_conv(x, edge_index, W1, b1))
    h = jax.nn.relu(gcn_conv(h, edge_index, W2, b2))
    logits = h @ Wc + bc
    return jax.nn.log_softmax(logits, axis=1)

if __name__ == "__main__":
    import jax
    _d = setup_inputs()
    print(jax.jit(kernel)(*tuple(_d.values())))

</pallas_src>

<mosaic_0001>
#map = affine_map<(d0, d1) -> (0, 0, 0)>
#map1 = affine_map<(d0, d1) -> (0)>
module attributes {stable_mosaic.version = 14 : i64} {
  func.func @_deg_body(%arg0: i32, %arg1: i32, %arg2: memref<32x80x128xi32, #tpu.memory_space<hbm>>, %arg3: memref<128xf32, #tpu.memory_space<hbm>>, %arg4: memref<20224xf32, #tpu.memory_space<hbm>>, %arg5: memref<80x128xi32, #tpu.memory_space<vmem>>, %arg6: memref<128xf32, #tpu.memory_space<vmem>>, %arg7: memref<128xf32, #tpu.memory_space<vmem>>, %arg8: memref<10112xf32, #tpu.memory_space<vmem_shared>>, %arg9: memref<!tpu.dma_semaphore, #tpu.memory_space<semaphore_mem>>) attributes {dimension_semantics = [#tpu.dimension_semantics<core_parallel>, #tpu.dimension_semantics<subcore_parallel>], iteration_bounds = array<i64: 2, 16>, scalar_prefetch = 0 : i64, scratch_operands = 5 : i64, tpu.core_type = #tpu.core_type<sc_vector_subcore>, window_params = [{transform_indices = #map}, {transform_indices = #map1}, {transform_indices = #map1}]} {
    %mul3A = arith.constant 2 : i32
    %mul3A_0 = arith.muli %arg1, %mul3A : i32
    %add3A = arith.addi %mul3A_0, %arg0 : i32
    "tpu.region"() ({
      %run_scoped3A = tpu.sem_alloc : memref<!tpu.dma_semaphore, #tpu.memory_space<semaphore_mem>>
      tpu.enqueue_dma source(%arg3 : memref<128xf32, #tpu.memory_space<hbm>>) target(%arg7 : memref<128xf32, #tpu.memory_space<vmem>>) target_semaphore(%run_scoped3A : memref<!tpu.dma_semaphore, #tpu.memory_space<semaphore_mem>>)
      tpu.wait_dma2 semaphore(%run_scoped3A : memref<!tpu.dma_semaphore, #tpu.memory_space<semaphore_mem>>) src(%arg3 : memref<128xf32, #tpu.memory_space<hbm>>) dst(%arg7 : memref<128xf32, #tpu.memory_space<vmem>>)
      tpu.yield
    }) : () -> ()
    %mul3A_1 = arith.constant 632 : i32
    %mul3A_2 = arith.muli %arg1, %mul3A_1 : i32
    %add3A_3 = arith.constant 0 : i32
    %add3A_4 = arith.addi %mul3A_2, %add3A_3 : i32
    "tpu.region"() ({
      %run_scoped3A = tpu.sem_alloc : memref<!tpu.dma_semaphore, #tpu.memory_space<semaphore_mem>>
      %dma_start3A = arith.constant 0 : i32
      %dma_start3A_120 = tpu.memref_slice %arg7[%dma_start3A] : memref<128xf32, #tpu.memory_space<vmem>> -> memref<128xf32, #tpu.memory_space<vmem>>
      %dma_start3A_121 = tpu.memref_slice %arg8[%add3A_4] : memref<10112xf32, #tpu.memory_space<vmem_shared>> -> memref<128xf32, #tpu.memory_space<vmem_shared>>
      %dma_start3A_122 = tpu.memref_slice %arg8[%add3A_4] : memref<10112xf32, #tpu.memory_space<vmem_shared>> -> memref<128xf32, #tpu.memory_space<vmem_shared>>
      %dma_start3A_123 = arith.constant 0 : i32
      %dma_start3A_124 = tpu.memref_slice %arg7[%dma_start3A_123] : memref<128xf32, #tpu.memory_space<vmem>> -> memref<128xf32, #tpu.memory_space<vmem>>
      tpu.enqueue_dma source(%dma_start3A_124 : memref<128xf32, #tpu.memory_space<vmem>>) target(%dma_start3A_122 : memref<128xf32, #tpu.memory_space<vmem_shared>>) target_semaphore(%run_scoped3A : memref<!tpu.dma_semaphore, #tpu.memory_space<semaphore_mem>>)
      %dma_wait3A = arith.constant 0 : i32
      %dma_wait3A_125 = tpu.memref_slice %arg7[%dma_wait3A] : memref<128xf32, #tpu.memory_space<vmem>> -> memref<128xf32, #tpu.memory_space<vmem>>
      %dma_wait3A_126 = tpu.memref_slice %arg8[%add3A_4] : memref<10112xf32, #tpu.memory_space<vmem_shared>> -> memref<128xf32, #tpu.memory_space<vmem_shared>>
      %dma_wait3A_127 = tpu.memref_slice %arg8[%add3A_4] : memref<10112xf32, #tpu.memory_space<vmem_shared>> -> memref<128xf32, #tpu.memory_space<vmem_shared>>
      %dma_wait3A_128 = arith.constant 0 : i32
      %dma_wait3A_129 = tpu.memref_slice %arg7[%dma_wait3A_128] : memref<128xf32, #tpu.memory_space<vmem>> -> memref<128xf32, #tpu.memory_space<vmem>>
      tpu.wait_dma2 semaphore(%run_scoped3A : memref<!tpu.dma_semaphore, #tpu.memory_space<semaphore_mem>>) src(%dma_wait3A_129 : memref<128xf32, #tpu.memory_space<vmem>>) dst(%dma_wait3A_127 : memref<128xf32, #tpu.memory_space<vmem_shared>>)
      tpu.yield
    }) : () -> ()
    %mul3A_5 = arith.constant 632 : i32
    %mul3A_6 = arith.muli %arg1, %mul3A_5 : i32
    %add3A_7 = arith.constant 128 : i32
    %add3A_8 = arith.addi %mul3A_6, %add3A_7 : i32
    "tpu.region"() ({
      %run_scoped3A = tpu.sem_alloc : memref<!tpu.dma_semaphore, #tpu.memory_space<semaphore_mem>>
      %dma_start3A = arith.constant 0 : i32
      %dma_start3A_120 = tpu.memref_slice %arg7[%dma_start3A] : memref<128xf32, #tpu.memory_space<vmem>> -> memref<128xf32, #tpu.memory_space<vmem>>
      %dma_start3A_121 = tpu.memref_slice %arg8[%add3A_8] : memref<10112xf32, #tpu.memory_space<vmem_shared>> -> memref<128xf32, #tpu.memory_space<vmem_shared>>
      %dma_start3A_122 = tpu.memref_slice %arg8[%add3A_8] : memref<10112xf32, #tpu.memory_space<vmem_shared>> -> memref<128xf32, #tpu.memory_space<vmem_shared>>
      %dma_start3A_123 = arith.constant 0 : i32
      %dma_start3A_124 = tpu.memref_slice %arg7[%dma_start3A_123] : memref<128xf32, #tpu.memory_space<vmem>> -> memref<128xf32, #tpu.memory_space<vmem>>
      tpu.enqueue_dma source(%dma_start3A_124 : memref<128xf32, #tpu.memory_space<vmem>>) target(%dma_start3A_122 : memref<128xf32, #tpu.memory_space<vmem_shared>>) target_semaphore(%run_scoped3A : memref<!tpu.dma_semaphore, #tpu.memory_space<semaphore_mem>>)
      %dma_wait3A = arith.constant 0 : i32
      %dma_wait3A_125 = tpu.memref_slice %arg7[%dma_wait3A] : memref<128xf32, #tpu.memory_space<vmem>> -> memref<128xf32, #tpu.memory_space<vmem>>
      %dma_wait3A_126 = tpu.memref_slice %arg8[%add3A_8] : memref<10112xf32, #tpu.memory_space<vmem_shared>> -> memref<128xf32, #tpu.memory_space<vmem_shared>>
      %dma_wait3A_127 = tpu.memref_slice %arg8[%add3A_8] : memref<10112xf32, #tpu.memory_space<vmem_shared>> -> memref<128xf32, #tpu.memory_space<vmem_shared>>
      %dma_wait3A_128 = arith.constant 0 : i32
      %dma_wait3A_129 = tpu.memref_slice %arg7[%dma_wait3A_128] : memref<128xf32, #tpu.memory_space<vmem>> -> memref<128xf32, #tpu.memory_space<vmem>>
      tpu.wait_dma2 semaphore(%run_scoped3A : memref<!tpu.dma_semaphore, #tpu.memory_space<semaphore_mem>>) src(%dma_wait3A_129 : memref<128xf32, #tpu.memory_space<vmem>>) dst(%dma_wait3A_127 : memref<128xf32, #tpu.memory_space<vmem_shared>>)
      tpu.yield
    }) : () -> ()
    %mul3A_9 = arith.constant 632 : i32
    %mul3A_10 = arith.muli %arg1, %mul3A_9 : i32
    %add3A_11 = arith.constant 256 : i32
    %add3A_12 = arith.addi %mul3A_10, %add3A_11 : i32
    "tpu.region"() ({
      %run_scoped3A = tpu.sem_alloc : memref<!tpu.dma_semaphore, #tpu.memory_space<semaphore_mem>>
      %dma_start3A = arith.constant 0 : i32
      %dma_start3A_120 = tpu.memref_slice %arg7[%dma_start3A] : memref<128xf32, #tpu.memory_space<vmem>> -> memref<128xf32, #tpu.memory_space<vmem>>
      %dma_start3A_121 = tpu.memref_slice %arg8[%add3A_12] : memref<10112xf32, #tpu.memory_space<vmem_shared>> -> memref<128xf32, #tpu.memory_space<vmem_shared>>
      %dma_start3A_122 = tpu.memref_slice %arg8[%add3A_12] : memref<10112xf32, #tpu.memory_space<vmem_shared>> -> memref<128xf32, #tpu.memory_space<vmem_shared>>
      %dma_start3A_123 = arith.constant 0 : i32
      %dma_start3A_124 = tpu.memref_slice %arg7[%dma_start3A_123] : memref<128xf32, #tpu.memory_space<vmem>> -> memref<128xf32, #tpu.memory_space<vmem>>
      tpu.enqueue_dma source(%dma_start3A_124 : memref<128xf32, #tpu.memory_space<vmem>>) target(%dma_start3A_122 : memref<128xf32, #tpu.memory_space<vmem_shared>>) target_semaphore(%run_scoped3A : memref<!tpu.dma_semaphore, #tpu.memory_space<semaphore_mem>>)
      %dma_wait3A = arith.constant 0 : i32
      %dma_wait3A_125 = tpu.memref_slice %arg7[%dma_wait3A] : memref<128xf32, #tpu.memory_space<vmem>> -> memref<128xf32, #tpu.memory_space<vmem>>
      %dma_wait3A_126 = tpu.memref_slice %arg8[%add3A_12] : memref<10112xf32, #tpu.memory_space<vmem_shared>> -> memref<128xf32, #tpu.memory_space<vmem_shared>>
      %dma_wait3A_127 = tpu.memref_slice %arg8[%add3A_12] : memref<10112xf32, #tpu.memory_space<vmem_shared>> -> memref<128xf32, #tpu.memory_space<vmem_shared>>
      %dma_wait3A_128 = arith.constant 0 : i32
      %dma_wait3A_129 = tpu.memref_slice %arg7[%dma_wait3A_128] : memref<128xf32, #tpu.memory_space<vmem>> -> memref<128xf32, #tpu.memory_space<vmem>>
      tpu.wait_dma2 semaphore(%run_scoped3A : memref<!tpu.dma_semaphore, #tpu.memory_space<semaphore_mem>>) src(%dma_wait3A_129 : memref<128xf32, #tpu.memory_space<vmem>>) dst(%dma_wait3A_127 : memref<128xf32, #tpu.memory_space<vmem_shared>>)
      tpu.yield
    }) : () -> ()
    %mul3A_13 = arith.constant 632 : i32
    %mul3A_14 = arith.muli %arg1, %mul3A_13 : i32
    %add3A_15 = arith.constant 384 : i32
    %add3A_16 = arith.addi %mul3A_14, %add3A_15 : i32
    "tpu.region"() ({
      %run_scoped3A = tpu.sem_alloc : memref<!tpu.dma_semaphore, #tpu.memory_space<semaphore_mem>>
      %dma_start3A = arith.constant 0 : i32
      %dma_start3A_120 = tpu.memref_slice %arg7[%dma_start3A] : memref<128xf32, #tpu.memory_space<vmem>> -> memref<128xf32, #tpu.memory_space<vmem>>
      %dma_start3A_121 = tpu.memref_slice %arg8[%add3A_16] : memref<10112xf32, #tpu.memory_space<vmem_shared>> -> memref<128xf32, #tpu.memory_space<vmem_shared>>
      %dma_start3A_122 = tpu.memref_slice %arg8[%add3A_16] : memref<10112xf32, #tpu.memory_space<vmem_shared>> -> memref<128xf32, #tpu.memory_space<vmem_shared>>
      %dma_start3A_123 = arith.constant 0 : i32
      %dma_start3A_124 = tpu.memref_slice %arg7[%dma_start3A_123] : memref<128xf32, #tpu.memory_space<vmem>> -> memref<128xf32, #tpu.memory_space<vmem>>
      tpu.enqueue_dma source(%dma_start3A_124 : memref<128xf32, #tpu.memory_space<vmem>>) target(%dma_start3A_122 : memref<128xf32, #tpu.memory_space<vmem_shared>>) target_semaphore(%run_scoped3A : memref<!tpu.dma_semaphore, #tpu.memory_space<semaphore_mem>>)
      %dma_wait3A = arith.constant 0 : i32
      %dma_wait3A_125 = tpu.memref_slice %arg7[%dma_wait3A] : memref<128xf32, #tpu.memory_space<vmem>> -> memref<128xf32, #tpu.memory_space<vmem>>
      %dma_wait3A_126 = tpu.memref_slice %arg8[%add3A_16] : memref<10112xf32, #tpu.memory_space<vmem_shared>> -> memref<128xf32, #tpu.memory_space<vmem_shared>>
      %dma_wait3A_127 = tpu.memref_slice %arg8[%add3A_16] : memref<10112xf32, #tpu.memory_space<vmem_shared>> -> memref<128xf32, #tpu.memory_space<vmem_shared>>
      %dma_wait3A_128 = arith.constant 0 : i32
      %dma_wait3A_129 = tpu.memref_slice %arg7[%dma_wait3A_128] : memref<128xf32, #tpu.memory_space<vmem>> -> memref<128xf32, #tpu.memory_space<vmem>>
      tpu.wait_dma2 semaphore(%run_scoped3A : memref<!tpu.dma_semaphore, #tpu.memory_space<semaphore_mem>>) src(%dma_wait3A_129 : memref<128xf32, #tpu.memory_space<vmem>>) dst(%dma_wait3A_127 : memref<128xf32, #tpu.memory_space<vmem_shared>>)
      tpu.yield
    }) : () -> ()
    %mul3A_17 = arith.constant 632 : i32
    %mul3A_18 = arith.muli %arg1, %mul3A_17 : i32
    %add3A_19 = arith.constant 512 : i32
    %add3A_20 = arith.addi %mul3A_18, %add3A_19 : i32
    "tpu.region"() ({
      %run_scoped3A = tpu.sem_alloc : memref<!tpu.dma_semaphore, #tpu.memory_space<semaphore_mem>>
      %dma_start3A = arith.constant 0 : i32
      %dma_start3A_120 = tpu.memref_slice %arg7[%dma_start3A] : memref<128xf32, #tpu.memory_space<vmem>> -> memref<120xf32, #tpu.memory_space<vmem>>
      %dma_start3A_121 = tpu.memref_slice %arg8[%add3A_20] : memref<10112xf32, #tpu.memory_space<vmem_shared>> -> memref<120xf32, #tpu.memory_space<vmem_shared>>
      %dma_start3A_122 = tpu.memref_slice %arg8[%add3A_20] : memref<10112xf32, #tpu.memory_space<vmem_shared>> -> memref<120xf32, #tpu.memory_space<vmem_shared>>
      %dma_start3A_123 = arith.constant 0 : i32
      %dma_start3A_124 = tpu.memref_slice %arg7[%dma_start3A_123] : memref<128xf32, #tpu.memory_space<vmem>> -> memref<120xf32, #tpu.memory_space<vmem>>
      tpu.enqueue_dma source(%dma_start3A_124 : memref<120xf32, #tpu.memory_space<vmem>>) target(%dma_start3A_122 : memref<120xf32, #tpu.memory_space<vmem_shared>>) target_semaphore(%run_scoped3A : memref<!tpu.dma_semaphore, #tpu.memory_space<semaphore_mem>>)
      %dma_wait3A = arith.constant 0 : i32
      %dma_wait3A_125 = tpu.memref_slice %arg7[%dma_wait3A] : memref<128xf32, #tpu.memory_space<vmem>> -> memref<120xf32, #tpu.memory_space<vmem>>
      %dma_wait3A_126 = tpu.memref_slice %arg8[%add3A_20] : memref<10112xf32, #tpu.memory_space<vmem_shared>> -> memref<120xf32, #tpu.memory_space<vmem_shared>>
      %dma_wait3A_127 = tpu.memref_slice %arg8[%add3A_20] : memref<10112xf32, #tpu.memory_space<vmem_shared>> -> memref<120xf32, #tpu.memory_space<vmem_shared>>
      %dma_wait3A_128 = arith.constant 0 : i32
      %dma_wait3A_129 = tpu.memref_slice %arg7[%dma_wait3A_128] : memref<128xf32, #tpu.memory_space<vmem>> -> memref<120xf32, #tpu.memory_space<vmem>>
      tpu.wait_dma2 semaphore(%run_scoped3A : memref<!tpu.dma_semaphore, #tpu.memory_space<semaphore_mem>>) src(%dma_wait3A_129 : memref<120xf32, #tpu.memory_space<vmem>>) dst(%dma_wait3A_127 : memref<120xf32, #tpu.memory_space<vmem_shared>>)
      tpu.yield
    }) : () -> ()
    "tpu.region"() ({
      %run_scoped3A = tpu.sem_alloc : memref<!tpu.dma_semaphore, #tpu.memory_space<semaphore_mem>>
      %dma_start3A = arith.constant 0 : i32
      %dma_start3A_120 = arith.constant 0 : i32
      %dma_start3A_121 = tpu.memref_slice %arg2[%add3A, %dma_start3A, %dma_start3A_120] : memref<32x80x128xi32, #tpu.memory_space<hbm>> -> memref<1x80x128xi32, #tpu.memory_space<hbm>>
      %dma_start3A_122 = tpu.memref_squeeze %dma_start3A_121 : memref<1x80x128xi32, #tpu.memory_space<hbm>> -> memref<80x128xi32, #tpu.memory_space<hbm>>
      %dma_start3A_123 = arith.constant 0 : i32
      %dma_start3A_124 = arith.constant 0 : i32
      %dma_start3A_125 = tpu.memref_slice %arg2[%add3A, %dma_start3A_123, %dma_start3A_124] : memref<32x80x128xi32, #tpu.memory_space<hbm>> -> memref<1x80x128xi32, #tpu.memory_space<hbm>>
      %dma_start3A_126 = tpu.memref_squeeze %dma_start3A_125 : memref<1x80x128xi32, #tpu.memory_space<hbm>> -> memref<80x128xi32, #tpu.memory_space<hbm>>
      tpu.enqueue_dma source(%dma_start3A_126 : memref<80x128xi32, #tpu.memory_space<hbm>>) target(%arg5 : memref<80x128xi32, #tpu.memory_space<vmem>>) target_semaphore(%run_scoped3A : memref<!tpu.dma_semaphore, #tpu.memory_space<semaphore_mem>>)
      %dma_wait3A = arith.constant 0 : i32
      %dma_wait3A_127 = arith.constant 0 : i32
      %dma_wait3A_128 = tpu.memref_slice %arg2[%add3A, %dma_wait3A, %dma_wait3A_127] : memref<32x80x128xi32, #tpu.memory_space<hbm>> -> memref<1x80x128xi32, #tpu.memory_space<hbm>>
      %dma_wait3A_129 = tpu.memref_squeeze %dma_wait3A_128 : memref<1x80x128xi32, #tpu.memory_space<hbm>> -> memref<80x128xi32, #tpu.memory_space<hbm>>
      %dma_wait3A_130 = arith.constant 0 : i32
      %dma_wait3A_131 = arith.constant 0 : i32
      %dma_wait3A_132 = tpu.memref_slice %arg2[%add3A, %dma_wait3A_130, %dma_wait3A_131] : memref<32x80x128xi32, #tpu.memory_space<hbm>> -> memref<1x80x128xi32, #tpu.memory_space<hbm>>
      %dma_wait3A_133 = tpu.memref_squeeze %dma_wait3A_132 : memref<1x80x128xi32, #tpu.memory_space<hbm>> -> memref<80x128xi32, #tpu.memory_space<hbm>>
      tpu.wait_dma2 semaphore(%run_scoped3A : memref<!tpu.dma_semaphore, #tpu.memory_space<semaphore_mem>>) src(%dma_wait3A_133 : memref<80x128xi32, #tpu.memory_space<hbm>>) dst(%arg5 : memref<80x128xi32, #tpu.memory_space<vmem>>)
      tpu.yield
    }) : () -> ()
    %broadcast_in_dim3A = arith.constant 1.000000e+00 : f32
    %broadcast_in_dim3A_21 = vector.broadcast %broadcast_in_dim3A : f32 to vector<16xf32>
    %swap3A = arith.constant 0 : index
    %swap3A_22 = tpu.vector_load %arg6[%swap3A] {strides = array<i32>} : memref<128xf32, #tpu.memory_space<vmem>>, vector<16xf32>,
    %swap3A_23 = vector.shape_cast %swap3A_22 : vector<16xf32> to vector<16xf32>
    %swap3A_24 = vector.shape_cast %broadcast_in_dim3A_21 : vector<16xf32> to vector<16xf32>
    tpu.vector_store %arg6[%swap3A], %swap3A_24 {strides = array<i32>} : memref<128xf32, #tpu.memory_space<vmem>>, vector<16xf32>,
    %swap3A_25 = arith.constant 16 : index
    %swap3A_26 = tpu.vector_load %arg6[%swap3A_25] {strides = array<i32>} : memref<128xf32, #tpu.memory_space<vmem>>, vector<16xf32>,
    %swap3A_27 = vector.shape_cast %swap3A_26 : vector<16xf32> to vector<16xf32>
    %swap3A_28 = vector.shape_cast %broadcast_in_dim3A_21 : vector<16xf32> to vector<16xf32>
    tpu.vector_store %arg6[%swap3A_25], %swap3A_28 {strides = array<i32>} : memref<128xf32, #tpu.memory_space<vmem>>, vector<16xf32>,
    %swap3A_29 = arith.constant 32 : index
    %swap3A_30 = tpu.vector_load %arg6[%swap3A_29] {strides = array<i32>} : memref<128xf32, #tpu.memory_space<vmem>>, vector<16xf32>,
    %swap3A_31 = vector.shape_cast %swap3A_30 : vector<16xf32> to vector<16xf32>
    %swap3A_32 = vector.shape_cast %broadcast_in_dim3A_21 : vector<16xf32> to vector<16xf32>
    tpu.vector_store %arg6[%swap3A_29], %swap3A_32 {strides = array<i32>} : memref<128xf32, #tpu.memory_space<vmem>>, vector<16xf32>,
    %swap3A_33 = arith.constant 48 : index
    %swap3A_34 = tpu.vector_load %arg6[%swap3A_33] {strides = array<i32>} : memref<128xf32, #tpu.memory_space<vmem>>, vector<16xf32>,
    %swap3A_35 = vector.shape_cast %swap3A_34 : vector<16xf32> to vector<16xf32>
    %swap3A_36 = vector.shape_cast %broadcast_in_dim3A_21 : vector<16xf32> to vector<16xf32>
    tpu.vector_store %arg6[%swap3A_33], %swap3A_36 {strides = array<i32>} : memref<128xf32, #tpu.memory_space<vmem>>, vector<16xf32>,
    %swap3A_37 = arith.constant 64 : index
    %swap3A_38 = tpu.vector_load %arg6[%swap3A_37] {strides = array<i32>} : memref<128xf32, #tpu.memory_space<vmem>>, vector<16xf32>,
    %swap3A_39 = vector.shape_cast %swap3A_38 : vector<16xf32> to vector<16xf32>
    %swap3A_40 = vector.shape_cast %broadcast_in_dim3A_21 : vector<16xf32> to vector<16xf32>
    tpu.vector_store %arg6[%swap3A_37], %swap3A_40 {strides = array<i32>} : memref<128xf32, #tpu.memory_space<vmem>>, vector<16xf32>,
    %swap3A_41 = arith.constant 80 : index
    %swap3A_42 = tpu.vector_load %arg6[%swap3A_41] {strides = array<i32>} : memref<128xf32, #tpu.memory_space<vmem>>, vector<16xf32>,
    %swap3A_43 = vector.shape_cast %swap3A_42 : vector<16xf32> to vector<16xf32>
    %swap3A_44 = vector.shape_cast %broadcast_in_dim3A_21 : vector<16xf32> to vector<16xf32>
    tpu.vector_store %arg6[%swap3A_41], %swap3A_44 {strides = array<i32>} : memref<128xf32, #tpu.memory_space<vmem>>, vector<16xf32>,
    %swap3A_45 = arith.constant 96 : index
    %swap3A_46 = tpu.vector_load %arg6[%swap3A_45] {strides = array<i32>} : memref<128xf32, #tpu.memory_space<vmem>>, vector<16xf32>,
    %swap3A_47 = vector.shape_cast %swap3A_46 : vector<16xf32> to vector<16xf32>
    %swap3A_48 = vector.shape_cast %broadcast_in_dim3A_21 : vector<16xf32> to vector<16xf32>
    tpu.vector_store %arg6[%swap3A_45], %swap3A_48 {strides = array<i32>} : memref<128xf32, #tpu.memory_space<vmem>>, vector<16xf32>,
    %swap3A_49 = arith.constant 112 : index
    %swap3A_50 = tpu.vector_load %arg6[%swap3A_49] {strides = array<i32>} : memref<128xf32, #tpu.memory_space<vmem>>, vector<16xf32>,
    %swap3A_51 = vector.shape_cast %swap3A_50 : vector<16xf32> to vector<16xf32>
    %swap3A_52 = vector.shape_cast %broadcast_in_dim3A_21 : vector<16xf32> to vector<16xf32>
    tpu.vector_store %arg6[%swap3A_49], %swap3A_52 {strides = array<i32>} : memref<128xf32, #tpu.memory_space<vmem>>, vector<16xf32>,
    %barrier3A = arith.constant 0 : index
    tpu.barrier barrier_id(%barrier3A)
    %scan3A = arith.constant 0 : i32
    %scan3A_53 = arith.constant 0 : i32
    %scan3A_54 = arith.constant 80 : i32
    %scan3A_55 = arith.addi %scan3A_53, %scan3A_54 : i32
    %scan3A_56 = arith.constant 1 : i32
    scf.for %scan3A_120 = %scan3A_53 to %scan3A_55 step %scan3A_56  : i32 {
      %dma_start3A = arith.constant 0 : i32
      %dma_start3A_121 = tpu.memref_slice %arg5[%scan3A_120, %dma_start3A] : memref<80x128xi32, #tpu.memory_space<vmem>> -> memref<1x128xi32, #tpu.memory_space<vmem>>
      %dma_start3A_122 = tpu.memref_squeeze %dma_start3A_121 : memref<1x128xi32, #tpu.memory_space<vmem>> -> memref<128xi32, #tpu.memory_space<vmem>>
      %dma_start3A_123 = arith.constant 0 : i32
      %dma_start3A_124 = tpu.memref_slice %arg8[%dma_start3A_123] : memref<10112xf32, #tpu.memory_space<vmem_shared>> -> memref<10112xf32, #tpu.memory_space<vmem_shared>>
      tpu.enqueue_indirect_dma source(%arg6 : memref<128xf32, #tpu.memory_space<vmem>>) target(%dma_start3A_124 : memref<10112xf32, #tpu.memory_space<vmem_shared>>) offsets(%dma_start3A_122 : memref<128xi32, #tpu.memory_space<vmem>>) semaphore(%arg9 : memref<!tpu.dma_semaphore, #tpu.memory_space<semaphore_mem>>) {add = true}
    }
    %scan3A_57 = arith.constant 80 : i32
    %scan3A_58 = arith.constant 0 : i32
    %scan3A_59 = arith.constant 0 : i32
    %scan3A_60 = arith.constant 80 : i32
    %scan3A_61 = arith.addi %scan3A_59, %scan3A_60 : i32
    %scan3A_62 = arith.constant 1 : i32
    scf.for %scan3A_120 = %scan3A_59 to %scan3A_61 step %scan3A_62  : i32 {
      %dma_wait3A = arith.constant 0 : i32
      %dma_wait3A_121 = arith.constant 0 : i32
      %dma_wait3A_122 = tpu.memref_slice %arg5[%dma_wait3A, %dma_wait3A_121] : memref<80x128xi32, #tpu.memory_space<vmem>> -> memref<1x128xi32, #tpu.memory_space<vmem>>
      %dma_wait3A_123 = tpu.memref_squeeze %dma_wait3A_122 : memref<1x128xi32, #tpu.memory_space<vmem>> -> memref<128xi32, #tpu.memory_space<vmem>>
      %dma_wait3A_124 = arith.constant 0 : i32
      %dma_wait3A_125 = tpu.memref_slice %arg8[%dma_wait3A_124] : memref<10112xf32, #tpu.memory_space<vmem_shared>> -> memref<10112xf32, #tpu.memory_space<vmem_shared>>
      tpu.wait_indirect_dma semaphore(%arg9 : memref<!tpu.dma_semaphore, #tpu.memory_space<semaphore_mem>>) src(%arg6 : memref<128xf32, #tpu.memory_space<vmem>>) dst(%dma_wait3A_125 : memref<10112xf32, #tpu.memory_space<vmem_shared>>)
    }
    %scan3A_63 = arith.constant 80 : i32
    %barrier3A_64 = arith.constant 0 : index
    tpu.barrier barrier_id(%barrier3A_64)
    %mul3A_65 = arith.constant 632 : i32
    %mul3A_66 = arith.muli %arg1, %mul3A_65 : i32
    %add3A_67 = arith.constant 0 : i32
    %add3A_68 = arith.addi %mul3A_66, %add3A_67 : i32
    "tpu.region"() ({
      %run_scoped3A = tpu.sem_alloc : memref<!tpu.dma_semaphore, #tpu.memory_space<semaphore_mem>>
      %dma_start3A = arith.constant 0 : i32
      %dma_start3A_120 = tpu.memref_slice %arg7[%dma_start3A] : memref<128xf32, #tpu.memory_space<vmem>> -> memref<128xf32, #tpu.memory_space<vmem>>
      %dma_start3A_121 = tpu.memref_slice %arg8[%add3A_68] : memref<10112xf32, #tpu.memory_space<vmem_shared>> -> memref<128xf32, #tpu.memory_space<vmem_shared>>
      %dma_start3A_122 = arith.constant 0 : i32
      %dma_start3A_123 = tpu.memref_slice %arg7[%dma_start3A_122] : memref<128xf32, #tpu.memory_space<vmem>> -> memref<128xf32, #tpu.memory_space<vmem>>
      %dma_start3A_124 = tpu.memref_slice %arg8[%add3A_68] : memref<10112xf32, #tpu.memory_space<vmem_shared>> -> memref<128xf32, #tpu.memory_space<vmem_shared>>
      tpu.enqueue_dma source(%dma_start3A_124 : memref<128xf32, #tpu.memory_space<vmem_shared>>) target(%dma_start3A_123 : memref<128xf32, #tpu.memory_space<vmem>>) target_semaphore(%run_scoped3A : memref<!tpu.dma_semaphore, #tpu.memory_space<semaphore_mem>>)
      %dma_wait3A = arith.constant 0 : i32
      %dma_wait3A_125 = tpu.memref_slice %arg7[%dma_wait3A] : memref<128xf32, #tpu.memory_space<vmem>> -> memref<128xf32, #tpu.memory_space<vmem>>
      %dma_wait3A_126 = tpu.memref_slice %arg8[%add3A_68] : memref<10112xf32, #tpu.memory_space<vmem_shared>> -> memref<128xf32, #tpu.memory_space<vmem_shared>>
      %dma_wait3A_127 = arith.constant 0 : i32
      %dma_wait3A_128 = tpu.memref_slice %arg7[%dma_wait3A_127] : memref<128xf32, #tpu.memory_space<vmem>> -> memref<128xf32, #tpu.memory_space<vmem>>
      %dma_wait3A_129 = tpu.memref_slice %arg8[%add3A_68] : memref<10112xf32, #tpu.memory_space<vmem_shared>> -> memref<128xf32, #tpu.memory_space<vmem_shared>>
      tpu.wait_dma2 semaphore(%run_scoped3A : memref<!tpu.dma_semaphore, #tpu.memory_space<semaphore_mem>>) src(%dma_wait3A_129 : memref<128xf32, #tpu.memory_space<vmem_shared>>) dst(%dma_wait3A_128 : memref<128xf32, #tpu.memory_space<vmem>>)
      tpu.yield
    }) : () -> ()
    %mul3A_69 = arith.constant 10112 : i32
    %mul3A_70 = arith.muli %arg0, %mul3A_69 : i32
    %mul3A_71 = arith.constant 632 : i32
    %mul3A_72 = arith.muli %arg1, %mul3A_71 : i32
    %add3A_73 = arith.addi %mul3A_70, %mul3A_72 : i32
    %add3A_74 = arith.constant 0 : i32
    %add3A_75 = arith.addi %add3A_73, %add3A_74 : i32
    "tpu.region"() ({
      %run_scoped3A = tpu.sem_alloc : memref<!tpu.dma_semaphore, #tpu.memory_space<semaphore_mem>>
      %dma_start3A = arith.constant 0 : i32
      %dma_start3A_120 = tpu.memref_slice %arg7[%dma_start3A] : memref<128xf32, #tpu.memory_space<vmem>> -> memref<128xf32, #tpu.memory_space<vmem>>
      %dma_start3A_121 = tpu.memref_slice %arg4[%add3A_75] : memref<20224xf32, #tpu.memory_space<hbm>> -> memref<128xf32, #tpu.memory_space<hbm>>
      %dma_start3A_122 = tpu.memref_slice %arg4[%add3A_75] : memref<20224xf32, #tpu.memory_space<hbm>> -> memref<128xf32, #tpu.memory_space<hbm>>
      %dma_start3A_123 = arith.constant 0 : i32
      %dma_start3A_124 = tpu.memref_slice %arg7[%dma_start3A_123] : memref<128xf32, #tpu.memory_space<vmem>> -> memref<128xf32, #tpu.memory_space<vmem>>
      tpu.enqueue_dma source(%dma_start3A_124 : memref<128xf32, #tpu.memory_space<vmem>>) target(%dma_start3A_122 : memref<128xf32, #tpu.memory_space<hbm>>) target_semaphore(%run_scoped3A : memref<!tpu.dma_semaphore, #tpu.memory_space<semaphore_mem>>)
      %dma_wait3A = arith.constant 0 : i32
      %dma_wait3A_125 = tpu.memref_slice %arg7[%dma_wait3A] : memref<128xf32, #tpu.memory_space<vmem>> -> memref<128xf32, #tpu.memory_space<vmem>>
      %dma_wait3A_126 = tpu.memref_slice %arg4[%add3A_75] : memref<20224xf32, #tpu.memory_space<hbm>> -> memref<128xf32, #tpu.memory_space<hbm>>
      %dma_wait3A_127 = tpu.memref_slice %arg4[%add3A_75] : memref<20224xf32, #tpu.memory_space<hbm>> -> memref<128xf32, #tpu.memory_space<hbm>>
      %dma_wait3A_128 = arith.constant 0 : i32
      %dma_wait3A_129 = tpu.memref_slice %arg7[%dma_wait3A_128] : memref<128xf32, #tpu.memory_space<vmem>> -> memref<128xf32, #tpu.memory_space<vmem>>
      tpu.wait_dma2 semaphore(%run_scoped3A : memref<!tpu.dma_semaphore, #tpu.memory_space<semaphore_mem>>) src(%dma_wait3A_129 : memref<128xf32, #tpu.memory_space<vmem>>) dst(%dma_wait3A_127 : memref<128xf32, #tpu.memory_space<hbm>>)
      tpu.yield
    }) : () -> ()
    %mul3A_76 = arith.constant 632 : i32
    %mul3A_77 = arith.muli %arg1, %mul3A_76 : i32
    %add3A_78 = arith.constant 128 : i32
    %add3A_79 = arith.addi %mul3A_77, %add3A_78 : i32
    "tpu.region"() ({
      %run_scoped3A = tpu.sem_alloc : memref<!tpu.dma_semaphore, #tpu.memory_space<semaphore_mem>>
      %dma_start3A = arith.constant 0 : i32
      %dma_start3A_120 = tpu.memref_slice %arg7[%dma_start3A] : memref<128xf32, #tpu.memory_space<vmem>> -> memref<128xf32, #tpu.memory_space<vmem>>
      %dma_start3A_121 = tpu.memref_slice %arg8[%add3A_79] : memref<10112xf32, #tpu.memory_space<vmem_shared>> -> memref<128xf32, #tpu.memory_space<vmem_shared>>
      %dma_start3A_122 = arith.constant 0 : i32
      %dma_start3A_123 = tpu.memref_slice %arg7[%dma_start3A_122] : memref<128xf32, #tpu.memory_space<vmem>> -> memref<128xf32, #tpu.memory_space<vmem>>
      %dma_start3A_124 = tpu.memref_slice %arg8[%add3A_79] : memref<10112xf32, #tpu.memory_space<vmem_shared>> -> memref<128xf32, #tpu.memory_space<vmem_shared>>
      tpu.enqueue_dma source(%dma_start3A_124 : memref<128xf32, #tpu.memory_space<vmem_shared>>) target(%dma_start3A_123 : memref<128xf32, #tpu.memory_space<vmem>>) target_semaphore(%run_scoped3A : memref<!tpu.dma_semaphore, #tpu.memory_space<semaphore_mem>>)
      %dma_wait3A = arith.constant 0 : i32
      %dma_wait3A_125 = tpu.memref_slice %arg7[%dma_wait3A] : memref<128xf32, #tpu.memory_space<vmem>> -> memref<128xf32, #tpu.memory_space<vmem>>
      %dma_wait3A_126 = tpu.memref_slice %arg8[%add3A_79] : memref<10112xf32, #tpu.memory_space<vmem_shared>> -> memref<128xf32, #tpu.memory_space<vmem_shared>>
      %dma_wait3A_127 = arith.constant 0 : i32
      %dma_wait3A_128 = tpu.memref_slice %arg7[%dma_wait3A_127] : memref<128xf32, #tpu.memory_space<vmem>> -> memref<128xf32, #tpu.memory_space<vmem>>
      %dma_wait3A_129 = tpu.memref_slice %arg8[%add3A_79] : memref<10112xf32, #tpu.memory_space<vmem_shared>> -> memref<128xf32, #tpu.memory_space<vmem_shared>>
      tpu.wait_dma2 semaphore(%run_scoped3A : memref<!tpu.dma_semaphore, #tpu.memory_space<semaphore_mem>>) src(%dma_wait3A_129 : memref<128xf32, #tpu.memory_space<vmem_shared>>) dst(%dma_wait3A_128 : memref<128xf32, #tpu.memory_space<vmem>>)
      tpu.yield
    }) : () -> ()
    %mul3A_80 = arith.constant 10112 : i32
    %mul3A_81 = arith.muli %arg0, %mul3A_80 : i32
    %mul3A_82 = arith.constant 632 : i32
    %mul3A_83 = arith.muli %arg1, %mul3A_82 : i32
    %add3A_84 = arith.addi %mul3A_81, %mul3A_83 : i32
    %add3A_85 = arith.constant 128 : i32
    %add3A_86 = arith.addi %add3A_84, %add3A_85 : i32
    "tpu.region"() ({
      %run_scoped3A = tpu.sem_alloc : memref<!tpu.dma_semaphore, #tpu.memory_space<semaphore_mem>>
      %dma_start3A = arith.constant 0 : i32
      %dma_start3A_120 = tpu.memref_slice %arg7[%dma_start3A] : memref<128xf32, #tpu.memory_space<vmem>> -> memref<128xf32, #tpu.memory_space<vmem>>
      %dma_start3A_121 = tpu.memref_slice %arg4[%add3A_86] : memref<20224xf32, #tpu.memory_space<hbm>> -> memref<128xf32, #tpu.memory_space<hbm>>
      %dma_start3A_122 = tpu.memref_slice %arg4[%add3A_86] : memref<20224xf32, #tpu.memory_space<hbm>> -> memref<128xf32, #tpu.memory_space<hbm>>
      %dma_start3A_123 = arith.constant 0 : i32
      %dma_start3A_124 = tpu.memref_slice %arg7[%dma_start3A_123] : memref<128xf32, #tpu.memory_space<vmem>> -> memref<128xf32, #tpu.memory_space<vmem>>
      tpu.enqueue_dma source(%dma_start3A_124 : memref<128xf32, #tpu.memory_space<vmem>>) target(%dma_start3A_122 : memref<128xf32, #tpu.memory_space<hbm>>) target_semaphore(%run_scoped3A : memref<!tpu.dma_semaphore, #tpu.memory_space<semaphore_mem>>)
      %dma_wait3A = arith.constant 0 : i32
      %dma_wait3A_125 = tpu.memref_slice %arg7[%dma_wait3A] : memref<128xf32, #tpu.memory_space<vmem>> -> memref<128xf32, #tpu.memory_space<vmem>>
      %dma_wait3A_126 = tpu.memref_slice %arg4[%add3A_86] : memref<20224xf32, #tpu.memory_space<hbm>> -> memref<128xf32, #tpu.memory_space<hbm>>
      %dma_wait3A_127 = tpu.memref_slice %arg4[%add3A_86] : memref<20224xf32, #tpu.memory_space<hbm>> -> memref<128xf32, #tpu.memory_space<hbm>>
      %dma_wait3A_128 = arith.constant 0 : i32
      %dma_wait3A_129 = tpu.memref_slice %arg7[%dma_wait3A_128] : memref<128xf32, #tpu.memory_space<vmem>> -> memref<128xf32, #tpu.memory_space<vmem>>
      tpu.wait_dma2 semaphore(%run_scoped3A : memref<!tpu.dma_semaphore, #tpu.memory_space<semaphore_mem>>) src(%dma_wait3A_129 : memref<128xf32, #tpu.memory_space<vmem>>) dst(%dma_wait3A_127 : memref<128xf32, #tpu.memory_space<hbm>>)
      tpu.yield
    }) : () -> ()
    %mul3A_87 = arith.constant 632 : i32
    %mul3A_88 = arith.muli %arg1, %mul3A_87 : i32
    %add3A_89 = arith.constant 256 : i32
    %add3A_90 = arith.addi %mul3A_88, %add3A_89 : i32
    "tpu.region"() ({
      %run_scoped3A = tpu.sem_alloc : memref<!tpu.dma_semaphore, #tpu.memory_space<semaphore_mem>>
      %dma_start3A = arith.constant 0 : i32
      %dma_start3A_120 = tpu.memref_slice %arg7[%dma_start3A] : memref<128xf32, #tpu.memory_space<vmem>> -> memref<128xf32, #tpu.memory_space<vmem>>
      %dma_start3A_121 = tpu.memref_slice %arg8[%add3A_90] : memref<10112xf32, #tpu.memory_space<vmem_shared>> -> memref<128xf32, #tpu.memory_space<vmem_shared>>
      %dma_start3A_122 = arith.constant 0 : i32
      %dma_start3A_123 = tpu.memref_slice %arg7[%dma_start3A_122] : memref<128xf32, #tpu.memory_space<vmem>> -> memref<128xf32, #tpu.memory_space<vmem>>
      %dma_start3A_124 = tpu.memref_slice %arg8[%add3A_90] : memref<10112xf32, #tpu.memory_space<vmem_shared>> -> memref<128xf32, #tpu.memory_space<vmem_shared>>
      tpu.enqueue_dma source(%dma_start3A_124 : memref<128xf32, #tpu.memory_space<vmem_shared>>) target(%dma_start3A_123 : memref<128xf32, #tpu.memory_space<vmem>>) target_semaphore(%run_scoped3A : memref<!tpu.dma_semaphore, #tpu.memory_space<semaphore_mem>>)
      %dma_wait3A = arith.constant 0 : i32
      %dma_wait3A_125 = tpu.memref_slice %arg7[%dma_wait3A] : memref<128xf32, #tpu.memory_space<vmem>> -> memref<128xf32, #tpu.memory_space<vmem>>
      %dma_wait3A_126 = tpu.memref_slice %arg8[%add3A_90] : memref<10112xf32, #tpu.memory_space<vmem_shared>> -> memref<128xf32, #tpu.memory_space<vmem_shared>>
      %dma_wait3A_127 = arith.constant 0 : i32
      %dma_wait3A_128 = tpu.memref_slice %arg7[%dma_wait3A_127] : memref<128xf32, #tpu.memory_space<vmem>> -> memref<128xf32, #tpu.memory_space<vmem>>
      %dma_wait3A_129 = tpu.memref_slice %arg8[%add3A_90] : memref<10112xf32, #tpu.memory_space<vmem_shared>> -> memref<128xf32, #tpu.memory_space<vmem_shared>>
      tpu.wait_dma2 semaphore(%run_scoped3A : memref<!tpu.dma_semaphore, #tpu.memory_space<semaphore_mem>>) src(%dma_wait3A_129 : memref<128xf32, #tpu.memory_space<vmem_shared>>) dst(%dma_wait3A_128 : memref<128xf32, #tpu.memory_space<vmem>>)
      tpu.yield
    }) : () -> ()
    %mul3A_91 = arith.constant 10112 : i32
    %mul3A_92 = arith.muli %arg0, %mul3A_91 : i32
    %mul3A_93 = arith.constant 632 : i32
    %mul3A_94 = arith.muli %arg1, %mul3A_93 : i32
    %add3A_95 = arith.addi %mul3A_92, %mul3A_94 : i32
    %add3A_96 = arith.constant 256 : i32
    %add3A_97 = arith.addi %add3A_95, %add3A_96 : i32
    "tpu.region"() ({
      %run_scoped3A = tpu.sem_alloc : memref<!tpu.dma_semaphore, #tpu.memory_space<semaphore_mem>>
      %dma_start3A = arith.constant 0 : i32
      %dma_start3A_120 = tpu.memref_slice %arg7[%dma_start3A] : memref<128xf32, #tpu.memory_space<vmem>> -> memref<128xf32, #tpu.memory_space<vmem>>
      %dma_start3A_121 = tpu.memref_slice %arg4[%add3A_97] : memref<20224xf32, #tpu.memory_space<hbm>> -> memref<128xf32, #tpu.memory_space<hbm>>
      %dma_start3A_122 = tpu.memref_slice %arg4[%add3A_97] : memref<20224xf32, #tpu.memory_space<hbm>> -> memref<128xf32, #tpu.memory_space<hbm>>
      %dma_start3A_123 = arith.constant 0 : i32
      %dma_start3A_124 = tpu.memref_slice %arg7[%dma_start3A_123] : memref<128xf32, #tpu.memory_space<vmem>> -> memref<128xf32, #tpu.memory_space<vmem>>
      tpu.enqueue_dma source(%dma_start3A_124 : memref<128xf32, #tpu.memory_space<vmem>>) target(%dma_start3A_122 : memref<128xf32, #tpu.memory_space<hbm>>) target_semaphore(%run_scoped3A : memref<!tpu.dma_semaphore, #tpu.memory_space<semaphore_mem>>)
      %dma_wait3A = arith.constant 0 : i32
      %dma_wait3A_125 = tpu.memref_slice %arg7[%dma_wait3A] : memref<128xf32, #tpu.memory_space<vmem>> -> memref<128xf32, #tpu.memory_space<vmem>>
      %dma_wait3A_126 = tpu.memref_slice %arg4[%add3A_97] : memref<20224xf32, #tpu.memory_space<hbm>> -> memref<128xf32, #tpu.memory_space<hbm>>
      %dma_wait3A_127 = tpu.memref_slice %arg4[%add3A_97] : memref<20224xf32, #tpu.memory_space<hbm>> -> memref<128xf32, #tpu.memory_space<hbm>>
      %dma_wait3A_128 = arith.constant 0 : i32
      %dma_wait3A_129 = tpu.memref_slice %arg7[%dma_wait3A_128] : memref<128xf32, #tpu.memory_space<vmem>> -> memref<128xf32, #tpu.memory_space<vmem>>
      tpu.wait_dma2 semaphore(%run_scoped3A : memref<!tpu.dma_semaphore, #tpu.memory_space<semaphore_mem>>) src(%dma_wait3A_129 : memref<128xf32, #tpu.memory_space<vmem>>) dst(%dma_wait3A_127 : memref<128xf32, #tpu.memory_space<hbm>>)
      tpu.yield
    }) : () -> ()
    %mul3A_98 = arith.constant 632 : i32
    %mul3A_99 = arith.muli %arg1, %mul3A_98 : i32
    %add3A_100 = arith.constant 384 : i32
    %add3A_101 = arith.addi %mul3A_99, %add3A_100 : i32
    "tpu.region"() ({
      %run_scoped3A = tpu.sem_alloc : memref<!tpu.dma_semaphore, #tpu.memory_space<semaphore_mem>>
      %dma_start3A = arith.constant 0 : i32
      %dma_start3A_120 = tpu.memref_slice %arg7[%dma_start3A] : memref<128xf32, #tpu.memory_space<vmem>> -> memref<128xf32, #tpu.memory_space<vmem>>
      %dma_start3A_121 = tpu.memref_slice %arg8[%add3A_101] : memref<10112xf32, #tpu.memory_space<vmem_shared>> -> memref<128xf32, #tpu.memory_space<vmem_shared>>
      %dma_start3A_122 = arith.constant 0 : i32
      %dma_start3A_123 = tpu.memref_slice %arg7[%dma_start3A_122] : memref<128xf32, #tpu.memory_space<vmem>> -> memref<128xf32, #tpu.memory_space<vmem>>
      %dma_start3A_124 = tpu.memref_slice %arg8[%add3A_101] : memref<10112xf32, #tpu.memory_space<vmem_shared>> -> memref<128xf32, #tpu.memory_space<vmem_shared>>
      tpu.enqueue_dma source(%dma_start3A_124 : memref<128xf32, #tpu.memory_space<vmem_shared>>) target(%dma_start3A_123 : memref<128xf32, #tpu.memory_space<vmem>>) target_semaphore(%run_scoped3A : memref<!tpu.dma_semaphore, #tpu.memory_space<semaphore_mem>>)
      %dma_wait3A = arith.constant 0 : i32
      %dma_wait3A_125 = tpu.memref_slice %arg7[%dma_wait3A] : memref<128xf32, #tpu.memory_space<vmem>> -> memref<128xf32, #tpu.memory_space<vmem>>
      %dma_wait3A_126 = tpu.memref_slice %arg8[%add3A_101] : memref<10112xf32, #tpu.memory_space<vmem_shared>> -> memref<128xf32, #tpu.memory_space<vmem_shared>>
      %dma_wait3A_127 = arith.constant 0 : i32
      %dma_wait3A_128 = tpu.memref_slice %arg7[%dma_wait3A_127] : memref<128xf32, #tpu.memory_space<vmem>> -> memref<128xf32, #tpu.memory_space<vmem>>
      %dma_wait3A_129 = tpu.memref_slice %arg8[%add3A_101] : memref<10112xf32, #tpu.memory_space<vmem_shared>> -> memref<128xf32, #tpu.memory_space<vmem_shared>>
      tpu.wait_dma2 semaphore(%run_scoped3A : memref<!tpu.dma_semaphore, #tpu.memory_space<semaphore_mem>>) src(%dma_wait3A_129 : memref<128xf32, #tpu.memory_space<vmem_shared>>) dst(%dma_wait3A_128 : memref<128xf32, #tpu.memory_space<vmem>>)
      tpu.yield
    }) : () -> ()
    %mul3A_102 = arith.constant 10112 : i32
    %mul3A_103 = arith.muli %arg0, %mul3A_102 : i32
    %mul3A_104 = arith.constant 632 : i32
    %mul3A_105 = arith.muli %arg1, %mul3A_104 : i32
    %add3A_106 = arith.addi %mul3A_103, %mul3A_105 : i32
    %add3A_107 = arith.constant 384 : i32
    %add3A_108 = arith.addi %add3A_106, %add3A_107 : i32
    "tpu.region"() ({
      %run_scoped3A = tpu.sem_alloc : memref<!tpu.dma_semaphore, #tpu.memory_space<semaphore_mem>>
      %dma_start3A = arith.constant 0 : i32
      %dma_start3A_120 = tpu.memref_slice %arg7[%dma_start3A] : memref<128xf32, #tpu.memory_space<vmem>> -> memref<128xf32, #tpu.memory_space<vmem>>
      %dma_start3A_121 = tpu.memref_slice %arg4[%add3A_108] : memref<20224xf32, #tpu.memory_space<hbm>> -> memref<128xf32, #tpu.memory_space<hbm>>
      %dma_start3A_122 = tpu.memref_slice %arg4[%add3A_108] : memref<20224xf32, #tpu.memory_space<hbm>> -> memref<128xf32, #tpu.memory_space<hbm>>
      %dma_start3A_123 = arith.constant 0 : i32
      %dma_start3A_124 = tpu.memref_slice %arg7[%dma_start3A_123] : memref<128xf32, #tpu.memory_space<vmem>> -> memref<128xf32, #tpu.memory_space<vmem>>
      tpu.enqueue_dma source(%dma_start3A_124 : memref<128xf32, #tpu.memory_space<vmem>>) target(%dma_start3A_122 : memref<128xf32, #tpu.memory_space<hbm>>) target_semaphore(%run_scoped3A : memref<!tpu.dma_semaphore, #tpu.memory_space<semaphore_mem>>)
      %dma_wait3A = arith.constant 0 : i32
      %dma_wait3A_125 = tpu.memref_slice %arg7[%dma_wait3A] : memref<128xf32, #tpu.memory_space<vmem>> -> memref<128xf32, #tpu.memory_space<vmem>>
      %dma_wait3A_126 = tpu.memref_slice %arg4[%add3A_108] : memref<20224xf32, #tpu.memory_space<hbm>> -> memref<128xf32, #tpu.memory_space<hbm>>
      %dma_wait3A_127 = tpu.memref_slice %arg4[%add3A_108] : memref<20224xf32, #tpu.memory_space<hbm>> -> memref<128xf32, #tpu.memory_space<hbm>>
      %dma_wait3A_128 = arith.constant 0 : i32
      %dma_wait3A_129 = tpu.memref_slice %arg7[%dma_wait3A_128] : memref<128xf32, #tpu.memory_space<vmem>> -> memref<128xf32, #tpu.memory_space<vmem>>
      tpu.wait_dma2 semaphore(%run_scoped3A : memref<!tpu.dma_semaphore, #tpu.memory_space<semaphore_mem>>) src(%dma_wait3A_129 : memref<128xf32, #tpu.memory_space<vmem>>) dst(%dma_wait3A_127 : memref<128xf32, #tpu.memory_space<hbm>>)
      tpu.yield
    }) : () -> ()
    %mul3A_109 = arith.constant 632 : i32
    %mul3A_110 = arith.muli %arg1, %mul3A_109 : i32
    %add3A_111 = arith.constant 512 : i32
    %add3A_112 = arith.addi %mul3A_110, %add3A_111 : i32
    "tpu.region"() ({
      %run_scoped3A = tpu.sem_alloc : memref<!tpu.dma_semaphore, #tpu.memory_space<semaphore_mem>>
      %dma_start3A = arith.constant 0 : i32
      %dma_start3A_120 = tpu.memref_slice %arg7[%dma_start3A] : memref<128xf32, #tpu.memory_space<vmem>> -> memref<120xf32, #tpu.memory_space<vmem>>
      %dma_start3A_121 = tpu.memref_slice %arg8[%add3A_112] : memref<10112xf32, #tpu.memory_space<vmem_shared>> -> memref<120xf32, #tpu.memory_space<vmem_shared>>
      %dma_start3A_122 = arith.constant 0 : i32
      %dma_start3A_123 = tpu.memref_slice %arg7[%dma_start3A_122] : memref<128xf32, #tpu.memory_space<vmem>> -> memref<120xf32, #tpu.memory_space<vmem>>
      %dma_start3A_124 = tpu.memref_slice %arg8[%add3A_112] : memref<10112xf32, #tpu.memory_space<vmem_shared>> -> memref<120xf32, #tpu.memory_space<vmem_shared>>
      tpu.enqueue_dma source(%dma_start3A_124 : memref<120xf32, #tpu.memory_space<vmem_shared>>) target(%dma_start3A_123 : memref<120xf32, #tpu.memory_space<vmem>>) target_semaphore(%run_scoped3A : memref<!tpu.dma_semaphore, #tpu.memory_space<semaphore_mem>>)
      %dma_wait3A = arith.constant 0 : i32
      %dma_wait3A_125 = tpu.memref_slice %arg7[%dma_wait3A] : memref<128xf32, #tpu.memory_space<vmem>> -> memref<120xf32, #tpu.memory_space<vmem>>
      %dma_wait3A_126 = tpu.memref_slice %arg8[%add3A_112] : memref<10112xf32, #tpu.memory_space<vmem_shared>> -> memref<120xf32, #tpu.memory_space<vmem_shared>>
      %dma_wait3A_127 = arith.constant 0 : i32
      %dma_wait3A_128 = tpu.memref_slice %arg7[%dma_wait3A_127] : memref<128xf32, #tpu.memory_space<vmem>> -> memref<120xf32, #tpu.memory_space<vmem>>
      %dma_wait3A_129 = tpu.memref_slice %arg8[%add3A_112] : memref<10112xf32, #tpu.memory_space<vmem_shared>> -> memref<120xf32, #tpu.memory_space<vmem_shared>>
      tpu.wait_dma2 semaphore(%run_scoped3A : memref<!tpu.dma_semaphore, #tpu.memory_space<semaphore_mem>>) src(%dma_wait3A_129 : memref<120xf32, #tpu.memory_space<vmem_shared>>) dst(%dma_wait3A_128 : memref<120xf32, #tpu.memory_space<vmem>>)
      tpu.yield
    }) : () -> ()
    %mul3A_113 = arith.constant 10112 : i32
    %mul3A_114 = arith.muli %arg0, %mul3A_113 : i32
    %mul3A_115 = arith.constant 632 : i32
    %mul3A_116 = arith.muli %arg1, %mul3A_115 : i32
    %add3A_117 = arith.addi %mul3A_114, %mul3A_116 : i32
    %add3A_118 = arith.constant 512 : i32
    %add3A_119 = arith.addi %add3A_117, %add3A_118 : i32
    "tpu.region"() ({
      %run_scoped3A = tpu.sem_alloc : memref<!tpu.dma_semaphore, #tpu.memory_space<semaphore_mem>>
      %dma_start3A = arith.constant 0 : i32
      %dma_start3A_120 = tpu.memref_slice %arg7[%dma_start3A] : memref<128xf32, #tpu.memory_space<vmem>> -> memref<120xf32, #tpu.memory_space<vmem>>
      %dma_start3A_121 = tpu.memref_slice %arg4[%add3A_119] : memref<20224xf32, #tpu.memory_space<hbm>> -> memref<120xf32, #tpu.memory_space<hbm>>
      %dma_start3A_122 = tpu.memref_slice %arg4[%add3A_119] : memref<20224xf32, #tpu.memory_space<hbm>> -> memref<120xf32, #tpu.memory_space<hbm>>
      %dma_start3A_123 = arith.constant 0 : i32
      %dma_start3A_124 = tpu.memref_slice %arg7[%dma_start3A_123] : memref<128xf32, #tpu.memory_space<vmem>> -> memref<120xf32, #tpu.memory_space<vmem>>
      tpu.enqueue_dma source(%dma_start3A_124 : memref<120xf32, #tpu.memory_space<vmem>>) target(%dma_start3A_122 : memref<120xf32, #tpu.memory_space<hbm>>) target_semaphore(%run_scoped3A : memref<!tpu.dma_semaphore, #tpu.memory_space<semaphore_mem>>)
      %dma_wait3A = arith.constant 0 : i32
      %dma_wait3A_125 = tpu.memref_slice %arg7[%dma_wait3A] : memref<128xf32, #tpu.memory_space<vmem>> -> memref<120xf32, #tpu.memory_space<vmem>>
      %dma_wait3A_126 = tpu.memref_slice %arg4[%add3A_119] : memref<20224xf32, #tpu.memory_space<hbm>> -> memref<120xf32, #tpu.memory_space<hbm>>
      %dma_wait3A_127 = tpu.memref_slice %arg4[%add3A_119] : memref<20224xf32, #tpu.memory_space<hbm>> -> memref<120xf32, #tpu.memory_space<hbm>>
      %dma_wait3A_128 = arith.constant 0 : i32
      %dma_wait3A_129 = tpu.memref_slice %arg7[%dma_wait3A_128] : memref<128xf32, #tpu.memory_space<vmem>> -> memref<120xf32, #tpu.memory_space<vmem>>
      tpu.wait_dma2 semaphore(%run_scoped3A : memref<!tpu.dma_semaphore, #tpu.memory_space<semaphore_mem>>) src(%dma_wait3A_129 : memref<120xf32, #tpu.memory_space<vmem>>) dst(%dma_wait3A_127 : memref<120xf32, #tpu.memory_space<hbm>>)
      tpu.yield
    }) : () -> ()
    return
  }
}

#map = affine_map<(d0, d1) -> (0, 0)>
#map1 = affine_map<(d0, d1) -> (0, 0, 0)>
module attributes {stable_mosaic.version = 14 : i64} {
  func.func @_seg_sum_body(%arg0: i32, %arg1: i32, %arg2: memref<10000x64xbf16, #tpu.memory_space<hbm>>, %arg3: memref<32x80x128xi32, #tpu.memory_space<hbm>>, %arg4: memref<32x80x128xi32, #tpu.memory_space<hbm>>, %arg5: memref<128x64xbf16, #tpu.memory_space<hbm>>, %arg6: memref<20224x64xbf16, #tpu.memory_space<hbm>>, %arg7: memref<80x128xi32, #tpu.memory_space<vmem>>, %arg8: memref<80x128xi32, #tpu.memory_space<vmem>>, %arg9: memref<5x128x64xbf16, #tpu.memory_space<vmem>>, %arg10: memref<10112x64xbf16, #tpu.memory_space<vmem_shared>>, %arg11: memref<!tpu.dma_semaphore, #tpu.memory_space<semaphore_mem>>, %arg12: memref<!tpu.dma_semaphore, #tpu.memory_space<semaphore_mem>>, %arg13: memref<!tpu.dma_semaphore, #tpu.memory_space<semaphore_mem>>, %arg14: memref<!tpu.dma_semaphore, #tpu.memory_space<semaphore_mem>>, %arg15: memref<!tpu.dma_semaphore, #tpu.memory_space<semaphore_mem>>, %arg16: memref<!tpu.dma_semaphore, #tpu.memory_space<semaphore_mem>>, %arg17: memref<!tpu.dma_semaphore, #tpu.memory_space<semaphore_mem>>, %arg18: memref<!tpu.dma_semaphore, #tpu.memory_space<semaphore_mem>>, %arg19: memref<!tpu.dma_semaphore, #tpu.memory_space<semaphore_mem>>, %arg20: memref<!tpu.dma_semaphore, #tpu.memory_space<semaphore_mem>>) attributes {dimension_semantics = [#tpu.dimension_semantics<core_parallel>, #tpu.dimension_semantics<subcore_parallel>], iteration_bounds = array<i64: 2, 16>, scalar_prefetch = 0 : i64, scratch_operands = 14 : i64, tpu.core_type = #tpu.core_type<sc_vector_subcore>, window_params = [{transform_indices = #map}, {transform_indices = #map1}, {transform_indices = #map1}, {transform_indices = #map}, {transform_indices = #map}]} {
    %mul3A = arith.constant 2 : i32
    %mul3A_0 = arith.muli %arg1, %mul3A : i32
    %add3A = arith.addi %mul3A_0, %arg0 : i32
    %run_scoped3A = arith.constant 0 : i32
    "tpu.region"() ({
      %run_scoped3A_335 = tpu.sem_alloc : memref<!tpu.dma_semaphore, #tpu.memory_space<semaphore_mem>>
      %dma_start3A_336 = arith.constant 0 : i32
      %dma_start3A_337 = arith.constant 0 : i32
      %dma_start3A_338 = tpu.memref_slice %arg9[%run_scoped3A, %dma_start3A_336, %dma_start3A_337] : memref<5x128x64xbf16, #tpu.memory_space<vmem>> -> memref<1x128x64xbf16, #tpu.memory_space<vmem>>
      %dma_start3A_339 = tpu.memref_squeeze %dma_start3A_338 : memref<1x128x64xbf16, #tpu.memory_space<vmem>> -> memref<128x64xbf16, #tpu.memory_space<vmem>>
      %dma_start3A_340 = arith.constant 0 : i32
      %dma_start3A_341 = arith.constant 0 : i32
      %dma_start3A_342 = tpu.memref_slice %arg9[%run_scoped3A, %dma_start3A_340, %dma_start3A_341] : memref<5x128x64xbf16, #tpu.memory_space<vmem>> -> memref<1x128x64xbf16, #tpu.memory_space<vmem>>
      %dma_start3A_343 = tpu.memref_squeeze %dma_start3A_342 : memref<1x128x64xbf16, #tpu.memory_space<vmem>> -> memref<128x64xbf16, #tpu.memory_space<vmem>>
      tpu.enqueue_dma source(%arg5 : memref<128x64xbf16, #tpu.memory_space<hbm>>) target(%dma_start3A_343 : memref<128x64xbf16, #tpu.memory_space<vmem>>) target_semaphore(%run_scoped3A_335 : memref<!tpu.dma_semaphore, #tpu.memory_space<semaphore_mem>>)
      %dma_wait3A_344 = arith.constant 0 : i32
      %dma_wait3A_345 = arith.constant 0 : i32
      %dma_wait3A_346 = tpu.memref_slice %arg9[%run_scoped3A, %dma_wait3A_344, %dma_wait3A_345] : memref<5x128x64xbf16, #tpu.memory_space<vmem>> -> memref<1x128x64xbf16, #tpu.memory_space<vmem>>
      %dma_wait3A_347 = tpu.memref_squeeze %dma_wait3A_346 : memref<1x128x64xbf16, #tpu.memory_space<vmem>> -> memref<128x64xbf16, #tpu.memory_space<vmem>>
      %dma_wait3A_348 = arith.constant 0 : i32
      %dma_wait3A_349 = arith.constant 0 : i32
      %dma_wait3A_350 = tpu.memref_slice %arg9[%run_scoped3A, %dma_wait3A_348, %dma_wait3A_349] : memref<5x128x64xbf16, #tpu.memory_space<vmem>> -> memref<1x128x64xbf16, #tpu.memory_space<vmem>>
      %dma_wait3A_351 = tpu.memref_squeeze %dma_wait3A_350 : memref<1x128x64xbf16, #tpu.memory_space<vmem>> -> memref<128x64xbf16, #tpu.memory_space<vmem>>
      tpu.wait_dma2 semaphore(%run_scoped3A_335 : memref<!tpu.dma_semaphore, #tpu.memory_space<semaphore_mem>>) src(%arg5 : memref<128x64xbf16, #tpu.memory_space<hbm>>) dst(%dma_wait3A_351 : memref<128x64xbf16, #tpu.memory_space<vmem>>)
      tpu.yield
    }) : () -> ()
    %mul3A_1 = arith.constant 632 : i32
    %mul3A_2 = arith.muli %arg1, %mul3A_1 : i32
    %add3A_3 = arith.constant 0 : i32
    %add3A_4 = arith.addi %mul3A_2, %add3A_3 : i32
    %run_scoped3A_5 = arith.constant 0 : i32
    "tpu.region"() ({
      %run_scoped3A_335 = tpu.sem_alloc : memref<!tpu.dma_semaphore, #tpu.memory_space<semaphore_mem>>
      %dma_start3A_336 = arith.constant 0 : i32
      %dma_start3A_337 = arith.constant 0 : i32
      %dma_start3A_338 = tpu.memref_slice %arg9[%run_scoped3A_5, %dma_start3A_336, %dma_start3A_337] : memref<5x128x64xbf16, #tpu.memory_space<vmem>> -> memref<1x128x64xbf16, #tpu.memory_space<vmem>>
      %dma_start3A_339 = tpu.memref_squeeze %dma_start3A_338 : memref<1x128x64xbf16, #tpu.memory_space<vmem>> -> memref<128x64xbf16, #tpu.memory_space<vmem>>
      %dma_start3A_340 = arith.constant 0 : i32
      %dma_start3A_341 = arith.constant 0 : i32
      %dma_start3A_342 = tpu.memref_slice %dma_start3A_339[%dma_start3A_340, %dma_start3A_341] : memref<128x64xbf16, #tpu.memory_space<vmem>> -> memref<128x64xbf16, #tpu.memory_space<vmem>>
      %dma_start3A_343 = arith.constant 0 : i32
      %dma_start3A_344 = tpu.memref_slice %arg10[%add3A_4, %dma_start3A_343] : memref<10112x64xbf16, #tpu.memory_space<vmem_shared>> -> memref<128x64xbf16, #tpu.memory_space<vmem_shared>>
      %dma_start3A_345 = arith.constant 0 : i32
      %dma_start3A_346 = tpu.memref_slice %arg10[%add3A_4, %dma_start3A_345] : memref<10112x64xbf16, #tpu.memory_space<vmem_shared>> -> memref<128x64xbf16, #tpu.memory_space<vmem_shared>>
      %dma_start3A_347 = arith.constant 0 : i32
      %dma_start3A_348 = arith.constant 0 : i32
      %dma_start3A_349 = tpu.memref_slice %arg9[%run_scoped3A_5, %dma_start3A_347, %dma_start3A_348] : memref<5x128x64xbf16, #tpu.memory_space<vmem>> -> memref<1x128x64xbf16, #tpu.memory_space<vmem>>
      %dma_start3A_350 = tpu.memref_squeeze %dma_start3A_349 : memref<1x128x64xbf16, #tpu.memory_space<vmem>> -> memref<128x64xbf16, #tpu.memory_space<vmem>>
      %dma_start3A_351 = arith.constant 0 : i32
      %dma_start3A_352 = arith.constant 0 : i32
      %dma_start3A_353 = tpu.memref_slice %dma_start3A_350[%dma_start3A_351, %dma_start3A_352] : memref<128x64xbf16, #tpu.memory_space<vmem>> -> memref<128x64xbf16, #tpu.memory_space<vmem>>
      tpu.enqueue_dma source(%dma_start3A_353 : memref<128x64xbf16, #tpu.memory_space<vmem>>) target(%dma_start3A_346 : memref<128x64xbf16, #tpu.memory_space<vmem_shared>>) target_semaphore(%run_scoped3A_335 : memref<!tpu.dma_semaphore, #tpu.memory_space<semaphore_mem>>)
      %dma_wait3A_354 = arith.constant 0 : i32
      %dma_wait3A_355 = arith.constant 0 : i32
      %dma_wait3A_356 = tpu.memref_slice %arg9[%run_scoped3A_5, %dma_wait3A_354, %dma_wait3A_355] : memref<5x128x64xbf16, #tpu.memory_space<vmem>> -> memref<1x128x64xbf16, #tpu.memory_space<vmem>>
      %dma_wait3A_357 = tpu.memref_squeeze %dma_wait3A_356 : memref<1x128x64xbf16, #tpu.memory_space<vmem>> -> memref<128x64xbf16, #tpu.memory_space<vmem>>
      %dma_wait3A_358 = arith.constant 0 : i32
      %dma_wait3A_359 = arith.constant 0 : i32
      %dma_wait3A_360 = tpu.memref_slice %dma_wait3A_357[%dma_wait3A_358, %dma_wait3A_359] : memref<128x64xbf16, #tpu.memory_space<vmem>> -> memref<128x64xbf16, #tpu.memory_space<vmem>>
      %dma_wait3A_361 = arith.constant 0 : i32
      %dma_wait3A_362 = tpu.memref_slice %arg10[%add3A_4, %dma_wait3A_361] : memref<10112x64xbf16, #tpu.memory_space<vmem_shared>> -> memref<128x64xbf16, #tpu.memory_space<vmem_shared>>
      %dma_wait3A_363 = arith.constant 0 : i32
      %dma_wait3A_364 = tpu.memref_slice %arg10[%add3A_4, %dma_wait3A_363] : memref<10112x64xbf16, #tpu.memory_space<vmem_shared>> -> memref<128x64xbf16, #tpu.memory_space<vmem_shared>>
      %dma_wait3A_365 = arith.constant 0 : i32
      %dma_wait3A_366 = arith.constant 0 : i32
      %dma_wait3A_367 = tpu.memref_slice %arg9[%run_scoped3A_5, %dma_wait3A_365, %dma_wait3A_366] : memref<5x128x64xbf16, #tpu.memory_space<vmem>> -> memref<1x128x64xbf16, #tpu.memory_space<vmem>>
      %dma_wait3A_368 = tpu.memref_squeeze %dma_wait3A_367 : memref<1x128x64xbf16, #tpu.memory_space<vmem>> -> memref<128x64xbf16, #tpu.memory_space<vmem>>
      %dma_wait3A_369 = arith.constant 0 : i32
      %dma_wait3A_370 = arith.constant 0 : i32
      %dma_wait3A_371 = tpu.memref_slice %dma_wait3A_368[%dma_wait3A_369, %dma_wait3A_370] : memref<128x64xbf16, #tpu.memory_space<vmem>> -> memref<128x64xbf16, #tpu.memory_space<vmem>>
      tpu.wait_dma2 semaphore(%run_scoped3A_335 : memref<!tpu.dma_semaphore, #tpu.memory_space<semaphore_mem>>) src(%dma_wait3A_371 : memref<128x64xbf16, #tpu.memory_space<vmem>>) dst(%dma_wait3A_364 : memref<128x64xbf16, #tpu.memory_space<vmem_shared>>)
      tpu.yield
    }) : () -> ()
    %mul3A_6 = arith.constant 632 : i32
    %mul3A_7 = arith.muli %arg1, %mul3A_6 : i32
    %add3A_8 = arith.constant 128 : i32
    %add3A_9 = arith.addi %mul3A_7, %add3A_8 : i32
    %run_scoped3A_10 = arith.constant 0 : i32
    "tpu.region"() ({
      %run_scoped3A_335 = tpu.sem_alloc : memref<!tpu.dma_semaphore, #tpu.memory_space<semaphore_mem>>
      %dma_start3A_336 = arith.constant 0 : i32
      %dma_start3A_337 = arith.constant 0 : i32
      %dma_start3A_338 = tpu.memref_slice %arg9[%run_scoped3A_10, %dma_start3A_336, %dma_start3A_337] : memref<5x128x64xbf16, #tpu.memory_space<vmem>> -> memref<1x128x64xbf16, #tpu.memory_space<vmem>>
      %dma_start3A_339 = tpu.memref_squeeze %dma_start3A_338 : memref<1x128x64xbf16, #tpu.memory_space<vmem>> -> memref<128x64xbf16, #tpu.memory_space<vmem>>
      %dma_start3A_340 = arith.constant 0 : i32
      %dma_start3A_341 = arith.constant 0 : i32
      %dma_start3A_342 = tpu.memref_slice %dma_start3A_339[%dma_start3A_340, %dma_start3A_341] : memref<128x64xbf16, #tpu.memory_space<vmem>> -> memref<128x64xbf16, #tpu.memory_space<vmem>>
      %dma_start3A_343 = arith.constant 0 : i32
      %dma_start3A_344 = tpu.memref_slice %arg10[%add3A_9, %dma_start3A_343] : memref<10112x64xbf16, #tpu.memory_space<vmem_shared>> -> memref<128x64xbf16, #tpu.memory_space<vmem_shared>>
      %dma_start3A_345 = arith.constant 0 : i32
      %dma_start3A_346 = tpu.memref_slice %arg10[%add3A_9, %dma_start3A_345] : memref<10112x64xbf16, #tpu.memory_space<vmem_shared>> -> memref<128x64xbf16, #tpu.memory_space<vmem_shared>>
      %dma_start3A_347 = arith.constant 0 : i32
      %dma_start3A_348 = arith.constant 0 : i32
      %dma_start3A_349 = tpu.memref_slice %arg9[%run_scoped3A_10, %dma_start3A_347, %dma_start3A_348] : memref<5x128x64xbf16, #tpu.memory_space<vmem>> -> memref<1x128x64xbf16, #tpu.memory_space<vmem>>
      %dma_start3A_350 = tpu.memref_squeeze %dma_start3A_349 : memref<1x128x64xbf16, #tpu.memory_space<vmem>> -> memref<128x64xbf16, #tpu.memory_space<vmem>>
      %dma_start3A_351 = arith.constant 0 : i32
      %dma_start3A_352 = arith.constant 0 : i32
      %dma_start3A_353 = tpu.memref_slice %dma_start3A_350[%dma_start3A_351, %dma_start3A_352] : memref<128x64xbf16, #tpu.memory_space<vmem>> -> memref<128x64xbf16, #tpu.memory_space<vmem>>
      tpu.enqueue_dma source(%dma_start3A_353 : memref<128x64xbf16, #tpu.memory_space<vmem>>) target(%dma_start3A_346 : memref<128x64xbf16, #tpu.memory_space<vmem_shared>>) target_semaphore(%run_scoped3A_335 : memref<!tpu.dma_semaphore, #tpu.memory_space<semaphore_mem>>)
      %dma_wait3A_354 = arith.constant 0 : i32
      %dma_wait3A_355 = arith.constant 0 : i32
      %dma_wait3A_356 = tpu.memref_slice %arg9[%run_scoped3A_10, %dma_wait3A_354, %dma_wait3A_355] : memref<5x128x64xbf16, #tpu.memory_space<vmem>> -> memref<1x128x64xbf16, #tpu.memory_space<vmem>>
      %dma_wait3A_357 = tpu.memref_squeeze %dma_wait3A_356 : memref<1x128x64xbf16, #tpu.memory_space<vmem>> -> memref<128x64xbf16, #tpu.memory_space<vmem>>
      %dma_wait3A_358 = arith.constant 0 : i32
      %dma_wait3A_359 = arith.constant 0 : i32
      %dma_wait3A_360 = tpu.memref_slice %dma_wait3A_357[%dma_wait3A_358, %dma_wait3A_359] : memref<128x64xbf16, #tpu.memory_space<vmem>> -> memref<128x64xbf16, #tpu.memory_space<vmem>>
      %dma_wait3A_361 = arith.constant 0 : i32
      %dma_wait3A_362 = tpu.memref_slice %arg10[%add3A_9, %dma_wait3A_361] : memref<10112x64xbf16, #tpu.memory_space<vmem_shared>> -> memref<128x64xbf16, #tpu.memory_space<vmem_shared>>
      %dma_wait3A_363 = arith.constant 0 : i32
      %dma_wait3A_364 = tpu.memref_slice %arg10[%add3A_9, %dma_wait3A_363] : memref<10112x64xbf16, #tpu.memory_space<vmem_shared>> -> memref<128x64xbf16, #tpu.memory_space<vmem_shared>>
      %dma_wait3A_365 = arith.constant 0 : i32
      %dma_wait3A_366 = arith.constant 0 : i32
      %dma_wait3A_367 = tpu.memref_slice %arg9[%run_scoped3A_10, %dma_wait3A_365, %dma_wait3A_366] : memref<5x128x64xbf16, #tpu.memory_space<vmem>> -> memref<1x128x64xbf16, #tpu.memory_space<vmem>>
      %dma_wait3A_368 = tpu.memref_squeeze %dma_wait3A_367 : memref<1x128x64xbf16, #tpu.memory_space<vmem>> -> memref<128x64xbf16, #tpu.memory_space<vmem>>
      %dma_wait3A_369 = arith.constant 0 : i32
      %dma_wait3A_370 = arith.constant 0 : i32
      %dma_wait3A_371 = tpu.memref_slice %dma_wait3A_368[%dma_wait3A_369, %dma_wait3A_370] : memref<128x64xbf16, #tpu.memory_space<vmem>> -> memref<128x64xbf16, #tpu.memory_space<vmem>>
      tpu.wait_dma2 semaphore(%run_scoped3A_335 : memref<!tpu.dma_semaphore, #tpu.memory_space<semaphore_mem>>) src(%dma_wait3A_371 : memref<128x64xbf16, #tpu.memory_space<vmem>>) dst(%dma_wait3A_364 : memref<128x64xbf16, #tpu.memory_space<vmem_shared>>)
      tpu.yield
    }) : () -> ()
    %mul3A_11 = arith.constant 632 : i32
    %mul3A_12 = arith.muli %arg1, %mul3A_11 : i32
    %add3A_13 = arith.constant 256 : i32
    %add3A_14 = arith.addi %mul3A_12, %add3A_13 : i32
    %run_scoped3A_15 = arith.constant 0 : i32
    "tpu.region"() ({
      %run_scoped3A_335 = tpu.sem_alloc : memref<!tpu.dma_semaphore, #tpu.memory_space<semaphore_mem>>
      %dma_start3A_336 = arith.constant 0 : i32
      %dma_start3A_337 = arith.constant 0 : i32
      %dma_start3A_338 = tpu.memref_slice %arg9[%run_scoped3A_15, %dma_start3A_336, %dma_start3A_337] : memref<5x128x64xbf16, #tpu.memory_space<vmem>> -> memref<1x128x64xbf16, #tpu.memory_space<vmem>>
      %dma_start3A_339 = tpu.memref_squeeze %dma_start3A_338 : memref<1x128x64xbf16, #tpu.memory_space<vmem>> -> memref<128x64xbf16, #tpu.memory_space<vmem>>
      %dma_start3A_340 = arith.constant 0 : i32
      %dma_start3A_341 = arith.constant 0 : i32
      %dma_start3A_342 = tpu.memref_slice %dma_start3A_339[%dma_start3A_340, %dma_start3A_341] : memref<128x64xbf16, #tpu.memory_space<vmem>> -> memref<128x64xbf16, #tpu.memory_space<vmem>>
      %dma_start3A_343 = arith.constant 0 : i32
      %dma_start3A_344 = tpu.memref_slice %arg10[%add3A_14, %dma_start3A_343] : memref<10112x64xbf16, #tpu.memory_space<vmem_shared>> -> memref<128x64xbf16, #tpu.memory_space<vmem_shared>>
      %dma_start3A_345 = arith.constant 0 : i32
      %dma_start3A_346 = tpu.memref_slice %arg10[%add3A_14, %dma_start3A_345] : memref<10112x64xbf16, #tpu.memory_space<vmem_shared>> -> memref<128x64xbf16, #tpu.memory_space<vmem_shared>>
      %dma_start3A_347 = arith.constant 0 : i32
      %dma_start3A_348 = arith.constant 0 : i32
      %dma_start3A_349 = tpu.memref_slice %arg9[%run_scoped3A_15, %dma_start3A_347, %dma_start3A_348] : memref<5x128x64xbf16, #tpu.memory_space<vmem>> -> memref<1x128x64xbf16, #tpu.memory_space<vmem>>
      %dma_start3A_350 = tpu.memref_squeeze %dma_start3A_349 : memref<1x128x64xbf16, #tpu.memory_space<vmem>> -> memref<128x64xbf16, #tpu.memory_space<vmem>>
      %dma_start3A_351 = arith.constant 0 : i32
      %dma_start3A_352 = arith.constant 0 : i32
      %dma_start3A_353 = tpu.memref_slice %dma_start3A_350[%dma_start3A_351, %dma_start3A_352] : memref<128x64xbf16, #tpu.memory_space<vmem>> -> memref<128x64xbf16, #tpu.memory_space<vmem>>
      tpu.enqueue_dma source(%dma_start3A_353 : memref<128x64xbf16, #tpu.memory_space<vmem>>) target(%dma_start3A_346 : memref<128x64xbf16, #tpu.memory_space<vmem_shared>>) target_semaphore(%run_scoped3A_335 : memref<!tpu.dma_semaphore, #tpu.memory_space<semaphore_mem>>)
      %dma_wait3A_354 = arith.constant 0 : i32
      %dma_wait3A_355 = arith.constant 0 : i32
      %dma_wait3A_356 = tpu.memref_slice %arg9[%run_scoped3A_15, %dma_wait3A_354, %dma_wait3A_355] : memref<5x128x64xbf16, #tpu.memory_space<vmem>> -> memref<1x128x64xbf16, #tpu.memory_space<vmem>>
      %dma_wait3A_357 = tpu.memref_squeeze %dma_wait3A_356 : memref<1x128x64xbf16, #tpu.memory_space<vmem>> -> memref<128x64xbf16, #tpu.memory_space<vmem>>
      %dma_wait3A_358 = arith.constant 0 : i32
      %dma_wait3A_359 = arith.constant 0 : i32
      %dma_wait3A_360 = tpu.memref_slice %dma_wait3A_357[%dma_wait3A_358, %dma_wait3A_359] : memref<128x64xbf16, #tpu.memory_space<vmem>> -> memref<128x64xbf16, #tpu.memory_space<vmem>>
      %dma_wait3A_361 = arith.constant 0 : i32
      %dma_wait3A_362 = tpu.memref_slice %arg10[%add3A_14, %dma_wait3A_361] : memref<10112x64xbf16, #tpu.memory_space<vmem_shared>> -> memref<128x64xbf16, #tpu.memory_space<vmem_shared>>
      %dma_wait3A_363 = arith.constant 0 : i32
      %dma_wait3A_364 = tpu.memref_slice %arg10[%add3A_14, %dma_wait3A_363] : memref<10112x64xbf16, #tpu.memory_space<vmem_shared>> -> memref<128x64xbf16, #tpu.memory_space<vmem_shared>>
      %dma_wait3A_365 = arith.constant 0 : i32
      %dma_wait3A_366 = arith.constant 0 : i32
      %dma_wait3A_367 = tpu.memref_slice %arg9[%run_scoped3A_15, %dma_wait3A_365, %dma_wait3A_366] : memref<5x128x64xbf16, #tpu.memory_space<vmem>> -> memref<1x128x64xbf16, #tpu.memory_space<vmem>>
      %dma_wait3A_368 = tpu.memref_squeeze %dma_wait3A_367 : memref<1x128x64xbf16, #tpu.memory_space<vmem>> -> memref<128x64xbf16, #tpu.memory_space<vmem>>
      %dma_wait3A_369 = arith.constant 0 : i32
      %dma_wait3A_370 = arith.constant 0 : i32
      %dma_wait3A_371 = tpu.memref_slice %dma_wait3A_368[%dma_wait3A_369, %dma_wait3A_370] : memref<128x64xbf16, #tpu.memory_space<vmem>> -> memref<128x64xbf16, #tpu.memory_space<vmem>>
      tpu.wait_dma2 semaphore(%run_scoped3A_335 : memref<!tpu.dma_semaphore, #tpu.memory_space<semaphore_mem>>) src(%dma_wait3A_371 : memref<128x64xbf16, #tpu.memory_space<vmem>>) dst(%dma_wait3A_364 : memref<128x64xbf16, #tpu.memory_space<vmem_shared>>)
      tpu.yield
    }) : () -> ()
    %mul3A_16 = arith.constant 632 : i32
    %mul3A_17 = arith.muli %arg1, %mul3A_16 : i32
    %add3A_18 = arith.constant 384 : i32
    %add3A_19 = arith.addi %mul3A_17, %add3A_18 : i32
    %run_scoped3A_20 = arith.constant 0 : i32
    "tpu.region"() ({
      %run_scoped3A_335 = tpu.sem_alloc : memref<!tpu.dma_semaphore, #tpu.memory_space<semaphore_mem>>
      %dma_start3A_336 = arith.constant 0 : i32
      %dma_start3A_337 = arith.constant 0 : i32
      %dma_start3A_338 = tpu.memref_slice %arg9[%run_scoped3A_20, %dma_start3A_336, %dma_start3A_337] : memref<5x128x64xbf16, #tpu.memory_space<vmem>> -> memref<1x128x64xbf16, #tpu.memory_space<vmem>>
      %dma_start3A_339 = tpu.memref_squeeze %dma_start3A_338 : memref<1x128x64xbf16, #tpu.memory_space<vmem>> -> memref<128x64xbf16, #tpu.memory_space<vmem>>
      %dma_start3A_340 = arith.constant 0 : i32
      %dma_start3A_341 = arith.constant 0 : i32
      %dma_start3A_342 = tpu.memref_slice %dma_start3A_339[%dma_start3A_340, %dma_start3A_341] : memref<128x64xbf16, #tpu.memory_space<vmem>> -> memref<128x64xbf16, #tpu.memory_space<vmem>>
      %dma_start3A_343 = arith.constant 0 : i32
      %dma_start3A_344 = tpu.memref_slice %arg10[%add3A_19, %dma_start3A_343] : memref<10112x64xbf16, #tpu.memory_space<vmem_shared>> -> memref<128x64xbf16, #tpu.memory_space<vmem_shared>>
      %dma_start3A_345 = arith.constant 0 : i32
      %dma_start3A_346 = tpu.memref_slice %arg10[%add3A_19, %dma_start3A_345] : memref<10112x64xbf16, #tpu.memory_space<vmem_shared>> -> memref<128x64xbf16, #tpu.memory_space<vmem_shared>>
      %dma_start3A_347 = arith.constant 0 : i32
      %dma_start3A_348 = arith.constant 0 : i32
      %dma_start3A_349 = tpu.memref_slice %arg9[%run_scoped3A_20, %dma_start3A_347, %dma_start3A_348] : memref<5x128x64xbf16, #tpu.memory_space<vmem>> -> memref<1x128x64xbf16, #tpu.memory_space<vmem>>
      %dma_start3A_350 = tpu.memref_squeeze %dma_start3A_349 : memref<1x128x64xbf16, #tpu.memory_space<vmem>> -> memref<128x64xbf16, #tpu.memory_space<vmem>>
      %dma_start3A_351 = arith.constant 0 : i32
      %dma_start3A_352 = arith.constant 0 : i32
      %dma_start3A_353 = tpu.memref_slice %dma_start3A_350[%dma_start3A_351, %dma_start3A_352] : memref<128x64xbf16, #tpu.memory_space<vmem>> -> memref<128x64xbf16, #tpu.memory_space<vmem>>
      tpu.enqueue_dma source(%dma_start3A_353 : memref<128x64xbf16, #tpu.memory_space<vmem>>) target(%dma_start3A_346 : memref<128x64xbf16, #tpu.memory_space<vmem_shared>>) target_semaphore(%run_scoped3A_335 : memref<!tpu.dma_semaphore, #tpu.memory_space<semaphore_mem>>)
      %dma_wait3A_354 = arith.constant 0 : i32
      %dma_wait3A_355 = arith.constant 0 : i32
      %dma_wait3A_356 = tpu.memref_slice %arg9[%run_scoped3A_20, %dma_wait3A_354, %dma_wait3A_355] : memref<5x128x64xbf16, #tpu.memory_space<vmem>> -> memref<1x128x64xbf16, #tpu.memory_space<vmem>>
      %dma_wait3A_357 = tpu.memref_squeeze %dma_wait3A_356 : memref<1x128x64xbf16, #tpu.memory_space<vmem>> -> memref<128x64xbf16, #tpu.memory_space<vmem>>
      %dma_wait3A_358 = arith.constant 0 : i32
      %dma_wait3A_359 = arith.constant 0 : i32
      %dma_wait3A_360 = tpu.memref_slice %dma_wait3A_357[%dma_wait3A_358, %dma_wait3A_359] : memref<128x64xbf16, #tpu.memory_space<vmem>> -> memref<128x64xbf16, #tpu.memory_space<vmem>>
      %dma_wait3A_361 = arith.constant 0 : i32
      %dma_wait3A_362 = tpu.memref_slice %arg10[%add3A_19, %dma_wait3A_361] : memref<10112x64xbf16, #tpu.memory_space<vmem_shared>> -> memref<128x64xbf16, #tpu.memory_space<vmem_shared>>
      %dma_wait3A_363 = arith.constant 0 : i32
      %dma_wait3A_364 = tpu.memref_slice %arg10[%add3A_19, %dma_wait3A_363] : memref<10112x64xbf16, #tpu.memory_space<vmem_shared>> -> memref<128x64xbf16, #tpu.memory_space<vmem_shared>>
      %dma_wait3A_365 = arith.constant 0 : i32
      %dma_wait3A_366 = arith.constant 0 : i32
      %dma_wait3A_367 = tpu.memref_slice %arg9[%run_scoped3A_20, %dma_wait3A_365, %dma_wait3A_366] : memref<5x128x64xbf16, #tpu.memory_space<vmem>> -> memref<1x128x64xbf16, #tpu.memory_space<vmem>>
      %dma_wait3A_368 = tpu.memref_squeeze %dma_wait3A_367 : memref<1x128x64xbf16, #tpu.memory_space<vmem>> -> memref<128x64xbf16, #tpu.memory_space<vmem>>
      %dma_wait3A_369 = arith.constant 0 : i32
      %dma_wait3A_370 = arith.constant 0 : i32
      %dma_wait3A_371 = tpu.memref_slice %dma_wait3A_368[%dma_wait3A_369, %dma_wait3A_370] : memref<128x64xbf16, #tpu.memory_space<vmem>> -> memref<128x64xbf16, #tpu.memory_space<vmem>>
      tpu.wait_dma2 semaphore(%run_scoped3A_335 : memref<!tpu.dma_semaphore, #tpu.memory_space<semaphore_mem>>) src(%dma_wait3A_371 : memref<128x64xbf16, #tpu.memory_space<vmem>>) dst(%dma_wait3A_364 : memref<128x64xbf16, #tpu.memory_space<vmem_shared>>)
      tpu.yield
    }) : () -> ()
    %mul3A_21 = arith.constant 632 : i32
    %mul3A_22 = arith.muli %arg1, %mul3A_21 : i32
    %add3A_23 = arith.constant 512 : i32
    %add3A_24 = arith.addi %mul3A_22, %add3A_23 : i32
    %run_scoped3A_25 = arith.constant 0 : i32
    "tpu.region"() ({
      %run_scoped3A_335 = tpu.sem_alloc : memref<!tpu.dma_semaphore, #tpu.memory_space<semaphore_mem>>
      %dma_start3A_336 = arith.constant 0 : i32
      %dma_start3A_337 = arith.constant 0 : i32
      %dma_start3A_338 = tpu.memref_slice %arg9[%run_scoped3A_25, %dma_start3A_336, %dma_start3A_337] : memref<5x128x64xbf16, #tpu.memory_space<vmem>> -> memref<1x128x64xbf16, #tpu.memory_space<vmem>>
      %dma_start3A_339 = tpu.memref_squeeze %dma_start3A_338 : memref<1x128x64xbf16, #tpu.memory_space<vmem>> -> memref<128x64xbf16, #tpu.memory_space<vmem>>
      %dma_start3A_340 = arith.constant 0 : i32
      %dma_start3A_341 = arith.constant 0 : i32
      %dma_start3A_342 = tpu.memref_slice %dma_start3A_339[%dma_start3A_340, %dma_start3A_341] : memref<128x64xbf16, #tpu.memory_space<vmem>> -> memref<120x64xbf16, #tpu.memory_space<vmem>>
      %dma_start3A_343 = arith.constant 0 : i32
      %dma_start3A_344 = tpu.memref_slice %arg10[%add3A_24, %dma_start3A_343] : memref<10112x64xbf16, #tpu.memory_space<vmem_shared>> -> memref<120x64xbf16, #tpu.memory_space<vmem_shared>>
      %dma_start3A_345 = arith.constant 0 : i32
      %dma_start3A_346 = tpu.memref_slice %arg10[%add3A_24, %dma_start3A_345] : memref<10112x64xbf16, #tpu.memory_space<vmem_shared>> -> memref<120x64xbf16, #tpu.memory_space<vmem_shared>>
      %dma_start3A_347 = arith.constant 0 : i32
      %dma_start3A_348 = arith.constant 0 : i32
      %dma_start3A_349 = tpu.memref_slice %arg9[%run_scoped3A_25, %dma_start3A_347, %dma_start3A_348] : memref<5x128x64xbf16, #tpu.memory_space<vmem>> -> memref<1x128x64xbf16, #tpu.memory_space<vmem>>
      %dma_start3A_350 = tpu.memref_squeeze %dma_start3A_349 : memref<1x128x64xbf16, #tpu.memory_space<vmem>> -> memref<128x64xbf16, #tpu.memory_space<vmem>>
      %dma_start3A_351 = arith.constant 0 : i32
      %dma_start3A_352 = arith.constant 0 : i32
      %dma_start3A_353 = tpu.memref_slice %dma_start3A_350[%dma_start3A_351, %dma_start3A_352] : memref<128x64xbf16, #tpu.memory_space<vmem>> -> memref<120x64xbf16, #tpu.memory_space<vmem>>
      tpu.enqueue_dma source(%dma_start3A_353 : memref<120x64xbf16, #tpu.memory_space<vmem>>) target(%dma_start3A_346 : memref<120x64xbf16, #tpu.memory_space<vmem_shared>>) target_semaphore(%run_scoped3A_335 : memref<!tpu.dma_semaphore, #tpu.memory_space<semaphore_mem>>)
      %dma_wait3A_354 = arith.constant 0 : i32
      %dma_wait3A_355 = arith.constant 0 : i32
      %dma_wait3A_356 = tpu.memref_slice %arg9[%run_scoped3A_25, %dma_wait3A_354, %dma_wait3A_355] : memref<5x128x64xbf16, #tpu.memory_space<vmem>> -> memref<1x128x64xbf16, #tpu.memory_space<vmem>>
      %dma_wait3A_357 = tpu.memref_squeeze %dma_wait3A_356 : memref<1x128x64xbf16, #tpu.memory_space<vmem>> -> memref<128x64xbf16, #tpu.memory_space<vmem>>
      %dma_wait3A_358 = arith.constant 0 : i32
      %dma_wait3A_359 = arith.constant 0 : i32
      %dma_wait3A_360 = tpu.memref_slice %dma_wait3A_357[%dma_wait3A_358, %dma_wait3A_359] : memref<128x64xbf16, #tpu.memory_space<vmem>> -> memref<120x64xbf16, #tpu.memory_space<vmem>>
      %dma_wait3A_361 = arith.constant 0 : i32
      %dma_wait3A_362 = tpu.memref_slice %arg10[%add3A_24, %dma_wait3A_361] : memref<10112x64xbf16, #tpu.memory_space<vmem_shared>> -> memref<120x64xbf16, #tpu.memory_space<vmem_shared>>
      %dma_wait3A_363 = arith.constant 0 : i32
      %dma_wait3A_364 = tpu.memref_slice %arg10[%add3A_24, %dma_wait3A_363] : memref<10112x64xbf16, #tpu.memory_space<vmem_shared>> -> memref<120x64xbf16, #tpu.memory_space<vmem_shared>>
      %dma_wait3A_365 = arith.constant 0 : i32
      %dma_wait3A_366 = arith.constant 0 : i32
      %dma_wait3A_367 = tpu.memref_slice %arg9[%run_scoped3A_25, %dma_wait3A_365, %dma_wait3A_366] : memref<5x128x64xbf16, #tpu.memory_space<vmem>> -> memref<1x128x64xbf16, #tpu.memory_space<vmem>>
      %dma_wait3A_368 = tpu.memref_squeeze %dma_wait3A_367 : memref<1x128x64xbf16, #tpu.memory_space<vmem>> -> memref<128x64xbf16, #tpu.memory_space<vmem>>
      %dma_wait3A_369 = arith.constant 0 : i32
      %dma_wait3A_370 = arith.constant 0 : i32
      %dma_wait3A_371 = tpu.memref_slice %dma_wait3A_368[%dma_wait3A_369, %dma_wait3A_370] : memref<128x64xbf16, #tpu.memory_space<vmem>> -> memref<120x64xbf16, #tpu.memory_space<vmem>>
      tpu.wait_dma2 semaphore(%run_scoped3A_335 : memref<!tpu.dma_semaphore, #tpu.memory_space<semaphore_mem>>) src(%dma_wait3A_371 : memref<120x64xbf16, #tpu.memory_space<vmem>>) dst(%dma_wait3A_364 : memref<120x64xbf16, #tpu.memory_space<vmem_shared>>)
      tpu.yield
    }) : () -> ()
    "tpu.region"() ({
      %run_scoped3A_335 = tpu.sem_alloc : memref<!tpu.dma_semaphore, #tpu.memory_space<semaphore_mem>>
      %dma_start3A_336 = arith.constant 0 : i32
      %dma_start3A_337 = arith.constant 0 : i32
      %dma_start3A_338 = tpu.memref_slice %arg3[%add3A, %dma_start3A_336, %dma_start3A_337] : memref<32x80x128xi32, #tpu.memory_space<hbm>> -> memref<1x80x128xi32, #tpu.memory_space<hbm>>
      %dma_start3A_339 = tpu.memref_squeeze %dma_start3A_338 : memref<1x80x128xi32, #tpu.memory_space<hbm>> -> memref<80x128xi32, #tpu.memory_space<hbm>>
      %dma_start3A_340 = arith.constant 0 : i32
      %dma_start3A_341 = arith.constant 0 : i32
      %dma_start3A_342 = tpu.memref_slice %arg3[%add3A, %dma_start3A_340, %dma_start3A_341] : memref<32x80x128xi32, #tpu.memory_space<hbm>> -> memref<1x80x128xi32, #tpu.memory_space<hbm>>
      %dma_start3A_343 = tpu.memref_squeeze %dma_start3A_342 : memref<1x80x128xi32, #tpu.memory_space<hbm>> -> memref<80x128xi32, #tpu.memory_space<hbm>>
      tpu.enqueue_dma source(%dma_start3A_343 : memref<80x128xi32, #tpu.memory_space<hbm>>) target(%arg7 : memref<80x128xi32, #tpu.memory_space<vmem>>) target_semaphore(%run_scoped3A_335 : memref<!tpu.dma_semaphore, #tpu.memory_space<semaphore_mem>>)
      %dma_wait3A_344 = arith.constant 0 : i32
      %dma_wait3A_345 = arith.constant 0 : i32
      %dma_wait3A_346 = tpu.memref_slice %arg3[%add3A, %dma_wait3A_344, %dma_wait3A_345] : memref<32x80x128xi32, #tpu.memory_space<hbm>> -> memref<1x80x128xi32, #tpu.memory_space<hbm>>
      %dma_wait3A_347 = tpu.memref_squeeze %dma_wait3A_346 : memref<1x80x128xi32, #tpu.memory_space<hbm>> -> memref<80x128xi32, #tpu.memory_space<hbm>>
      %dma_wait3A_348 = arith.constant 0 : i32
      %dma_wait3A_349 = arith.constant 0 : i32
      %dma_wait3A_350 = tpu.memref_slice %arg3[%add3A, %dma_wait3A_348, %dma_wait3A_349] : memref<32x80x128xi32, #tpu.memory_space<hbm>> -> memref<1x80x128xi32, #tpu.memory_space<hbm>>
      %dma_wait3A_351 = tpu.memref_squeeze %dma_wait3A_350 : memref<1x80x128xi32, #tpu.memory_space<hbm>> -> memref<80x128xi32, #tpu.memory_space<hbm>>
      tpu.wait_dma2 semaphore(%run_scoped3A_335 : memref<!tpu.dma_semaphore, #tpu.memory_space<semaphore_mem>>) src(%dma_wait3A_351 : memref<80x128xi32, #tpu.memory_space<hbm>>) dst(%arg7 : memref<80x128xi32, #tpu.memory_space<vmem>>)
      tpu.yield
    }) : () -> ()
    "tpu.region"() ({
      %run_scoped3A_335 = tpu.sem_alloc : memref<!tpu.dma_semaphore, #tpu.memory_space<semaphore_mem>>
      %dma_start3A_336 = arith.constant 0 : i32
      %dma_start3A_337 = arith.constant 0 : i32
      %dma_start3A_338 = tpu.memref_slice %arg4[%add3A, %dma_start3A_336, %dma_start3A_337] : memref<32x80x128xi32, #tpu.memory_space<hbm>> -> memref<1x80x128xi32, #tpu.memory_space<hbm>>
      %dma_start3A_339 = tpu.memref_squeeze %dma_start3A_338 : memref<1x80x128xi32, #tpu.memory_space<hbm>> -> memref<80x128xi32, #tpu.memory_space<hbm>>
      %dma_start3A_340 = arith.constant 0 : i32
      %dma_start3A_341 = arith.constant 0 : i32
      %dma_start3A_342 = tpu.memref_slice %arg4[%add3A, %dma_start3A_340, %dma_start3A_341] : memref<32x80x128xi32, #tpu.memory_space<hbm>> -> memref<1x80x128xi32, #tpu.memory_space<hbm>>
      %dma_start3A_343 = tpu.memref_squeeze %dma_start3A_342 : memref<1x80x128xi32, #tpu.memory_space<hbm>> -> memref<80x128xi32, #tpu.memory_space<hbm>>
      tpu.enqueue_dma source(%dma_start3A_343 : memref<80x128xi32, #tpu.memory_space<hbm>>) target(%arg8 : memref<80x128xi32, #tpu.memory_space<vmem>>) target_semaphore(%run_scoped3A_335 : memref<!tpu.dma_semaphore, #tpu.memory_space<semaphore_mem>>)
      %dma_wait3A_344 = arith.constant 0 : i32
      %dma_wait3A_345 = arith.constant 0 : i32
      %dma_wait3A_346 = tpu.memref_slice %arg4[%add3A, %dma_wait3A_344, %dma_wait3A_345] : memref<32x80x128xi32, #tpu.memory_space<hbm>> -> memref<1x80x128xi32, #tpu.memory_space<hbm>>
      %dma_wait3A_347 = tpu.memref_squeeze %dma_wait3A_346 : memref<1x80x128xi32, #tpu.memory_space<hbm>> -> memref<80x128xi32, #tpu.memory_space<hbm>>
      %dma_wait3A_348 = arith.constant 0 : i32
      %dma_wait3A_349 = arith.constant 0 : i32
      %dma_wait3A_350 = tpu.memref_slice %arg4[%add3A, %dma_wait3A_348, %dma_wait3A_349] : memref<32x80x128xi32, #tpu.memory_space<hbm>> -> memref<1x80x128xi32, #tpu.memory_space<hbm>>
      %dma_wait3A_351 = tpu.memref_squeeze %dma_wait3A_350 : memref<1x80x128xi32, #tpu.memory_space<hbm>> -> memref<80x128xi32, #tpu.memory_space<hbm>>
      tpu.wait_dma2 semaphore(%run_scoped3A_335 : memref<!tpu.dma_semaphore, #tpu.memory_space<semaphore_mem>>) src(%dma_wait3A_351 : memref<80x128xi32, #tpu.memory_space<hbm>>) dst(%arg8 : memref<80x128xi32, #tpu.memory_space<vmem>>)
      tpu.yield
    }) : () -> ()
    %barrier3A = arith.constant 0 : index
    tpu.barrier barrier_id(%barrier3A)
    %dma_start3A = arith.constant 0 : i32
    %dma_start3A_26 = arith.constant 0 : i32
    %dma_start3A_27 = arith.constant 0 : i32
    %dma_start3A_28 = arith.constant 0 : i32
    %dma_start3A_29 = tpu.memref_slice %arg9[%dma_start3A_26, %dma_start3A_27, %dma_start3A_28] : memref<5x128x64xbf16, #tpu.memory_space<vmem>> -> memref<1x128x64xbf16, #tpu.memory_space<vmem>>
    %dma_start3A_30 = tpu.memref_squeeze %dma_start3A_29 : memref<1x128x64xbf16, #tpu.memory_space<vmem>> -> memref<128x64xbf16, #tpu.memory_space<vmem>>
    %dma_start3A_31 = arith.constant 0 : i32
    %dma_start3A_32 = tpu.memref_slice %arg7[%dma_start3A, %dma_start3A_31] : memref<80x128xi32, #tpu.memory_space<vmem>> -> memref<1x128xi32, #tpu.memory_space<vmem>>
    %dma_start3A_33 = tpu.memref_squeeze %dma_start3A_32 : memref<1x128xi32, #tpu.memory_space<vmem>> -> memref<128xi32, #tpu.memory_space<vmem>>
    %dma_start3A_34 = arith.constant 0 : i32
    %dma_start3A_35 = arith.constant 0 : i32
    %dma_start3A_36 = tpu.memref_slice %arg2[%dma_start3A_34, %dma_start3A_35] : memref<10000x64xbf16, #tpu.memory_space<hbm>> -> memref<10000x64xbf16, #tpu.memory_space<hbm>>
    tpu.enqueue_indirect_dma source(%dma_start3A_36 : memref<10000x64xbf16, #tpu.memory_space<hbm>>) target(%dma_start3A_30 : memref<128x64xbf16, #tpu.memory_space<vmem>>) offsets(%dma_start3A_33 : memref<128xi32, #tpu.memory_space<vmem>>) semaphore(%arg11 : memref<!tpu.dma_semaphore, #tpu.memory_space<semaphore_mem>>)
    %dma_start3A_37 = arith.constant 1 : i32
    %dma_start3A_38 = arith.constant 1 : i32
    %dma_start3A_39 = arith.constant 0 : i32
    %dma_start3A_40 = arith.constant 0 : i32
    %dma_start3A_41 = tpu.memref_slice %arg9[%dma_start3A_38, %dma_start3A_39, %dma_start3A_40] : memref<5x128x64xbf16, #tpu.memory_space<vmem>> -> memref<1x128x64xbf16, #tpu.memory_space<vmem>>
    %dma_start3A_42 = tpu.memref_squeeze %dma_start3A_41 : memref<1x128x64xbf16, #tpu.memory_space<vmem>> -> memref<128x64xbf16, #tpu.memory_space<vmem>>
    %dma_start3A_43 = arith.constant 0 : i32
    %dma_start3A_44 = tpu.memref_slice %arg7[%dma_start3A_37, %dma_start3A_43] : memref<80x128xi32, #tpu.memory_space<vmem>> -> memref<1x128xi32, #tpu.memory_space<vmem>>
    %dma_start3A_45 = tpu.memref_squeeze %dma_start3A_44 : memref<1x128xi32, #tpu.memory_space<vmem>> -> memref<128xi32, #tpu.memory_space<vmem>>
    %dma_start3A_46 = arith.constant 0 : i32
    %dma_start3A_47 = arith.constant 0 : i32
    %dma_start3A_48 = tpu.memref_slice %arg2[%dma_start3A_46, %dma_start3A_47] : memref<10000x64xbf16, #tpu.memory_space<hbm>> -> memref<10000x64xbf16, #tpu.memory_space<hbm>>
    tpu.enqueue_indirect_dma source(%dma_start3A_48 : memref<10000x64xbf16, #tpu.memory_space<hbm>>) target(%dma_start3A_42 : memref<128x64xbf16, #tpu.memory_space<vmem>>) offsets(%dma_start3A_45 : memref<128xi32, #tpu.memory_space<vmem>>) semaphore(%arg12 : memref<!tpu.dma_semaphore, #tpu.memory_space<semaphore_mem>>)
    %dma_start3A_49 = arith.constant 2 : i32
    %dma_start3A_50 = arith.constant 2 : i32
    %dma_start3A_51 = arith.constant 0 : i32
    %dma_start3A_52 = arith.constant 0 : i32
    %dma_start3A_53 = tpu.memref_slice %arg9[%dma_start3A_50, %dma_start3A_51, %dma_start3A_52] : memref<5x128x64xbf16, #tpu.memory_space<vmem>> -> memref<1x128x64xbf16, #tpu.memory_space<vmem>>
    %dma_start3A_54 = tpu.memref_squeeze %dma_start3A_53 : memref<1x128x64xbf16, #tpu.memory_space<vmem>> -> memref<128x64xbf16, #tpu.memory_space<vmem>>
    %dma_start3A_55 = arith.constant 0 : i32
    %dma_start3A_56 = tpu.memref_slice %arg7[%dma_start3A_49, %dma_start3A_55] : memref<80x128xi32, #tpu.memory_space<vmem>> -> memref<1x128xi32, #tpu.memory_space<vmem>>
    %dma_start3A_57 = tpu.memref_squeeze %dma_start3A_56 : memref<1x128xi32, #tpu.memory_space<vmem>> -> memref<128xi32, #tpu.memory_space<vmem>>
    %dma_start3A_58 = arith.constant 0 : i32
    %dma_start3A_59 = arith.constant 0 : i32
    %dma_start3A_60 = tpu.memref_slice %arg2[%dma_start3A_58, %dma_start3A_59] : memref<10000x64xbf16, #tpu.memory_space<hbm>> -> memref<10000x64xbf16, #tpu.memory_space<hbm>>
    tpu.enqueue_indirect_dma source(%dma_start3A_60 : memref<10000x64xbf16, #tpu.memory_space<hbm>>) target(%dma_start3A_54 : memref<128x64xbf16, #tpu.memory_space<vmem>>) offsets(%dma_start3A_57 : memref<128xi32, #tpu.memory_space<vmem>>) semaphore(%arg13 : memref<!tpu.dma_semaphore, #tpu.memory_space<semaphore_mem>>)
    %dma_start3A_61 = arith.constant 3 : i32
    %dma_start3A_62 = arith.constant 3 : i32
    %dma_start3A_63 = arith.constant 0 : i32
    %dma_start3A_64 = arith.constant 0 : i32
    %dma_start3A_65 = tpu.memref_slice %arg9[%dma_start3A_62, %dma_start3A_63, %dma_start3A_64] : memref<5x128x64xbf16, #tpu.memory_space<vmem>> -> memref<1x128x64xbf16, #tpu.memory_space<vmem>>
    %dma_start3A_66 = tpu.memref_squeeze %dma_start3A_65 : memref<1x128x64xbf16, #tpu.memory_space<vmem>> -> memref<128x64xbf16, #tpu.memory_space<vmem>>
    %dma_start3A_67 = arith.constant 0 : i32
    %dma_start3A_68 = tpu.memref_slice %arg7[%dma_start3A_61, %dma_start3A_67] : memref<80x128xi32, #tpu.memory_space<vmem>> -> memref<1x128xi32, #tpu.memory_space<vmem>>
    %dma_start3A_69 = tpu.memref_squeeze %dma_start3A_68 : memref<1x128xi32, #tpu.memory_space<vmem>> -> memref<128xi32, #tpu.memory_space<vmem>>
    %dma_start3A_70 = arith.constant 0 : i32
    %dma_start3A_71 = arith.constant 0 : i32
    %dma_start3A_72 = tpu.memref_slice %arg2[%dma_start3A_70, %dma_start3A_71] : memref<10000x64xbf16, #tpu.memory_space<hbm>> -> memref<10000x64xbf16, #tpu.memory_space<hbm>>
    tpu.enqueue_indirect_dma source(%dma_start3A_72 : memref<10000x64xbf16, #tpu.memory_space<hbm>>) target(%dma_start3A_66 : memref<128x64xbf16, #tpu.memory_space<vmem>>) offsets(%dma_start3A_69 : memref<128xi32, #tpu.memory_space<vmem>>) semaphore(%arg14 : memref<!tpu.dma_semaphore, #tpu.memory_space<semaphore_mem>>)
    %dma_start3A_73 = arith.constant 4 : i32
    %dma_start3A_74 = arith.constant 4 : i32
    %dma_start3A_75 = arith.constant 0 : i32
    %dma_start3A_76 = arith.constant 0 : i32
    %dma_start3A_77 = tpu.memref_slice %arg9[%dma_start3A_74, %dma_start3A_75, %dma_start3A_76] : memref<5x128x64xbf16, #tpu.memory_space<vmem>> -> memref<1x128x64xbf16, #tpu.memory_space<vmem>>
    %dma_start3A_78 = tpu.memref_squeeze %dma_start3A_77 : memref<1x128x64xbf16, #tpu.memory_space<vmem>> -> memref<128x64xbf16, #tpu.memory_space<vmem>>
    %dma_start3A_79 = arith.constant 0 : i32
    %dma_start3A_80 = tpu.memref_slice %arg7[%dma_start3A_73, %dma_start3A_79] : memref<80x128xi32, #tpu.memory_space<vmem>> -> memref<1x128xi32, #tpu.memory_space<vmem>>
    %dma_start3A_81 = tpu.memref_squeeze %dma_start3A_80 : memref<1x128xi32, #tpu.memory_space<vmem>> -> memref<128xi32, #tpu.memory_space<vmem>>
    %dma_start3A_82 = arith.constant 0 : i32
    %dma_start3A_83 = arith.constant 0 : i32
    %dma_start3A_84 = tpu.memref_slice %arg2[%dma_start3A_82, %dma_start3A_83] : memref<10000x64xbf16, #tpu.memory_space<hbm>> -> memref<10000x64xbf16, #tpu.memory_space<hbm>>
    tpu.enqueue_indirect_dma source(%dma_start3A_84 : memref<10000x64xbf16, #tpu.memory_space<hbm>>) target(%dma_start3A_78 : memref<128x64xbf16, #tpu.memory_space<vmem>>) offsets(%dma_start3A_81 : memref<128xi32, #tpu.memory_space<vmem>>) semaphore(%arg15 : memref<!tpu.dma_semaphore, #tpu.memory_space<semaphore_mem>>)
    %scan3A = arith.constant 0 : i32
    %scan3A_85 = arith.constant 0 : i32
    %scan3A_86 = arith.constant 15 : i32
    %scan3A_87 = arith.addi %scan3A_85, %scan3A_86 : i32
    %scan3A_88 = arith.constant 1 : i32
    scf.for %scan3A_335 = %scan3A_85 to %scan3A_87 step %scan3A_88  : i32 {
      %mul3A_336 = arith.constant 5 : i32
      %mul3A_337 = arith.muli %scan3A_335, %mul3A_336 : i32
      %add3A_338 = arith.constant 0 : i32
      %add3A_339 = arith.addi %mul3A_337, %add3A_338 : i32
      %dma_wait3A_340 = arith.constant 0 : i32
      %dma_wait3A_341 = arith.constant 0 : i32
      %dma_wait3A_342 = arith.constant 0 : i32
      %dma_wait3A_343 = tpu.memref_slice %arg9[%dma_wait3A_340, %dma_wait3A_341, %dma_wait3A_342] : memref<5x128x64xbf16, #tpu.memory_space<vmem>> -> memref<1x128x64xbf16, #tpu.memory_space<vmem>>
      %dma_wait3A_344 = tpu.memref_squeeze %dma_wait3A_343 : memref<1x128x64xbf16, #tpu.memory_space<vmem>> -> memref<128x64xbf16, #tpu.memory_space<vmem>>
      %dma_wait3A_345 = arith.constant 0 : i32
      %dma_wait3A_346 = tpu.memref_slice %arg7[%add3A_339, %dma_wait3A_345] : memref<80x128xi32, #tpu.memory_space<vmem>> -> memref<1x128xi32, #tpu.memory_space<vmem>>
      %dma_wait3A_347 = tpu.memref_squeeze %dma_wait3A_346 : memref<1x128xi32, #tpu.memory_space<vmem>> -> memref<128xi32, #tpu.memory_space<vmem>>
      %dma_wait3A_348 = arith.constant 0 : i32
      %dma_wait3A_349 = arith.constant 0 : i32
      %dma_wait3A_350 = tpu.memref_slice %arg2[%dma_wait3A_348, %dma_wait3A_349] : memref<10000x64xbf16, #tpu.memory_space<hbm>> -> memref<10000x64xbf16, #tpu.memory_space<hbm>>
      tpu.wait_indirect_dma semaphore(%arg11 : memref<!tpu.dma_semaphore, #tpu.memory_space<semaphore_mem>>) src(%dma_wait3A_350 : memref<10000x64xbf16, #tpu.memory_space<hbm>>) dst(%dma_wait3A_344 : memref<128x64xbf16, #tpu.memory_space<vmem>>)
      %dma_start3A_351 = arith.constant 0 : i32
      %dma_start3A_352 = arith.constant 0 : i32
      %dma_start3A_353 = arith.constant 0 : i32
      %dma_start3A_354 = tpu.memref_slice %arg9[%dma_start3A_351, %dma_start3A_352, %dma_start3A_353] : memref<5x128x64xbf16, #tpu.memory_space<vmem>> -> memref<1x128x64xbf16, #tpu.memory_space<vmem>>
      %dma_start3A_355 = tpu.memref_squeeze %dma_start3A_354 : memref<1x128x64xbf16, #tpu.memory_space<vmem>> -> memref<128x64xbf16, #tpu.memory_space<vmem>>
      %dma_start3A_356 = arith.constant 0 : i32
      %dma_start3A_357 = tpu.memref_slice %arg8[%add3A_339, %dma_start3A_356] : memref<80x128xi32, #tpu.memory_space<vmem>> -> memref<1x128xi32, #tpu.memory_space<vmem>>
      %dma_start3A_358 = tpu.memref_squeeze %dma_start3A_357 : memref<1x128xi32, #tpu.memory_space<vmem>> -> memref<128xi32, #tpu.memory_space<vmem>>
      %dma_start3A_359 = arith.constant 0 : i32
      %dma_start3A_360 = arith.constant 0 : i32
      %dma_start3A_361 = tpu.memref_slice %arg10[%dma_start3A_359, %dma_start3A_360] : memref<10112x64xbf16, #tpu.memory_space<vmem_shared>> -> memref<10112x64xbf16, #tpu.memory_space<vmem_shared>>
      tpu.enqueue_indirect_dma source(%dma_start3A_355 : memref<128x64xbf16, #tpu.memory_space<vmem>>) target(%dma_start3A_361 : memref<10112x64xbf16, #tpu.memory_space<vmem_shared>>) offsets(%dma_start3A_358 : memref<128xi32, #tpu.memory_space<vmem>>) semaphore(%arg16 : memref<!tpu.dma_semaphore, #tpu.memory_space<semaphore_mem>>) {add = true}
      %dma_wait3A_362 = arith.constant 0 : i32
      %dma_wait3A_363 = arith.constant 0 : i32
      %dma_wait3A_364 = arith.constant 0 : i32
      %dma_wait3A_365 = tpu.memref_slice %arg9[%dma_wait3A_362, %dma_wait3A_363, %dma_wait3A_364] : memref<5x128x64xbf16, #tpu.memory_space<vmem>> -> memref<1x128x64xbf16, #tpu.memory_space<vmem>>
      %dma_wait3A_366 = tpu.memref_squeeze %dma_wait3A_365 : memref<1x128x64xbf16, #tpu.memory_space<vmem>> -> memref<128x64xbf16, #tpu.memory_space<vmem>>
      %dma_wait3A_367 = arith.constant 0 : i32
      %dma_wait3A_368 = tpu.memref_slice %arg8[%add3A_339, %dma_wait3A_367] : memref<80x128xi32, #tpu.memory_space<vmem>> -> memref<1x128xi32, #tpu.memory_space<vmem>>
      %dma_wait3A_369 = tpu.memref_squeeze %dma_wait3A_368 : memref<1x128xi32, #tpu.memory_space<vmem>> -> memref<128xi32, #tpu.memory_space<vmem>>
      %dma_wait3A_370 = arith.constant 0 : i32
      %dma_wait3A_371 = arith.constant 0 : i32
      %dma_wait3A_372 = tpu.memref_slice %arg10[%dma_wait3A_370, %dma_wait3A_371] : memref<10112x64xbf16, #tpu.memory_space<vmem_shared>> -> memref<10112x64xbf16, #tpu.memory_space<vmem_shared>>
      tpu.wait_indirect_dma semaphore(%arg16 : memref<!tpu.dma_semaphore, #tpu.memory_space<semaphore_mem>>) src(%dma_wait3A_366 : memref<128x64xbf16, #tpu.memory_space<vmem>>) dst(%dma_wait3A_372 : memref<10112x64xbf16, #tpu.memory_space<vmem_shared>>)
      %add3A_373 = arith.constant 5 : i32
      %add3A_374 = arith.addi %add3A_339, %add3A_373 : i32
      %dma_start3A_375 = arith.constant 0 : i32
      %dma_start3A_376 = arith.constant 0 : i32
      %dma_start3A_377 = arith.constant 0 : i32
      %dma_start3A_378 = tpu.memref_slice %arg9[%dma_start3A_375, %dma_start3A_376, %dma_start3A_377] : memref<5x128x64xbf16, #tpu.memory_space<vmem>> -> memref<1x128x64xbf16, #tpu.memory_space<vmem>>
      %dma_start3A_379 = tpu.memref_squeeze %dma_start3A_378 : memref<1x128x64xbf16, #tpu.memory_space<vmem>> -> memref<128x64xbf16, #tpu.memory_space<vmem>>
      %dma_start3A_380 = arith.constant 0 : i32
      %dma_start3A_381 = tpu.memref_slice %arg7[%add3A_374, %dma_start3A_380] : memref<80x128xi32, #tpu.memory_space<vmem>> -> memref<1x128xi32, #tpu.memory_space<vmem>>
      %dma_start3A_382 = tpu.memref_squeeze %dma_start3A_381 : memref<1x128xi32, #tpu.memory_space<vmem>> -> memref<128xi32, #tpu.memory_space<vmem>>
      %dma_start3A_383 = arith.constant 0 : i32
      %dma_start3A_384 = arith.constant 0 : i32
      %dma_start3A_385 = tpu.memref_slice %arg2[%dma_start3A_383, %dma_start3A_384] : memref<10000x64xbf16, #tpu.memory_space<hbm>> -> memref<10000x64xbf16, #tpu.memory_space<hbm>>
      tpu.enqueue_indirect_dma source(%dma_start3A_385 : memref<10000x64xbf16, #tpu.memory_space<hbm>>) target(%dma_start3A_379 : memref<128x64xbf16, #tpu.memory_space<vmem>>) offsets(%dma_start3A_382 : memref<128xi32, #tpu.memory_space<vmem>>) semaphore(%arg11 : memref<!tpu.dma_semaphore, #tpu.memory_space<semaphore_mem>>)
      %mul3A_386 = arith.constant 5 : i32
      %mul3A_387 = arith.muli %scan3A_335, %mul3A_386 : i32
      %add3A_388 = arith.constant 1 : i32
      %add3A_389 = arith.addi %mul3A_387, %add3A_388 : i32
      %dma_wait3A_390 = arith.constant 1 : i32
      %dma_wait3A_391 = arith.constant 0 : i32
      %dma_wait3A_392 = arith.constant 0 : i32
      %dma_wait3A_393 = tpu.memref_slice %arg9[%dma_wait3A_390, %dma_wait3A_391, %dma_wait3A_392] : memref<5x128x64xbf16, #tpu.memory_space<vmem>> -> memref<1x128x64xbf16, #tpu.memory_space<vmem>>
      %dma_wait3A_394 = tpu.memref_squeeze %dma_wait3A_393 : memref<1x128x64xbf16, #tpu.memory_space<vmem>> -> memref<128x64xbf16, #tpu.memory_space<vmem>>
      %dma_wait3A_395 = arith.constant 0 : i32
      %dma_wait3A_396 = tpu.memref_slice %arg7[%add3A_389, %dma_wait3A_395] : memref<80x128xi32, #tpu.memory_space<vmem>> -> memref<1x128xi32, #tpu.memory_space<vmem>>
      %dma_wait3A_397 = tpu.memref_squeeze %dma_wait3A_396 : memref<1x128xi32, #tpu.memory_space<vmem>> -> memref<128xi32, #tpu.memory_space<vmem>>
      %dma_wait3A_398 = arith.constant 0 : i32
      %dma_wait3A_399 = arith.constant 0 : i32
      %dma_wait3A_400 = tpu.memref_slice %arg2[%dma_wait3A_398, %dma_wait3A_399] : memref<10000x64xbf16, #tpu.memory_space<hbm>> -> memref<10000x64xbf16, #tpu.memory_space<hbm>>
      tpu.wait_indirect_dma semaphore(%arg12 : memref<!tpu.dma_semaphore, #tpu.memory_space<semaphore_mem>>) src(%dma_wait3A_400 : memref<10000x64xbf16, #tpu.memory_space<hbm>>) dst(%dma_wait3A_394 : memref<128x64xbf16, #tpu.memory_space<vmem>>)
      %dma_start3A_401 = arith.constant 1 : i32
      %dma_start3A_402 = arith.constant 0 : i32
      %dma_start3A_403 = arith.constant 0 : i32
      %dma_start3A_404 = tpu.memref_slice %arg9[%dma_start3A_401, %dma_start3A_402, %dma_start3A_403] : memref<5x128x64xbf16, #tpu.memory_space<vmem>> -> memref<1x128x64xbf16, #tpu.memory_space<vmem>>
      %dma_start3A_405 = tpu.memref_squeeze %dma_start3A_404 : memref<1x128x64xbf16, #tpu.memory_space<vmem>> -> memref<128x64xbf16, #tpu.memory_space<vmem>>
      %dma_start3A_406 = arith.constant 0 : i32
      %dma_start3A_407 = tpu.memref_slice %arg8[%add3A_389, %dma_start3A_406] : memref<80x128xi32, #tpu.memory_space<vmem>> -> memref<1x128xi32, #tpu.memory_space<vmem>>
      %dma_start3A_408 = tpu.memref_squeeze %dma_start3A_407 : memref<1x128xi32, #tpu.memory_space<vmem>> -> memref<128xi32, #tpu.memory_space<vmem>>
      %dma_start3A_409 = arith.constant 0 : i32
      %dma_start3A_410 = arith.constant 0 : i32
      %dma_start3A_411 = tpu.memref_slice %arg10[%dma_start3A_409, %dma_start3A_410] : memref<10112x64xbf16, #tpu.memory_space<vmem_shared>> -> memref<10112x64xbf16, #tpu.memory_space<vmem_shared>>
      tpu.enqueue_indirect_dma source(%dma_start3A_405 : memref<128x64xbf16, #tpu.memory_space<vmem>>) target(%dma_start3A_411 : memref<10112x64xbf16, #tpu.memory_space<vmem_shared>>) offsets(%dma_start3A_408 : memref<128xi32, #tpu.memory_space<vmem>>) semaphore(%arg17 : memref<!tpu.dma_semaphore, #tpu.memory_space<semaphore_mem>>) {add = true}
      %dma_wait3A_412 = arith.constant 1 : i32
      %dma_wait3A_413 = arith.constant 0 : i32
      %dma_wait3A_414 = arith.constant 0 : i32
      %dma_wait3A_415 = tpu.memref_slice %arg9[%dma_wait3A_412, %dma_wait3A_413, %dma_wait3A_414] : memref<5x128x64xbf16, #tpu.memory_space<vmem>> -> memref<1x128x64xbf16, #tpu.memory_space<vmem>>
      %dma_wait3A_416 = tpu.memref_squeeze %dma_wait3A_415 : memref<1x128x64xbf16, #tpu.memory_space<vmem>> -> memref<128x64xbf16, #tpu.memory_space<vmem>>
      %dma_wait3A_417 = arith.constant 0 : i32
      %dma_wait3A_418 = tpu.memref_slice %arg8[%add3A_389, %dma_wait3A_417] : memref<80x128xi32, #tpu.memory_space<vmem>> -> memref<1x128xi32, #tpu.memory_space<vmem>>
      %dma_wait3A_419 = tpu.memref_squeeze %dma_wait3A_418 : memref<1x128xi32, #tpu.memory_space<vmem>> -> memref<128xi32, #tpu.memory_space<vmem>>
      %dma_wait3A_420 = arith.constant 0 : i32
      %dma_wait3A_421 = arith.constant 0 : i32
      %dma_wait3A_422 = tpu.memref_slice %arg10[%dma_wait3A_420, %dma_wait3A_421] : memref<10112x64xbf16, #tpu.memory_space<vmem_shared>> -> memref<10112x64xbf16, #tpu.memory_space<vmem_shared>>
      tpu.wait_indirect_dma semaphore(%arg17 : memref<!tpu.dma_semaphore, #tpu.memory_space<semaphore_mem>>) src(%dma_wait3A_416 : memref<128x64xbf16, #tpu.memory_space<vmem>>) dst(%dma_wait3A_422 : memref<10112x64xbf16, #tpu.memory_space<vmem_shared>>)
      %add3A_423 = arith.constant 5 : i32
      %add3A_424 = arith.addi %add3A_389, %add3A_423 : i32
      %dma_start3A_425 = arith.constant 1 : i32
      %dma_start3A_426 = arith.constant 0 : i32
      %dma_start3A_427 = arith.constant 0 : i32
      %dma_start3A_428 = tpu.memref_slice %arg9[%dma_start3A_425, %dma_start3A_426, %dma_start3A_427] : memref<5x128x64xbf16, #tpu.memory_space<vmem>> -> memref<1x128x64xbf16, #tpu.memory_space<vmem>>
      %dma_start3A_429 = tpu.memref_squeeze %dma_start3A_428 : memref<1x128x64xbf16, #tpu.memory_space<vmem>> -> memref<128x64xbf16, #tpu.memory_space<vmem>>
      %dma_start3A_430 = arith.constant 0 : i32
      %dma_start3A_431 = tpu.memref_slice %arg7[%add3A_424, %dma_start3A_430] : memref<80x128xi32, #tpu.memory_space<vmem>> -> memref<1x128xi32, #tpu.memory_space<vmem>>
      %dma_start3A_432 = tpu.memref_squeeze %dma_start3A_431 : memref<1x128xi32, #tpu.memory_space<vmem>> -> memref<128xi32, #tpu.memory_space<vmem>>
      %dma_start3A_433 = arith.constant 0 : i32
      %dma_start3A_434 = arith.constant 0 : i32
      %dma_start3A_435 = tpu.memref_slice %arg2[%dma_start3A_433, %dma_start3A_434] : memref<10000x64xbf16, #tpu.memory_space<hbm>> -> memref<10000x64xbf16, #tpu.memory_space<hbm>>
      tpu.enqueue_indirect_dma source(%dma_start3A_435 : memref<10000x64xbf16, #tpu.memory_space<hbm>>) target(%dma_start3A_429 : memref<128x64xbf16, #tpu.memory_space<vmem>>) offsets(%dma_start3A_432 : memref<128xi32, #tpu.memory_space<vmem>>) semaphore(%arg12 : memref<!tpu.dma_semaphore, #tpu.memory_space<semaphore_mem>>)
      %mul3A_436 = arith.constant 5 : i32
      %mul3A_437 = arith.muli %scan3A_335, %mul3A_436 : i32
      %add3A_438 = arith.constant 2 : i32
      %add3A_439 = arith.addi %mul3A_437, %add3A_438 : i32
      %dma_wait3A_440 = arith.constant 2 : i32
      %dma_wait3A_441 = arith.constant 0 : i32
      %dma_wait3A_442 = arith.constant 0 : i32
      %dma_wait3A_443 = tpu.memref_slice %arg9[%dma_wait3A_440, %dma_wait3A_441, %dma_wait3A_442] : memref<5x128x64xbf16, #tpu.memory_space<vmem>> -> memref<1x128x64xbf16, #tpu.memory_space<vmem>>
      %dma_wait3A_444 = tpu.memref_squeeze %dma_wait3A_443 : memref<1x128x64xbf16, #tpu.memory_space<vmem>> -> memref<128x64xbf16, #tpu.memory_space<vmem>>
      %dma_wait3A_445 = arith.constant 0 : i32
      %dma_wait3A_446 = tpu.memref_slice %arg7[%add3A_439, %dma_wait3A_445] : memref<80x128xi32, #tpu.memory_space<vmem>> -> memref<1x128xi32, #tpu.memory_space<vmem>>
      %dma_wait3A_447 = tpu.memref_squeeze %dma_wait3A_446 : memref<1x128xi32, #tpu.memory_space<vmem>> -> memref<128xi32, #tpu.memory_space<vmem>>
      %dma_wait3A_448 = arith.constant 0 : i32
      %dma_wait3A_449 = arith.constant 0 : i32
      %dma_wait3A_450 = tpu.memref_slice %arg2[%dma_wait3A_448, %dma_wait3A_449] : memref<10000x64xbf16, #tpu.memory_space<hbm>> -> memref<10000x64xbf16, #tpu.memory_space<hbm>>
      tpu.wait_indirect_dma semaphore(%arg13 : memref<!tpu.dma_semaphore, #tpu.memory_space<semaphore_mem>>) src(%dma_wait3A_450 : memref<10000x64xbf16, #tpu.memory_space<hbm>>) dst(%dma_wait3A_444 : memref<128x64xbf16, #tpu.memory_space<vmem>>)
      %dma_start3A_451 = arith.constant 2 : i32
      %dma_start3A_452 = arith.constant 0 : i32
      %dma_start3A_453 = arith.constant 0 : i32
      %dma_start3A_454 = tpu.memref_slice %arg9[%dma_start3A_451, %dma_start3A_452, %dma_start3A_453] : memref<5x128x64xbf16, #tpu.memory_space<vmem>> -> memref<1x128x64xbf16, #tpu.memory_space<vmem>>
      %dma_start3A_455 = tpu.memref_squeeze %dma_start3A_454 : memref<1x128x64xbf16, #tpu.memory_space<vmem>> -> memref<128x64xbf16, #tpu.memory_space<vmem>>
      %dma_start3A_456 = arith.constant 0 : i32
      %dma_start3A_457 = tpu.memref_slice %arg8[%add3A_439, %dma_start3A_456] : memref<80x128xi32, #tpu.memory_space<vmem>> -> memref<1x128xi32, #tpu.memory_space<vmem>>
      %dma_start3A_458 = tpu.memref_squeeze %dma_start3A_457 : memref<1x128xi32, #tpu.memory_space<vmem>> -> memref<128xi32, #tpu.memory_space<vmem>>
      %dma_start3A_459 = arith.constant 0 : i32
      %dma_start3A_460 = arith.constant 0 : i32
      %dma_start3A_461 = tpu.memref_slice %arg10[%dma_start3A_459, %dma_start3A_460] : memref<10112x64xbf16, #tpu.memory_space<vmem_shared>> -> memref<10112x64xbf16, #tpu.memory_space<vmem_shared>>
      tpu.enqueue_indirect_dma source(%dma_start3A_455 : memref<128x64xbf16, #tpu.memory_space<vmem>>) target(%dma_start3A_461 : memref<10112x64xbf16, #tpu.memory_space<vmem_shared>>) offsets(%dma_start3A_458 : memref<128xi32, #tpu.memory_space<vmem>>) semaphore(%arg18 : memref<!tpu.dma_semaphore, #tpu.memory_space<semaphore_mem>>) {add = true}
      %dma_wait3A_462 = arith.constant 2 : i32
      %dma_wait3A_463 = arith.constant 0 : i32
      %dma_wait3A_464 = arith.constant 0 : i32
      %dma_wait3A_465 = tpu.memref_slice %arg9[%dma_wait3A_462, %dma_wait3A_463, %dma_wait3A_464] : memref<5x128x64xbf16, #tpu.memory_space<vmem>> -> memref<1x128x64xbf16, #tpu.memory_space<vmem>>
      %dma_wait3A_466 = tpu.memref_squeeze %dma_wait3A_465 : memref<1x128x64xbf16, #tpu.memory_space<vmem>> -> memref<128x64xbf16, #tpu.memory_space<vmem>>
      %dma_wait3A_467 = arith.constant 0 : i32
      %dma_wait3A_468 = tpu.memref_slice %arg8[%add3A_439, %dma_wait3A_467] : memref<80x128xi32, #tpu.memory_space<vmem>> -> memref<1x128xi32, #tpu.memory_space<vmem>>
      %dma_wait3A_469 = tpu.memref_squeeze %dma_wait3A_468 : memref<1x128xi32, #tpu.memory_space<vmem>> -> memref<128xi32, #tpu.memory_space<vmem>>
      %dma_wait3A_470 = arith.constant 0 : i32
      %dma_wait3A_471 = arith.constant 0 : i32
      %dma_wait3A_472 = tpu.memref_slice %arg10[%dma_wait3A_470, %dma_wait3A_471] : memref<10112x64xbf16, #tpu.memory_space<vmem_shared>> -> memref<10112x64xbf16, #tpu.memory_space<vmem_shared>>
      tpu.wait_indirect_dma semaphore(%arg18 : memref<!tpu.dma_semaphore, #tpu.memory_space<semaphore_mem>>) src(%dma_wait3A_466 : memref<128x64xbf16, #tpu.memory_space<vmem>>) dst(%dma_wait3A_472 : memref<10112x64xbf16, #tpu.memory_space<vmem_shared>>)
      %add3A_473 = arith.constant 5 : i32
      %add3A_474 = arith.addi %add3A_439, %add3A_473 : i32
      %dma_start3A_475 = arith.constant 2 : i32
      %dma_start3A_476 = arith.constant 0 : i32
      %dma_start3A_477 = arith.constant 0 : i32
      %dma_start3A_478 = tpu.memref_slice %arg9[%dma_start3A_475, %dma_start3A_476, %dma_start3A_477] : memref<5x128x64xbf16, #tpu.memory_space<vmem>> -> memref<1x128x64xbf16, #tpu.memory_space<vmem>>
      %dma_start3A_479 = tpu.memref_squeeze %dma_start3A_478 : memref<1x128x64xbf16, #tpu.memory_space<vmem>> -> memref<128x64xbf16, #tpu.memory_space<vmem>>
      %dma_start3A_480 = arith.constant 0 : i32
      %dma_start3A_481 = tpu.memref_slice %arg7[%add3A_474, %dma_start3A_480] : memref<80x128xi32, #tpu.memory_space<vmem>> -> memref<1x128xi32, #tpu.memory_space<vmem>>
      %dma_start3A_482 = tpu.memref_squeeze %dma_start3A_481 : memref<1x128xi32, #tpu.memory_space<vmem>> -> memref<128xi32, #tpu.memory_space<vmem>>
      %dma_start3A_483 = arith.constant 0 : i32
      %dma_start3A_484 = arith.constant 0 : i32
      %dma_start3A_485 = tpu.memref_slice %arg2[%dma_start3A_483, %dma_start3A_484] : memref<10000x64xbf16, #tpu.memory_space<hbm>> -> memref<10000x64xbf16, #tpu.memory_space<hbm>>
      tpu.enqueue_indirect_dma source(%dma_start3A_485 : memref<10000x64xbf16, #tpu.memory_space<hbm>>) target(%dma_start3A_479 : memref<128x64xbf16, #tpu.memory_space<vmem>>) offsets(%dma_start3A_482 : memref<128xi32, #tpu.memory_space<vmem>>) semaphore(%arg13 : memref<!tpu.dma_semaphore, #tpu.memory_space<semaphore_mem>>)
      %mul3A_486 = arith.constant 5 : i32
      %mul3A_487 = arith.muli %scan3A_335, %mul3A_486 : i32
      %add3A_488 = arith.constant 3 : i32
      %add3A_489 = arith.addi %mul3A_487, %add3A_488 : i32
      %dma_wait3A_490 = arith.constant 3 : i32
      %dma_wait3A_491 = arith.constant 0 : i32
      %dma_wait3A_492 = arith.constant 0 : i32
      %dma_wait3A_493 = tpu.memref_slice %arg9[%dma_wait3A_490, %dma_wait3A_491, %dma_wait3A_492] : memref<5x128x64xbf16, #tpu.memory_space<vmem>> -> memref<1x128x64xbf16, #tpu.memory_space<vmem>>
      %dma_wait3A_494 = tpu.memref_squeeze %dma_wait3A_493 : memref<1x128x64xbf16, #tpu.memory_space<vmem>> -> memref<128x64xbf16, #tpu.memory_space<vmem>>
      %dma_wait3A_495 = arith.constant 0 : i32
      %dma_wait3A_496 = tpu.memref_slice %arg7[%add3A_489, %dma_wait3A_495] : memref<80x128xi32, #tpu.memory_space<vmem>> -> memref<1x128xi32, #tpu.memory_space<vmem>>
      %dma_wait3A_497 = tpu.memref_squeeze %dma_wait3A_496 : memref<1x128xi32, #tpu.memory_space<vmem>> -> memref<128xi32, #tpu.memory_space<vmem>>
      %dma_wait3A_498 = arith.constant 0 : i32
      %dma_wait3A_499 = arith.constant 0 : i32
      %dma_wait3A_500 = tpu.memref_slice %arg2[%dma_wait3A_498, %dma_wait3A_499] : memref<10000x64xbf16, #tpu.memory_space<hbm>> -> memref<10000x64xbf16, #tpu.memory_space<hbm>>
      tpu.wait_indirect_dma semaphore(%arg14 : memref<!tpu.dma_semaphore, #tpu.memory_space<semaphore_mem>>) src(%dma_wait3A_500 : memref<10000x64xbf16, #tpu.memory_space<hbm>>) dst(%dma_wait3A_494 : memref<128x64xbf16, #tpu.memory_space<vmem>>)
      %dma_start3A_501 = arith.constant 3 : i32
      %dma_start3A_502 = arith.constant 0 : i32
      %dma_start3A_503 = arith.constant 0 : i32
      %dma_start3A_504 = tpu.memref_slice %arg9[%dma_start3A_501, %dma_start3A_502, %dma_start3A_503] : memref<5x128x64xbf16, #tpu.memory_space<vmem>> -> memref<1x128x64xbf16, #tpu.memory_space<vmem>>
      %dma_start3A_505 = tpu.memref_squeeze %dma_start3A_504 : memref<1x128x64xbf16, #tpu.memory_space<vmem>> -> memref<128x64xbf16, #tpu.memory_space<vmem>>
      %dma_start3A_506 = arith.constant 0 : i32
      %dma_start3A_507 = tpu.memref_slice %arg8[%add3A_489, %dma_start3A_506] : memref<80x128xi32, #tpu.memory_space<vmem>> -> memref<1x128xi32, #tpu.memory_space<vmem>>
      %dma_start3A_508 = tpu.memref_squeeze %dma_start3A_507 : memref<1x128xi32, #tpu.memory_space<vmem>> -> memref<128xi32, #tpu.memory_space<vmem>>
      %dma_start3A_509 = arith.constant 0 : i32
      %dma_start3A_510 = arith.constant 0 : i32
      %dma_start3A_511 = tpu.memref_slice %arg10[%dma_start3A_509, %dma_start3A_510] : memref<10112x64xbf16, #tpu.memory_space<vmem_shared>> -> memref<10112x64xbf16, #tpu.memory_space<vmem_shared>>
      tpu.enqueue_indirect_dma source(%dma_start3A_505 : memref<128x64xbf16, #tpu.memory_space<vmem>>) target(%dma_start3A_511 : memref<10112x64xbf16, #tpu.memory_space<vmem_shared>>) offsets(%dma_start3A_508 : memref<128xi32, #tpu.memory_space<vmem>>) semaphore(%arg19 : memref<!tpu.dma_semaphore, #tpu.memory_space<semaphore_mem>>) {add = true}
      %dma_wait3A_512 = arith.constant 3 : i32
      %dma_wait3A_513 = arith.constant 0 : i32
      %dma_wait3A_514 = arith.constant 0 : i32
      %dma_wait3A_515 = tpu.memref_slice %arg9[%dma_wait3A_512, %dma_wait3A_513, %dma_wait3A_514] : memref<5x128x64xbf16, #tpu.memory_space<vmem>> -> memref<1x128x64xbf16, #tpu.memory_space<vmem>>
      %dma_wait3A_516 = tpu.memref_squeeze %dma_wait3A_515 : memref<1x128x64xbf16, #tpu.memory_space<vmem>> -> memref<128x64xbf16, #tpu.memory_space<vmem>>
      %dma_wait3A_517 = arith.constant 0 : i32
      %dma_wait3A_518 = tpu.memref_slice %arg8[%add3A_489, %dma_wait3A_517] : memref<80x128xi32, #tpu.memory_space<vmem>> -> memref<1x128xi32, #tpu.memory_space<vmem>>
      %dma_wait3A_519 = tpu.memref_squeeze %dma_wait3A_518 : memref<1x128xi32, #tpu.memory_space<vmem>> -> memref<128xi32, #tpu.memory_space<vmem>>
      %dma_wait3A_520 = arith.constant 0 : i32
      %dma_wait3A_521 = arith.constant 0 : i32
      %dma_wait3A_522 = tpu.memref_slice %arg10[%dma_wait3A_520, %dma_wait3A_521] : memref<10112x64xbf16, #tpu.memory_space<vmem_shared>> -> memref<10112x64xbf16, #tpu.memory_space<vmem_shared>>
      tpu.wait_indirect_dma semaphore(%arg19 : memref<!tpu.dma_semaphore, #tpu.memory_space<semaphore_mem>>) src(%dma_wait3A_516 : memref<128x64xbf16, #tpu.memory_space<vmem>>) dst(%dma_wait3A_522 : memref<10112x64xbf16, #tpu.memory_space<vmem_shared>>)
      %add3A_523 = arith.constant 5 : i32
      %add3A_524 = arith.addi %add3A_489, %add3A_523 : i32
      %dma_start3A_525 = arith.constant 3 : i32
      %dma_start3A_526 = arith.constant 0 : i32
      %dma_start3A_527 = arith.constant 0 : i32
      %dma_start3A_528 = tpu.memref_slice %arg9[%dma_start3A_525, %dma_start3A_526, %dma_start3A_527] : memref<5x128x64xbf16, #tpu.memory_space<vmem>> -> memref<1x128x64xbf16, #tpu.memory_space<vmem>>
      %dma_start3A_529 = tpu.memref_squeeze %dma_start3A_528 : memref<1x128x64xbf16, #tpu.memory_space<vmem>> -> memref<128x64xbf16, #tpu.memory_space<vmem>>
      %dma_start3A_530 = arith.constant 0 : i32
      %dma_start3A_531 = tpu.memref_slice %arg7[%add3A_524, %dma_start3A_530] : memref<80x128xi32, #tpu.memory_space<vmem>> -> memref<1x128xi32, #tpu.memory_space<vmem>>
      %dma_start3A_532 = tpu.memref_squeeze %dma_start3A_531 : memref<1x128xi32, #tpu.memory_space<vmem>> -> memref<128xi32, #tpu.memory_space<vmem>>
      %dma_start3A_533 = arith.constant 0 : i32
      %dma_start3A_534 = arith.constant 0 : i32
      %dma_start3A_535 = tpu.memref_slice %arg2[%dma_start3A_533, %dma_start3A_534] : memref<10000x64xbf16, #tpu.memory_space<hbm>> -> memref<10000x64xbf16, #tpu.memory_space<hbm>>
      tpu.enqueue_indirect_dma source(%dma_start3A_535 : memref<10000x64xbf16, #tpu.memory_space<hbm>>) target(%dma_start3A_529 : memref<128x64xbf16, #tpu.memory_space<vmem>>) offsets(%dma_start3A_532 : memref<128xi32, #tpu.memory_space<vmem>>) semaphore(%arg14 : memref<!tpu.dma_semaphore, #tpu.memory_space<semaphore_mem>>)
      %mul3A_536 = arith.constant 5 : i32
      %mul3A_537 = arith.muli %scan3A_335, %mul3A_536 : i32
      %add3A_538 = arith.constant 4 : i32
      %add3A_539 = arith.addi %mul3A_537, %add3A_538 : i32
      %dma_wait3A_540 = arith.constant 4 : i32
      %dma_wait3A_541 = arith.constant 0 : i32
      %dma_wait3A_542 = arith.constant 0 : i32
      %dma_wait3A_543 = tpu.memref_slice %arg9[%dma_wait3A_540, %dma_wait3A_541, %dma_wait3A_542] : memref<5x128x64xbf16, #tpu.memory_space<vmem>> -> memref<1x128x64xbf16, #tpu.memory_space<vmem>>
      %dma_wait3A_544 = tpu.memref_squeeze %dma_wait3A_543 : memref<1x128x64xbf16, #tpu.memory_space<vmem>> -> memref<128x64xbf16, #tpu.memory_space<vmem>>
      %dma_wait3A_545 = arith.constant 0 : i32
      %dma_wait3A_546 = tpu.memref_slice %arg7[%add3A_539, %dma_wait3A_545] : memref<80x128xi32, #tpu.memory_space<vmem>> -> memref<1x128xi32, #tpu.memory_space<vmem>>
      %dma_wait3A_547 = tpu.memref_squeeze %dma_wait3A_546 : memref<1x128xi32, #tpu.memory_space<vmem>> -> memref<128xi32, #tpu.memory_space<vmem>>
      %dma_wait3A_548 = arith.constant 0 : i32
      %dma_wait3A_549 = arith.constant 0 : i32
      %dma_wait3A_550 = tpu.memref_slice %arg2[%dma_wait3A_548, %dma_wait3A_549] : memref<10000x64xbf16, #tpu.memory_space<hbm>> -> memref<10000x64xbf16, #tpu.memory_space<hbm>>
      tpu.wait_indirect_dma semaphore(%arg15 : memref<!tpu.dma_semaphore, #tpu.memory_space<semaphore_mem>>) src(%dma_wait3A_550 : memref<10000x64xbf16, #tpu.memory_space<hbm>>) dst(%dma_wait3A_544 : memref<128x64xbf16, #tpu.memory_space<vmem>>)
      %dma_start3A_551 = arith.constant 4 : i32
      %dma_start3A_552 = arith.constant 0 : i32
      %dma_start3A_553 = arith.constant 0 : i32
      %dma_start3A_554 = tpu.memref_slice %arg9[%dma_start3A_551, %dma_start3A_552, %dma_start3A_553] : memref<5x128x64xbf16, #tpu.memory_space<vmem>> -> memref<1x128x64xbf16, #tpu.memory_space<vmem>>
      %dma_start3A_555 = tpu.memref_squeeze %dma_start3A_554 : memref<1x128x64xbf16, #tpu.memory_space<vmem>> -> memref<128x64xbf16, #tpu.memory_space<vmem>>
      %dma_start3A_556 = arith.constant 0 : i32
      %dma_start3A_557 = tpu.memref_slice %arg8[%add3A_539, %dma_start3A_556] : memref<80x128xi32, #tpu.memory_space<vmem>> -> memref<1x128xi32, #tpu.memory_space<vmem>>
      %dma_start3A_558 = tpu.memref_squeeze %dma_start3A_557 : memref<1x128xi32, #tpu.memory_space<vmem>> -> memref<128xi32, #tpu.memory_space<vmem>>
      %dma_start3A_559 = arith.constant 0 : i32
      %dma_start3A_560 = arith.constant 0 : i32
      %dma_start3A_561 = tpu.memref_slice %arg10[%dma_start3A_559, %dma_start3A_560] : memref<10112x64xbf16, #tpu.memory_space<vmem_shared>> -> memref<10112x64xbf16, #tpu.memory_space<vmem_shared>>
      tpu.enqueue_indirect_dma source(%dma_start3A_555 : memref<128x64xbf16, #tpu.memory_space<vmem>>) target(%dma_start3A_561 : memref<10112x64xbf16, #tpu.memory_space<vmem_shared>>) offsets(%dma_start3A_558 : memref<128xi32, #tpu.memory_space<vmem>>) semaphore(%arg20 : memref<!tpu.dma_semaphore, #tpu.memory_space<semaphore_mem>>) {add = true}
      %dma_wait3A_562 = arith.constant 4 : i32
      %dma_wait3A_563 = arith.constant 0 : i32
      %dma_wait3A_564 = arith.constant 0 : i32
      %dma_wait3A_565 = tpu.memref_slice %arg9[%dma_wait3A_562, %dma_wait3A_563, %dma_wait3A_564] : memref<5x128x64xbf16, #tpu.memory_space<vmem>> -> memref<1x128x64xbf16, #tpu.memory_space<vmem>>
      %dma_wait3A_566 = tpu.memref_squeeze %dma_wait3A_565 : memref<1x128x64xbf16, #tpu.memory_space<vmem>> -> memref<128x64xbf16, #tpu.memory_space<vmem>>
      %dma_wait3A_567 = arith.constant 0 : i32
      %dma_wait3A_568 = tpu.memref_slice %arg8[%add3A_539, %dma_wait3A_567] : memref<80x128xi32, #tpu.memory_space<vmem>> -> memref<1x128xi32, #tpu.memory_space<vmem>>
      %dma_wait3A_569 = tpu.memref_squeeze %dma_wait3A_568 : memref<1x128xi32, #tpu.memory_space<vmem>> -> memref<128xi32, #tpu.memory_space<vmem>>
      %dma_wait3A_570 = arith.constant 0 : i32
      %dma_wait3A_571 = arith.constant 0 : i32
      %dma_wait3A_572 = tpu.memref_slice %arg10[%dma_wait3A_570, %dma_wait3A_571] : memref<10112x64xbf16, #tpu.memory_space<vmem_shared>> -> memref<10112x64xbf16, #tpu.memory_space<vmem_shared>>
      tpu.wait_indirect_dma semaphore(%arg20 : memref<!tpu.dma_semaphore, #tpu.memory_space<semaphore_mem>>) src(%dma_wait3A_566 : memref<128x64xbf16, #tpu.memory_space<vmem>>) dst(%dma_wait3A_572 : memref<10112x64xbf16, #tpu.memory_space<vmem_shared>>)
      %add3A_573 = arith.constant 5 : i32
      %add3A_574 = arith.addi %add3A_539, %add3A_573 : i32
      %dma_start3A_575 = arith.constant 4 : i32
      %dma_start3A_576 = arith.constant 0 : i32
      %dma_start3A_577 = arith.constant 0 : i32
      %dma_start3A_578 = tpu.memref_slice %arg9[%dma_start3A_575, %dma_start3A_576, %dma_start3A_577] : memref<5x128x64xbf16, #tpu.memory_space<vmem>> -> memref<1x128x64xbf16, #tpu.memory_space<vmem>>
      %dma_start3A_579 = tpu.memref_squeeze %dma_start3A_578 : memref<1x128x64xbf16, #tpu.memory_space<vmem>> -> memref<128x64xbf16, #tpu.memory_space<vmem>>
      %dma_start3A_580 = arith.constant 0 : i32
      %dma_start3A_581 = tpu.memref_slice %arg7[%add3A_574, %dma_start3A_580] : memref<80x128xi32, #tpu.memory_space<vmem>> -> memref<1x128xi32, #tpu.memory_space<vmem>>
      %dma_start3A_582 = tpu.memref_squeeze %dma_start3A_581 : memref<1x128xi32, #tpu.memory_space<vmem>> -> memref<128xi32, #tpu.memory_space<vmem>>
      %dma_start3A_583 = arith.constant 0 : i32
      %dma_start3A_584 = arith.constant 0 : i32
      %dma_start3A_585 = tpu.memref_slice %arg2[%dma_start3A_583, %dma_start3A_584] : memref<10000x64xbf16, #tpu.memory_space<hbm>> -> memref<10000x64xbf16, #tpu.memory_space<hbm>>
      tpu.enqueue_indirect_dma source(%dma_start3A_585 : memref<10000x64xbf16, #tpu.memory_space<hbm>>) target(%dma_start3A_579 : memref<128x64xbf16, #tpu.memory_space<vmem>>) offsets(%dma_start3A_582 : memref<128xi32, #tpu.memory_space<vmem>>) semaphore(%arg15 : memref<!tpu.dma_semaphore, #tpu.memory_space<semaphore_mem>>)
    }
    %scan3A_89 = arith.constant 15 : i32
    %dma_wait3A = arith.constant 75 : i32
    %dma_wait3A_90 = arith.constant 0 : i32
    %dma_wait3A_91 = arith.constant 0 : i32
    %dma_wait3A_92 = arith.constant 0 : i32
    %dma_wait3A_93 = tpu.memref_slice %arg9[%dma_wait3A_90, %dma_wait3A_91, %dma_wait3A_92] : memref<5x128x64xbf16, #tpu.memory_space<vmem>> -> memref<1x128x64xbf16, #tpu.memory_space<vmem>>
    %dma_wait3A_94 = tpu.memref_squeeze %dma_wait3A_93 : memref<1x128x64xbf16, #tpu.memory_space<vmem>> -> memref<128x64xbf16, #tpu.memory_space<vmem>>
    %dma_wait3A_95 = arith.constant 0 : i32
    %dma_wait3A_96 = tpu.memref_slice %arg7[%dma_wait3A, %dma_wait3A_95] : memref<80x128xi32, #tpu.memory_space<vmem>> -> memref<1x128xi32, #tpu.memory_space<vmem>>
    %dma_wait3A_97 = tpu.memref_squeeze %dma_wait3A_96 : memref<1x128xi32, #tpu.memory_space<vmem>> -> memref<128xi32, #tpu.memory_space<vmem>>
    %dma_wait3A_98 = arith.constant 0 : i32
    %dma_wait3A_99 = arith.constant 0 : i32
    %dma_wait3A_100 = tpu.memref_slice %arg2[%dma_wait3A_98, %dma_wait3A_99] : memref<10000x64xbf16, #tpu.memory_space<hbm>> -> memref<10000x64xbf16, #tpu.memory_space<hbm>>
    tpu.wait_indirect_dma semaphore(%arg11 : memref<!tpu.dma_semaphore, #tpu.memory_space<semaphore_mem>>) src(%dma_wait3A_100 : memref<10000x64xbf16, #tpu.memory_space<hbm>>) dst(%dma_wait3A_94 : memref<128x64xbf16, #tpu.memory_space<vmem>>)
    %dma_start3A_101 = arith.constant 0 : i32
    %dma_start3A_102 = arith.constant 75 : i32
    %dma_start3A_103 = arith.constant 0 : i32
    %dma_start3A_104 = arith.constant 0 : i32
    %dma_start3A_105 = tpu.memref_slice %arg9[%dma_start3A_101, %dma_start3A_103, %dma_start3A_104] : memref<5x128x64xbf16, #tpu.memory_space<vmem>> -> memref<1x128x64xbf16, #tpu.memory_space<vmem>>
    %dma_start3A_106 = tpu.memref_squeeze %dma_start3A_105 : memref<1x128x64xbf16, #tpu.memory_space<vmem>> -> memref<128x64xbf16, #tpu.memory_space<vmem>>
    %dma_start3A_107 = arith.constant 0 : i32
    %dma_start3A_108 = tpu.memref_slice %arg8[%dma_start3A_102, %dma_start3A_107] : memref<80x128xi32, #tpu.memory_space<vmem>> -> memref<1x128xi32, #tpu.memory_space<vmem>>
    %dma_start3A_109 = tpu.memref_squeeze %dma_start3A_108 : memref<1x128xi32, #tpu.memory_space<vmem>> -> memref<128xi32, #tpu.memory_space<vmem>>
    %dma_start3A_110 = arith.constant 0 : i32
    %dma_start3A_111 = arith.constant 0 : i32
    %dma_start3A_112 = tpu.memref_slice %arg10[%dma_start3A_110, %dma_start3A_111] : memref<10112x64xbf16, #tpu.memory_space<vmem_shared>> -> memref<10112x64xbf16, #tpu.memory_space<vmem_shared>>
    tpu.enqueue_indirect_dma source(%dma_start3A_106 : memref<128x64xbf16, #tpu.memory_space<vmem>>) target(%dma_start3A_112 : memref<10112x64xbf16, #tpu.memory_space<vmem_shared>>) offsets(%dma_start3A_109 : memref<128xi32, #tpu.memory_space<vmem>>) semaphore(%arg16 : memref<!tpu.dma_semaphore, #tpu.memory_space<semaphore_mem>>) {add = true}
    %dma_wait3A_113 = arith.constant 0 : i32
    %dma_wait3A_114 = arith.constant 75 : i32
    %dma_wait3A_115 = arith.constant 0 : i32
    %dma_wait3A_116 = arith.constant 0 : i32
    %dma_wait3A_117 = tpu.memref_slice %arg9[%dma_wait3A_113, %dma_wait3A_115, %dma_wait3A_116] : memref<5x128x64xbf16, #tpu.memory_space<vmem>> -> memref<1x128x64xbf16, #tpu.memory_space<vmem>>
    %dma_wait3A_118 = tpu.memref_squeeze %dma_wait3A_117 : memref<1x128x64xbf16, #tpu.memory_space<vmem>> -> memref<128x64xbf16, #tpu.memory_space<vmem>>
    %dma_wait3A_119 = arith.constant 0 : i32
    %dma_wait3A_120 = tpu.memref_slice %arg8[%dma_wait3A_114, %dma_wait3A_119] : memref<80x128xi32, #tpu.memory_space<vmem>> -> memref<1x128xi32, #tpu.memory_space<vmem>>
    %dma_wait3A_121 = tpu.memref_squeeze %dma_wait3A_120 : memref<1x128xi32, #tpu.memory_space<vmem>> -> memref<128xi32, #tpu.memory_space<vmem>>
    %dma_wait3A_122 = arith.constant 0 : i32
    %dma_wait3A_123 = arith.constant 0 : i32
    %dma_wait3A_124 = tpu.memref_slice %arg10[%dma_wait3A_122, %dma_wait3A_123] : memref<10112x64xbf16, #tpu.memory_space<vmem_shared>> -> memref<10112x64xbf16, #tpu.memory_space<vmem_shared>>
    tpu.wait_indirect_dma semaphore(%arg16 : memref<!tpu.dma_semaphore, #tpu.memory_space<semaphore_mem>>) src(%dma_wait3A_118 : memref<128x64xbf16, #tpu.memory_space<vmem>>) dst(%dma_wait3A_124 : memref<10112x64xbf16, #tpu.memory_space<vmem_shared>>)
    %dma_wait3A_125 = arith.constant 76 : i32
    %dma_wait3A_126 = arith.constant 1 : i32
    %dma_wait3A_127 = arith.constant 0 : i32
    %dma_wait3A_128 = arith.constant 0 : i32
    %dma_wait3A_129 = tpu.memref_slice %arg9[%dma_wait3A_126, %dma_wait3A_127, %dma_wait3A_128] : memref<5x128x64xbf16, #tpu.memory_space<vmem>> -> memref<1x128x64xbf16, #tpu.memory_space<vmem>>
    %dma_wait3A_130 = tpu.memref_squeeze %dma_wait3A_129 : memref<1x128x64xbf16, #tpu.memory_space<vmem>> -> memref<128x64xbf16, #tpu.memory_space<vmem>>
    %dma_wait3A_131 = arith.constant 0 : i32
    %dma_wait3A_132 = tpu.memref_slice %arg7[%dma_wait3A_125, %dma_wait3A_131] : memref<80x128xi32, #tpu.memory_space<vmem>> -> memref<1x128xi32, #tpu.memory_space<vmem>>
    %dma_wait3A_133 = tpu.memref_squeeze %dma_wait3A_132 : memref<1x128xi32, #tpu.memory_space<vmem>> -> memref<128xi32, #tpu.memory_space<vmem>>
    %dma_wait3A_134 = arith.constant 0 : i32
    %dma_wait3A_135 = arith.constant 0 : i32
    %dma_wait3A_136 = tpu.memref_slice %arg2[%dma_wait3A_134, %dma_wait3A_135] : memref<10000x64xbf16, #tpu.memory_space<hbm>> -> memref<10000x64xbf16, #tpu.memory_space<hbm>>
    tpu.wait_indirect_dma semaphore(%arg12 : memref<!tpu.dma_semaphore, #tpu.memory_space<semaphore_mem>>) src(%dma_wait3A_136 : memref<10000x64xbf16, #tpu.memory_space<hbm>>) dst(%dma_wait3A_130 : memref<128x64xbf16, #tpu.memory_space<vmem>>)
    %dma_start3A_137 = arith.constant 1 : i32
    %dma_start3A_138 = arith.constant 76 : i32
    %dma_start3A_139 = arith.constant 0 : i32
    %dma_start3A_140 = arith.constant 0 : i32
    %dma_start3A_141 = tpu.memref_slice %arg9[%dma_start3A_137, %dma_start3A_139, %dma_start3A_140] : memref<5x128x64xbf16, #tpu.memory_space<vmem>> -> memref<1x128x64xbf16, #tpu.memory_space<vmem>>
    %dma_start3A_142 = tpu.memref_squeeze %dma_start3A_141 : memref<1x128x64xbf16, #tpu.memory_space<vmem>> -> memref<128x64xbf16, #tpu.memory_space<vmem>>
    %dma_start3A_143 = arith.constant 0 : i32
    %dma_start3A_144 = tpu.memref_slice %arg8[%dma_start3A_138, %dma_start3A_143] : memref<80x128xi32, #tpu.memory_space<vmem>> -> memref<1x128xi32, #tpu.memory_space<vmem>>
    %dma_start3A_145 = tpu.memref_squeeze %dma_start3A_144 : memref<1x128xi32, #tpu.memory_space<vmem>> -> memref<128xi32, #tpu.memory_space<vmem>>
    %dma_start3A_146 = arith.constant 0 : i32
    %dma_start3A_147 = arith.constant 0 : i32
    %dma_start3A_148 = tpu.memref_slice %arg10[%dma_start3A_146, %dma_start3A_147] : memref<10112x64xbf16, #tpu.memory_space<vmem_shared>> -> memref<10112x64xbf16, #tpu.memory_space<vmem_shared>>
    tpu.enqueue_indirect_dma source(%dma_start3A_142 : memref<128x64xbf16, #tpu.memory_space<vmem>>) target(%dma_start3A_148 : memref<10112x64xbf16, #tpu.memory_space<vmem_shared>>) offsets(%dma_start3A_145 : memref<128xi32, #tpu.memory_space<vmem>>) semaphore(%arg17 : memref<!tpu.dma_semaphore, #tpu.memory_space<semaphore_mem>>) {add = true}
    %dma_wait3A_149 = arith.constant 1 : i32
    %dma_wait3A_150 = arith.constant 76 : i32
    %dma_wait3A_151 = arith.constant 0 : i32
    %dma_wait3A_152 = arith.constant 0 : i32
    %dma_wait3A_153 = tpu.memref_slice %arg9[%dma_wait3A_149, %dma_wait3A_151, %dma_wait3A_152] : memref<5x128x64xbf16, #tpu.memory_space<vmem>> -> memref<1x128x64xbf16, #tpu.memory_space<vmem>>
    %dma_wait3A_154 = tpu.memref_squeeze %dma_wait3A_153 : memref<1x128x64xbf16, #tpu.memory_space<vmem>> -> memref<128x64xbf16, #tpu.memory_space<vmem>>
    %dma_wait3A_155 = arith.constant 0 : i32
    %dma_wait3A_156 = tpu.memref_slice %arg8[%dma_wait3A_150, %dma_wait3A_155] : memref<80x128xi32, #tpu.memory_space<vmem>> -> memref<1x128xi32, #tpu.memory_space<vmem>>
    %dma_wait3A_157 = tpu.memref_squeeze %dma_wait3A_156 : memref<1x128xi32, #tpu.memory_space<vmem>> -> memref<128xi32, #tpu.memory_space<vmem>>
    %dma_wait3A_158 = arith.constant 0 : i32
    %dma_wait3A_159 = arith.constant 0 : i32
    %dma_wait3A_160 = tpu.memref_slice %arg10[%dma_wait3A_158, %dma_wait3A_159] : memref<10112x64xbf16, #tpu.memory_space<vmem_shared>> -> memref<10112x64xbf16, #tpu.memory_space<vmem_shared>>
    tpu.wait_indirect_dma semaphore(%arg17 : memref<!tpu.dma_semaphore, #tpu.memory_space<semaphore_mem>>) src(%dma_wait3A_154 : memref<128x64xbf16, #tpu.memory_space<vmem>>) dst(%dma_wait3A_160 : memref<10112x64xbf16, #tpu.memory_space<vmem_shared>>)
    %dma_wait3A_161 = arith.constant 77 : i32
    %dma_wait3A_162 = arith.constant 2 : i32
    %dma_wait3A_163 = arith.constant 0 : i32
    %dma_wait3A_164 = arith.constant 0 : i32
    %dma_wait3A_165 = tpu.memref_slice %arg9[%dma_wait3A_162, %dma_wait3A_163, %dma_wait3A_164] : memref<5x128x64xbf16, #tpu.memory_space<vmem>> -> memref<1x128x64xbf16, #tpu.memory_space<vmem>>
    %dma_wait3A_166 = tpu.memref_squeeze %dma_wait3A_165 : memref<1x128x64xbf16, #tpu.memory_space<vmem>> -> memref<128x64xbf16, #tpu.memory_space<vmem>>
    %dma_wait3A_167 = arith.constant 0 : i32
    %dma_wait3A_168 = tpu.memref_slice %arg7[%dma_wait3A_161, %dma_wait3A_167] : memref<80x128xi32, #tpu.memory_space<vmem>> -> memref<1x128xi32, #tpu.memory_space<vmem>>
    %dma_wait3A_169 = tpu.memref_squeeze %dma_wait3A_168 : memref<1x128xi32, #tpu.memory_space<vmem>> -> memref<128xi32, #tpu.memory_space<vmem>>
    %dma_wait3A_170 = arith.constant 0 : i32
    %dma_wait3A_171 = arith.constant 0 : i32
    %dma_wait3A_172 = tpu.memref_slice %arg2[%dma_wait3A_170, %dma_wait3A_171] : memref<10000x64xbf16, #tpu.memory_space<hbm>> -> memref<10000x64xbf16, #tpu.memory_space<hbm>>
    tpu.wait_indirect_dma semaphore(%arg13 : memref<!tpu.dma_semaphore, #tpu.memory_space<semaphore_mem>>) src(%dma_wait3A_172 : memref<10000x64xbf16, #tpu.memory_space<hbm>>) dst(%dma_wait3A_166 : memref<128x64xbf16, #tpu.memory_space<vmem>>)
    %dma_start3A_173 = arith.constant 2 : i32
    %dma_start3A_174 = arith.constant 77 : i32
    %dma_start3A_175 = arith.constant 0 : i32
    %dma_start3A_176 = arith.constant 0 : i32
    %dma_start3A_177 = tpu.memref_slice %arg9[%dma_start3A_173, %dma_start3A_175, %dma_start3A_176] : memref<5x128x64xbf16, #tpu.memory_space<vmem>> -> memref<1x128x64xbf16, #tpu.memory_space<vmem>>
    %dma_start3A_178 = tpu.memref_squeeze %dma_start3A_177 : memref<1x128x64xbf16, #tpu.memory_space<vmem>> -> memref<128x64xbf16, #tpu.memory_space<vmem>>
    %dma_start3A_179 = arith.constant 0 : i32
    %dma_start3A_180 = tpu.memref_slice %arg8[%dma_start3A_174, %dma_start3A_179] : memref<80x128xi32, #tpu.memory_space<vmem>> -> memref<1x128xi32, #tpu.memory_space<vmem>>
    %dma_start3A_181 = tpu.memref_squeeze %dma_start3A_180 : memref<1x128xi32, #tpu.memory_space<vmem>> -> memref<128xi32, #tpu.memory_space<vmem>>
    %dma_start3A_182 = arith.constant 0 : i32
    %dma_start3A_183 = arith.constant 0 : i32
    %dma_start3A_184 = tpu.memref_slice %arg10[%dma_start3A_182, %dma_start3A_183] : memref<10112x64xbf16, #tpu.memory_space<vmem_shared>> -> memref<10112x64xbf16, #tpu.memory_space<vmem_shared>>
    tpu.enqueue_indirect_dma source(%dma_start3A_178 : memref<128x64xbf16, #tpu.memory_space<vmem>>) target(%dma_start3A_184 : memref<10112x64xbf16, #tpu.memory_space<vmem_shared>>) offsets(%dma_start3A_181 : memref<128xi32, #tpu.memory_space<vmem>>) semaphore(%arg18 : memref<!tpu.dma_semaphore, #tpu.memory_space<semaphore_mem>>) {add = true}
    %dma_wait3A_185 = arith.constant 2 : i32
    %dma_wait3A_186 = arith.constant 77 : i32
    %dma_wait3A_187 = arith.constant 0 : i32
    %dma_wait3A_188 = arith.constant 0 : i32
    %dma_wait3A_189 = tpu.memref_slice %arg9[%dma_wait3A_185, %dma_wait3A_187, %dma_wait3A_188] : memref<5x128x64xbf16, #tpu.memory_space<vmem>> -> memref<1x128x64xbf16, #tpu.memory_space<vmem>>
    %dma_wait3A_190 = tpu.memref_squeeze %dma_wait3A_189 : memref<1x128x64xbf16, #tpu.memory_space<vmem>> -> memref<128x64xbf16, #tpu.memory_space<vmem>>
    %dma_wait3A_191 = arith.constant 0 : i32
    %dma_wait3A_192 = tpu.memref_slice %arg8[%dma_wait3A_186, %dma_wait3A_191] : memref<80x128xi32, #tpu.memory_space<vmem>> -> memref<1x128xi32, #tpu.memory_space<vmem>>
    %dma_wait3A_193 = tpu.memref_squeeze %dma_wait3A_192 : memref<1x128xi32, #tpu.memory_space<vmem>> -> memref<128xi32, #tpu.memory_space<vmem>>
    %dma_wait3A_194 = arith.constant 0 : i32
    %dma_wait3A_195 = arith.constant 0 : i32
    %dma_wait3A_196 = tpu.memref_slice %arg10[%dma_wait3A_194, %dma_wait3A_195] : memref<10112x64xbf16, #tpu.memory_space<vmem_shared>> -> memref<10112x64xbf16, #tpu.memory_space<vmem_shared>>
    tpu.wait_indirect_dma semaphore(%arg18 : memref<!tpu.dma_semaphore, #tpu.memory_space<semaphore_mem>>) src(%dma_wait3A_190 : memref<128x64xbf16, #tpu.memory_space<vmem>>) dst(%dma_wait3A_196 : memref<10112x64xbf16, #tpu.memory_space<vmem_shared>>)
    %dma_wait3A_197 = arith.constant 78 : i32
    %dma_wait3A_198 = arith.constant 3 : i32
    %dma_wait3A_199 = arith.constant 0 : i32
    %dma_wait3A_200 = arith.constant 0 : i32
    %dma_wait3A_201 = tpu.memref_slice %arg9[%dma_wait3A_198, %dma_wait3A_199, %dma_wait3A_200] : memref<5x128x64xbf16, #tpu.memory_space<vmem>> -> memref<1x128x64xbf16, #tpu.memory_space<vmem>>
    %dma_wait3A_202 = tpu.memref_squeeze %dma_wait3A_201 : memref<1x128x64xbf16, #tpu.memory_space<vmem>> -> memref<128x64xbf16, #tpu.memory_space<vmem>>
    %dma_wait3A_203 = arith.constant 0 : i32
    %dma_wait3A_204 = tpu.memref_slice %arg7[%dma_wait3A_197, %dma_wait3A_203] : memref<80x128xi32, #tpu.memory_space<vmem>> -> memref<1x128xi32, #tpu.memory_space<vmem>>
    %dma_wait3A_205 = tpu.memref_squeeze %dma_wait3A_204 : memref<1x128xi32, #tpu.memory_space<vmem>> -> memref<128xi32, #tpu.memory_space<vmem>>
    %dma_wait3A_206 = arith.constant 0 : i32
    %dma_wait3A_207 = arith.constant 0 : i32
    %dma_wait3A_208 = tpu.memref_slice %arg2[%dma_wait3A_206, %dma_wait3A_207] : memref<10000x64xbf16, #tpu.memory_space<hbm>> -> memref<10000x64xbf16, #tpu.memory_space<hbm>>
    tpu.wait_indirect_dma semaphore(%arg14 : memref<!tpu.dma_semaphore, #tpu.memory_space<semaphore_mem>>) src(%dma_wait3A_208 : memref<10000x64xbf16, #tpu.memory_space<hbm>>) dst(%dma_wait3A_202 : memref<128x64xbf16, #tpu.memory_space<vmem>>)
    %dma_start3A_209 = arith.constant 3 : i32
    %dma_start3A_210 = arith.constant 78 : i32
    %dma_start3A_211 = arith.constant 0 : i32
    %dma_start3A_212 = arith.constant 0 : i32
    %dma_start3A_213 = tpu.memref_slice %arg9[%dma_start3A_209, %dma_start3A_211, %dma_start3A_212] : memref<5x128x64xbf16, #tpu.memory_space<vmem>> -> memref<1x128x64xbf16, #tpu.memory_space<vmem>>
    %dma_start3A_214 = tpu.memref_squeeze %dma_start3A_213 : memref<1x128x64xbf16, #tpu.memory_space<vmem>> -> memref<128x64xbf16, #tpu.memory_space<vmem>>
    %dma_start3A_215 = arith.constant 0 : i32
    %dma_start3A_216 = tpu.memref_slice %arg8[%dma_start3A_210, %dma_start3A_215] : memref<80x128xi32, #tpu.memory_space<vmem>> -> memref<1x128xi32, #tpu.memory_space<vmem>>
    %dma_start3A_217 = tpu.memref_squeeze %dma_start3A_216 : memref<1x128xi32, #tpu.memory_space<vmem>> -> memref<128xi32, #tpu.memory_space<vmem>>
    %dma_start3A_218 = arith.constant 0 : i32
    %dma_start3A_219 = arith.constant 0 : i32
    %dma_start3A_220 = tpu.memref_slice %arg10[%dma_start3A_218, %dma_start3A_219] : memref<10112x64xbf16, #tpu.memory_space<vmem_shared>> -> memref<10112x64xbf16, #tpu.memory_space<vmem_shared>>
    tpu.enqueue_indirect_dma source(%dma_start3A_214 : memref<128x64xbf16, #tpu.memory_space<vmem>>) target(%dma_start3A_220 : memref<10112x64xbf16, #tpu.memory_space<vmem_shared>>) offsets(%dma_start3A_217 : memref<128xi32, #tpu.memory_space<vmem>>) semaphore(%arg19 : memref<!tpu.dma_semaphore, #tpu.memory_space<semaphore_mem>>) {add = true}
    %dma_wait3A_221 = arith.constant 3 : i32
    %dma_wait3A_222 = arith.constant 78 : i32
    %dma_wait3A_223 = arith.constant 0 : i32
    %dma_wait3A_224 = arith.constant 0 : i32
    %dma_wait3A_225 = tpu.memref_slice %arg9[%dma_wait3A_221, %dma_wait3A_223, %dma_wait3A_224] : memref<5x128x64xbf16, #tpu.memory_space<vmem>> -> memref<1x128x64xbf16, #tpu.memory_space<vmem>>
    %dma_wait3A_226 = tpu.memref_squeeze %dma_wait3A_225 : memref<1x128x64xbf16, #tpu.memory_space<vmem>> -> memref<128x64xbf16, #tpu.memory_space<vmem>>
    %dma_wait3A_227 = arith.constant 0 : i32
    %dma_wait3A_228 = tpu.memref_slice %arg8[%dma_wait3A_222, %dma_wait3A_227] : memref<80x128xi32, #tpu.memory_space<vmem>> -> memref<1x128xi32, #tpu.memory_space<vmem>>
    %dma_wait3A_229 = tpu.memref_squeeze %dma_wait3A_228 : memref<1x128xi32, #tpu.memory_space<vmem>> -> memref<128xi32, #tpu.memory_space<vmem>>
    %dma_wait3A_230 = arith.constant 0 : i32
    %dma_wait3A_231 = arith.constant 0 : i32
    %dma_wait3A_232 = tpu.memref_slice %arg10[%dma_wait3A_230, %dma_wait3A_231] : memref<10112x64xbf16, #tpu.memory_space<vmem_shared>> -> memref<10112x64xbf16, #tpu.memory_space<vmem_shared>>
    tpu.wait_indirect_dma semaphore(%arg19 : memref<!tpu.dma_semaphore, #tpu.memory_space<semaphore_mem>>) src(%dma_wait3A_226 : memref<128x64xbf16, #tpu.memory_space<vmem>>) dst(%dma_wait3A_232 : memref<10112x64xbf16, #tpu.memory_space<vmem_shared>>)
    %dma_wait3A_233 = arith.constant 79 : i32
    %dma_wait3A_234 = arith.constant 4 : i32
    %dma_wait3A_235 = arith.constant 0 : i32
    %dma_wait3A_236 = arith.constant 0 : i32
    %dma_wait3A_237 = tpu.memref_slice %arg9[%dma_wait3A_234, %dma_wait3A_235, %dma_wait3A_236] : memref<5x128x64xbf16, #tpu.memory_space<vmem>> -> memref<1x128x64xbf16, #tpu.memory_space<vmem>>
    %dma_wait3A_238 = tpu.memref_squeeze %dma_wait3A_237 : memref<1x128x64xbf16, #tpu.memory_space<vmem>> -> memref<128x64xbf16, #tpu.memory_space<vmem>>
    %dma_wait3A_239 = arith.constant 0 : i32
    %dma_wait3A_240 = tpu.memref_slice %arg7[%dma_wait3A_233, %dma_wait3A_239] : memref<80x128xi32, #tpu.memory_space<vmem>> -> memref<1x128xi32, #tpu.memory_space<vmem>>
    %dma_wait3A_241 = tpu.memref_squeeze %dma_wait3A_240 : memref<1x128xi32, #tpu.memory_space<vmem>> -> memref<128xi32, #tpu.memory_space<vmem>>
    %dma_wait3A_242 = arith.constant 0 : i32
    %dma_wait3A_243 = arith.constant 0 : i32
    %dma_wait3A_244 = tpu.memref_slice %arg2[%dma_wait3A_242, %dma_wait3A_243] : memref<10000x64xbf16, #tpu.memory_space<hbm>> -> memref<10000x64xbf16, #tpu.memory_space<hbm>>
    tpu.wait_indirect_dma semaphore(%arg15 : memref<!tpu.dma_semaphore, #tpu.memory_space<semaphore_mem>>) src(%dma_wait3A_244 : memref<10000x64xbf16, #tpu.memory_space<hbm>>) dst(%dma_wait3A_238 : memref<128x64xbf16, #tpu.memory_space<vmem>>)
    %dma_start3A_245 = arith.constant 4 : i32
    %dma_start3A_246 = arith.constant 79 : i32
    %dma_start3A_247 = arith.constant 0 : i32
    %dma_start3A_248 = arith.constant 0 : i32
    %dma_start3A_249 = tpu.memref_slice %arg9[%dma_start3A_245, %dma_start3A_247, %dma_start3A_248] : memref<5x128x64xbf16, #tpu.memory_space<vmem>> -> memref<1x128x64xbf16, #tpu.memory_space<vmem>>
    %dma_start3A_250 = tpu.memref_squeeze %dma_start3A_249 : memref<1x128x64xbf16, #tpu.memory_space<vmem>> -> memref<128x64xbf16, #tpu.memory_space<vmem>>
    %dma_start3A_251 = arith.constant 0 : i32
    %dma_start3A_252 = tpu.memref_slice %arg8[%dma_start3A_246, %dma_start3A_251] : memref<80x128xi32, #tpu.memory_space<vmem>> -> memref<1x128xi32, #tpu.memory_space<vmem>>
    %dma_start3A_253 = tpu.memref_squeeze %dma_start3A_252 : memref<1x128xi32, #tpu.memory_space<vmem>> -> memref<128xi32, #tpu.memory_space<vmem>>
    %dma_start3A_254 = arith.constant 0 : i32
    %dma_start3A_255 = arith.constant 0 : i32
    %dma_start3A_256 = tpu.memref_slice %arg10[%dma_start3A_254, %dma_start3A_255] : memref<10112x64xbf16, #tpu.memory_space<vmem_shared>> -> memref<10112x64xbf16, #tpu.memory_space<vmem_shared>>
    tpu.enqueue_indirect_dma source(%dma_start3A_250 : memref<128x64xbf16, #tpu.memory_space<vmem>>) target(%dma_start3A_256 : memref<10112x64xbf16, #tpu.memory_space<vmem_shared>>) offsets(%dma_start3A_253 : memref<128xi32, #tpu.memory_space<vmem>>) semaphore(%arg20 : memref<!tpu.dma_semaphore, #tpu.memory_space<semaphore_mem>>) {add = true}
    %dma_wait3A_257 = arith.constant 4 : i32
    %dma_wait3A_258 = arith.constant 79 : i32
    %dma_wait3A_259 = arith.constant 0 : i32
    %dma_wait3A_260 = arith.constant 0 : i32
    %dma_wait3A_261 = tpu.memref_slice %arg9[%dma_wait3A_257, %dma_wait3A_259, %dma_wait3A_260] : memref<5x128x64xbf16, #tpu.memory_space<vmem>> -> memref<1x128x64xbf16, #tpu.memory_space<vmem>>
    %dma_wait3A_262 = tpu.memref_squeeze %dma_wait3A_261 : memref<1x128x64xbf16, #tpu.memory_space<vmem>> -> memref<128x64xbf16, #tpu.memory_space<vmem>>
    %dma_wait3A_263 = arith.constant 0 : i32
    %dma_wait3A_264 = tpu.memref_slice %arg8[%dma_wait3A_258, %dma_wait3A_263] : memref<80x128xi32, #tpu.memory_space<vmem>> -> memref<1x128xi32, #tpu.memory_space<vmem>>
    %dma_wait3A_265 = tpu.memref_squeeze %dma_wait3A_264 : memref<1x128xi32, #tpu.memory_space<vmem>> -> memref<128xi32, #tpu.memory_space<vmem>>
    %dma_wait3A_266 = arith.constant 0 : i32
    %dma_wait3A_267 = arith.constant 0 : i32
    %dma_wait3A_268 = tpu.memref_slice %arg10[%dma_wait3A_266, %dma_wait3A_267] : memref<10112x64xbf16, #tpu.memory_space<vmem_shared>> -> memref<10112x64xbf16, #tpu.memory_space<vmem_shared>>
    tpu.wait_indirect_dma semaphore(%arg20 : memref<!tpu.dma_semaphore, #tpu.memory_space<semaphore_mem>>) src(%dma_wait3A_262 : memref<128x64xbf16, #tpu.memory_space<vmem>>) dst(%dma_wait3A_268 : memref<10112x64xbf16, #tpu.memory_space<vmem_shared>>)
    %barrier3A_269 = arith.constant 0 : index
    tpu.barrier barrier_id(%barrier3A_269)
    %mul3A_270 = arith.constant 632 : i32
    %mul3A_271 = arith.muli %arg1, %mul3A_270 : i32
    %add3A_272 = arith.constant 0 : i32
    %add3A_273 = arith.addi %mul3A_271, %add3A_272 : i32
    %run_scoped3A_274 = arith.constant 0 : i32
    "tpu.region"() ({
      %run_scoped3A_335 = tpu.sem_alloc : memref<!tpu.dma_semaphore, #tpu.memory_space<semaphore_mem>>
      %dma_start3A_336 = arith.constant 0 : i32
      %dma_start3A_337 = arith.constant 0 : i32
      %dma_start3A_338 = tpu.memref_slice %arg9[%run_scoped3A_274, %dma_start3A_336, %dma_start3A_337] : memref<5x128x64xbf16, #tpu.memory_space<vmem>> -> memref<1x128x64xbf16, #tpu.memory_space<vmem>>
      %dma_start3A_339 = tpu.memref_squeeze %dma_start3A_338 : memref<1x128x64xbf16, #tpu.memory_space<vmem>> -> memref<128x64xbf16, #tpu.memory_space<vmem>>
      %dma_start3A_340 = arith.constant 0 : i32
      %dma_start3A_341 = arith.constant 0 : i32
      %dma_start3A_342 = tpu.memref_slice %dma_start3A_339[%dma_start3A_340, %dma_start3A_341] : memref<128x64xbf16, #tpu.memory_space<vmem>> -> memref<128x64xbf16, #tpu.memory_space<vmem>>
      %dma_start3A_343 = arith.constant 0 : i32
      %dma_start3A_344 = tpu.memref_slice %arg10[%add3A_273, %dma_start3A_343] : memref<10112x64xbf16, #tpu.memory_space<vmem_shared>> -> memref<128x64xbf16, #tpu.memory_space<vmem_shared>>
      %dma_start3A_345 = arith.constant 0 : i32
      %dma_start3A_346 = arith.constant 0 : i32
      %dma_start3A_347 = tpu.memref_slice %arg9[%run_scoped3A_274, %dma_start3A_345, %dma_start3A_346] : memref<5x128x64xbf16, #tpu.memory_space<vmem>> -> memref<1x128x64xbf16, #tpu.memory_space<vmem>>
      %dma_start3A_348 = tpu.memref_squeeze %dma_start3A_347 : memref<1x128x64xbf16, #tpu.memory_space<vmem>> -> memref<128x64xbf16, #tpu.memory_space<vmem>>
      %dma_start3A_349 = arith.constant 0 : i32
      %dma_start3A_350 = arith.constant 0 : i32
      %dma_start3A_351 = tpu.memref_slice %dma_start3A_348[%dma_start3A_349, %dma_start3A_350] : memref<128x64xbf16, #tpu.memory_space<vmem>> -> memref<128x64xbf16, #tpu.memory_space<vmem>>
      %dma_start3A_352 = arith.constant 0 : i32
      %dma_start3A_353 = tpu.memref_slice %arg10[%add3A_273, %dma_start3A_352] : memref<10112x64xbf16, #tpu.memory_space<vmem_shared>> -> memref<128x64xbf16, #tpu.memory_space<vmem_shared>>
      tpu.enqueue_dma source(%dma_start3A_353 : memref<128x64xbf16, #tpu.memory_space<vmem_shared>>) target(%dma_start3A_351 : memref<128x64xbf16, #tpu.memory_space<vmem>>) target_semaphore(%run_scoped3A_335 : memref<!tpu.dma_semaphore, #tpu.memory_space<semaphore_mem>>)
      %dma_wait3A_354 = arith.constant 0 : i32
      %dma_wait3A_355 = arith.constant 0 : i32
      %dma_wait3A_356 = tpu.memref_slice %arg9[%run_scoped3A_274, %dma_wait3A_354, %dma_wait3A_355] : memref<5x128x64xbf16, #tpu.memory_space<vmem>> -> memref<1x128x64xbf16, #tpu.memory_space<vmem>>
      %dma_wait3A_357 = tpu.memref_squeeze %dma_wait3A_356 : memref<1x128x64xbf16, #tpu.memory_space<vmem>> -> memref<128x64xbf16, #tpu.memory_space<vmem>>
      %dma_wait3A_358 = arith.constant 0 : i32
      %dma_wait3A_359 = arith.constant 0 : i32
      %dma_wait3A_360 = tpu.memref_slice %dma_wait3A_357[%dma_wait3A_358, %dma_wait3A_359] : memref<128x64xbf16, #tpu.memory_space<vmem>> -> memref<128x64xbf16, #tpu.memory_space<vmem>>
      %dma_wait3A_361 = arith.constant 0 : i32
      %dma_wait3A_362 = tpu.memref_slice %arg10[%add3A_273, %dma_wait3A_361] : memref<10112x64xbf16, #tpu.memory_space<vmem_shared>> -> memref<128x64xbf16, #tpu.memory_space<vmem_shared>>
      %dma_wait3A_363 = arith.constant 0 : i32
      %dma_wait3A_364 = arith.constant 0 : i32
      %dma_wait3A_365 = tpu.memref_slice %arg9[%run_scoped3A_274, %dma_wait3A_363, %dma_wait3A_364] : memref<5x128x64xbf16, #tpu.memory_space<vmem>> -> memref<1x128x64xbf16, #tpu.memory_space<vmem>>
      %dma_wait3A_366 = tpu.memref_squeeze %dma_wait3A_365 : memref<1x128x64xbf16, #tpu.memory_space<vmem>> -> memref<128x64xbf16, #tpu.memory_space<vmem>>
      %dma_wait3A_367 = arith.constant 0 : i32
      %dma_wait3A_368 = arith.constant 0 : i32
      %dma_wait3A_369 = tpu.memref_slice %dma_wait3A_366[%dma_wait3A_367, %dma_wait3A_368] : memref<128x64xbf16, #tpu.memory_space<vmem>> -> memref<128x64xbf16, #tpu.memory_space<vmem>>
      %dma_wait3A_370 = arith.constant 0 : i32
      %dma_wait3A_371 = tpu.memref_slice %arg10[%add3A_273, %dma_wait3A_370] : memref<10112x64xbf16, #tpu.memory_space<vmem_shared>> -> memref<128x64xbf16, #tpu.memory_space<vmem_shared>>
      tpu.wait_dma2 semaphore(%run_scoped3A_335 : memref<!tpu.dma_semaphore, #tpu.memory_space<semaphore_mem>>) src(%dma_wait3A_371 : memref<128x64xbf16, #tpu.memory_space<vmem_shared>>) dst(%dma_wait3A_369 : memref<128x64xbf16, #tpu.memory_space<vmem>>)
      tpu.yield
    }) : () -> ()
    %mul3A_275 = arith.constant 10112 : i32
    %mul3A_276 = arith.muli %arg0, %mul3A_275 : i32
    %mul3A_277 = arith.constant 632 : i32
    %mul3A_278 = arith.muli %arg1, %mul3A_277 : i32
    %add3A_279 = arith.addi %mul3A_276, %mul3A_278 : i32
    %add3A_280 = arith.constant 0 : i32
    %add3A_281 = arith.addi %add3A_279, %add3A_280 : i32
    %run_scoped3A_282 = arith.constant 0 : i32
    "tpu.region"() ({
      %run_scoped3A_335 = tpu.sem_alloc : memref<!tpu.dma_semaphore, #tpu.memory_space<semaphore_mem>>
      %dma_start3A_336 = arith.constant 0 : i32
      %dma_start3A_337 = arith.constant 0 : i32
      %dma_start3A_338 = tpu.memref_slice %arg9[%run_scoped3A_282, %dma_start3A_336, %dma_start3A_337] : memref<5x128x64xbf16, #tpu.memory_space<vmem>> -> memref<1x128x64xbf16, #tpu.memory_space<vmem>>
      %dma_start3A_339 = tpu.memref_squeeze %dma_start3A_338 : memref<1x128x64xbf16, #tpu.memory_space<vmem>> -> memref<128x64xbf16, #tpu.memory_space<vmem>>
      %dma_start3A_340 = arith.constant 0 : i32
      %dma_start3A_341 = arith.constant 0 : i32
      %dma_start3A_342 = tpu.memref_slice %dma_start3A_339[%dma_start3A_340, %dma_start3A_341] : memref<128x64xbf16, #tpu.memory_space<vmem>> -> memref<128x64xbf16, #tpu.memory_space<vmem>>
      %dma_start3A_343 = arith.constant 0 : i32
      %dma_start3A_344 = tpu.memref_slice %arg6[%add3A_281, %dma_start3A_343] : memref<20224x64xbf16, #tpu.memory_space<hbm>> -> memref<128x64xbf16, #tpu.memory_space<hbm>>
      %dma_start3A_345 = arith.constant 0 : i32
      %dma_start3A_346 = tpu.memref_slice %arg6[%add3A_281, %dma_start3A_345] : memref<20224x64xbf16, #tpu.memory_space<hbm>> -> memref<128x64xbf16, #tpu.memory_space<hbm>>
      %dma_start3A_347 = arith.constant 0 : i32
      %dma_start3A_348 = arith.constant 0 : i32
      %dma_start3A_349 = tpu.memref_slice %arg9[%run_scoped3A_282, %dma_start3A_347, %dma_start3A_348] : memref<5x128x64xbf16, #tpu.memory_space<vmem>> -> memref<1x128x64xbf16, #tpu.memory_space<vmem>>
      %dma_start3A_350 = tpu.memref_squeeze %dma_start3A_349 : memref<1x128x64xbf16, #tpu.memory_space<vmem>> -> memref<128x64xbf16, #tpu.memory_space<vmem>>
      %dma_start3A_351 = arith.constant 0 : i32
      %dma_start3A_352 = arith.constant 0 : i32
      %dma_start3A_353 = tpu.memref_slice %dma_start3A_350[%dma_start3A_351, %dma_start3A_352] : memref<128x64xbf16, #tpu.memory_space<vmem>> -> memref<128x64xbf16, #tpu.memory_space<vmem>>
      tpu.enqueue_dma source(%dma_start3A_353 : memref<128x64xbf16, #tpu.memory_space<vmem>>) target(%dma_start3A_346 : memref<128x64xbf16, #tpu.memory_space<hbm>>) target_semaphore(%run_scoped3A_335 : memref<!tpu.dma_semaphore, #tpu.memory_space<semaphore_mem>>)
      %dma_wait3A_354 = arith.constant 0 : i32
      %dma_wait3A_355 = arith.constant 0 : i32
      %dma_wait3A_356 = tpu.memref_slice %arg9[%run_scoped3A_282, %dma_wait3A_354, %dma_wait3A_355] : memref<5x128x64xbf16, #tpu.memory_space<vmem>> -> memref<1x128x64xbf16, #tpu.memory_space<vmem>>
      %dma_wait3A_357 = tpu.memref_squeeze %dma_wait3A_356 : memref<1x128x64xbf16, #tpu.memory_space<vmem>> -> memref<128x64xbf16, #tpu.memory_space<vmem>>
      %dma_wait3A_358 = arith.constant 0 : i32
      %dma_wait3A_359 = arith.constant 0 : i32
      %dma_wait3A_360 = tpu.memref_slice %dma_wait3A_357[%dma_wait3A_358, %dma_wait3A_359] : memref<128x64xbf16, #tpu.memory_space<vmem>> -> memref<128x64xbf16, #tpu.memory_space<vmem>>
      %dma_wait3A_361 = arith.constant 0 : i32
      %dma_wait3A_362 = tpu.memref_slice %arg6[%add3A_281, %dma_wait3A_361] : memref<20224x64xbf16, #tpu.memory_space<hbm>> -> memref<128x64xbf16, #tpu.memory_space<hbm>>
      %dma_wait3A_363 = arith.constant 0 : i32
      %dma_wait3A_364 = tpu.memref_slice %arg6[%add3A_281, %dma_wait3A_363] : memref<20224x64xbf16, #tpu.memory_space<hbm>> -> memref<128x64xbf16, #tpu.memory_space<hbm>>
      %dma_wait3A_365 = arith.constant 0 : i32
      %dma_wait3A_366 = arith.constant 0 : i32
      %dma_wait3A_367 = tpu.memref_slice %arg9[%run_scoped3A_282, %dma_wait3A_365, %dma_wait3A_366] : memref<5x128x64xbf16, #tpu.memory_space<vmem>> -> memref<1x128x64xbf16, #tpu.memory_space<vmem>>
      %dma_wait3A_368 = tpu.memref_squeeze %dma_wait3A_367 : memref<1x128x64xbf16, #tpu.memory_space<vmem>> -> memref<128x64xbf16, #tpu.memory_space<vmem>>
      %dma_wait3A_369 = arith.constant 0 : i32
      %dma_wait3A_370 = arith.constant 0 : i32
      %dma_wait3A_371 = tpu.memref_slice %dma_wait3A_368[%dma_wait3A_369, %dma_wait3A_370] : memref<128x64xbf16, #tpu.memory_space<vmem>> -> memref<128x64xbf16, #tpu.memory_space<vmem>>
      tpu.wait_dma2 semaphore(%run_scoped3A_335 : memref<!tpu.dma_semaphore, #tpu.memory_space<semaphore_mem>>) src(%dma_wait3A_371 : memref<128x64xbf16, #tpu.memory_space<vmem>>) dst(%dma_wait3A_364 : memref<128x64xbf16, #tpu.memory_space<hbm>>)
      tpu.yield
    }) : () -> ()
    %mul3A_283 = arith.constant 632 : i32
    %mul3A_284 = arith.muli %arg1, %mul3A_283 : i32
    %add3A_285 = arith.constant 128 : i32
    %add3A_286 = arith.addi %mul3A_284, %add3A_285 : i32
    %run_scoped3A_287 = arith.constant 0 : i32
    "tpu.region"() ({
      %run_scoped3A_335 = tpu.sem_alloc : memref<!tpu.dma_semaphore, #tpu.memory_space<semaphore_mem>>
      %dma_start3A_336 = arith.constant 0 : i32
      %dma_start3A_337 = arith.constant 0 : i32
      %dma_start3A_338 = tpu.memref_slice %arg9[%run_scoped3A_287, %dma_start3A_336, %dma_start3A_337] : memref<5x128x64xbf16, #tpu.memory_space<vmem>> -> memref<1x128x64xbf16, #tpu.memory_space<vmem>>
      %dma_start3A_339 = tpu.memref_squeeze %dma_start3A_338 : memref<1x128x64xbf16, #tpu.memory_space<vmem>> -> memref<128x64xbf16, #tpu.memory_space<vmem>>
      %dma_start3A_340 = arith.constant 0 : i32
      %dma_start3A_341 = arith.constant 0 : i32
      %dma_start3A_342 = tpu.memref_slice %dma_start3A_339[%dma_start3A_340, %dma_start3A_341] : memref<128x64xbf16, #tpu.memory_space<vmem>> -> memref<128x64xbf16, #tpu.memory_space<vmem>>
      %dma_start3A_343 = arith.constant 0 : i32
      %dma_start3A_344 = tpu.memref_slice %arg10[%add3A_286, %dma_start3A_343] : memref<10112x64xbf16, #tpu.memory_space<vmem_shared>> -> memref<128x64xbf16, #tpu.memory_space<vmem_shared>>
      %dma_start3A_345 = arith.constant 0 : i32
      %dma_start3A_346 = arith.constant 0 : i32
      %dma_start3A_347 = tpu.memref_slice %arg9[%run_scoped3A_287, %dma_start3A_345, %dma_start3A_346] : memref<5x128x64xbf16, #tpu.memory_space<vmem>> -> memref<1x128x64xbf16, #tpu.memory_space<vmem>>
      %dma_start3A_348 = tpu.memref_squeeze %dma_start3A_347 : memref<1x128x64xbf16, #tpu.memory_space<vmem>> -> memref<128x64xbf16, #tpu.memory_space<vmem>>
      %dma_start3A_349 = arith.constant 0 : i32
      %dma_start3A_350 = arith.constant 0 : i32
      %dma_start3A_351 = tpu.memref_slice %dma_start3A_348[%dma_start3A_349, %dma_start3A_350] : memref<128x64xbf16, #tpu.memory_space<vmem>> -> memref<128x64xbf16, #tpu.memory_space<vmem>>
      %dma_start3A_352 = arith.constant 0 : i32
      %dma_start3A_353 = tpu.memref_slice %arg10[%add3A_286, %dma_start3A_352] : memref<10112x64xbf16, #tpu.memory_space<vmem_shared>> -> memref<128x64xbf16, #tpu.memory_space<vmem_shared>>
      tpu.enqueue_dma source(%dma_start3A_353 : memref<128x64xbf16, #tpu.memory_space<vmem_shared>>) target(%dma_start3A_351 : memref<128x64xbf16, #tpu.memory_space<vmem>>) target_semaphore(%run_scoped3A_335 : memref<!tpu.dma_semaphore, #tpu.memory_space<semaphore_mem>>)
      %dma_wait3A_354 = arith.constant 0 : i32
      %dma_wait3A_355 = arith.constant 0 : i32
      %dma_wait3A_356 = tpu.memref_slice %arg9[%run_scoped3A_287, %dma_wait3A_354, %dma_wait3A_355] : memref<5x128x64xbf16, #tpu.memory_space<vmem>> -> memref<1x128x64xbf16, #tpu.memory_space<vmem>>
      %dma_wait3A_357 = tpu.memref_squeeze %dma_wait3A_356 : memref<1x128x64xbf16, #tpu.memory_space<vmem>> -> memref<128x64xbf16, #tpu.memory_space<vmem>>
      %dma_wait3A_358 = arith.constant 0 : i32
      %dma_wait3A_359 = arith.constant 0 : i32
      %dma_wait3A_360 = tpu.memref_slice %dma_wait3A_357[%dma_wait3A_358, %dma_wait3A_359] : memref<128x64xbf16, #tpu.memory_space<vmem>> -> memref<128x64xbf16, #tpu.memory_space<vmem>>
      %dma_wait3A_361 = arith.constant 0 : i32
      %dma_wait3A_362 = tpu.memref_slice %arg10[%add3A_286, %dma_wait3A_361] : memref<10112x64xbf16, #tpu.memory_space<vmem_shared>> -> memref<128x64xbf16, #tpu.memory_space<vmem_shared>>
      %dma_wait3A_363 = arith.constant 0 : i32
      %dma_wait3A_364 = arith.constant 0 : i32
      %dma_wait3A_365 = tpu.memref_slice %arg9[%run_scoped3A_287, %dma_wait3A_363, %dma_wait3A_364] : memref<5x128x64xbf16, #tpu.memory_space<vmem>> -> memref<1x128x64xbf16, #tpu.memory_space<vmem>>
      %dma_wait3A_366 = tpu.memref_squeeze %dma_wait3A_365 : memref<1x128x64xbf16, #tpu.memory_space<vmem>> -> memref<128x64xbf16, #tpu.memory_space<vmem>>
      %dma_wait3A_367 = arith.constant 0 : i32
      %dma_wait3A_368 = arith.constant 0 : i32
      %dma_wait3A_369 = tpu.memref_slice %dma_wait3A_366[%dma_wait3A_367, %dma_wait3A_368] : memref<128x64xbf16, #tpu.memory_space<vmem>> -> memref<128x64xbf16, #tpu.memory_space<vmem>>
      %dma_wait3A_370 = arith.constant 0 : i32
      %dma_wait3A_371 = tpu.memref_slice %arg10[%add3A_286, %dma_wait3A_370] : memref<10112x64xbf16, #tpu.memory_space<vmem_shared>> -> memref<128x64xbf16, #tpu.memory_space<vmem_shared>>
      tpu.wait_dma2 semaphore(%run_scoped3A_335 : memref<!tpu.dma_semaphore, #tpu.memory_space<semaphore_mem>>) src(%dma_wait3A_371 : memref<128x64xbf16, #tpu.memory_space<vmem_shared>>) dst(%dma_wait3A_369 : memref<128x64xbf16, #tpu.memory_space<vmem>>)
      tpu.yield
    }) : () -> ()
    %mul3A_288 = arith.constant 10112 : i32
    %mul3A_289 = arith.muli %arg0, %mul3A_288 : i32
    %mul3A_290 = arith.constant 632 : i32
    %mul3A_291 = arith.muli %arg1, %mul3A_290 : i32
    %add3A_292 = arith.addi %mul3A_289, %mul3A_291 : i32
    %add3A_293 = arith.constant 128 : i32
    %add3A_294 = arith.addi %add3A_292, %add3A_293 : i32
    %run_scoped3A_295 = arith.constant 0 : i32
    "tpu.region"() ({
      %run_scoped3A_335 = tpu.sem_alloc : memref<!tpu.dma_semaphore, #tpu.memory_space<semaphore_mem>>
      %dma_start3A_336 = arith.constant 0 : i32
      %dma_start3A_337 = arith.constant 0 : i32
      %dma_start3A_338 = tpu.memref_slice %arg9[%run_scoped3A_295, %dma_start3A_336, %dma_start3A_337] : memref<5x128x64xbf16, #tpu.memory_space<vmem>> -> memref<1x128x64xbf16, #tpu.memory_space<vmem>>
      %dma_start3A_339 = tpu.memref_squeeze %dma_start3A_338 : memref<1x128x64xbf16, #tpu.memory_space<vmem>> -> memref<128x64xbf16, #tpu.memory_space<vmem>>
      %dma_start3A_340 = arith.constant 0 : i32
      %dma_start3A_341 = arith.constant 0 : i32
      %dma_start3A_342 = tpu.memref_slice %dma_start3A_339[%dma_start3A_340, %dma_start3A_341] : memref<128x64xbf16, #tpu.memory_space<vmem>> -> memref<128x64xbf16, #tpu.memory_space<vmem>>
      %dma_start3A_343 = arith.constant 0 : i32
      %dma_start3A_344 = tpu.memref_slice %arg6[%add3A_294, %dma_start3A_343] : memref<20224x64xbf16, #tpu.memory_space<hbm>> -> memref<128x64xbf16, #tpu.memory_space<hbm>>
      %dma_start3A_345 = arith.constant 0 : i32
      %dma_start3A_346 = tpu.memref_slice %arg6[%add3A_294, %dma_start3A_345] : memref<20224x64xbf16, #tpu.memory_space<hbm>> -> memref<128x64xbf16, #tpu.memory_space<hbm>>
      %dma_start3A_347 = arith.constant 0 : i32
      %dma_start3A_348 = arith.constant 0 : i32
      %dma_start3A_349 = tpu.memref_slice %arg9[%run_scoped3A_295, %dma_start3A_347, %dma_start3A_348] : memref<5x128x64xbf16, #tpu.memory_space<vmem>> -> memref<1x128x64xbf16, #tpu.memory_space<vmem>>
      %dma_start3A_350 = tpu.memref_squeeze %dma_start3A_349 : memref<1x128x64xbf16, #tpu.memory_space<vmem>> -> memref<128x64xbf16, #tpu.memory_space<vmem>>
      %dma_start3A_351 = arith.constant 0 : i32
      %dma_start3A_352 = arith.constant 0 : i32
      %dma_start3A_353 = tpu.memref_slice %dma_start3A_350[%dma_start3A_351, %dma_start3A_352] : memref<128x64xbf16, #tpu.memory_space<vmem>> -> memref<128x64xbf16, #tpu.memory_space<vmem>>
      tpu.enqueue_dma source(%dma_start3A_353 : memref<128x64xbf16, #tpu.memory_space<vmem>>) target(%dma_start3A_346 : memref<128x64xbf16, #tpu.memory_space<hbm>>) target_semaphore(%run_scoped3A_335 : memref<!tpu.dma_semaphore, #tpu.memory_space<semaphore_mem>>)
      %dma_wait3A_354 = arith.constant 0 : i32
      %dma_wait3A_355 = arith.constant 0 : i32
      %dma_wait3A_356 = tpu.memref_slice %arg9[%run_scoped3A_295, %dma_wait3A_354, %dma_wait3A_355] : memref<5x128x64xbf16, #tpu.memory_space<vmem>> -> memref<1x128x64xbf16, #tpu.memory_space<vmem>>
      %dma_wait3A_357 = tpu.memref_squeeze %dma_wait3A_356 : memref<1x128x64xbf16, #tpu.memory_space<vmem>> -> memref<128x64xbf16, #tpu.memory_space<vmem>>
      %dma_wait3A_358 = arith.constant 0 : i32
      %dma_wait3A_359 = arith.constant 0 : i32
      %dma_wait3A_360 = tpu.memref_slice %dma_wait3A_357[%dma_wait3A_358, %dma_wait3A_359] : memref<128x64xbf16, #tpu.memory_space<vmem>> -> memref<128x64xbf16, #tpu.memory_space<vmem>>
      %dma_wait3A_361 = arith.constant 0 : i32
      %dma_wait3A_362 = tpu.memref_slice %arg6[%add3A_294, %dma_wait3A_361] : memref<20224x64xbf16, #tpu.memory_space<hbm>> -> memref<128x64xbf16, #tpu.memory_space<hbm>>
      %dma_wait3A_363 = arith.constant 0 : i32
      %dma_wait3A_364 = tpu.memref_slice %arg6[%add3A_294, %dma_wait3A_363] : memref<20224x64xbf16, #tpu.memory_space<hbm>> -> memref<128x64xbf16, #tpu.memory_space<hbm>>
      %dma_wait3A_365 = arith.constant 0 : i32
      %dma_wait3A_366 = arith.constant 0 : i32
      %dma_wait3A_367 = tpu.memref_slice %arg9[%run_scoped3A_295, %dma_wait3A_365, %dma_wait3A_366] : memref<5x128x64xbf16, #tpu.memory_space<vmem>> -> memref<1x128x64xbf16, #tpu.memory_space<vmem>>
      %dma_wait3A_368 = tpu.memref_squeeze %dma_wait3A_367 : memref<1x128x64xbf16, #tpu.memory_space<vmem>> -> memref<128x64xbf16, #tpu.memory_space<vmem>>
      %dma_wait3A_369 = arith.constant 0 : i32
      %dma_wait3A_370 = arith.constant 0 : i32
      %dma_wait3A_371 = tpu.memref_slice %dma_wait3A_368[%dma_wait3A_369, %dma_wait3A_370] : memref<128x64xbf16, #tpu.memory_space<vmem>> -> memref<128x64xbf16, #tpu.memory_space<vmem>>
      tpu.wait_dma2 semaphore(%run_scoped3A_335 : memref<!tpu.dma_semaphore, #tpu.memory_space<semaphore_mem>>) src(%dma_wait3A_371 : memref<128x64xbf16, #tpu.memory_space<vmem>>) dst(%dma_wait3A_364 : memref<128x64xbf16, #tpu.memory_space<hbm>>)
      tpu.yield
    }) : () -> ()
    %mul3A_296 = arith.constant 632 : i32
    %mul3A_297 = arith.muli %arg1, %mul3A_296 : i32
    %add3A_298 = arith.constant 256 : i32
    %add3A_299 = arith.addi %mul3A_297, %add3A_298 : i32
    %run_scoped3A_300 = arith.constant 0 : i32
    "tpu.region"() ({
      %run_scoped3A_335 = tpu.sem_alloc : memref<!tpu.dma_semaphore, #tpu.memory_space<semaphore_mem>>
      %dma_start3A_336 = arith.constant 0 : i32
      %dma_start3A_337 = arith.constant 0 : i32
      %dma_start3A_338 = tpu.memref_slice %arg9[%run_scoped3A_300, %dma_start3A_336, %dma_start3A_337] : memref<5x128x64xbf16, #tpu.memory_space<vmem>> -> memref<1x128x64xbf16, #tpu.memory_space<vmem>>
      %dma_start3A_339 = tpu.memref_squeeze %dma_start3A_338 : memref<1x128x64xbf16, #tpu.memory_space<vmem>> -> memref<128x64xbf16, #tpu.memory_space<vmem>>
      %dma_start3A_340 = arith.constant 0 : i32
      %dma_start3A_341 = arith.constant 0 : i32
      %dma_start3A_342 = tpu.memref_slice %dma_start3A_339[%dma_start3A_340, %dma_start3A_341] : memref<128x64xbf16, #tpu.memory_space<vmem>> -> memref<128x64xbf16, #tpu.memory_space<vmem>>
      %dma_start3A_343 = arith.constant 0 : i32
      %dma_start3A_344 = tpu.memref_slice %arg10[%add3A_299, %dma_start3A_343] : memref<10112x64xbf16, #tpu.memory_space<vmem_shared>> -> memref<128x64xbf16, #tpu.memory_space<vmem_shared>>
      %dma_start3A_345 = arith.constant 0 : i32
      %dma_start3A_346 = arith.constant 0 : i32
      %dma_start3A_347 = tpu.memref_slice %arg9[%run_scoped3A_300, %dma_start3A_345, %dma_start3A_346] : memref<5x128x64xbf16, #tpu.memory_space<vmem>> -> memref<1x128x64xbf16, #tpu.memory_space<vmem>>
      %dma_start3A_348 = tpu.memref_squeeze %dma_start3A_347 : memref<1x128x64xbf16, #tpu.memory_space<vmem>> -> memref<128x64xbf16, #tpu.memory_space<vmem>>
      %dma_start3A_349 = arith.constant 0 : i32
      %dma_start3A_350 = arith.constant 0 : i32
      %dma_start3A_351 = tpu.memref_slice %dma_start3A_348[%dma_start3A_349, %dma_start3A_350] : memref<128x64xbf16, #tpu.memory_space<vmem>> -> memref<128x64xbf16, #tpu.memory_space<vmem>>
      %dma_start3A_352 = arith.constant 0 : i32
      %dma_start3A_353 = tpu.memref_slice %arg10[%add3A_299, %dma_start3A_352] : memref<10112x64xbf16, #tpu.memory_space<vmem_shared>> -> memref<128x64xbf16, #tpu.memory_space<vmem_shared>>
      tpu.enqueue_dma source(%dma_start3A_353 : memref<128x64xbf16, #tpu.memory_space<vmem_shared>>) target(%dma_start3A_351 : memref<128x64xbf16, #tpu.memory_space<vmem>>) target_semaphore(%run_scoped3A_335 : memref<!tpu.dma_semaphore, #tpu.memory_space<semaphore_mem>>)
      %dma_wait3A_354 = arith.constant 0 : i32
      %dma_wait3A_355 = arith.constant 0 : i32
      %dma_wait3A_356 = tpu.memref_slice %arg9[%run_scoped3A_300, %dma_wait3A_354, %dma_wait3A_355] : memref<5x128x64xbf16, #tpu.memory_space<vmem>> -> memref<1x128x64xbf16, #tpu.memory_space<vmem>>
      %dma_wait3A_357 = tpu.memref_squeeze %dma_wait3A_356 : memref<1x128x64xbf16, #tpu.memory_space<vmem>> -> memref<128x64xbf16, #tpu.memory_space<vmem>>
      %dma_wait3A_358 = arith.constant 0 : i32
      %dma_wait3A_359 = arith.constant 0 : i32
      %dma_wait3A_360 = tpu.memref_slice %dma_wait3A_357[%dma_wait3A_358, %dma_wait3A_359] : memref<128x64xbf16, #tpu.memory_space<vmem>> -> memref<128x64xbf16, #tpu.memory_space<vmem>>
      %dma_wait3A_361 = arith.constant 0 : i32
      %dma_wait3A_362 = tpu.memref_slice %arg10[%add3A_299, %dma_wait3A_361] : memref<10112x64xbf16, #tpu.memory_space<vmem_shared>> -> memref<128x64xbf16, #tpu.memory_space<vmem_shared>>
      %dma_wait3A_363 = arith.constant 0 : i32
      %dma_wait3A_364 = arith.constant 0 : i32
      %dma_wait3A_365 = tpu.memref_slice %arg9[%run_scoped3A_300, %dma_wait3A_363, %dma_wait3A_364] : memref<5x128x64xbf16, #tpu.memory_space<vmem>> -> memref<1x128x64xbf16, #tpu.memory_space<vmem>>
      %dma_wait3A_366 = tpu.memref_squeeze %dma_wait3A_365 : memref<1x128x64xbf16, #tpu.memory_space<vmem>> -> memref<128x64xbf16, #tpu.memory_space<vmem>>
      %dma_wait3A_367 = arith.constant 0 : i32
      %dma_wait3A_368 = arith.constant 0 : i32
      %dma_wait3A_369 = tpu.memref_slice %dma_wait3A_366[%dma_wait3A_367, %dma_wait3A_368] : memref<128x64xbf16, #tpu.memory_space<vmem>> -> memref<128x64xbf16, #tpu.memory_space<vmem>>
      %dma_wait3A_370 = arith.constant 0 : i32
      %dma_wait3A_371 = tpu.memref_slice %arg10[%add3A_299, %dma_wait3A_370] : memref<10112x64xbf16, #tpu.memory_space<vmem_shared>> -> memref<128x64xbf16, #tpu.memory_space<vmem_shared>>
      tpu.wait_dma2 semaphore(%run_scoped3A_335 : memref<!tpu.dma_semaphore, #tpu.memory_space<semaphore_mem>>) src(%dma_wait3A_371 : memref<128x64xbf16, #tpu.memory_space<vmem_shared>>) dst(%dma_wait3A_369 : memref<128x64xbf16, #tpu.memory_space<vmem>>)
      tpu.yield
    }) : () -> ()
    %mul3A_301 = arith.constant 10112 : i32
    %mul3A_302 = arith.muli %arg0, %mul3A_301 : i32
    %mul3A_303 = arith.constant 632 : i32
    %mul3A_304 = arith.muli %arg1, %mul3A_303 : i32
    %add3A_305 = arith.addi %mul3A_302, %mul3A_304 : i32
    %add3A_306 = arith.constant 256 : i32
    %add3A_307 = arith.addi %add3A_305, %add3A_306 : i32
    %run_scoped3A_308 = arith.constant 0 : i32
    "tpu.region"() ({
      %run_scoped3A_335 = tpu.sem_alloc : memref<!tpu.dma_semaphore, #tpu.memory_space<semaphore_mem>>
      %dma_start3A_336 = arith.constant 0 : i32
      %dma_start3A_337 = arith.constant 0 : i32
      %dma_start3A_338 = tpu.memref_slice %arg9[%run_scoped3A_308, %dma_start3A_336, %dma_start3A_337] : memref<5x128x64xbf16, #tpu.memory_space<vmem>> -> memref<1x128x64xbf16, #tpu.memory_space<vmem>>
      %dma_start3A_339 = tpu.memref_squeeze %dma_start3A_338 : memref<1x128x64xbf16, #tpu.memory_space<vmem>> -> memref<128x64xbf16, #tpu.memory_space<vmem>>
      %dma_start3A_340 = arith.constant 0 : i32
      %dma_start3A_341 = arith.constant 0 : i32
      %dma_start3A_342 = tpu.memref_slice %dma_start3A_339[%dma_start3A_340, %dma_start3A_341] : memref<128x64xbf16, #tpu.memory_space<vmem>> -> memref<128x64xbf16, #tpu.memory_space<vmem>>
      %dma_start3A_343 = arith.constant 0 : i32
      %dma_start3A_344 = tpu.memref_slice %arg6[%add3A_307, %dma_start3A_343] : memref<20224x64xbf16, #tpu.memory_space<hbm>> -> memref<128x64xbf16, #tpu.memory_space<hbm>>
      %dma_start3A_345 = arith.constant 0 : i32
      %dma_start3A_346 = tpu.memref_slice %arg6[%add3A_307, %dma_start3A_345] : memref<20224x64xbf16, #tpu.memory_space<hbm>> -> memref<128x64xbf16, #tpu.memory_space<hbm>>
      %dma_start3A_347 = arith.constant 0 : i32
      %dma_start3A_348 = arith.constant 0 : i32
      %dma_start3A_349 = tpu.memref_slice %arg9[%run_scoped3A_308, %dma_start3A_347, %dma_start3A_348] : memref<5x128x64xbf16, #tpu.memory_space<vmem>> -> memref<1x128x64xbf16, #tpu.memory_space<vmem>>
      %dma_start3A_350 = tpu.memref_squeeze %dma_start3A_349 : memref<1x128x64xbf16, #tpu.memory_space<vmem>> -> memref<128x64xbf16, #tpu.memory_space<vmem>>
      %dma_start3A_351 = arith.constant 0 : i32
      %dma_start3A_352 = arith.constant 0 : i32
      %dma_start3A_353 = tpu.memref_slice %dma_start3A_350[%dma_start3A_351, %dma_start3A_352] : memref<128x64xbf16, #tpu.memory_space<vmem>> -> memref<128x64xbf16, #tpu.memory_space<vmem>>
      tpu.enqueue_dma source(%dma_start3A_353 : memref<128x64xbf16, #tpu.memory_space<vmem>>) target(%dma_start3A_346 : memref<128x64xbf16, #tpu.memory_space<hbm>>) target_semaphore(%run_scoped3A_335 : memref<!tpu.dma_semaphore, #tpu.memory_space<semaphore_mem>>)
      %dma_wait3A_354 = arith.constant 0 : i32
      %dma_wait3A_355 = arith.constant 0 : i32
      %dma_wait3A_356 = tpu.memref_slice %arg9[%run_scoped3A_308, %dma_wait3A_354, %dma_wait3A_355] : memref<5x128x64xbf16, #tpu.memory_space<vmem>> -> memref<1x128x64xbf16, #tpu.memory_space<vmem>>
      %dma_wait3A_357 = tpu.memref_squeeze %dma_wait3A_356 : memref<1x128x64xbf16, #tpu.memory_space<vmem>> -> memref<128x64xbf16, #tpu.memory_space<vmem>>
      %dma_wait3A_358 = arith.constant 0 : i32
      %dma_wait3A_359 = arith.constant 0 : i32
      %dma_wait3A_360 = tpu.memref_slice %dma_wait3A_357[%dma_wait3A_358, %dma_wait3A_359] : memref<128x64xbf16, #tpu.memory_space<vmem>> -> memref<128x64xbf16, #tpu.memory_space<vmem>>
      %dma_wait3A_361 = arith.constant 0 : i32
      %dma_wait3A_362 = tpu.memref_slice %arg6[%add3A_307, %dma_wait3A_361] : memref<20224x64xbf16, #tpu.memory_space<hbm>> -> memref<128x64xbf16, #tpu.memory_space<hbm>>
      %dma_wait3A_363 = arith.constant 0 : i32
      %dma_wait3A_364 = tpu.memref_slice %arg6[%add3A_307, %dma_wait3A_363] : memref<20224x64xbf16, #tpu.memory_space<hbm>> -> memref<128x64xbf16, #tpu.memory_space<hbm>>
      %dma_wait3A_365 = arith.constant 0 : i32
      %dma_wait3A_366 = arith.constant 0 : i32
      %dma_wait3A_367 = tpu.memref_slice %arg9[%run_scoped3A_308, %dma_wait3A_365, %dma_wait3A_366] : memref<5x128x64xbf16, #tpu.memory_space<vmem>> -> memref<1x128x64xbf16, #tpu.memory_space<vmem>>
      %dma_wait3A_368 = tpu.memref_squeeze %dma_wait3A_367 : memref<1x128x64xbf16, #tpu.memory_space<vmem>> -> memref<128x64xbf16, #tpu.memory_space<vmem>>
      %dma_wait3A_369 = arith.constant 0 : i32
      %dma_wait3A_370 = arith.constant 0 : i32
      %dma_wait3A_371 = tpu.memref_slice %dma_wait3A_368[%dma_wait3A_369, %dma_wait3A_370] : memref<128x64xbf16, #tpu.memory_space<vmem>> -> memref<128x64xbf16, #tpu.memory_space<vmem>>
      tpu.wait_dma2 semaphore(%run_scoped3A_335 : memref<!tpu.dma_semaphore, #tpu.memory_space<semaphore_mem>>) src(%dma_wait3A_371 : memref<128x64xbf16, #tpu.memory_space<vmem>>) dst(%dma_wait3A_364 : memref<128x64xbf16, #tpu.memory_space<hbm>>)
      tpu.yield
    }) : () -> ()
    %mul3A_309 = arith.constant 632 : i32
    %mul3A_310 = arith.muli %arg1, %mul3A_309 : i32
    %add3A_311 = arith.constant 384 : i32
    %add3A_312 = arith.addi %mul3A_310, %add3A_311 : i32
    %run_scoped3A_313 = arith.constant 0 : i32
    "tpu.region"() ({
      %run_scoped3A_335 = tpu.sem_alloc : memref<!tpu.dma_semaphore, #tpu.memory_space<semaphore_mem>>
      %dma_start3A_336 = arith.constant 0 : i32
      %dma_start3A_337 = arith.constant 0 : i32
      %dma_start3A_338 = tpu.memref_slice %arg9[%run_scoped3A_313, %dma_start3A_336, %dma_start3A_337] : memref<5x128x64xbf16, #tpu.memory_space<vmem>> -> memref<1x128x64xbf16, #tpu.memory_space<vmem>>
      %dma_start3A_339 = tpu.memref_squeeze %dma_start3A_338 : memref<1x128x64xbf16, #tpu.memory_space<vmem>> -> memref<128x64xbf16, #tpu.memory_space<vmem>>
      %dma_start3A_340 = arith.constant 0 : i32
      %dma_start3A_341 = arith.constant 0 : i32
      %dma_start3A_342 = tpu.memref_slice %dma_start3A_339[%dma_start3A_340, %dma_start3A_341] : memref<128x64xbf16, #tpu.memory_space<vmem>> -> memref<128x64xbf16, #tpu.memory_space<vmem>>
      %dma_start3A_343 = arith.constant 0 : i32
      %dma_start3A_344 = tpu.memref_slice %arg10[%add3A_312, %dma_start3A_343] : memref<10112x64xbf16, #tpu.memory_space<vmem_shared>> -> memref<128x64xbf16, #tpu.memory_space<vmem_shared>>
      %dma_start3A_345 = arith.constant 0 : i32
      %dma_start3A_346 = arith.constant 0 : i32
      %dma_start3A_347 = tpu.memref_slice %arg9[%run_scoped3A_313, %dma_start3A_345, %dma_start3A_346] : memref<5x128x64xbf16, #tpu.memory_space<vmem>> -> memref<1x128x64xbf16, #tpu.memory_space<vmem>>
      %dma_start3A_348 = tpu.memref_squeeze %dma_start3A_347 : memref<1x128x64xbf16, #tpu.memory_space<vmem>> -> memref<128x64xbf16, #tpu.memory_space<vmem>>
      %dma_start3A_349 = arith.constant 0 : i32
      %dma_start3A_350 = arith.constant 0 : i32
      %dma_start3A_351 = tpu.memref_slice %dma_start3A_348[%dma_start3A_349, %dma_start3A_350] : memref<128x64xbf16, #tpu.memory_space<vmem>> -> memref<128x64xbf16, #tpu.memory_space<vmem>>
      %dma_start3A_352 = arith.constant 0 : i32
      %dma_start3A_353 = tpu.memref_slice %arg10[%add3A_312, %dma_start3A_352] : memref<10112x64xbf16, #tpu.memory_space<vmem_shared>> -> memref<128x64xbf16, #tpu.memory_space<vmem_shared>>
      tpu.enqueue_dma source(%dma_start3A_353 : memref<128x64xbf16, #tpu.memory_space<vmem_shared>>) target(%dma_start3A_351 : memref<128x64xbf16, #tpu.memory_space<vmem>>) target_semaphore(%run_scoped3A_335 : memref<!tpu.dma_semaphore, #tpu.memory_space<semaphore_mem>>)
      %dma_wait3A_354 = arith.constant 0 : i32
      %dma_wait3A_355 = arith.constant 0 : i32
      %dma_wait3A_356 = tpu.memref_slice %arg9[%run_scoped3A_313, %dma_wait3A_354, %dma_wait3A_355] : memref<5x128x64xbf16, #tpu.memory_space<vmem>> -> memref<1x128x64xbf16, #tpu.memory_space<vmem>>
      %dma_wait3A_357 = tpu.memref_squeeze %dma_wait3A_356 : memref<1x128x64xbf16, #tpu.memory_space<vmem>> -> memref<128x64xbf16, #tpu.memory_space<vmem>>
      %dma_wait3A_358 = arith.constant 0 : i32
      %dma_wait3A_359 = arith.constant 0 : i32
      %dma_wait3A_360 = tpu.memref_slice %dma_wait3A_357[%dma_wait3A_358, %dma_wait3A_359] : memref<128x64xbf16, #tpu.memory_space<vmem>> -> memref<128x64xbf16, #tpu.memory_space<vmem>>
      %dma_wait3A_361 = arith.constant 0 : i32
      %dma_wait3A_362 = tpu.memref_slice %arg10[%add3A_312, %dma_wait3A_361] : memref<10112x64xbf16, #tpu.memory_space<vmem_shared>> -> memref<128x64xbf16, #tpu.memory_space<vmem_shared>>
      %dma_wait3A_363 = arith.constant 0 : i32
      %dma_wait3A_364 = arith.constant 0 : i32
      %dma_wait3A_365 = tpu.memref_slice %arg9[%run_scoped3A_313, %dma_wait3A_363, %dma_wait3A_364] : memref<5x128x64xbf16, #tpu.memory_space<vmem>> -> memref<1x128x64xbf16, #tpu.memory_space<vmem>>
      %dma_wait3A_366 = tpu.memref_squeeze %dma_wait3A_365 : memref<1x128x64xbf16, #tpu.memory_space<vmem>> -> memref<128x64xbf16, #tpu.memory_space<vmem>>
      %dma_wait3A_367 = arith.constant 0 : i32
      %dma_wait3A_368 = arith.constant 0 : i32
      %dma_wait3A_369 = tpu.memref_slice %dma_wait3A_366[%dma_wait3A_367, %dma_wait3A_368] : memref<128x64xbf16, #tpu.memory_space<vmem>> -> memref<128x64xbf16, #tpu.memory_space<vmem>>
      %dma_wait3A_370 = arith.constant 0 : i32
      %dma_wait3A_371 = tpu.memref_slice %arg10[%add3A_312, %dma_wait3A_370] : memref<10112x64xbf16, #tpu.memory_space<vmem_shared>> -> memref<128x64xbf16, #tpu.memory_space<vmem_shared>>
      tpu.wait_dma2 semaphore(%run_scoped3A_335 : memref<!tpu.dma_semaphore, #tpu.memory_space<semaphore_mem>>) src(%dma_wait3A_371 : memref<128x64xbf16, #tpu.memory_space<vmem_shared>>) dst(%dma_wait3A_369 : memref<128x64xbf16, #tpu.memory_space<vmem>>)
      tpu.yield
    }) : () -> ()
    %mul3A_314 = arith.constant 10112 : i32
    %mul3A_315 = arith.muli %arg0, %mul3A_314 : i32
    %mul3A_316 = arith.constant 632 : i32
    %mul3A_317 = arith.muli %arg1, %mul3A_316 : i32
    %add3A_318 = arith.addi %mul3A_315, %mul3A_317 : i32
    %add3A_319 = arith.constant 384 : i32
    %add3A_320 = arith.addi %add3A_318, %add3A_319 : i32
    %run_scoped3A_321 = arith.constant 0 : i32
    "tpu.region"() ({
      %run_scoped3A_335 = tpu.sem_alloc : memref<!tpu.dma_semaphore, #tpu.memory_space<semaphore_mem>>
      %dma_start3A_336 = arith.constant 0 : i32
      %dma_start3A_337 = arith.constant 0 : i32
      %dma_start3A_338 = tpu.memref_slice %arg9[%run_scoped3A_321, %dma_start3A_336, %dma_start3A_337] : memref<5x128x64xbf16, #tpu.memory_space<vmem>> -> memref<1x128x64xbf16, #tpu.memory_space<vmem>>
      %dma_start3A_339 = tpu.memref_squeeze %dma_start3A_338 : memref<1x128x64xbf16, #tpu.memory_space<vmem>> -> memref<128x64xbf16, #tpu.memory_space<vmem>>
      %dma_start3A_340 = arith.constant 0 : i32
      %dma_start3A_341 = arith.constant 0 : i32
      %dma_start3A_342 = tpu.memref_slice %dma_start3A_339[%dma_start3A_340, %dma_start3A_341] : memref<128x64xbf16, #tpu.memory_space<vmem>> -> memref<128x64xbf16, #tpu.memory_space<vmem>>
      %dma_start3A_343 = arith.constant 0 : i32
      %dma_start3A_344 = tpu.memref_slice %arg6[%add3A_320, %dma_start3A_343] : memref<20224x64xbf16, #tpu.memory_space<hbm>> -> memref<128x64xbf16, #tpu.memory_space<hbm>>
      %dma_start3A_345 = arith.constant 0 : i32
      %dma_start3A_346 = tpu.memref_slice %arg6[%add3A_320, %dma_start3A_345] : memref<20224x64xbf16, #tpu.memory_space<hbm>> -> memref<128x64xbf16, #tpu.memory_space<hbm>>
      %dma_start3A_347 = arith.constant 0 : i32
      %dma_start3A_348 = arith.constant 0 : i32
      %dma_start3A_349 = tpu.memref_slice %arg9[%run_scoped3A_321, %dma_start3A_347, %dma_start3A_348] : memref<5x128x64xbf16, #tpu.memory_space<vmem>> -> memref<1x128x64xbf16, #tpu.memory_space<vmem>>
      %dma_start3A_350 = tpu.memref_squeeze %dma_start3A_349 : memref<1x128x64xbf16, #tpu.memory_space<vmem>> -> memref<128x64xbf16, #tpu.memory_space<vmem>>
      %dma_start3A_351 = arith.constant 0 : i32
      %dma_start3A_352 = arith.constant 0 : i32
      %dma_start3A_353 = tpu.memref_slice %dma_start3A_350[%dma_start3A_351, %dma_start3A_352] : memref<128x64xbf16, #tpu.memory_space<vmem>> -> memref<128x64xbf16, #tpu.memory_space<vmem>>
      tpu.enqueue_dma source(%dma_start3A_353 : memref<128x64xbf16, #tpu.memory_space<vmem>>) target(%dma_start3A_346 : memref<128x64xbf16, #tpu.memory_space<hbm>>) target_semaphore(%run_scoped3A_335 : memref<!tpu.dma_semaphore, #tpu.memory_space<semaphore_mem>>)
      %dma_wait3A_354 = arith.constant 0 : i32
      %dma_wait3A_355 = arith.constant 0 : i32
      %dma_wait3A_356 = tpu.memref_slice %arg9[%run_scoped3A_321, %dma_wait3A_354, %dma_wait3A_355] : memref<5x128x64xbf16, #tpu.memory_space<vmem>> -> memref<1x128x64xbf16, #tpu.memory_space<vmem>>
      %dma_wait3A_357 = tpu.memref_squeeze %dma_wait3A_356 : memref<1x128x64xbf16, #tpu.memory_space<vmem>> -> memref<128x64xbf16, #tpu.memory_space<vmem>>
      %dma_wait3A_358 = arith.constant 0 : i32
      %dma_wait3A_359 = arith.constant 0 : i32
      %dma_wait3A_360 = tpu.memref_slice %dma_wait3A_357[%dma_wait3A_358, %dma_wait3A_359] : memref<128x64xbf16, #tpu.memory_space<vmem>> -> memref<128x64xbf16, #tpu.memory_space<vmem>>
      %dma_wait3A_361 = arith.constant 0 : i32
      %dma_wait3A_362 = tpu.memref_slice %arg6[%add3A_320, %dma_wait3A_361] : memref<20224x64xbf16, #tpu.memory_space<hbm>> -> memref<128x64xbf16, #tpu.memory_space<hbm>>
      %dma_wait3A_363 = arith.constant 0 : i32
      %dma_wait3A_364 = tpu.memref_slice %arg6[%add3A_320, %dma_wait3A_363] : memref<20224x64xbf16, #tpu.memory_space<hbm>> -> memref<128x64xbf16, #tpu.memory_space<hbm>>
      %dma_wait3A_365 = arith.constant 0 : i32
      %dma_wait3A_366 = arith.constant 0 : i32
      %dma_wait3A_367 = tpu.memref_slice %arg9[%run_scoped3A_321, %dma_wait3A_365, %dma_wait3A_366] : memref<5x128x64xbf16, #tpu.memory_space<vmem>> -> memref<1x128x64xbf16, #tpu.memory_space<vmem>>
      %dma_wait3A_368 = tpu.memref_squeeze %dma_wait3A_367 : memref<1x128x64xbf16, #tpu.memory_space<vmem>> -> memref<128x64xbf16, #tpu.memory_space<vmem>>
      %dma_wait3A_369 = arith.constant 0 : i32
      %dma_wait3A_370 = arith.constant 0 : i32
      %dma_wait3A_371 = tpu.memref_slice %dma_wait3A_368[%dma_wait3A_369, %dma_wait3A_370] : memref<128x64xbf16, #tpu.memory_space<vmem>> -> memref<128x64xbf16, #tpu.memory_space<vmem>>
      tpu.wait_dma2 semaphore(%run_scoped3A_335 : memref<!tpu.dma_semaphore, #tpu.memory_space<semaphore_mem>>) src(%dma_wait3A_371 : memref<128x64xbf16, #tpu.memory_space<vmem>>) dst(%dma_wait3A_364 : memref<128x64xbf16, #tpu.memory_space<hbm>>)
      tpu.yield
    }) : () -> ()
    %mul3A_322 = arith.constant 632 : i32
    %mul3A_323 = arith.muli %arg1, %mul3A_322 : i32
    %add3A_324 = arith.constant 512 : i32
    %add3A_325 = arith.addi %mul3A_323, %add3A_324 : i32
    %run_scoped3A_326 = arith.constant 0 : i32
    "tpu.region"() ({
      %run_scoped3A_335 = tpu.sem_alloc : memref<!tpu.dma_semaphore, #tpu.memory_space<semaphore_mem>>
      %dma_start3A_336 = arith.constant 0 : i32
      %dma_start3A_337 = arith.constant 0 : i32
      %dma_start3A_338 = tpu.memref_slice %arg9[%run_scoped3A_326, %dma_start3A_336, %dma_start3A_337] : memref<5x128x64xbf16, #tpu.memory_space<vmem>> -> memref<1x128x64xbf16, #tpu.memory_space<vmem>>
      %dma_start3A_339 = tpu.memref_squeeze %dma_start3A_338 : memref<1x128x64xbf16, #tpu.memory_space<vmem>> -> memref<128x64xbf16, #tpu.memory_space<vmem>>
      %dma_start3A_340 = arith.constant 0 : i32
      %dma_start3A_341 = arith.constant 0 : i32
      %dma_start3A_342 = tpu.memref_slice %dma_start3A_339[%dma_start3A_340, %dma_start3A_341] : memref<128x64xbf16, #tpu.memory_space<vmem>> -> memref<120x64xbf16, #tpu.memory_space<vmem>>
      %dma_start3A_343 = arith.constant 0 : i32
      %dma_start3A_344 = tpu.memref_slice %arg10[%add3A_325, %dma_start3A_343] : memref<10112x64xbf16, #tpu.memory_space<vmem_shared>> -> memref<120x64xbf16, #tpu.memory_space<vmem_shared>>
      %dma_start3A_345 = arith.constant 0 : i32
      %dma_start3A_346 = arith.constant 0 : i32
      %dma_start3A_347 = tpu.memref_slice %arg9[%run_scoped3A_326, %dma_start3A_345, %dma_start3A_346] : memref<5x128x64xbf16, #tpu.memory_space<vmem>> -> memref<1x128x64xbf16, #tpu.memory_space<vmem>>
      %dma_start3A_348 = tpu.memref_squeeze %dma_start3A_347 : memref<1x128x64xbf16, #tpu.memory_space<vmem>> -> memref<128x64xbf16, #tpu.memory_space<vmem>>
      %dma_start3A_349 = arith.constant 0 : i32
      %dma_start3A_350 = arith.constant 0 : i32
      %dma_start3A_351 = tpu.memref_slice %dma_start3A_348[%dma_start3A_349, %dma_start3A_350] : memref<128x64xbf16, #tpu.memory_space<vmem>> -> memref<120x64xbf16, #tpu.memory_space<vmem>>
      %dma_start3A_352 = arith.constant 0 : i32
      %dma_start3A_353 = tpu.memref_slice %arg10[%add3A_325, %dma_start3A_352] : memref<10112x64xbf16, #tpu.memory_space<vmem_shared>> -> memref<120x64xbf16, #tpu.memory_space<vmem_shared>>
      tpu.enqueue_dma source(%dma_start3A_353 : memref<120x64xbf16, #tpu.memory_space<vmem_shared>>) target(%dma_start3A_351 : memref<120x64xbf16, #tpu.memory_space<vmem>>) target_semaphore(%run_scoped3A_335 : memref<!tpu.dma_semaphore, #tpu.memory_space<semaphore_mem>>)
      %dma_wait3A_354 = arith.constant 0 : i32
      %dma_wait3A_355 = arith.constant 0 : i32
      %dma_wait3A_356 = tpu.memref_slice %arg9[%run_scoped3A_326, %dma_wait3A_354, %dma_wait3A_355] : memref<5x128x64xbf16, #tpu.memory_space<vmem>> -> memref<1x128x64xbf16, #tpu.memory_space<vmem>>
      %dma_wait3A_357 = tpu.memref_squeeze %dma_wait3A_356 : memref<1x128x64xbf16, #tpu.memory_space<vmem>> -> memref<128x64xbf16, #tpu.memory_space<vmem>>
      %dma_wait3A_358 = arith.constant 0 : i32
      %dma_wait3A_359 = arith.constant 0 : i32
      %dma_wait3A_360 = tpu.memref_slice %dma_wait3A_357[%dma_wait3A_358, %dma_wait3A_359] : memref<128x64xbf16, #tpu.memory_space<vmem>> -> memref<120x64xbf16, #tpu.memory_space<vmem>>
      %dma_wait3A_361 = arith.constant 0 : i32
      %dma_wait3A_362 = tpu.memref_slice %arg10[%add3A_325, %dma_wait3A_361] : memref<10112x64xbf16, #tpu.memory_space<vmem_shared>> -> memref<120x64xbf16, #tpu.memory_space<vmem_shared>>
      %dma_wait3A_363 = arith.constant 0 : i32
      %dma_wait3A_364 = arith.constant 0 : i32
      %dma_wait3A_365 = tpu.memref_slice %arg9[%run_scoped3A_326, %dma_wait3A_363, %dma_wait3A_364] : memref<5x128x64xbf16, #tpu.memory_space<vmem>> -> memref<1x128x64xbf16, #tpu.memory_space<vmem>>
      %dma_wait3A_366 = tpu.memref_squeeze %dma_wait3A_365 : memref<1x128x64xbf16, #tpu.memory_space<vmem>> -> memref<128x64xbf16, #tpu.memory_space<vmem>>
      %dma_wait3A_367 = arith.constant 0 : i32
      %dma_wait3A_368 = arith.constant 0 : i32
      %dma_wait3A_369 = tpu.memref_slice %dma_wait3A_366[%dma_wait3A_367, %dma_wait3A_368] : memref<128x64xbf16, #tpu.memory_space<vmem>> -> memref<120x64xbf16, #tpu.memory_space<vmem>>
      %dma_wait3A_370 = arith.constant 0 : i32
      %dma_wait3A_371 = tpu.memref_slice %arg10[%add3A_325, %dma_wait3A_370] : memref<10112x64xbf16, #tpu.memory_space<vmem_shared>> -> memref<120x64xbf16, #tpu.memory_space<vmem_shared>>
      tpu.wait_dma2 semaphore(%run_scoped3A_335 : memref<!tpu.dma_semaphore, #tpu.memory_space<semaphore_mem>>) src(%dma_wait3A_371 : memref<120x64xbf16, #tpu.memory_space<vmem_shared>>) dst(%dma_wait3A_369 : memref<120x64xbf16, #tpu.memory_space<vmem>>)
      tpu.yield
    }) : () -> ()
    %mul3A_327 = arith.constant 10112 : i32
    %mul3A_328 = arith.muli %arg0, %mul3A_327 : i32
    %mul3A_329 = arith.constant 632 : i32
    %mul3A_330 = arith.muli %arg1, %mul3A_329 : i32
    %add3A_331 = arith.addi %mul3A_328, %mul3A_330 : i32
    %add3A_332 = arith.constant 512 : i32
    %add3A_333 = arith.addi %add3A_331, %add3A_332 : i32
    %run_scoped3A_334 = arith.constant 0 : i32
    "tpu.region"() ({
      %run_scoped3A_335 = tpu.sem_alloc : memref<!tpu.dma_semaphore, #tpu.memory_space<semaphore_mem>>
      %dma_start3A_336 = arith.constant 0 : i32
      %dma_start3A_337 = arith.constant 0 : i32
      %dma_start3A_338 = tpu.memref_slice %arg9[%run_scoped3A_334, %dma_start3A_336, %dma_start3A_337] : memref<5x128x64xbf16, #tpu.memory_space<vmem>> -> memref<1x128x64xbf16, #tpu.memory_space<vmem>>
      %dma_start3A_339 = tpu.memref_squeeze %dma_start3A_338 : memref<1x128x64xbf16, #tpu.memory_space<vmem>> -> memref<128x64xbf16, #tpu.memory_space<vmem>>
      %dma_start3A_340 = arith.constant 0 : i32
      %dma_start3A_341 = arith.constant 0 : i32
      %dma_start3A_342 = tpu.memref_slice %dma_start3A_339[%dma_start3A_340, %dma_start3A_341] : memref<128x64xbf16, #tpu.memory_space<vmem>> -> memref<120x64xbf16, #tpu.memory_space<vmem>>
      %dma_start3A_343 = arith.constant 0 : i32
      %dma_start3A_344 = tpu.memref_slice %arg6[%add3A_333, %dma_start3A_343] : memref<20224x64xbf16, #tpu.memory_space<hbm>> -> memref<120x64xbf16, #tpu.memory_space<hbm>>
      %dma_start3A_345 = arith.constant 0 : i32
      %dma_start3A_346 = tpu.memref_slice %arg6[%add3A_333, %dma_start3A_345] : memref<20224x64xbf16, #tpu.memory_space<hbm>> -> memref<120x64xbf16, #tpu.memory_space<hbm>>
      %dma_start3A_347 = arith.constant 0 : i32
      %dma_start3A_348 = arith.constant 0 : i32
      %dma_start3A_349 = tpu.memref_slice %arg9[%run_scoped3A_334, %dma_start3A_347, %dma_start3A_348] : memref<5x128x64xbf16, #tpu.memory_space<vmem>> -> memref<1x128x64xbf16, #tpu.memory_space<vmem>>
      %dma_start3A_350 = tpu.memref_squeeze %dma_start3A_349 : memref<1x128x64xbf16, #tpu.memory_space<vmem>> -> memref<128x64xbf16, #tpu.memory_space<vmem>>
      %dma_start3A_351 = arith.constant 0 : i32
      %dma_start3A_352 = arith.constant 0 : i32
      %dma_start3A_353 = tpu.memref_slice %dma_start3A_350[%dma_start3A_351, %dma_start3A_352] : memref<128x64xbf16, #tpu.memory_space<vmem>> -> memref<120x64xbf16, #tpu.memory_space<vmem>>
      tpu.enqueue_dma source(%dma_start3A_353 : memref<120x64xbf16, #tpu.memory_space<vmem>>) target(%dma_start3A_346 : memref<120x64xbf16, #tpu.memory_space<hbm>>) target_semaphore(%run_scoped3A_335 : memref<!tpu.dma_semaphore, #tpu.memory_space<semaphore_mem>>)
      %dma_wait3A_354 = arith.constant 0 : i32
      %dma_wait3A_355 = arith.constant 0 : i32
      %dma_wait3A_356 = tpu.memref_slice %arg9[%run_scoped3A_334, %dma_wait3A_354, %dma_wait3A_355] : memref<5x128x64xbf16, #tpu.memory_space<vmem>> -> memref<1x128x64xbf16, #tpu.memory_space<vmem>>
      %dma_wait3A_357 = tpu.memref_squeeze %dma_wait3A_356 : memref<1x128x64xbf16, #tpu.memory_space<vmem>> -> memref<128x64xbf16, #tpu.memory_space<vmem>>
      %dma_wait3A_358 = arith.constant 0 : i32
      %dma_wait3A_359 = arith.constant 0 : i32
      %dma_wait3A_360 = tpu.memref_slice %dma_wait3A_357[%dma_wait3A_358, %dma_wait3A_359] : memref<128x64xbf16, #tpu.memory_space<vmem>> -> memref<120x64xbf16, #tpu.memory_space<vmem>>
      %dma_wait3A_361 = arith.constant 0 : i32
      %dma_wait3A_362 = tpu.memref_slice %arg6[%add3A_333, %dma_wait3A_361] : memref<20224x64xbf16, #tpu.memory_space<hbm>> -> memref<120x64xbf16, #tpu.memory_space<hbm>>
      %dma_wait3A_363 = arith.constant 0 : i32
      %dma_wait3A_364 = tpu.memref_slice %arg6[%add3A_333, %dma_wait3A_363] : memref<20224x64xbf16, #tpu.memory_space<hbm>> -> memref<120x64xbf16, #tpu.memory_space<hbm>>
      %dma_wait3A_365 = arith.constant 0 : i32
      %dma_wait3A_366 = arith.constant 0 : i32
      %dma_wait3A_367 = tpu.memref_slice %arg9[%run_scoped3A_334, %dma_wait3A_365, %dma_wait3A_366] : memref<5x128x64xbf16, #tpu.memory_space<vmem>> -> memref<1x128x64xbf16, #tpu.memory_space<vmem>>
      %dma_wait3A_368 = tpu.memref_squeeze %dma_wait3A_367 : memref<1x128x64xbf16, #tpu.memory_space<vmem>> -> memref<128x64xbf16, #tpu.memory_space<vmem>>
      %dma_wait3A_369 = arith.constant 0 : i32
      %dma_wait3A_370 = arith.constant 0 : i32
      %dma_wait3A_371 = tpu.memref_slice %dma_wait3A_368[%dma_wait3A_369, %dma_wait3A_370] : memref<128x64xbf16, #tpu.memory_space<vmem>> -> memref<120x64xbf16, #tpu.memory_space<vmem>>
      tpu.wait_dma2 semaphore(%run_scoped3A_335 : memref<!tpu.dma_semaphore, #tpu.memory_space<semaphore_mem>>) src(%dma_wait3A_371 : memref<120x64xbf16, #tpu.memory_space<vmem>>) dst(%dma_wait3A_364 : memref<120x64xbf16, #tpu.memory_space<hbm>>)
      tpu.yield
    }) : () -> ()
    return
  }
}

#map = affine_map<(d0, d1) -> (0, 0)>
#map1 = affine_map<(d0, d1) -> (0, 0, 0)>
module attributes {stable_mosaic.version = 14 : i64} {
  func.func @_seg_sum_body(%arg0: i32, %arg1: i32, %arg2: memref<10000x112xbf16, #tpu.memory_space<hbm>>, %arg3: memref<32x80x128xi32, #tpu.memory_space<hbm>>, %arg4: memref<32x80x128xi32, #tpu.memory_space<hbm>>, %arg5: memref<128x112xbf16, #tpu.memory_space<hbm>>, %arg6: memref<20224x112xbf16, #tpu.memory_space<hbm>>, %arg7: memref<80x128xi32, #tpu.memory_space<vmem>>, %arg8: memref<80x128xi32, #tpu.memory_space<vmem>>, %arg9: memref<5x128x112xbf16, #tpu.memory_space<vmem>>, %arg10: memref<10112x112xbf16, #tpu.memory_space<vmem_shared>>, %arg11: memref<!tpu.dma_semaphore, #tpu.memory_space<semaphore_mem>>, %arg12: memref<!tpu.dma_semaphore, #tpu.memory_space<semaphore_mem>>, %arg13: memref<!tpu.dma_semaphore, #tpu.memory_space<semaphore_mem>>, %arg14: memref<!tpu.dma_semaphore, #tpu.memory_space<semaphore_mem>>, %arg15: memref<!tpu.dma_semaphore, #tpu.memory_space<semaphore_mem>>, %arg16: memref<!tpu.dma_semaphore, #tpu.memory_space<semaphore_mem>>, %arg17: memref<!tpu.dma_semaphore, #tpu.memory_space<semaphore_mem>>, %arg18: memref<!tpu.dma_semaphore, #tpu.memory_space<semaphore_mem>>, %arg19: memref<!tpu.dma_semaphore, #tpu.memory_space<semaphore_mem>>, %arg20: memref<!tpu.dma_semaphore, #tpu.memory_space<semaphore_mem>>) attributes {dimension_semantics = [#tpu.dimension_semantics<core_parallel>, #tpu.dimension_semantics<subcore_parallel>], iteration_bounds = array<i64: 2, 16>, scalar_prefetch = 0 : i64, scratch_operands = 14 : i64, tpu.core_type = #tpu.core_type<sc_vector_subcore>, window_params = [{transform_indices = #map}, {transform_indices = #map1}, {transform_indices = #map1}, {transform_indices = #map}, {transform_indices = #map}]} {
    %mul3A = arith.constant 2 : i32
    %mul3A_0 = arith.muli %arg1, %mul3A : i32
    %add3A = arith.addi %mul3A_0, %arg0 : i32
    %run_scoped3A = arith.constant 0 : i32
    "tpu.region"() ({
      %run_scoped3A_335 = tpu.sem_alloc : memref<!tpu.dma_semaphore, #tpu.memory_space<semaphore_mem>>
      %dma_start3A_336 = arith.constant 0 : i32
      %dma_start3A_337 = arith.constant 0 : i32
      %dma_start3A_338 = tpu.memref_slice %arg9[%run_scoped3A, %dma_start3A_336, %dma_start3A_337] : memref<5x128x112xbf16, #tpu.memory_space<vmem>> -> memref<1x128x112xbf16, #tpu.memory_space<vmem>>
      %dma_start3A_339 = tpu.memref_squeeze %dma_start3A_338 : memref<1x128x112xbf16, #tpu.memory_space<vmem>> -> memref<128x112xbf16, #tpu.memory_space<vmem>>
      %dma_start3A_340 = arith.constant 0 : i32
      %dma_start3A_341 = arith.constant 0 : i32
      %dma_start3A_342 = tpu.memref_slice %arg9[%run_scoped3A, %dma_start3A_340, %dma_start3A_341] : memref<5x128x112xbf16, #tpu.memory_space<vmem>> -> memref<1x128x112xbf16, #tpu.memory_space<vmem>>
      %dma_start3A_343 = tpu.memref_squeeze %dma_start3A_342 : memref<1x128x112xbf16, #tpu.memory_space<vmem>> -> memref<128x112xbf16, #tpu.memory_space<vmem>>
      tpu.enqueue_dma source(%arg5 : memref<128x112xbf16, #tpu.memory_space<hbm>>) target(%dma_start3A_343 : memref<128x112xbf16, #tpu.memory_space<vmem>>) target_semaphore(%run_scoped3A_335 : memref<!tpu.dma_semaphore, #tpu.memory_space<semaphore_mem>>)
      %dma_wait3A_344 = arith.constant 0 : i32
      %dma_wait3A_345 = arith.constant 0 : i32
      %dma_wait3A_346 = tpu.memref_slice %arg9[%run_scoped3A, %dma_wait3A_344, %dma_wait3A_345] : memref<5x128x112xbf16, #tpu.memory_space<vmem>> -> memref<1x128x112xbf16, #tpu.memory_space<vmem>>
      %dma_wait3A_347 = tpu.memref_squeeze %dma_wait3A_346 : memref<1x128x112xbf16, #tpu.memory_space<vmem>> -> memref<128x112xbf16, #tpu.memory_space<vmem>>
      %dma_wait3A_348 = arith.constant 0 : i32
      %dma_wait3A_349 = arith.constant 0 : i32
      %dma_wait3A_350 = tpu.memref_slice %arg9[%run_scoped3A, %dma_wait3A_348, %dma_wait3A_349] : memref<5x128x112xbf16, #tpu.memory_space<vmem>> -> memref<1x128x112xbf16, #tpu.memory_space<vmem>>
      %dma_wait3A_351 = tpu.memref_squeeze %dma_wait3A_350 : memref<1x128x112xbf16, #tpu.memory_space<vmem>> -> memref<128x112xbf16, #tpu.memory_space<vmem>>
      tpu.wait_dma2 semaphore(%run_scoped3A_335 : memref<!tpu.dma_semaphore, #tpu.memory_space<semaphore_mem>>) src(%arg5 : memref<128x112xbf16, #tpu.memory_space<hbm>>) dst(%dma_wait3A_351 : memref<128x112xbf16, #tpu.memory_space<vmem>>)
      tpu.yield
    }) : () -> ()
    %mul3A_1 = arith.constant 632 : i32
    %mul3A_2 = arith.muli %arg1, %mul3A_1 : i32
    %add3A_3 = arith.constant 0 : i32
    %add3A_4 = arith.addi %mul3A_2, %add3A_3 : i32
    %run_scoped3A_5 = arith.constant 0 : i32
    "tpu.region"() ({
      %run_scoped3A_335 = tpu.sem_alloc : memref<!tpu.dma_semaphore, #tpu.memory_space<semaphore_mem>>
      %dma_start3A_336 = arith.constant 0 : i32
      %dma_start3A_337 = arith.constant 0 : i32
      %dma_start3A_338 = tpu.memref_slice %arg9[%run_scoped3A_5, %dma_start3A_336, %dma_start3A_337] : memref<5x128x112xbf16, #tpu.memory_space<vmem>> -> memref<1x128x112xbf16, #tpu.memory_space<vmem>>
      %dma_start3A_339 = tpu.memref_squeeze %dma_start3A_338 : memref<1x128x112xbf16, #tpu.memory_space<vmem>> -> memref<128x112xbf16, #tpu.memory_space<vmem>>
      %dma_start3A_340 = arith.constant 0 : i32
      %dma_start3A_341 = arith.constant 0 : i32
      %dma_start3A_342 = tpu.memref_slice %dma_start3A_339[%dma_start3A_340, %dma_start3A_341] : memref<128x112xbf16, #tpu.memory_space<vmem>> -> memref<128x112xbf16, #tpu.memory_space<vmem>>
      %dma_start3A_343 = arith.constant 0 : i32
      %dma_start3A_344 = tpu.memref_slice %arg10[%add3A_4, %dma_start3A_343] : memref<10112x112xbf16, #tpu.memory_space<vmem_shared>> -> memref<128x112xbf16, #tpu.memory_space<vmem_shared>>
      %dma_start3A_345 = arith.constant 0 : i32
      %dma_start3A_346 = tpu.memref_slice %arg10[%add3A_4, %dma_start3A_345] : memref<10112x112xbf16, #tpu.memory_space<vmem_shared>> -> memref<128x112xbf16, #tpu.memory_space<vmem_shared>>
      %dma_start3A_347 = arith.constant 0 : i32
      %dma_start3A_348 = arith.constant 0 : i32
      %dma_start3A_349 = tpu.memref_slice %arg9[%run_scoped3A_5, %dma_start3A_347, %dma_start3A_348] : memref<5x128x112xbf16, #tpu.memory_space<vmem>> -> memref<1x128x112xbf16, #tpu.memory_space<vmem>>
      %dma_start3A_350 = tpu.memref_squeeze %dma_start3A_349 : memref<1x128x112xbf16, #tpu.memory_space<vmem>> -> memref<128x112xbf16, #tpu.memory_space<vmem>>
      %dma_start3A_351 = arith.constant 0 : i32
      %dma_start3A_352 = arith.constant 0 : i32
      %dma_start3A_353 = tpu.memref_slice %dma_start3A_350[%dma_start3A_351, %dma_start3A_352] : memref<128x112xbf16, #tpu.memory_space<vmem>> -> memref<128x112xbf16, #tpu.memory_space<vmem>>
      tpu.enqueue_dma source(%dma_start3A_353 : memref<128x112xbf16, #tpu.memory_space<vmem>>) target(%dma_start3A_346 : memref<128x112xbf16, #tpu.memory_space<vmem_shared>>) target_semaphore(%run_scoped3A_335 : memref<!tpu.dma_semaphore, #tpu.memory_space<semaphore_mem>>)
      %dma_wait3A_354 = arith.constant 0 : i32
      %dma_wait3A_355 = arith.constant 0 : i32
      %dma_wait3A_356 = tpu.memref_slice %arg9[%run_scoped3A_5, %dma_wait3A_354, %dma_wait3A_355] : memref<5x128x112xbf16, #tpu.memory_space<vmem>> -> memref<1x128x112xbf16, #tpu.memory_space<vmem>>
      %dma_wait3A_357 = tpu.memref_squeeze %dma_wait3A_356 : memref<1x128x112xbf16, #tpu.memory_space<vmem>> -> memref<128x112xbf16, #tpu.memory_space<vmem>>
      %dma_wait3A_358 = arith.constant 0 : i32
      %dma_wait3A_359 = arith.constant 0 : i32
      %dma_wait3A_360 = tpu.memref_slice %dma_wait3A_357[%dma_wait3A_358, %dma_wait3A_359] : memref<128x112xbf16, #tpu.memory_space<vmem>> -> memref<128x112xbf16, #tpu.memory_space<vmem>>
      %dma_wait3A_361 = arith.constant 0 : i32
      %dma_wait3A_362 = tpu.memref_slice %arg10[%add3A_4, %dma_wait3A_361] : memref<10112x112xbf16, #tpu.memory_space<vmem_shared>> -> memref<128x112xbf16, #tpu.memory_space<vmem_shared>>
      %dma_wait3A_363 = arith.constant 0 : i32
      %dma_wait3A_364 = tpu.memref_slice %arg10[%add3A_4, %dma_wait3A_363] : memref<10112x112xbf16, #tpu.memory_space<vmem_shared>> -> memref<128x112xbf16, #tpu.memory_space<vmem_shared>>
      %dma_wait3A_365 = arith.constant 0 : i32
      %dma_wait3A_366 = arith.constant 0 : i32
      %dma_wait3A_367 = tpu.memref_slice %arg9[%run_scoped3A_5, %dma_wait3A_365, %dma_wait3A_366] : memref<5x128x112xbf16, #tpu.memory_space<vmem>> -> memref<1x128x112xbf16, #tpu.memory_space<vmem>>
      %dma_wait3A_368 = tpu.memref_squeeze %dma_wait3A_367 : memref<1x128x112xbf16, #tpu.memory_space<vmem>> -> memref<128x112xbf16, #tpu.memory_space<vmem>>
      %dma_wait3A_369 = arith.constant 0 : i32
      %dma_wait3A_370 = arith.constant 0 : i32
      %dma_wait3A_371 = tpu.memref_slice %dma_wait3A_368[%dma_wait3A_369, %dma_wait3A_370] : memref<128x112xbf16, #tpu.memory_space<vmem>> -> memref<128x112xbf16, #tpu.memory_space<vmem>>
      tpu.wait_dma2 semaphore(%run_scoped3A_335 : memref<!tpu.dma_semaphore, #tpu.memory_space<semaphore_mem>>) src(%dma_wait3A_371 : memref<128x112xbf16, #tpu.memory_space<vmem>>) dst(%dma_wait3A_364 : memref<128x112xbf16, #tpu.memory_space<vmem_shared>>)
      tpu.yield
    }) : () -> ()
    %mul3A_6 = arith.constant 632 : i32
    %mul3A_7 = arith.muli %arg1, %mul3A_6 : i32
    %add3A_8 = arith.constant 128 : i32
    %add3A_9 = arith.addi %mul3A_7, %add3A_8 : i32
    %run_scoped3A_10 = arith.constant 0 : i32
    "tpu.region"() ({
      %run_scoped3A_335 = tpu.sem_alloc : memref<!tpu.dma_semaphore, #tpu.memory_space<semaphore_mem>>
      %dma_start3A_336 = arith.constant 0 : i32
      %dma_start3A_337 = arith.constant 0 : i32
      %dma_start3A_338 = tpu.memref_slice %arg9[%run_scoped3A_10, %dma_start3A_336, %dma_start3A_337] : memref<5x128x112xbf16, #tpu.memory_space<vmem>> -> memref<1x128x112xbf16, #tpu.memory_space<vmem>>
      %dma_start3A_339 = tpu.memref_squeeze %dma_start3A_338 : memref<1x128x112xbf16, #tpu.memory_space<vmem>> -> memref<128x112xbf16, #tpu.memory_space<vmem>>
      %dma_start3A_340 = arith.constant 0 : i32
      %dma_start3A_341 = arith.constant 0 : i32
      %dma_start3A_342 = tpu.memref_slice %dma_start3A_339[%dma_start3A_340, %dma_start3A_341] : memref<128x112xbf16, #tpu.memory_space<vmem>> -> memref<128x112xbf16, #tpu.memory_space<vmem>>
      %dma_start3A_343 = arith.constant 0 : i32
      %dma_start3A_344 = tpu.memref_slice %arg10[%add3A_9, %dma_start3A_343] : memref<10112x112xbf16, #tpu.memory_space<vmem_shared>> -> memref<128x112xbf16, #tpu.memory_space<vmem_shared>>
      %dma_start3A_345 = arith.constant 0 : i32
      %dma_start3A_346 = tpu.memref_slice %arg10[%add3A_9, %dma_start3A_345] : memref<10112x112xbf16, #tpu.memory_space<vmem_shared>> -> memref<128x112xbf16, #tpu.memory_space<vmem_shared>>
      %dma_start3A_347 = arith.constant 0 : i32
      %dma_start3A_348 = arith.constant 0 : i32
      %dma_start3A_349 = tpu.memref_slice %arg9[%run_scoped3A_10, %dma_start3A_347, %dma_start3A_348] : memref<5x128x112xbf16, #tpu.memory_space<vmem>> -> memref<1x128x112xbf16, #tpu.memory_space<vmem>>
      %dma_start3A_350 = tpu.memref_squeeze %dma_start3A_349 : memref<1x128x112xbf16, #tpu.memory_space<vmem>> -> memref<128x112xbf16, #tpu.memory_space<vmem>>
      %dma_start3A_351 = arith.constant 0 : i32
      %dma_start3A_352 = arith.constant 0 : i32
      %dma_start3A_353 = tpu.memref_slice %dma_start3A_350[%dma_start3A_351, %dma_start3A_352] : memref<128x112xbf16, #tpu.memory_space<vmem>> -> memref<128x112xbf16, #tpu.memory_space<vmem>>
      tpu.enqueue_dma source(%dma_start3A_353 : memref<128x112xbf16, #tpu.memory_space<vmem>>) target(%dma_start3A_346 : memref<128x112xbf16, #tpu.memory_space<vmem_shared>>) target_semaphore(%run_scoped3A_335 : memref<!tpu.dma_semaphore, #tpu.memory_space<semaphore_mem>>)
      %dma_wait3A_354 = arith.constant 0 : i32
      %dma_wait3A_355 = arith.constant 0 : i32
      %dma_wait3A_356 = tpu.memref_slice %arg9[%run_scoped3A_10, %dma_wait3A_354, %dma_wait3A_355] : memref<5x128x112xbf16, #tpu.memory_space<vmem>> -> memref<1x128x112xbf16, #tpu.memory_space<vmem>>
      %dma_wait3A_357 = tpu.memref_squeeze %dma_wait3A_356 : memref<1x128x112xbf16, #tpu.memory_space<vmem>> -> memref<128x112xbf16, #tpu.memory_space<vmem>>
      %dma_wait3A_358 = arith.constant 0 : i32
      %dma_wait3A_359 = arith.constant 0 : i32
      %dma_wait3A_360 = tpu.memref_slice %dma_wait3A_357[%dma_wait3A_358, %dma_wait3A_359] : memref<128x112xbf16, #tpu.memory_space<vmem>> -> memref<128x112xbf16, #tpu.memory_space<vmem>>
      %dma_wait3A_361 = arith.constant 0 : i32
      %dma_wait3A_362 = tpu.memref_slice %arg10[%add3A_9, %dma_wait3A_361] : memref<10112x112xbf16, #tpu.memory_space<vmem_shared>> -> memref<128x112xbf16, #tpu.memory_space<vmem_shared>>
      %dma_wait3A_363 = arith.constant 0 : i32
      %dma_wait3A_364 = tpu.memref_slice %arg10[%add3A_9, %dma_wait3A_363] : memref<10112x112xbf16, #tpu.memory_space<vmem_shared>> -> memref<128x112xbf16, #tpu.memory_space<vmem_shared>>
      %dma_wait3A_365 = arith.constant 0 : i32
      %dma_wait3A_366 = arith.constant 0 : i32
      %dma_wait3A_367 = tpu.memref_slice %arg9[%run_scoped3A_10, %dma_wait3A_365, %dma_wait3A_366] : memref<5x128x112xbf16, #tpu.memory_space<vmem>> -> memref<1x128x112xbf16, #tpu.memory_space<vmem>>
      %dma_wait3A_368 = tpu.memref_squeeze %dma_wait3A_367 : memref<1x128x112xbf16, #tpu.memory_space<vmem>> -> memref<128x112xbf16, #tpu.memory_space<vmem>>
      %dma_wait3A_369 = arith.constant 0 : i32
      %dma_wait3A_370 = arith.constant 0 : i32
      %dma_wait3A_371 = tpu.memref_slice %dma_wait3A_368[%dma_wait3A_369, %dma_wait3A_370] : memref<128x112xbf16, #tpu.memory_space<vmem>> -> memref<128x112xbf16, #tpu.memory_space<vmem>>
      tpu.wait_dma2 semaphore(%run_scoped3A_335 : memref<!tpu.dma_semaphore, #tpu.memory_space<semaphore_mem>>) src(%dma_wait3A_371 : memref<128x112xbf16, #tpu.memory_space<vmem>>) dst(%dma_wait3A_364 : memref<128x112xbf16, #tpu.memory_space<vmem_shared>>)
      tpu.yield
    }) : () -> ()
    %mul3A_11 = arith.constant 632 : i32
    %mul3A_12 = arith.muli %arg1, %mul3A_11 : i32
    %add3A_13 = arith.constant 256 : i32
    %add3A_14 = arith.addi %mul3A_12, %add3A_13 : i32
    %run_scoped3A_15 = arith.constant 0 : i32
    "tpu.region"() ({
      %run_scoped3A_335 = tpu.sem_alloc : memref<!tpu.dma_semaphore, #tpu.memory_space<semaphore_mem>>
      %dma_start3A_336 = arith.constant 0 : i32
      %dma_start3A_337 = arith.constant 0 : i32
      %dma_start3A_338 = tpu.memref_slice %arg9[%run_scoped3A_15, %dma_start3A_336, %dma_start3A_337] : memref<5x128x112xbf16, #tpu.memory_space<vmem>> -> memref<1x128x112xbf16, #tpu.memory_space<vmem>>
      %dma_start3A_339 = tpu.memref_squeeze %dma_start3A_338 : memref<1x128x112xbf16, #tpu.memory_space<vmem>> -> memref<128x112xbf16, #tpu.memory_space<vmem>>
      %dma_start3A_340 = arith.constant 0 : i32
      %dma_start3A_341 = arith.constant 0 : i32
      %dma_start3A_342 = tpu.memref_slice %dma_start3A_339[%dma_start3A_340, %dma_start3A_341] : memref<128x112xbf16, #tpu.memory_space<vmem>> -> memref<128x112xbf16, #tpu.memory_space<vmem>>
      %dma_start3A_343 = arith.constant 0 : i32
      %dma_start3A_344 = tpu.memref_slice %arg10[%add3A_14, %dma_start3A_343] : memref<10112x112xbf16, #tpu.memory_space<vmem_shared>> -> memref<128x112xbf16, #tpu.memory_space<vmem_shared>>
      %dma_start3A_345 = arith.constant 0 : i32
      %dma_start3A_346 = tpu.memref_slice %arg10[%add3A_14, %dma_start3A_345] : memref<10112x112xbf16, #tpu.memory_space<vmem_shared>> -> memref<128x112xbf16, #tpu.memory_space<vmem_shared>>
      %dma_start3A_347 = arith.constant 0 : i32
      %dma_start3A_348 = arith.constant 0 : i32
      %dma_start3A_349 = tpu.memref_slice %arg9[%run_scoped3A_15, %dma_start3A_347, %dma_start3A_348] : memref<5x128x112xbf16, #tpu.memory_space<vmem>> -> memref<1x128x112xbf16, #tpu.memory_space<vmem>>
      %dma_start3A_350 = tpu.memref_squeeze %dma_start3A_349 : memref<1x128x112xbf16, #tpu.memory_space<vmem>> -> memref<128x112xbf16, #tpu.memory_space<vmem>>
      %dma_start3A_351 = arith.constant 0 : i32
      %dma_start3A_352 = arith.constant 0 : i32
      %dma_start3A_353 = tpu.memref_slice %dma_start3A_350[%dma_start3A_351, %dma_start3A_352] : memref<128x112xbf16, #tpu.memory_space<vmem>> -> memref<128x112xbf16, #tpu.memory_space<vmem>>
      tpu.enqueue_dma source(%dma_start3A_353 : memref<128x112xbf16, #tpu.memory_space<vmem>>) target(%dma_start3A_346 : memref<128x112xbf16, #tpu.memory_space<vmem_shared>>) target_semaphore(%run_scoped3A_335 : memref<!tpu.dma_semaphore, #tpu.memory_space<semaphore_mem>>)
      %dma_wait3A_354 = arith.constant 0 : i32
      %dma_wait3A_355 = arith.constant 0 : i32
      %dma_wait3A_356 = tpu.memref_slice %arg9[%run_scoped3A_15, %dma_wait3A_354, %dma_wait3A_355] : memref<5x128x112xbf16, #tpu.memory_space<vmem>> -> memref<1x128x112xbf16, #tpu.memory_space<vmem>>
      %dma_wait3A_357 = tpu.memref_squeeze %dma_wait3A_356 : memref<1x128x112xbf16, #tpu.memory_space<vmem>> -> memref<128x112xbf16, #tpu.memory_space<vmem>>
      %dma_wait3A_358 = arith.constant 0 : i32
      %dma_wait3A_359 = arith.constant 0 : i32
      %dma_wait3A_360 = tpu.memref_slice %dma_wait3A_357[%dma_wait3A_358, %dma_wait3A_359] : memref<128x112xbf16, #tpu.memory_space<vmem>> -> memref<128x112xbf16, #tpu.memory_space<vmem>>
      %dma_wait3A_361 = arith.constant 0 : i32
      %dma_wait3A_362 = tpu.memref_slice %arg10[%add3A_14, %dma_wait3A_361] : memref<10112x112xbf16, #tpu.memory_space<vmem_shared>> -> memref<128x112xbf16, #tpu.memory_space<vmem_shared>>
      %dma_wait3A_363 = arith.constant 0 : i32
      %dma_wait3A_364 = tpu.memref_slice %arg10[%add3A_14, %dma_wait3A_363] : memref<10112x112xbf16, #tpu.memory_space<vmem_shared>> -> memref<128x112xbf16, #tpu.memory_space<vmem_shared>>
      %dma_wait3A_365 = arith.constant 0 : i32
      %dma_wait3A_366 = arith.constant 0 : i32
      %dma_wait3A_367 = tpu.memref_slice %arg9[%run_scoped3A_15, %dma_wait3A_365, %dma_wait3A_366] : memref<5x128x112xbf16, #tpu.memory_space<vmem>> -> memref<1x128x112xbf16, #tpu.memory_space<vmem>>
      %dma_wait3A_368 = tpu.memref_squeeze %dma_wait3A_367 : memref<1x128x112xbf16, #tpu.memory_space<vmem>> -> memref<128x112xbf16, #tpu.memory_space<vmem>>
      %dma_wait3A_369 = arith.constant 0 : i32
      %dma_wait3A_370 = arith.constant 0 : i32
      %dma_wait3A_371 = tpu.memref_slice %dma_wait3A_368[%dma_wait3A_369, %dma_wait3A_370] : memref<128x112xbf16, #tpu.memory_space<vmem>> -> memref<128x112xbf16, #tpu.memory_space<vmem>>
      tpu.wait_dma2 semaphore(%run_scoped3A_335 : memref<!tpu.dma_semaphore, #tpu.memory_space<semaphore_mem>>) src(%dma_wait3A_371 : memref<128x112xbf16, #tpu.memory_space<vmem>>) dst(%dma_wait3A_364 : memref<128x112xbf16, #tpu.memory_space<vmem_shared>>)
      tpu.yield
    }) : () -> ()
    %mul3A_16 = arith.constant 632 : i32
    %mul3A_17 = arith.muli %arg1, %mul3A_16 : i32
    %add3A_18 = arith.constant 384 : i32
    %add3A_19 = arith.addi %mul3A_17, %add3A_18 : i32
    %run_scoped3A_20 = arith.constant 0 : i32
    "tpu.region"() ({
      %run_scoped3A_335 = tpu.sem_alloc : memref<!tpu.dma_semaphore, #tpu.memory_space<semaphore_mem>>
      %dma_start3A_336 = arith.constant 0 : i32
      %dma_start3A_337 = arith.constant 0 : i32
      %dma_start3A_338 = tpu.memref_slice %arg9[%run_scoped3A_20, %dma_start3A_336, %dma_start3A_337] : memref<5x128x112xbf16, #tpu.memory_space<vmem>> -> memref<1x128x112xbf16, #tpu.memory_space<vmem>>
      %dma_start3A_339 = tpu.memref_squeeze %dma_start3A_338 : memref<1x128x112xbf16, #tpu.memory_space<vmem>> -> memref<128x112xbf16, #tpu.memory_space<vmem>>
      %dma_start3A_340 = arith.constant 0 : i32
      %dma_start3A_341 = arith.constant 0 : i32
      %dma_start3A_342 = tpu.memref_slice %dma_start3A_339[%dma_start3A_340, %dma_start3A_341] : memref<128x112xbf16, #tpu.memory_space<vmem>> -> memref<128x112xbf16, #tpu.memory_space<vmem>>
      %dma_start3A_343 = arith.constant 0 : i32
      %dma_start3A_344 = tpu.memref_slice %arg10[%add3A_19, %dma_start3A_343] : memref<10112x112xbf16, #tpu.memory_space<vmem_shared>> -> memref<128x112xbf16, #tpu.memory_space<vmem_shared>>
      %dma_start3A_345 = arith.constant 0 : i32
      %dma_start3A_346 = tpu.memref_slice %arg10[%add3A_19, %dma_start3A_345] : memref<10112x112xbf16, #tpu.memory_space<vmem_shared>> -> memref<128x112xbf16, #tpu.memory_space<vmem_shared>>
      %dma_start3A_347 = arith.constant 0 : i32
      %dma_start3A_348 = arith.constant 0 : i32
      %dma_start3A_349 = tpu.memref_slice %arg9[%run_scoped3A_20, %dma_start3A_347, %dma_start3A_348] : memref<5x128x112xbf16, #tpu.memory_space<vmem>> -> memref<1x128x112xbf16, #tpu.memory_space<vmem>>
      %dma_start3A_350 = tpu.memref_squeeze %dma_start3A_349 : memref<1x128x112xbf16, #tpu.memory_space<vmem>> -> memref<128x112xbf16, #tpu.memory_space<vmem>>
      %dma_start3A_351 = arith.constant 0 : i32
      %dma_start3A_352 = arith.constant 0 : i32
      %dma_start3A_353 = tpu.memref_slice %dma_start3A_350[%dma_start3A_351, %dma_start3A_352] : memref<128x112xbf16, #tpu.memory_space<vmem>> -> memref<128x112xbf16, #tpu.memory_space<vmem>>
      tpu.enqueue_dma source(%dma_start3A_353 : memref<128x112xbf16, #tpu.memory_space<vmem>>) target(%dma_start3A_346 : memref<128x112xbf16, #tpu.memory_space<vmem_shared>>) target_semaphore(%run_scoped3A_335 : memref<!tpu.dma_semaphore, #tpu.memory_space<semaphore_mem>>)
      %dma_wait3A_354 = arith.constant 0 : i32
      %dma_wait3A_355 = arith.constant 0 : i32
      %dma_wait3A_356 = tpu.memref_slice %arg9[%run_scoped3A_20, %dma_wait3A_354, %dma_wait3A_355] : memref<5x128x112xbf16, #tpu.memory_space<vmem>> -> memref<1x128x112xbf16, #tpu.memory_space<vmem>>
      %dma_wait3A_357 = tpu.memref_squeeze %dma_wait3A_356 : memref<1x128x112xbf16, #tpu.memory_space<vmem>> -> memref<128x112xbf16, #tpu.memory_space<vmem>>
      %dma_wait3A_358 = arith.constant 0 : i32
      %dma_wait3A_359 = arith.constant 0 : i32
      %dma_wait3A_360 = tpu.memref_slice %dma_wait3A_357[%dma_wait3A_358, %dma_wait3A_359] : memref<128x112xbf16, #tpu.memory_space<vmem>> -> memref<128x112xbf16, #tpu.memory_space<vmem>>
      %dma_wait3A_361 = arith.constant 0 : i32
      %dma_wait3A_362 = tpu.memref_slice %arg10[%add3A_19, %dma_wait3A_361] : memref<10112x112xbf16, #tpu.memory_space<vmem_shared>> -> memref<128x112xbf16, #tpu.memory_space<vmem_shared>>
      %dma_wait3A_363 = arith.constant 0 : i32
      %dma_wait3A_364 = tpu.memref_slice %arg10[%add3A_19, %dma_wait3A_363] : memref<10112x112xbf16, #tpu.memory_space<vmem_shared>> -> memref<128x112xbf16, #tpu.memory_space<vmem_shared>>
      %dma_wait3A_365 = arith.constant 0 : i32
      %dma_wait3A_366 = arith.constant 0 : i32
      %dma_wait3A_367 = tpu.memref_slice %arg9[%run_scoped3A_20, %dma_wait3A_365, %dma_wait3A_366] : memref<5x128x112xbf16, #tpu.memory_space<vmem>> -> memref<1x128x112xbf16, #tpu.memory_space<vmem>>
      %dma_wait3A_368 = tpu.memref_squeeze %dma_wait3A_367 : memref<1x128x112xbf16, #tpu.memory_space<vmem>> -> memref<128x112xbf16, #tpu.memory_space<vmem>>
      %dma_wait3A_369 = arith.constant 0 : i32
      %dma_wait3A_370 = arith.constant 0 : i32
      %dma_wait3A_371 = tpu.memref_slice %dma_wait3A_368[%dma_wait3A_369, %dma_wait3A_370] : memref<128x112xbf16, #tpu.memory_space<vmem>> -> memref<128x112xbf16, #tpu.memory_space<vmem>>
      tpu.wait_dma2 semaphore(%run_scoped3A_335 : memref<!tpu.dma_semaphore, #tpu.memory_space<semaphore_mem>>) src(%dma_wait3A_371 : memref<128x112xbf16, #tpu.memory_space<vmem>>) dst(%dma_wait3A_364 : memref<128x112xbf16, #tpu.memory_space<vmem_shared>>)
      tpu.yield
    }) : () -> ()
    %mul3A_21 = arith.constant 632 : i32
    %mul3A_22 = arith.muli %arg1, %mul3A_21 : i32
    %add3A_23 = arith.constant 512 : i32
    %add3A_24 = arith.addi %mul3A_22, %add3A_23 : i32
    %run_scoped3A_25 = arith.constant 0 : i32
    "tpu.region"() ({
      %run_scoped3A_335 = tpu.sem_alloc : memref<!tpu.dma_semaphore, #tpu.memory_space<semaphore_mem>>
      %dma_start3A_336 = arith.constant 0 : i32
      %dma_start3A_337 = arith.constant 0 : i32
      %dma_start3A_338 = tpu.memref_slice %arg9[%run_scoped3A_25, %dma_start3A_336, %dma_start3A_337] : memref<5x128x112xbf16, #tpu.memory_space<vmem>> -> memref<1x128x112xbf16, #tpu.memory_space<vmem>>
      %dma_start3A_339 = tpu.memref_squeeze %dma_start3A_338 : memref<1x128x112xbf16, #tpu.memory_space<vmem>> -> memref<128x112xbf16, #tpu.memory_space<vmem>>
      %dma_start3A_340 = arith.constant 0 : i32
      %dma_start3A_341 = arith.constant 0 : i32
      %dma_start3A_342 = tpu.memref_slice %dma_start3A_339[%dma_start3A_340, %dma_start3A_341] : memref<128x112xbf16, #tpu.memory_space<vmem>> -> memref<120x112xbf16, #tpu.memory_space<vmem>>
      %dma_start3A_343 = arith.constant 0 : i32
      %dma_start3A_344 = tpu.memref_slice %arg10[%add3A_24, %dma_start3A_343] : memref<10112x112xbf16, #tpu.memory_space<vmem_shared>> -> memref<120x112xbf16, #tpu.memory_space<vmem_shared>>
      %dma_start3A_345 = arith.constant 0 : i32
      %dma_start3A_346 = tpu.memref_slice %arg10[%add3A_24, %dma_start3A_345] : memref<10112x112xbf16, #tpu.memory_space<vmem_shared>> -> memref<120x112xbf16, #tpu.memory_space<vmem_shared>>
      %dma_start3A_347 = arith.constant 0 : i32
      %dma_start3A_348 = arith.constant 0 : i32
      %dma_start3A_349 = tpu.memref_slice %arg9[%run_scoped3A_25, %dma_start3A_347, %dma_start3A_348] : memref<5x128x112xbf16, #tpu.memory_space<vmem>> -> memref<1x128x112xbf16, #tpu.memory_space<vmem>>
      %dma_start3A_350 = tpu.memref_squeeze %dma_start3A_349 : memref<1x128x112xbf16, #tpu.memory_space<vmem>> -> memref<128x112xbf16, #tpu.memory_space<vmem>>
      %dma_start3A_351 = arith.constant 0 : i32
      %dma_start3A_352 = arith.constant 0 : i32
      %dma_start3A_353 = tpu.memref_slice %dma_start3A_350[%dma_start3A_351, %dma_start3A_352] : memref<128x112xbf16, #tpu.memory_space<vmem>> -> memref<120x112xbf16, #tpu.memory_space<vmem>>
      tpu.enqueue_dma source(%dma_start3A_353 : memref<120x112xbf16, #tpu.memory_space<vmem>>) target(%dma_start3A_346 : memref<120x112xbf16, #tpu.memory_space<vmem_shared>>) target_semaphore(%run_scoped3A_335 : memref<!tpu.dma_semaphore, #tpu.memory_space<semaphore_mem>>)
      %dma_wait3A_354 = arith.constant 0 : i32
      %dma_wait3A_355 = arith.constant 0 : i32
      %dma_wait3A_356 = tpu.memref_slice %arg9[%run_scoped3A_25, %dma_wait3A_354, %dma_wait3A_355] : memref<5x128x112xbf16, #tpu.memory_space<vmem>> -> memref<1x128x112xbf16, #tpu.memory_space<vmem>>
      %dma_wait3A_357 = tpu.memref_squeeze %dma_wait3A_356 : memref<1x128x112xbf16, #tpu.memory_space<vmem>> -> memref<128x112xbf16, #tpu.memory_space<vmem>>
      %dma_wait3A_358 = arith.constant 0 : i32
      %dma_wait3A_359 = arith.constant 0 : i32
      %dma_wait3A_360 = tpu.memref_slice %dma_wait3A_357[%dma_wait3A_358, %dma_wait3A_359] : memref<128x112xbf16, #tpu.memory_space<vmem>> -> memref<120x112xbf16, #tpu.memory_space<vmem>>
      %dma_wait3A_361 = arith.constant 0 : i32
      %dma_wait3A_362 = tpu.memref_slice %arg10[%add3A_24, %dma_wait3A_361] : memref<10112x112xbf16, #tpu.memory_space<vmem_shared>> -> memref<120x112xbf16, #tpu.memory_space<vmem_shared>>
      %dma_wait3A_363 = arith.constant 0 : i32
      %dma_wait3A_364 = tpu.memref_slice %arg10[%add3A_24, %dma_wait3A_363] : memref<10112x112xbf16, #tpu.memory_space<vmem_shared>> -> memref<120x112xbf16, #tpu.memory_space<vmem_shared>>
      %dma_wait3A_365 = arith.constant 0 : i32
      %dma_wait3A_366 = arith.constant 0 : i32
      %dma_wait3A_367 = tpu.memref_slice %arg9[%run_scoped3A_25, %dma_wait3A_365, %dma_wait3A_366] : memref<5x128x112xbf16, #tpu.memory_space<vmem>> -> memref<1x128x112xbf16, #tpu.memory_space<vmem>>
      %dma_wait3A_368 = tpu.memref_squeeze %dma_wait3A_367 : memref<1x128x112xbf16, #tpu.memory_space<vmem>> -> memref<128x112xbf16, #tpu.memory_space<vmem>>
      %dma_wait3A_369 = arith.constant 0 : i32
      %dma_wait3A_370 = arith.constant 0 : i32
      %dma_wait3A_371 = tpu.memref_slice %dma_wait3A_368[%dma_wait3A_369, %dma_wait3A_370] : memref<128x112xbf16, #tpu.memory_space<vmem>> -> memref<120x112xbf16, #tpu.memory_space<vmem>>
      tpu.wait_dma2 semaphore(%run_scoped3A_335 : memref<!tpu.dma_semaphore, #tpu.memory_space<semaphore_mem>>) src(%dma_wait3A_371 : memref<120x112xbf16, #tpu.memory_space<vmem>>) dst(%dma_wait3A_364 : memref<120x112xbf16, #tpu.memory_space<vmem_shared>>)
      tpu.yield
    }) : () -> ()
    "tpu.region"() ({
      %run_scoped3A_335 = tpu.sem_alloc : memref<!tpu.dma_semaphore, #tpu.memory_space<semaphore_mem>>
      %dma_start3A_336 = arith.constant 0 : i32
      %dma_start3A_337 = arith.constant 0 : i32
      %dma_start3A_338 = tpu.memref_slice %arg3[%add3A, %dma_start3A_336, %dma_start3A_337] : memref<32x80x128xi32, #tpu.memory_space<hbm>> -> memref<1x80x128xi32, #tpu.memory_space<hbm>>
      %dma_start3A_339 = tpu.memref_squeeze %dma_start3A_338 : memref<1x80x128xi32, #tpu.memory_space<hbm>> -> memref<80x128xi32, #tpu.memory_space<hbm>>
      %dma_start3A_340 = arith.constant 0 : i32
      %dma_start3A_341 = arith.constant 0 : i32
      %dma_start3A_342 = tpu.memref_slice %arg3[%add3A, %dma_start3A_340, %dma_start3A_341] : memref<32x80x128xi32, #tpu.memory_space<hbm>> -> memref<1x80x128xi32, #tpu.memory_space<hbm>>
      %dma_start3A_343 = tpu.memref_squeeze %dma_start3A_342 : memref<1x80x128xi32, #tpu.memory_space<hbm>> -> memref<80x128xi32, #tpu.memory_space<hbm>>
      tpu.enqueue_dma source(%dma_start3A_343 : memref<80x128xi32, #tpu.memory_space<hbm>>) target(%arg7 : memref<80x128xi32, #tpu.memory_space<vmem>>) target_semaphore(%run_scoped3A_335 : memref<!tpu.dma_semaphore, #tpu.memory_space<semaphore_mem>>)
      %dma_wait3A_344 = arith.constant 0 : i32
      %dma_wait3A_345 = arith.constant 0 : i32
      %dma_wait3A_346 = tpu.memref_slice %arg3[%add3A, %dma_wait3A_344, %dma_wait3A_345] : memref<32x80x128xi32, #tpu.memory_space<hbm>> -> memref<1x80x128xi32, #tpu.memory_space<hbm>>
      %dma_wait3A_347 = tpu.memref_squeeze %dma_wait3A_346 : memref<1x80x128xi32, #tpu.memory_space<hbm>> -> memref<80x128xi32, #tpu.memory_space<hbm>>
      %dma_wait3A_348 = arith.constant 0 : i32
      %dma_wait3A_349 = arith.constant 0 : i32
      %dma_wait3A_350 = tpu.memref_slice %arg3[%add3A, %dma_wait3A_348, %dma_wait3A_349] : memref<32x80x128xi32, #tpu.memory_space<hbm>> -> memref<1x80x128xi32, #tpu.memory_space<hbm>>
      %dma_wait3A_351 = tpu.memref_squeeze %dma_wait3A_350 : memref<1x80x128xi32, #tpu.memory_space<hbm>> -> memref<80x128xi32, #tpu.memory_space<hbm>>
      tpu.wait_dma2 semaphore(%run_scoped3A_335 : memref<!tpu.dma_semaphore, #tpu.memory_space<semaphore_mem>>) src(%dma_wait3A_351 : memref<80x128xi32, #tpu.memory_space<hbm>>) dst(%arg7 : memref<80x128xi32, #tpu.memory_space<vmem>>)
      tpu.yield
    }) : () -> ()
    "tpu.region"() ({
      %run_scoped3A_335 = tpu.sem_alloc : memref<!tpu.dma_semaphore, #tpu.memory_space<semaphore_mem>>
      %dma_start3A_336 = arith.constant 0 : i32
      %dma_start3A_337 = arith.constant 0 : i32
      %dma_start3A_338 = tpu.memref_slice %arg4[%add3A, %dma_start3A_336, %dma_start3A_337] : memref<32x80x128xi32, #tpu.memory_space<hbm>> -> memref<1x80x128xi32, #tpu.memory_space<hbm>>
      %dma_start3A_339 = tpu.memref_squeeze %dma_start3A_338 : memref<1x80x128xi32, #tpu.memory_space<hbm>> -> memref<80x128xi32, #tpu.memory_space<hbm>>
      %dma_start3A_340 = arith.constant 0 : i32
      %dma_start3A_341 = arith.constant 0 : i32
      %dma_start3A_342 = tpu.memref_slice %arg4[%add3A, %dma_start3A_340, %dma_start3A_341] : memref<32x80x128xi32, #tpu.memory_space<hbm>> -> memref<1x80x128xi32, #tpu.memory_space<hbm>>
      %dma_start3A_343 = tpu.memref_squeeze %dma_start3A_342 : memref<1x80x128xi32, #tpu.memory_space<hbm>> -> memref<80x128xi32, #tpu.memory_space<hbm>>
      tpu.enqueue_dma source(%dma_start3A_343 : memref<80x128xi32, #tpu.memory_space<hbm>>) target(%arg8 : memref<80x128xi32, #tpu.memory_space<vmem>>) target_semaphore(%run_scoped3A_335 : memref<!tpu.dma_semaphore, #tpu.memory_space<semaphore_mem>>)
      %dma_wait3A_344 = arith.constant 0 : i32
      %dma_wait3A_345 = arith.constant 0 : i32
      %dma_wait3A_346 = tpu.memref_slice %arg4[%add3A, %dma_wait3A_344, %dma_wait3A_345] : memref<32x80x128xi32, #tpu.memory_space<hbm>> -> memref<1x80x128xi32, #tpu.memory_space<hbm>>
      %dma_wait3A_347 = tpu.memref_squeeze %dma_wait3A_346 : memref<1x80x128xi32, #tpu.memory_space<hbm>> -> memref<80x128xi32, #tpu.memory_space<hbm>>
      %dma_wait3A_348 = arith.constant 0 : i32
      %dma_wait3A_349 = arith.constant 0 : i32
      %dma_wait3A_350 = tpu.memref_slice %arg4[%add3A, %dma_wait3A_348, %dma_wait3A_349] : memref<32x80x128xi32, #tpu.memory_space<hbm>> -> memref<1x80x128xi32, #tpu.memory_space<hbm>>
      %dma_wait3A_351 = tpu.memref_squeeze %dma_wait3A_350 : memref<1x80x128xi32, #tpu.memory_space<hbm>> -> memref<80x128xi32, #tpu.memory_space<hbm>>
      tpu.wait_dma2 semaphore(%run_scoped3A_335 : memref<!tpu.dma_semaphore, #tpu.memory_space<semaphore_mem>>) src(%dma_wait3A_351 : memref<80x128xi32, #tpu.memory_space<hbm>>) dst(%arg8 : memref<80x128xi32, #tpu.memory_space<vmem>>)
      tpu.yield
    }) : () -> ()
    %barrier3A = arith.constant 0 : index
    tpu.barrier barrier_id(%barrier3A)
    %dma_start3A = arith.constant 0 : i32
    %dma_start3A_26 = arith.constant 0 : i32
    %dma_start3A_27 = arith.constant 0 : i32
    %dma_start3A_28 = arith.constant 0 : i32
    %dma_start3A_29 = tpu.memref_slice %arg9[%dma_start3A_26, %dma_start3A_27, %dma_start3A_28] : memref<5x128x112xbf16, #tpu.memory_space<vmem>> -> memref<1x128x112xbf16, #tpu.memory_space<vmem>>
    %dma_start3A_30 = tpu.memref_squeeze %dma_start3A_29 : memref<1x128x112xbf16, #tpu.memory_space<vmem>> -> memref<128x112xbf16, #tpu.memory_space<vmem>>
    %dma_start3A_31 = arith.constant 0 : i32
    %dma_start3A_32 = tpu.memref_slice %arg7[%dma_start3A, %dma_start3A_31] : memref<80x128xi32, #tpu.memory_space<vmem>> -> memref<1x128xi32, #tpu.memory_space<vmem>>
    %dma_start3A_33 = tpu.memref_squeeze %dma_start3A_32 : memref<1x128xi32, #tpu.memory_space<vmem>> -> memref<128xi32, #tpu.memory_space<vmem>>
    %dma_start3A_34 = arith.constant 0 : i32
    %dma_start3A_35 = arith.constant 0 : i32
    %dma_start3A_36 = tpu.memref_slice %arg2[%dma_start3A_34, %dma_start3A_35] : memref<10000x112xbf16, #tpu.memory_space<hbm>> -> memref<10000x112xbf16, #tpu.memory_space<hbm>>
    tpu.enqueue_indirect_dma source(%dma_start3A_36 : memref<10000x112xbf16, #tpu.memory_space<hbm>>) target(%dma_start3A_30 : memref<128x112xbf16, #tpu.memory_space<vmem>>) offsets(%dma_start3A_33 : memref<128xi32, #tpu.memory_space<vmem>>) semaphore(%arg11 : memref<!tpu.dma_semaphore, #tpu.memory_space<semaphore_mem>>)
    %dma_start3A_37 = arith.constant 1 : i32
    %dma_start3A_38 = arith.constant 1 : i32
    %dma_start3A_39 = arith.constant 0 : i32
    %dma_start3A_40 = arith.constant 0 : i32
    %dma_start3A_41 = tpu.memref_slice %arg9[%dma_start3A_38, %dma_start3A_39, %dma_start3A_40] : memref<5x128x112xbf16, #tpu.memory_space<vmem>> -> memref<1x128x112xbf16, #tpu.memory_space<vmem>>
    %dma_start3A_42 = tpu.memref_squeeze %dma_start3A_41 : memref<1x128x112xbf16, #tpu.memory_space<vmem>> -> memref<128x112xbf16, #tpu.memory_space<vmem>>
    %dma_start3A_43 = arith.constant 0 : i32
    %dma_start3A_44 = tpu.memref_slice %arg7[%dma_start3A_37, %dma_start3A_43] : memref<80x128xi32, #tpu.memory_space<vmem>> -> memref<1x128xi32, #tpu.memory_space<vmem>>
    %dma_start3A_45 = tpu.memref_squeeze %dma_start3A_44 : memref<1x128xi32, #tpu.memory_space<vmem>> -> memref<128xi32, #tpu.memory_space<vmem>>
    %dma_start3A_46 = arith.constant 0 : i32
    %dma_start3A_47 = arith.constant 0 : i32
    %dma_start3A_48 = tpu.memref_slice %arg2[%dma_start3A_46, %dma_start3A_47] : memref<10000x112xbf16, #tpu.memory_space<hbm>> -> memref<10000x112xbf16, #tpu.memory_space<hbm>>
    tpu.enqueue_indirect_dma source(%dma_start3A_48 : memref<10000x112xbf16, #tpu.memory_space<hbm>>) target(%dma_start3A_42 : memref<128x112xbf16, #tpu.memory_space<vmem>>) offsets(%dma_start3A_45 : memref<128xi32, #tpu.memory_space<vmem>>) semaphore(%arg12 : memref<!tpu.dma_semaphore, #tpu.memory_space<semaphore_mem>>)
    %dma_start3A_49 = arith.constant 2 : i32
    %dma_start3A_50 = arith.constant 2 : i32
    %dma_start3A_51 = arith.constant 0 : i32
    %dma_start3A_52 = arith.constant 0 : i32
    %dma_start3A_53 = tpu.memref_slice %arg9[%dma_start3A_50, %dma_start3A_51, %dma_start3A_52] : memref<5x128x112xbf16, #tpu.memory_space<vmem>> -> memref<1x128x112xbf16, #tpu.memory_space<vmem>>
    %dma_start3A_54 = tpu.memref_squeeze %dma_start3A_53 : memref<1x128x112xbf16, #tpu.memory_space<vmem>> -> memref<128x112xbf16, #tpu.memory_space<vmem>>
    %dma_start3A_55 = arith.constant 0 : i32
    %dma_start3A_56 = tpu.memref_slice %arg7[%dma_start3A_49, %dma_start3A_55] : memref<80x128xi32, #tpu.memory_space<vmem>> -> memref<1x128xi32, #tpu.memory_space<vmem>>
    %dma_start3A_57 = tpu.memref_squeeze %dma_start3A_56 : memref<1x128xi32, #tpu.memory_space<vmem>> -> memref<128xi32, #tpu.memory_space<vmem>>
    %dma_start3A_58 = arith.constant 0 : i32
    %dma_start3A_59 = arith.constant 0 : i32
    %dma_start3A_60 = tpu.memref_slice %arg2[%dma_start3A_58, %dma_start3A_59] : memref<10000x112xbf16, #tpu.memory_space<hbm>> -> memref<10000x112xbf16, #tpu.memory_space<hbm>>
    tpu.enqueue_indirect_dma source(%dma_start3A_60 : memref<10000x112xbf16, #tpu.memory_space<hbm>>) target(%dma_start3A_54 : memref<128x112xbf16, #tpu.memory_space<vmem>>) offsets(%dma_start3A_57 : memref<128xi32, #tpu.memory_space<vmem>>) semaphore(%arg13 : memref<!tpu.dma_semaphore, #tpu.memory_space<semaphore_mem>>)
    %dma_start3A_61 = arith.constant 3 : i32
    %dma_start3A_62 = arith.constant 3 : i32
    %dma_start3A_63 = arith.constant 0 : i32
    %dma_start3A_64 = arith.constant 0 : i32
    %dma_start3A_65 = tpu.memref_slice %arg9[%dma_start3A_62, %dma_start3A_63, %dma_start3A_64] : memref<5x128x112xbf16, #tpu.memory_space<vmem>> -> memref<1x128x112xbf16, #tpu.memory_space<vmem>>
    %dma_start3A_66 = tpu.memref_squeeze %dma_start3A_65 : memref<1x128x112xbf16, #tpu.memory_space<vmem>> -> memref<128x112xbf16, #tpu.memory_space<vmem>>
    %dma_start3A_67 = arith.constant 0 : i32
    %dma_start3A_68 = tpu.memref_slice %arg7[%dma_start3A_61, %dma_start3A_67] : memref<80x128xi32, #tpu.memory_space<vmem>> -> memref<1x128xi32, #tpu.memory_space<vmem>>
    %dma_start3A_69 = tpu.memref_squeeze %dma_start3A_68 : memref<1x128xi32, #tpu.memory_space<vmem>> -> memref<128xi32, #tpu.memory_space<vmem>>
    %dma_start3A_70 = arith.constant 0 : i32
    %dma_start3A_71 = arith.constant 0 : i32
    %dma_start3A_72 = tpu.memref_slice %arg2[%dma_start3A_70, %dma_start3A_71] : memref<10000x112xbf16, #tpu.memory_space<hbm>> -> memref<10000x112xbf16, #tpu.memory_space<hbm>>
    tpu.enqueue_indirect_dma source(%dma_start3A_72 : memref<10000x112xbf16, #tpu.memory_space<hbm>>) target(%dma_start3A_66 : memref<128x112xbf16, #tpu.memory_space<vmem>>) offsets(%dma_start3A_69 : memref<128xi32, #tpu.memory_space<vmem>>) semaphore(%arg14 : memref<!tpu.dma_semaphore, #tpu.memory_space<semaphore_mem>>)
    %dma_start3A_73 = arith.constant 4 : i32
    %dma_start3A_74 = arith.constant 4 : i32
    %dma_start3A_75 = arith.constant 0 : i32
    %dma_start3A_76 = arith.constant 0 : i32
    %dma_start3A_77 = tpu.memref_slice %arg9[%dma_start3A_74, %dma_start3A_75, %dma_start3A_76] : memref<5x128x112xbf16, #tpu.memory_space<vmem>> -> memref<1x128x112xbf16, #tpu.memory_space<vmem>>
    %dma_start3A_78 = tpu.memref_squeeze %dma_start3A_77 : memref<1x128x112xbf16, #tpu.memory_space<vmem>> -> memref<128x112xbf16, #tpu.memory_space<vmem>>
    %dma_start3A_79 = arith.constant 0 : i32
    %dma_start3A_80 = tpu.memref_slice %arg7[%dma_start3A_73, %dma_start3A_79] : memref<80x128xi32, #tpu.memory_space<vmem>> -> memref<1x128xi32, #tpu.memory_space<vmem>>
    %dma_start3A_81 = tpu.memref_squeeze %dma_start3A_80 : memref<1x128xi32, #tpu.memory_space<vmem>> -> memref<128xi32, #tpu.memory_space<vmem>>
    %dma_start3A_82 = arith.constant 0 : i32
    %dma_start3A_83 = arith.constant 0 : i32
    %dma_start3A_84 = tpu.memref_slice %arg2[%dma_start3A_82, %dma_start3A_83] : memref<10000x112xbf16, #tpu.memory_space<hbm>> -> memref<10000x112xbf16, #tpu.memory_space<hbm>>
    tpu.enqueue_indirect_dma source(%dma_start3A_84 : memref<10000x112xbf16, #tpu.memory_space<hbm>>) target(%dma_start3A_78 : memref<128x112xbf16, #tpu.memory_space<vmem>>) offsets(%dma_start3A_81 : memref<128xi32, #tpu.memory_space<vmem>>) semaphore(%arg15 : memref<!tpu.dma_semaphore, #tpu.memory_space<semaphore_mem>>)
    %scan3A = arith.constant 0 : i32
    %scan3A_85 = arith.constant 0 : i32
    %scan3A_86 = arith.constant 15 : i32
    %scan3A_87 = arith.addi %scan3A_85, %scan3A_86 : i32
    %scan3A_88 = arith.constant 1 : i32
    scf.for %scan3A_335 = %scan3A_85 to %scan3A_87 step %scan3A_88  : i32 {
      %mul3A_336 = arith.constant 5 : i32
      %mul3A_337 = arith.muli %scan3A_335, %mul3A_336 : i32
      %add3A_338 = arith.constant 0 : i32
      %add3A_339 = arith.addi %mul3A_337, %add3A_338 : i32
      %dma_wait3A_340 = arith.constant 0 : i32
      %dma_wait3A_341 = arith.constant 0 : i32
      %dma_wait3A_342 = arith.constant 0 : i32
      %dma_wait3A_343 = tpu.memref_slice %arg9[%dma_wait3A_340, %dma_wait3A_341, %dma_wait3A_342] : memref<5x128x112xbf16, #tpu.memory_space<vmem>> -> memref<1x128x112xbf16, #tpu.memory_space<vmem>>
      %dma_wait3A_344 = tpu.memref_squeeze %dma_wait3A_343 : memref<1x128x112xbf16, #tpu.memory_space<vmem>> -> memref<128x112xbf16, #tpu.memory_space<vmem>>
      %dma_wait3A_345 = arith.constant 0 : i32
      %dma_wait3A_346 = tpu.memref_slice %arg7[%add3A_339, %dma_wait3A_345] : memref<80x128xi32, #tpu.memory_space<vmem>> -> memref<1x128xi32, #tpu.memory_space<vmem>>
      %dma_wait3A_347 = tpu.memref_squeeze %dma_wait3A_346 : memref<1x128xi32, #tpu.memory_space<vmem>> -> memref<128xi32, #tpu.memory_space<vmem>>
      %dma_wait3A_348 = arith.constant 0 : i32
      %dma_wait3A_349 = arith.constant 0 : i32
      %dma_wait3A_350 = tpu.memref_slice %arg2[%dma_wait3A_348, %dma_wait3A_349] : memref<10000x112xbf16, #tpu.memory_space<hbm>> -> memref<10000x112xbf16, #tpu.memory_space<hbm>>
      tpu.wait_indirect_dma semaphore(%arg11 : memref<!tpu.dma_semaphore, #tpu.memory_space<semaphore_mem>>) src(%dma_wait3A_350 : memref<10000x112xbf16, #tpu.memory_space<hbm>>) dst(%dma_wait3A_344 : memref<128x112xbf16, #tpu.memory_space<vmem>>)
      %dma_start3A_351 = arith.constant 0 : i32
      %dma_start3A_352 = arith.constant 0 : i32
      %dma_start3A_353 = arith.constant 0 : i32
      %dma_start3A_354 = tpu.memref_slice %arg9[%dma_start3A_351, %dma_start3A_352, %dma_start3A_353] : memref<5x128x112xbf16, #tpu.memory_space<vmem>> -> memref<1x128x112xbf16, #tpu.memory_space<vmem>>
      %dma_start3A_355 = tpu.memref_squeeze %dma_start3A_354 : memref<1x128x112xbf16, #tpu.memory_space<vmem>> -> memref<128x112xbf16, #tpu.memory_space<vmem>>
      %dma_start3A_356 = arith.constant 0 : i32
      %dma_start3A_357 = tpu.memref_slice %arg8[%add3A_339, %dma_start3A_356] : memref<80x128xi32, #tpu.memory_space<vmem>> -> memref<1x128xi32, #tpu.memory_space<vmem>>
      %dma_start3A_358 = tpu.memref_squeeze %dma_start3A_357 : memref<1x128xi32, #tpu.memory_space<vmem>> -> memref<128xi32, #tpu.memory_space<vmem>>
      %dma_start3A_359 = arith.constant 0 : i32
      %dma_start3A_360 = arith.constant 0 : i32
      %dma_start3A_361 = tpu.memref_slice %arg10[%dma_start3A_359, %dma_start3A_360] : memref<10112x112xbf16, #tpu.memory_space<vmem_shared>> -> memref<10112x112xbf16, #tpu.memory_space<vmem_shared>>
      tpu.enqueue_indirect_dma source(%dma_start3A_355 : memref<128x112xbf16, #tpu.memory_space<vmem>>) target(%dma_start3A_361 : memref<10112x112xbf16, #tpu.memory_space<vmem_shared>>) offsets(%dma_start3A_358 : memref<128xi32, #tpu.memory_space<vmem>>) semaphore(%arg16 : memref<!tpu.dma_semaphore, #tpu.memory_space<semaphore_mem>>) {add = true}
      %dma_wait3A_362 = arith.constant 0 : i32
      %dma_wait3A_363 = arith.constant 0 : i32
      %dma_wait3A_364 = arith.constant 0 : i32
      %dma_wait3A_365 = tpu.memref_slice %arg9[%dma_wait3A_362, %dma_wait3A_363, %dma_wait3A_364] : memref<5x128x112xbf16, #tpu.memory_space<vmem>> -> memref<1x128x112xbf16, #tpu.memory_space<vmem>>
      %dma_wait3A_366 = tpu.memref_squeeze %dma_wait3A_365 : memref<1x128x112xbf16, #tpu.memory_space<vmem>> -> memref<128x112xbf16, #tpu.memory_space<vmem>>
      %dma_wait3A_367 = arith.constant 0 : i32
      %dma_wait3A_368 = tpu.memref_slice %arg8[%add3A_339, %dma_wait3A_367] : memref<80x128xi32, #tpu.memory_space<vmem>> -> memref<1x128xi32, #tpu.memory_space<vmem>>
      %dma_wait3A_369 = tpu.memref_squeeze %dma_wait3A_368 : memref<1x128xi32, #tpu.memory_space<vmem>> -> memref<128xi32, #tpu.memory_space<vmem>>
      %dma_wait3A_370 = arith.constant 0 : i32
      %dma_wait3A_371 = arith.constant 0 : i32
      %dma_wait3A_372 = tpu.memref_slice %arg10[%dma_wait3A_370, %dma_wait3A_371] : memref<10112x112xbf16, #tpu.memory_space<vmem_shared>> -> memref<10112x112xbf16, #tpu.memory_space<vmem_shared>>
      tpu.wait_indirect_dma semaphore(%arg16 : memref<!tpu.dma_semaphore, #tpu.memory_space<semaphore_mem>>) src(%dma_wait3A_366 : memref<128x112xbf16, #tpu.memory_space<vmem>>) dst(%dma_wait3A_372 : memref<10112x112xbf16, #tpu.memory_space<vmem_shared>>)
      %add3A_373 = arith.constant 5 : i32
      %add3A_374 = arith.addi %add3A_339, %add3A_373 : i32
      %dma_start3A_375 = arith.constant 0 : i32
      %dma_start3A_376 = arith.constant 0 : i32
      %dma_start3A_377 = arith.constant 0 : i32
      %dma_start3A_378 = tpu.memref_slice %arg9[%dma_start3A_375, %dma_start3A_376, %dma_start3A_377] : memref<5x128x112xbf16, #tpu.memory_space<vmem>> -> memref<1x128x112xbf16, #tpu.memory_space<vmem>>
      %dma_start3A_379 = tpu.memref_squeeze %dma_start3A_378 : memref<1x128x112xbf16, #tpu.memory_space<vmem>> -> memref<128x112xbf16, #tpu.memory_space<vmem>>
      %dma_start3A_380 = arith.constant 0 : i32
      %dma_start3A_381 = tpu.memref_slice %arg7[%add3A_374, %dma_start3A_380] : memref<80x128xi32, #tpu.memory_space<vmem>> -> memref<1x128xi32, #tpu.memory_space<vmem>>
      %dma_start3A_382 = tpu.memref_squeeze %dma_start3A_381 : memref<1x128xi32, #tpu.memory_space<vmem>> -> memref<128xi32, #tpu.memory_space<vmem>>
      %dma_start3A_383 = arith.constant 0 : i32
      %dma_start3A_384 = arith.constant 0 : i32
      %dma_start3A_385 = tpu.memref_slice %arg2[%dma_start3A_383, %dma_start3A_384] : memref<10000x112xbf16, #tpu.memory_space<hbm>> -> memref<10000x112xbf16, #tpu.memory_space<hbm>>
      tpu.enqueue_indirect_dma source(%dma_start3A_385 : memref<10000x112xbf16, #tpu.memory_space<hbm>>) target(%dma_start3A_379 : memref<128x112xbf16, #tpu.memory_space<vmem>>) offsets(%dma_start3A_382 : memref<128xi32, #tpu.memory_space<vmem>>) semaphore(%arg11 : memref<!tpu.dma_semaphore, #tpu.memory_space<semaphore_mem>>)
      %mul3A_386 = arith.constant 5 : i32
      %mul3A_387 = arith.muli %scan3A_335, %mul3A_386 : i32
      %add3A_388 = arith.constant 1 : i32
      %add3A_389 = arith.addi %mul3A_387, %add3A_388 : i32
      %dma_wait3A_390 = arith.constant 1 : i32
      %dma_wait3A_391 = arith.constant 0 : i32
      %dma_wait3A_392 = arith.constant 0 : i32
      %dma_wait3A_393 = tpu.memref_slice %arg9[%dma_wait3A_390, %dma_wait3A_391, %dma_wait3A_392] : memref<5x128x112xbf16, #tpu.memory_space<vmem>> -> memref<1x128x112xbf16, #tpu.memory_space<vmem>>
      %dma_wait3A_394 = tpu.memref_squeeze %dma_wait3A_393 : memref<1x128x112xbf16, #tpu.memory_space<vmem>> -> memref<128x112xbf16, #tpu.memory_space<vmem>>
      %dma_wait3A_395 = arith.constant 0 : i32
      %dma_wait3A_396 = tpu.memref_slice %arg7[%add3A_389, %dma_wait3A_395] : memref<80x128xi32, #tpu.memory_space<vmem>> -> memref<1x128xi32, #tpu.memory_space<vmem>>
      %dma_wait3A_397 = tpu.memref_squeeze %dma_wait3A_396 : memref<1x128xi32, #tpu.memory_space<vmem>> -> memref<128xi32, #tpu.memory_space<vmem>>
      %dma_wait3A_398 = arith.constant 0 : i32
      %dma_wait3A_399 = arith.constant 0 : i32
      %dma_wait3A_400 = tpu.memref_slice %arg2[%dma_wait3A_398, %dma_wait3A_399] : memref<10000x112xbf16, #tpu.memory_space<hbm>> -> memref<10000x112xbf16, #tpu.memory_space<hbm>>
      tpu.wait_indirect_dma semaphore(%arg12 : memref<!tpu.dma_semaphore, #tpu.memory_space<semaphore_mem>>) src(%dma_wait3A_400 : memref<10000x112xbf16, #tpu.memory_space<hbm>>) dst(%dma_wait3A_394 : memref<128x112xbf16, #tpu.memory_space<vmem>>)
      %dma_start3A_401 = arith.constant 1 : i32
      %dma_start3A_402 = arith.constant 0 : i32
      %dma_start3A_403 = arith.constant 0 : i32
      %dma_start3A_404 = tpu.memref_slice %arg9[%dma_start3A_401, %dma_start3A_402, %dma_start3A_403] : memref<5x128x112xbf16, #tpu.memory_space<vmem>> -> memref<1x128x112xbf16, #tpu.memory_space<vmem>>
      %dma_start3A_405 = tpu.memref_squeeze %dma_start3A_404 : memref<1x128x112xbf16, #tpu.memory_space<vmem>> -> memref<128x112xbf16, #tpu.memory_space<vmem>>
      %dma_start3A_406 = arith.constant 0 : i32
      %dma_start3A_407 = tpu.memref_slice %arg8[%add3A_389, %dma_start3A_406] : memref<80x128xi32, #tpu.memory_space<vmem>> -> memref<1x128xi32, #tpu.memory_space<vmem>>
      %dma_start3A_408 = tpu.memref_squeeze %dma_start3A_407 : memref<1x128xi32, #tpu.memory_space<vmem>> -> memref<128xi32, #tpu.memory_space<vmem>>
      %dma_start3A_409 = arith.constant 0 : i32
      %dma_start3A_410 = arith.constant 0 : i32
      %dma_start3A_411 = tpu.memref_slice %arg10[%dma_start3A_409, %dma_start3A_410] : memref<10112x112xbf16, #tpu.memory_space<vmem_shared>> -> memref<10112x112xbf16, #tpu.memory_space<vmem_shared>>
      tpu.enqueue_indirect_dma source(%dma_start3A_405 : memref<128x112xbf16, #tpu.memory_space<vmem>>) target(%dma_start3A_411 : memref<10112x112xbf16, #tpu.memory_space<vmem_shared>>) offsets(%dma_start3A_408 : memref<128xi32, #tpu.memory_space<vmem>>) semaphore(%arg17 : memref<!tpu.dma_semaphore, #tpu.memory_space<semaphore_mem>>) {add = true}
      %dma_wait3A_412 = arith.constant 1 : i32
      %dma_wait3A_413 = arith.constant 0 : i32
      %dma_wait3A_414 = arith.constant 0 : i32
      %dma_wait3A_415 = tpu.memref_slice %arg9[%dma_wait3A_412, %dma_wait3A_413, %dma_wait3A_414] : memref<5x128x112xbf16, #tpu.memory_space<vmem>> -> memref<1x128x112xbf16, #tpu.memory_space<vmem>>
      %dma_wait3A_416 = tpu.memref_squeeze %dma_wait3A_415 : memref<1x128x112xbf16, #tpu.memory_space<vmem>> -> memref<128x112xbf16, #tpu.memory_space<vmem>>
      %dma_wait3A_417 = arith.constant 0 : i32
      %dma_wait3A_418 = tpu.memref_slice %arg8[%add3A_389, %dma_wait3A_417] : memref<80x128xi32, #tpu.memory_space<vmem>> -> memref<1x128xi32, #tpu.memory_space<vmem>>
      %dma_wait3A_419 = tpu.memref_squeeze %dma_wait3A_418 : memref<1x128xi32, #tpu.memory_space<vmem>> -> memref<128xi32, #tpu.memory_space<vmem>>
      %dma_wait3A_420 = arith.constant 0 : i32
      %dma_wait3A_421 = arith.constant 0 : i32
      %dma_wait3A_422 = tpu.memref_slice %arg10[%dma_wait3A_420, %dma_wait3A_421] : memref<10112x112xbf16, #tpu.memory_space<vmem_shared>> -> memref<10112x112xbf16, #tpu.memory_space<vmem_shared>>
      tpu.wait_indirect_dma semaphore(%arg17 : memref<!tpu.dma_semaphore, #tpu.memory_space<semaphore_mem>>) src(%dma_wait3A_416 : memref<128x112xbf16, #tpu.memory_space<vmem>>) dst(%dma_wait3A_422 : memref<10112x112xbf16, #tpu.memory_space<vmem_shared>>)
      %add3A_423 = arith.constant 5 : i32
      %add3A_424 = arith.addi %add3A_389, %add3A_423 : i32
      %dma_start3A_425 = arith.constant 1 : i32
      %dma_start3A_426 = arith.constant 0 : i32
      %dma_start3A_427 = arith.constant 0 : i32
      %dma_start3A_428 = tpu.memref_slice %arg9[%dma_start3A_425, %dma_start3A_426, %dma_start3A_427] : memref<5x128x112xbf16, #tpu.memory_space<vmem>> -> memref<1x128x112xbf16, #tpu.memory_space<vmem>>
      %dma_start3A_429 = tpu.memref_squeeze %dma_start3A_428 : memref<1x128x112xbf16, #tpu.memory_space<vmem>> -> memref<128x112xbf16, #tpu.memory_space<vmem>>
      %dma_start3A_430 = arith.constant 0 : i32
      %dma_start3A_431 = tpu.memref_slice %arg7[%add3A_424, %dma_start3A_430] : memref<80x128xi32, #tpu.memory_space<vmem>> -> memref<1x128xi32, #tpu.memory_space<vmem>>
      %dma_start3A_432 = tpu.memref_squeeze %dma_start3A_431 : memref<1x128xi32, #tpu.memory_space<vmem>> -> memref<128xi32, #tpu.memory_space<vmem>>
      %dma_start3A_433 = arith.constant 0 : i32
      %dma_start3A_434 = arith.constant 0 : i32
      %dma_start3A_435 = tpu.memref_slice %arg2[%dma_start3A_433, %dma_start3A_434] : memref<10000x112xbf16, #tpu.memory_space<hbm>> -> memref<10000x112xbf16, #tpu.memory_space<hbm>>
      tpu.enqueue_indirect_dma source(%dma_start3A_435 : memref<10000x112xbf16, #tpu.memory_space<hbm>>) target(%dma_start3A_429 : memref<128x112xbf16, #tpu.memory_space<vmem>>) offsets(%dma_start3A_432 : memref<128xi32, #tpu.memory_space<vmem>>) semaphore(%arg12 : memref<!tpu.dma_semaphore, #tpu.memory_space<semaphore_mem>>)
      %mul3A_436 = arith.constant 5 : i32
      %mul3A_437 = arith.muli %scan3A_335, %mul3A_436 : i32
      %add3A_438 = arith.constant 2 : i32
      %add3A_439 = arith.addi %mul3A_437, %add3A_438 : i32
      %dma_wait3A_440 = arith.constant 2 : i32
      %dma_wait3A_441 = arith.constant 0 : i32
      %dma_wait3A_442 = arith.constant 0 : i32
      %dma_wait3A_443 = tpu.memref_slice %arg9[%dma_wait3A_440, %dma_wait3A_441, %dma_wait3A_442] : memref<5x128x112xbf16, #tpu.memory_space<vmem>> -> memref<1x128x112xbf16, #tpu.memory_space<vmem>>
      %dma_wait3A_444 = tpu.memref_squeeze %dma_wait3A_443 : memref<1x128x112xbf16, #tpu.memory_space<vmem>> -> memref<128x112xbf16, #tpu.memory_space<vmem>>
      %dma_wait3A_445 = arith.constant 0 : i32
      %dma_wait3A_446 = tpu.memref_slice %arg7[%add3A_439, %dma_wait3A_445] : memref<80x128xi32, #tpu.memory_space<vmem>> -> memref<1x128xi32, #tpu.memory_space<vmem>>
      %dma_wait3A_447 = tpu.memref_squeeze %dma_wait3A_446 : memref<1x128xi32, #tpu.memory_space<vmem>> -> memref<128xi32, #tpu.memory_space<vmem>>
      %dma_wait3A_448 = arith.constant 0 : i32
      %dma_wait3A_449 = arith.constant 0 : i32
      %dma_wait3A_450 = tpu.memref_slice %arg2[%dma_wait3A_448, %dma_wait3A_449] : memref<10000x112xbf16, #tpu.memory_space<hbm>> -> memref<10000x112xbf16, #tpu.memory_space<hbm>>
      tpu.wait_indirect_dma semaphore(%arg13 : memref<!tpu.dma_semaphore, #tpu.memory_space<semaphore_mem>>) src(%dma_wait3A_450 : memref<10000x112xbf16, #tpu.memory_space<hbm>>) dst(%dma_wait3A_444 : memref<128x112xbf16, #tpu.memory_space<vmem>>)
      %dma_start3A_451 = arith.constant 2 : i32
      %dma_start3A_452 = arith.constant 0 : i32
      %dma_start3A_453 = arith.constant 0 : i32
      %dma_start3A_454 = tpu.memref_slice %arg9[%dma_start3A_451, %dma_start3A_452, %dma_start3A_453] : memref<5x128x112xbf16, #tpu.memory_space<vmem>> -> memref<1x128x112xbf16, #tpu.memory_space<vmem>>
      %dma_start3A_455 = tpu.memref_squeeze %dma_start3A_454 : memref<1x128x112xbf16, #tpu.memory_space<vmem>> -> memref<128x112xbf16, #tpu.memory_space<vmem>>
      %dma_start3A_456 = arith.constant 0 : i32
      %dma_start3A_457 = tpu.memref_slice %arg8[%add3A_439, %dma_start3A_456] : memref<80x128xi32, #tpu.memory_space<vmem>> -> memref<1x128xi32, #tpu.memory_space<vmem>>
      %dma_start3A_458 = tpu.memref_squeeze %dma_start3A_457 : memref<1x128xi32, #tpu.memory_space<vmem>> -> memref<128xi32, #tpu.memory_space<vmem>>
      %dma_start3A_459 = arith.constant 0 : i32
      %dma_start3A_460 = arith.constant 0 : i32
      %dma_start3A_461 = tpu.memref_slice %arg10[%dma_start3A_459, %dma_start3A_460] : memref<10112x112xbf16, #tpu.memory_space<vmem_shared>> -> memref<10112x112xbf16, #tpu.memory_space<vmem_shared>>
      tpu.enqueue_indirect_dma source(%dma_start3A_455 : memref<128x112xbf16, #tpu.memory_space<vmem>>) target(%dma_start3A_461 : memref<10112x112xbf16, #tpu.memory_space<vmem_shared>>) offsets(%dma_start3A_458 : memref<128xi32, #tpu.memory_space<vmem>>) semaphore(%arg18 : memref<!tpu.dma_semaphore, #tpu.memory_space<semaphore_mem>>) {add = true}
      %dma_wait3A_462 = arith.constant 2 : i32
      %dma_wait3A_463 = arith.constant 0 : i32
      %dma_wait3A_464 = arith.constant 0 : i32
      %dma_wait3A_465 = tpu.memref_slice %arg9[%dma_wait3A_462, %dma_wait3A_463, %dma_wait3A_464] : memref<5x128x112xbf16, #tpu.memory_space<vmem>> -> memref<1x128x112xbf16, #tpu.memory_space<vmem>>
      %dma_wait3A_466 = tpu.memref_squeeze %dma_wait3A_465 : memref<1x128x112xbf16, #tpu.memory_space<vmem>> -> memref<128x112xbf16, #tpu.memory_space<vmem>>
      %dma_wait3A_467 = arith.constant 0 : i32
      %dma_wait3A_468 = tpu.memref_slice %arg8[%add3A_439, %dma_wait3A_467] : memref<80x128xi32, #tpu.memory_space<vmem>> -> memref<1x128xi32, #tpu.memory_space<vmem>>
      %dma_wait3A_469 = tpu.memref_squeeze %dma_wait3A_468 : memref<1x128xi32, #tpu.memory_space<vmem>> -> memref<128xi32, #tpu.memory_space<vmem>>
      %dma_wait3A_470 = arith.constant 0 : i32
      %dma_wait3A_471 = arith.constant 0 : i32
      %dma_wait3A_472 = tpu.memref_slice %arg10[%dma_wait3A_470, %dma_wait3A_471] : memref<10112x112xbf16, #tpu.memory_space<vmem_shared>> -> memref<10112x112xbf16, #tpu.memory_space<vmem_shared>>
      tpu.wait_indirect_dma semaphore(%arg18 : memref<!tpu.dma_semaphore, #tpu.memory_space<semaphore_mem>>) src(%dma_wait3A_466 : memref<128x112xbf16, #tpu.memory_space<vmem>>) dst(%dma_wait3A_472 : memref<10112x112xbf16, #tpu.memory_space<vmem_shared>>)
      %add3A_473 = arith.constant 5 : i32
      %add3A_474 = arith.addi %add3A_439, %add3A_473 : i32
      %dma_start3A_475 = arith.constant 2 : i32
      %dma_start3A_476 = arith.constant 0 : i32
      %dma_start3A_477 = arith.constant 0 : i32
      %dma_start3A_478 = tpu.memref_slice %arg9[%dma_start3A_475, %dma_start3A_476, %dma_start3A_477] : memref<5x128x112xbf16, #tpu.memory_space<vmem>> -> memref<1x128x112xbf16, #tpu.memory_space<vmem>>
      %dma_start3A_479 = tpu.memref_squeeze %dma_start3A_478 : memref<1x128x112xbf16, #tpu.memory_space<vmem>> -> memref<128x112xbf16, #tpu.memory_space<vmem>>
      %dma_start3A_480 = arith.constant 0 : i32
      %dma_start3A_481 = tpu.memref_slice %arg7[%add3A_474, %dma_start3A_480] : memref<80x128xi32, #tpu.memory_space<vmem>> -> memref<1x128xi32, #tpu.memory_space<vmem>>
      %dma_start3A_482 = tpu.memref_squeeze %dma_start3A_481 : memref<1x128xi32, #tpu.memory_space<vmem>> -> memref<128xi32, #tpu.memory_space<vmem>>
      %dma_start3A_483 = arith.constant 0 : i32
      %dma_start3A_484 = arith.constant 0 : i32
      %dma_start3A_485 = tpu.memref_slice %arg2[%dma_start3A_483, %dma_start3A_484] : memref<10000x112xbf16, #tpu.memory_space<hbm>> -> memref<10000x112xbf16, #tpu.memory_space<hbm>>
      tpu.enqueue_indirect_dma source(%dma_start3A_485 : memref<10000x112xbf16, #tpu.memory_space<hbm>>) target(%dma_start3A_479 : memref<128x112xbf16, #tpu.memory_space<vmem>>) offsets(%dma_start3A_482 : memref<128xi32, #tpu.memory_space<vmem>>) semaphore(%arg13 : memref<!tpu.dma_semaphore, #tpu.memory_space<semaphore_mem>>)
      %mul3A_486 = arith.constant 5 : i32
      %mul3A_487 = arith.muli %scan3A_335, %mul3A_486 : i32
      %add3A_488 = arith.constant 3 : i32
      %add3A_489 = arith.addi %mul3A_487, %add3A_488 : i32
      %dma_wait3A_490 = arith.constant 3 : i32
      %dma_wait3A_491 = arith.constant 0 : i32
      %dma_wait3A_492 = arith.constant 0 : i32
      %dma_wait3A_493 = tpu.memref_slice %arg9[%dma_wait3A_490, %dma_wait3A_491, %dma_wait3A_492] : memref<5x128x112xbf16, #tpu.memory_space<vmem>> -> memref<1x128x112xbf16, #tpu.memory_space<vmem>>
      %dma_wait3A_494 = tpu.memref_squeeze %dma_wait3A_493 : memref<1x128x112xbf16, #tpu.memory_space<vmem>> -> memref<128x112xbf16, #tpu.memory_space<vmem>>
      %dma_wait3A_495 = arith.constant 0 : i32
      %dma_wait3A_496 = tpu.memref_slice %arg7[%add3A_489, %dma_wait3A_495] : memref<80x128xi32, #tpu.memory_space<vmem>> -> memref<1x128xi32, #tpu.memory_space<vmem>>
      %dma_wait3A_497 = tpu.memref_squeeze %dma_wait3A_496 : memref<1x128xi32, #tpu.memory_space<vmem>> -> memref<128xi32, #tpu.memory_space<vmem>>
      %dma_wait3A_498 = arith.constant 0 : i32
      %dma_wait3A_499 = arith.constant 0 : i32
      %dma_wait3A_500 = tpu.memref_slice %arg2[%dma_wait3A_498, %dma_wait3A_499] : memref<10000x112xbf16, #tpu.memory_space<hbm>> -> memref<10000x112xbf16, #tpu.memory_space<hbm>>
      tpu.wait_indirect_dma semaphore(%arg14 : memref<!tpu.dma_semaphore, #tpu.memory_space<semaphore_mem>>) src(%dma_wait3A_500 : memref<10000x112xbf16, #tpu.memory_space<hbm>>) dst(%dma_wait3A_494 : memref<128x112xbf16, #tpu.memory_space<vmem>>)
      %dma_start3A_501 = arith.constant 3 : i32
      %dma_start3A_502 = arith.constant 0 : i32
      %dma_start3A_503 = arith.constant 0 : i32
      %dma_start3A_504 = tpu.memref_slice %arg9[%dma_start3A_501, %dma_start3A_502, %dma_start3A_503] : memref<5x128x112xbf16, #tpu.memory_space<vmem>> -> memref<1x128x112xbf16, #tpu.memory_space<vmem>>
      %dma_start3A_505 = tpu.memref_squeeze %dma_start3A_504 : memref<1x128x112xbf16, #tpu.memory_space<vmem>> -> memref<128x112xbf16, #tpu.memory_space<vmem>>
      %dma_start3A_506 = arith.constant 0 : i32
      %dma_start3A_507 = tpu.memref_slice %arg8[%add3A_489, %dma_start3A_506] : memref<80x128xi32, #tpu.memory_space<vmem>> -> memref<1x128xi32, #tpu.memory_space<vmem>>
      %dma_start3A_508 = tpu.memref_squeeze %dma_start3A_507 : memref<1x128xi32, #tpu.memory_space<vmem>> -> memref<128xi32, #tpu.memory_space<vmem>>
      %dma_start3A_509 = arith.constant 0 : i32
      %dma_start3A_510 = arith.constant 0 : i32
      %dma_start3A_511 = tpu.memref_slice %arg10[%dma_start3A_509, %dma_start3A_510] : memref<10112x112xbf16, #tpu.memory_space<vmem_shared>> -> memref<10112x112xbf16, #tpu.memory_space<vmem_shared>>
      tpu.enqueue_indirect_dma source(%dma_start3A_505 : memref<128x112xbf16, #tpu.memory_space<vmem>>) target(%dma_start3A_511 : memref<10112x112xbf16, #tpu.memory_space<vmem_shared>>) offsets(%dma_start3A_508 : memref<128xi32, #tpu.memory_space<vmem>>) semaphore(%arg19 : memref<!tpu.dma_semaphore, #tpu.memory_space<semaphore_mem>>) {add = true}
      %dma_wait3A_512 = arith.constant 3 : i32
      %dma_wait3A_513 = arith.constant 0 : i32
      %dma_wait3A_514 = arith.constant 0 : i32
      %dma_wait3A_515 = tpu.memref_slice %arg9[%dma_wait3A_512, %dma_wait3A_513, %dma_wait3A_514] : memref<5x128x112xbf16, #tpu.memory_space<vmem>> -> memref<1x128x112xbf16, #tpu.memory_space<vmem>>
      %dma_wait3A_516 = tpu.memref_squeeze %dma_wait3A_515 : memref<1x128x112xbf16, #tpu.memory_space<vmem>> -> memref<128x112xbf16, #tpu.memory_space<vmem>>
      %dma_wait3A_517 = arith.constant 0 : i32
      %dma_wait3A_518 = tpu.memref_slice %arg8[%add3A_489, %dma_wait3A_517] : memref<80x128xi32, #tpu.memory_space<vmem>> -> memref<1x128xi32, #tpu.memory_space<vmem>>
      %dma_wait3A_519 = tpu.memref_squeeze %dma_wait3A_518 : memref<1x128xi32, #tpu.memory_space<vmem>> -> memref<128xi32, #tpu.memory_space<vmem>>
      %dma_wait3A_520 = arith.constant 0 : i32
      %dma_wait3A_521 = arith.constant 0 : i32
      %dma_wait3A_522 = tpu.memref_slice %arg10[%dma_wait3A_520, %dma_wait3A_521] : memref<10112x112xbf16, #tpu.memory_space<vmem_shared>> -> memref<10112x112xbf16, #tpu.memory_space<vmem_shared>>
      tpu.wait_indirect_dma semaphore(%arg19 : memref<!tpu.dma_semaphore, #tpu.memory_space<semaphore_mem>>) src(%dma_wait3A_516 : memref<128x112xbf16, #tpu.memory_space<vmem>>) dst(%dma_wait3A_522 : memref<10112x112xbf16, #tpu.memory_space<vmem_shared>>)
      %add3A_523 = arith.constant 5 : i32
      %add3A_524 = arith.addi %add3A_489, %add3A_523 : i32
      %dma_start3A_525 = arith.constant 3 : i32
      %dma_start3A_526 = arith.constant 0 : i32
      %dma_start3A_527 = arith.constant 0 : i32
      %dma_start3A_528 = tpu.memref_slice %arg9[%dma_start3A_525, %dma_start3A_526, %dma_start3A_527] : memref<5x128x112xbf16, #tpu.memory_space<vmem>> -> memref<1x128x112xbf16, #tpu.memory_space<vmem>>
      %dma_start3A_529 = tpu.memref_squeeze %dma_start3A_528 : memref<1x128x112xbf16, #tpu.memory_space<vmem>> -> memref<128x112xbf16, #tpu.memory_space<vmem>>
      %dma_start3A_530 = arith.constant 0 : i32
      %dma_start3A_531 = tpu.memref_slice %arg7[%add3A_524, %dma_start3A_530] : memref<80x128xi32, #tpu.memory_space<vmem>> -> memref<1x128xi32, #tpu.memory_space<vmem>>
      %dma_start3A_532 = tpu.memref_squeeze %dma_start3A_531 : memref<1x128xi32, #tpu.memory_space<vmem>> -> memref<128xi32, #tpu.memory_space<vmem>>
      %dma_start3A_533 = arith.constant 0 : i32
      %dma_start3A_534 = arith.constant 0 : i32
      %dma_start3A_535 = tpu.memref_slice %arg2[%dma_start3A_533, %dma_start3A_534] : memref<10000x112xbf16, #tpu.memory_space<hbm>> -> memref<10000x112xbf16, #tpu.memory_space<hbm>>
      tpu.enqueue_indirect_dma source(%dma_start3A_535 : memref<10000x112xbf16, #tpu.memory_space<hbm>>) target(%dma_start3A_529 : memref<128x112xbf16, #tpu.memory_space<vmem>>) offsets(%dma_start3A_532 : memref<128xi32, #tpu.memory_space<vmem>>) semaphore(%arg14 : memref<!tpu.dma_semaphore, #tpu.memory_space<semaphore_mem>>)
      %mul3A_536 = arith.constant 5 : i32
      %mul3A_537 = arith.muli %scan3A_335, %mul3A_536 : i32
      %add3A_538 = arith.constant 4 : i32
      %add3A_539 = arith.addi %mul3A_537, %add3A_538 : i32
      %dma_wait3A_540 = arith.constant 4 : i32
      %dma_wait3A_541 = arith.constant 0 : i32
      %dma_wait3A_542 = arith.constant 0 : i32
      %dma_wait3A_543 = tpu.memref_slice %arg9[%dma_wait3A_540, %dma_wait3A_541, %dma_wait3A_542] : memref<5x128x112xbf16, #tpu.memory_space<vmem>> -> memref<1x128x112xbf16, #tpu.memory_space<vmem>>
      %dma_wait3A_544 = tpu.memref_squeeze %dma_wait3A_543 : memref<1x128x112xbf16, #tpu.memory_space<vmem>> -> memref<128x112xbf16, #tpu.memory_space<vmem>>
      %dma_wait3A_545 = arith.constant 0 : i32
      %dma_wait3A_546 = tpu.memref_slice %arg7[%add3A_539, %dma_wait3A_545] : memref<80x128xi32, #tpu.memory_space<vmem>> -> memref<1x128xi32, #tpu.memory_space<vmem>>
      %dma_wait3A_547 = tpu.memref_squeeze %dma_wait3A_546 : memref<1x128xi32, #tpu.memory_space<vmem>> -> memref<128xi32, #tpu.memory_space<vmem>>
      %dma_wait3A_548 = arith.constant 0 : i32
      %dma_wait3A_549 = arith.constant 0 : i32
      %dma_wait3A_550 = tpu.memref_slice %arg2[%dma_wait3A_548, %dma_wait3A_549] : memref<10000x112xbf16, #tpu.memory_space<hbm>> -> memref<10000x112xbf16, #tpu.memory_space<hbm>>
      tpu.wait_indirect_dma semaphore(%arg15 : memref<!tpu.dma_semaphore, #tpu.memory_space<semaphore_mem>>) src(%dma_wait3A_550 : memref<10000x112xbf16, #tpu.memory_space<hbm>>) dst(%dma_wait3A_544 : memref<128x112xbf16, #tpu.memory_space<vmem>>)
      %dma_start3A_551 = arith.constant 4 : i32
      %dma_start3A_552 = arith.constant 0 : i32
      %dma_start3A_553 = arith.constant 0 : i32
      %dma_start3A_554 = tpu.memref_slice %arg9[%dma_start3A_551, %dma_start3A_552, %dma_start3A_553] : memref<5x128x112xbf16, #tpu.memory_space<vmem>> -> memref<1x128x112xbf16, #tpu.memory_space<vmem>>
      %dma_start3A_555 = tpu.memref_squeeze %dma_start3A_554 : memref<1x128x112xbf16, #tpu.memory_space<vmem>> -> memref<128x112xbf16, #tpu.memory_space<vmem>>
      %dma_start3A_556 = arith.constant 0 : i32
      %dma_start3A_557 = tpu.memref_slice %arg8[%add3A_539, %dma_start3A_556] : memref<80x128xi32, #tpu.memory_space<vmem>> -> memref<1x128xi32, #tpu.memory_space<vmem>>
      %dma_start3A_558 = tpu.memref_squeeze %dma_start3A_557 : memref<1x128xi32, #tpu.memory_space<vmem>> -> memref<128xi32, #tpu.memory_space<vmem>>
      %dma_start3A_559 = arith.constant 0 : i32
      %dma_start3A_560 = arith.constant 0 : i32
      %dma_start3A_561 = tpu.memref_slice %arg10[%dma_start3A_559, %dma_start3A_560] : memref<10112x112xbf16, #tpu.memory_space<vmem_shared>> -> memref<10112x112xbf16, #tpu.memory_space<vmem_shared>>
      tpu.enqueue_indirect_dma source(%dma_start3A_555 : memref<128x112xbf16, #tpu.memory_space<vmem>>) target(%dma_start3A_561 : memref<10112x112xbf16, #tpu.memory_space<vmem_shared>>) offsets(%dma_start3A_558 : memref<128xi32, #tpu.memory_space<vmem>>) semaphore(%arg20 : memref<!tpu.dma_semaphore, #tpu.memory_space<semaphore_mem>>) {add = true}
      %dma_wait3A_562 = arith.constant 4 : i32
      %dma_wait3A_563 = arith.constant 0 : i32
      %dma_wait3A_564 = arith.constant 0 : i32
      %dma_wait3A_565 = tpu.memref_slice %arg9[%dma_wait3A_562, %dma_wait3A_563, %dma_wait3A_564] : memref<5x128x112xbf16, #tpu.memory_space<vmem>> -> memref<1x128x112xbf16, #tpu.memory_space<vmem>>
      %dma_wait3A_566 = tpu.memref_squeeze %dma_wait3A_565 : memref<1x128x112xbf16, #tpu.memory_space<vmem>> -> memref<128x112xbf16, #tpu.memory_space<vmem>>
      %dma_wait3A_567 = arith.constant 0 : i32
      %dma_wait3A_568 = tpu.memref_slice %arg8[%add3A_539, %dma_wait3A_567] : memref<80x128xi32, #tpu.memory_space<vmem>> -> memref<1x128xi32, #tpu.memory_space<vmem>>
      %dma_wait3A_569 = tpu.memref_squeeze %dma_wait3A_568 : memref<1x128xi32, #tpu.memory_space<vmem>> -> memref<128xi32, #tpu.memory_space<vmem>>
      %dma_wait3A_570 = arith.constant 0 : i32
      %dma_wait3A_571 = arith.constant 0 : i32
      %dma_wait3A_572 = tpu.memref_slice %arg10[%dma_wait3A_570, %dma_wait3A_571] : memref<10112x112xbf16, #tpu.memory_space<vmem_shared>> -> memref<10112x112xbf16, #tpu.memory_space<vmem_shared>>
      tpu.wait_indirect_dma semaphore(%arg20 : memref<!tpu.dma_semaphore, #tpu.memory_space<semaphore_mem>>) src(%dma_wait3A_566 : memref<128x112xbf16, #tpu.memory_space<vmem>>) dst(%dma_wait3A_572 : memref<10112x112xbf16, #tpu.memory_space<vmem_shared>>)
      %add3A_573 = arith.constant 5 : i32
      %add3A_574 = arith.addi %add3A_539, %add3A_573 : i32
      %dma_start3A_575 = arith.constant 4 : i32
      %dma_start3A_576 = arith.constant 0 : i32
      %dma_start3A_577 = arith.constant 0 : i32
      %dma_start3A_578 = tpu.memref_slice %arg9[%dma_start3A_575, %dma_start3A_576, %dma_start3A_577] : memref<5x128x112xbf16, #tpu.memory_space<vmem>> -> memref<1x128x112xbf16, #tpu.memory_space<vmem>>
      %dma_start3A_579 = tpu.memref_squeeze %dma_start3A_578 : memref<1x128x112xbf16, #tpu.memory_space<vmem>> -> memref<128x112xbf16, #tpu.memory_space<vmem>>
      %dma_start3A_580 = arith.constant 0 : i32
      %dma_start3A_581 = tpu.memref_slice %arg7[%add3A_574, %dma_start3A_580] : memref<80x128xi32, #tpu.memory_space<vmem>> -> memref<1x128xi32, #tpu.memory_space<vmem>>
      %dma_start3A_582 = tpu.memref_squeeze %dma_start3A_581 : memref<1x128xi32, #tpu.memory_space<vmem>> -> memref<128xi32, #tpu.memory_space<vmem>>
      %dma_start3A_583 = arith.constant 0 : i32
      %dma_start3A_584 = arith.constant 0 : i32
      %dma_start3A_585 = tpu.memref_slice %arg2[%dma_start3A_583, %dma_start3A_584] : memref<10000x112xbf16, #tpu.memory_space<hbm>> -> memref<10000x112xbf16, #tpu.memory_space<hbm>>
      tpu.enqueue_indirect_dma source(%dma_start3A_585 : memref<10000x112xbf16, #tpu.memory_space<hbm>>) target(%dma_start3A_579 : memref<128x112xbf16, #tpu.memory_space<vmem>>) offsets(%dma_start3A_582 : memref<128xi32, #tpu.memory_space<vmem>>) semaphore(%arg15 : memref<!tpu.dma_semaphore, #tpu.memory_space<semaphore_mem>>)
    }
    %scan3A_89 = arith.constant 15 : i32
    %dma_wait3A = arith.constant 75 : i32
    %dma_wait3A_90 = arith.constant 0 : i32
    %dma_wait3A_91 = arith.constant 0 : i32
    %dma_wait3A_92 = arith.constant 0 : i32
    %dma_wait3A_93 = tpu.memref_slice %arg9[%dma_wait3A_90, %dma_wait3A_91, %dma_wait3A_92] : memref<5x128x112xbf16, #tpu.memory_space<vmem>> -> memref<1x128x112xbf16, #tpu.memory_space<vmem>>
    %dma_wait3A_94 = tpu.memref_squeeze %dma_wait3A_93 : memref<1x128x112xbf16, #tpu.memory_space<vmem>> -> memref<128x112xbf16, #tpu.memory_space<vmem>>
    %dma_wait3A_95 = arith.constant 0 : i32
    %dma_wait3A_96 = tpu.memref_slice %arg7[%dma_wait3A, %dma_wait3A_95] : memref<80x128xi32, #tpu.memory_space<vmem>> -> memref<1x128xi32, #tpu.memory_space<vmem>>
    %dma_wait3A_97 = tpu.memref_squeeze %dma_wait3A_96 : memref<1x128xi32, #tpu.memory_space<vmem>> -> memref<128xi32, #tpu.memory_space<vmem>>
    %dma_wait3A_98 = arith.constant 0 : i32
    %dma_wait3A_99 = arith.constant 0 : i32
    %dma_wait3A_100 = tpu.memref_slice %arg2[%dma_wait3A_98, %dma_wait3A_99] : memref<10000x112xbf16, #tpu.memory_space<hbm>> -> memref<10000x112xbf16, #tpu.memory_space<hbm>>
    tpu.wait_indirect_dma semaphore(%arg11 : memref<!tpu.dma_semaphore, #tpu.memory_space<semaphore_mem>>) src(%dma_wait3A_100 : memref<10000x112xbf16, #tpu.memory_space<hbm>>) dst(%dma_wait3A_94 : memref<128x112xbf16, #tpu.memory_space<vmem>>)
    %dma_start3A_101 = arith.constant 0 : i32
    %dma_start3A_102 = arith.constant 75 : i32
    %dma_start3A_103 = arith.constant 0 : i32
    %dma_start3A_104 = arith.constant 0 : i32
    %dma_start3A_105 = tpu.memref_slice %arg9[%dma_start3A_101, %dma_start3A_103, %dma_start3A_104] : memref<5x128x112xbf16, #tpu.memory_space<vmem>> -> memref<1x128x112xbf16, #tpu.memory_space<vmem>>
    %dma_start3A_106 = tpu.memref_squeeze %dma_start3A_105 : memref<1x128x112xbf16, #tpu.memory_space<vmem>> -> memref<128x112xbf16, #tpu.memory_space<vmem>>
    %dma_start3A_107 = arith.constant 0 : i32
    %dma_start3A_108 = tpu.memref_slice %arg8[%dma_start3A_102, %dma_start3A_107] : memref<80x128xi32, #tpu.memory_space<vmem>> -> memref<1x128xi32, #tpu.memory_space<vmem>>
    %dma_start3A_109 = tpu.memref_squeeze %dma_start3A_108 : memref<1x128xi32, #tpu.memory_space<vmem>> -> memref<128xi32, #tpu.memory_space<vmem>>
    %dma_start3A_110 = arith.constant 0 : i32
    %dma_start3A_111 = arith.constant 0 : i32
    %dma_start3A_112 = tpu.memref_slice %arg10[%dma_start3A_110, %dma_start3A_111] : memref<10112x112xbf16, #tpu.memory_space<vmem_shared>> -> memref<10112x112xbf16, #tpu.memory_space<vmem_shared>>
    tpu.enqueue_indirect_dma source(%dma_start3A_106 : memref<128x112xbf16, #tpu.memory_space<vmem>>) target(%dma_start3A_112 : memref<10112x112xbf16, #tpu.memory_space<vmem_shared>>) offsets(%dma_start3A_109 : memref<128xi32, #tpu.memory_space<vmem>>) semaphore(%arg16 : memref<!tpu.dma_semaphore, #tpu.memory_space<semaphore_mem>>) {add = true}
    %dma_wait3A_113 = arith.constant 0 : i32
    %dma_wait3A_114 = arith.constant 75 : i32
    %dma_wait3A_115 = arith.constant 0 : i32
    %dma_wait3A_116 = arith.constant 0 : i32
    %dma_wait3A_117 = tpu.memref_slice %arg9[%dma_wait3A_113, %dma_wait3A_115, %dma_wait3A_116] : memref<5x128x112xbf16, #tpu.memory_space<vmem>> -> memref<1x128x112xbf16, #tpu.memory_space<vmem>>
    %dma_wait3A_118 = tpu.memref_squeeze %dma_wait3A_117 : memref<1x128x112xbf16, #tpu.memory_space<vmem>> -> memref<128x112xbf16, #tpu.memory_space<vmem>>
    %dma_wait3A_119 = arith.constant 0 : i32
    %dma_wait3A_120 = tpu.memref_slice %arg8[%dma_wait3A_114, %dma_wait3A_119] : memref<80x128xi32, #tpu.memory_space<vmem>> -> memref<1x128xi32, #tpu.memory_space<vmem>>
    %dma_wait3A_121 = tpu.memref_squeeze %dma_wait3A_120 : memref<1x128xi32, #tpu.memory_space<vmem>> -> memref<128xi32, #tpu.memory_space<vmem>>
    %dma_wait3A_122 = arith.constant 0 : i32
    %dma_wait3A_123 = arith.constant 0 : i32
    %dma_wait3A_124 = tpu.memref_slice %arg10[%dma_wait3A_122, %dma_wait3A_123] : memref<10112x112xbf16, #tpu.memory_space<vmem_shared>> -> memref<10112x112xbf16, #tpu.memory_space<vmem_shared>>
    tpu.wait_indirect_dma semaphore(%arg16 : memref<!tpu.dma_semaphore, #tpu.memory_space<semaphore_mem>>) src(%dma_wait3A_118 : memref<128x112xbf16, #tpu.memory_space<vmem>>) dst(%dma_wait3A_124 : memref<10112x112xbf16, #tpu.memory_space<vmem_shared>>)
    %dma_wait3A_125 = arith.constant 76 : i32
    %dma_wait3A_126 = arith.constant 1 : i32
    %dma_wait3A_127 = arith.constant 0 : i32
    %dma_wait3A_128 = arith.constant 0 : i32
    %dma_wait3A_129 = tpu.memref_slice %arg9[%dma_wait3A_126, %dma_wait3A_127, %dma_wait3A_128] : memref<5x128x112xbf16, #tpu.memory_space<vmem>> -> memref<1x128x112xbf16, #tpu.memory_space<vmem>>
    %dma_wait3A_130 = tpu.memref_squeeze %dma_wait3A_129 : memref<1x128x112xbf16, #tpu.memory_space<vmem>> -> memref<128x112xbf16, #tpu.memory_space<vmem>>
    %dma_wait3A_131 = arith.constant 0 : i32
    %dma_wait3A_132 = tpu.memref_slice %arg7[%dma_wait3A_125, %dma_wait3A_131] : memref<80x128xi32, #tpu.memory_space<vmem>> -> memref<1x128xi32, #tpu.memory_space<vmem>>
    %dma_wait3A_133 = tpu.memref_squeeze %dma_wait3A_132 : memref<1x128xi32, #tpu.memory_space<vmem>> -> memref<128xi32, #tpu.memory_space<vmem>>
    %dma_wait3A_134 = arith.constant 0 : i32
    %dma_wait3A_135 = arith.constant 0 : i32
    %dma_wait3A_136 = tpu.memref_slice %arg2[%dma_wait3A_134, %dma_wait3A_135] : memref<10000x112xbf16, #tpu.memory_space<hbm>> -> memref<10000x112xbf16, #tpu.memory_space<hbm>>
    tpu.wait_indirect_dma semaphore(%arg12 : memref<!tpu.dma_semaphore, #tpu.memory_space<semaphore_mem>>) src(%dma_wait3A_136 : memref<10000x112xbf16, #tpu.memory_space<hbm>>) dst(%dma_wait3A_130 : memref<128x112xbf16, #tpu.memory_space<vmem>>)
    %dma_start3A_137 = arith.constant 1 : i32
    %dma_start3A_138 = arith.constant 76 : i32
    %dma_start3A_139 = arith.constant 0 : i32
    %dma_start3A_140 = arith.constant 0 : i32
    %dma_start3A_141 = tpu.memref_slice %arg9[%dma_start3A_137, %dma_start3A_139, %dma_start3A_140] : memref<5x128x112xbf16, #tpu.memory_space<vmem>> -> memref<1x128x112xbf16, #tpu.memory_space<vmem>>
    %dma_start3A_142 = tpu.memref_squeeze %dma_start3A_141 : memref<1x128x112xbf16, #tpu.memory_space<vmem>> -> memref<128x112xbf16, #tpu.memory_space<vmem>>
    %dma_start3A_143 = arith.constant 0 : i32
    %dma_start3A_144 = tpu.memref_slice %arg8[%dma_start3A_138, %dma_start3A_143] : memref<80x128xi32, #tpu.memory_space<vmem>> -> memref<1x128xi32, #tpu.memory_space<vmem>>
    %dma_start3A_145 = tpu.memref_squeeze %dma_start3A_144 : memref<1x128xi32, #tpu.memory_space<vmem>> -> memref<128xi32, #tpu.memory_space<vmem>>
    %dma_start3A_146 = arith.constant 0 : i32
    %dma_start3A_147 = arith.constant 0 : i32
    %dma_start3A_148 = tpu.memref_slice %arg10[%dma_start3A_146, %dma_start3A_147] : memref<10112x112xbf16, #tpu.memory_space<vmem_shared>> -> memref<10112x112xbf16, #tpu.memory_space<vmem_shared>>
    tpu.enqueue_indirect_dma source(%dma_start3A_142 : memref<128x112xbf16, #tpu.memory_space<vmem>>) target(%dma_start3A_148 : memref<10112x112xbf16, #tpu.memory_space<vmem_shared>>) offsets(%dma_start3A_145 : memref<128xi32, #tpu.memory_space<vmem>>) semaphore(%arg17 : memref<!tpu.dma_semaphore, #tpu.memory_space<semaphore_mem>>) {add = true}
    %dma_wait3A_149 = arith.constant 1 : i32
    %dma_wait3A_150 = arith.constant 76 : i32
    %dma_wait3A_151 = arith.constant 0 : i32
    %dma_wait3A_152 = arith.constant 0 : i32
    %dma_wait3A_153 = tpu.memref_slice %arg9[%dma_wait3A_149, %dma_wait3A_151, %dma_wait3A_152] : memref<5x128x112xbf16, #tpu.memory_space<vmem>> -> memref<1x128x112xbf16, #tpu.memory_space<vmem>>
    %dma_wait3A_154 = tpu.memref_squeeze %dma_wait3A_153 : memref<1x128x112xbf16, #tpu.memory_space<vmem>> -> memref<128x112xbf16, #tpu.memory_space<vmem>>
    %dma_wait3A_155 = arith.constant 0 : i32
    %dma_wait3A_156 = tpu.memref_slice %arg8[%dma_wait3A_150, %dma_wait3A_155] : memref<80x128xi32, #tpu.memory_space<vmem>> -> memref<1x128xi32, #tpu.memory_space<vmem>>
    %dma_wait3A_157 = tpu.memref_squeeze %dma_wait3A_156 : memref<1x128xi32, #tpu.memory_space<vmem>> -> memref<128xi32, #tpu.memory_space<vmem>>
    %dma_wait3A_158 = arith.constant 0 : i32
    %dma_wait3A_159 = arith.constant 0 : i32
    %dma_wait3A_160 = tpu.memref_slice %arg10[%dma_wait3A_158, %dma_wait3A_159] : memref<10112x112xbf16, #tpu.memory_space<vmem_shared>> -> memref<10112x112xbf16, #tpu.memory_space<vmem_shared>>
    tpu.wait_indirect_dma semaphore(%arg17 : memref<!tpu.dma_semaphore, #tpu.memory_space<semaphore_mem>>) src(%dma_wait3A_154 : memref<128x112xbf16, #tpu.memory_space<vmem>>) dst(%dma_wait3A_160 : memref<10112x112xbf16, #tpu.memory_space<vmem_shared>>)
    %dma_wait3A_161 = arith.constant 77 : i32
    %dma_wait3A_162 = arith.constant 2 : i32
    %dma_wait3A_163 = arith.constant 0 : i32
    %dma_wait3A_164 = arith.constant 0 : i32
    %dma_wait3A_165 = tpu.memref_slice %arg9[%dma_wait3A_162, %dma_wait3A_163, %dma_wait3A_164] : memref<5x128x112xbf16, #tpu.memory_space<vmem>> -> memref<1x128x112xbf16, #tpu.memory_space<vmem>>
    %dma_wait3A_166 = tpu.memref_squeeze %dma_wait3A_165 : memref<1x128x112xbf16, #tpu.memory_space<vmem>> -> memref<128x112xbf16, #tpu.memory_space<vmem>>
    %dma_wait3A_167 = arith.constant 0 : i32
    %dma_wait3A_168 = tpu.memref_slice %arg7[%dma_wait3A_161, %dma_wait3A_167] : memref<80x128xi32, #tpu.memory_space<vmem>> -> memref<1x128xi32, #tpu.memory_space<vmem>>
    %dma_wait3A_169 = tpu.memref_squeeze %dma_wait3A_168 : memref<1x128xi32, #tpu.memory_space<vmem>> -> memref<128xi32, #tpu.memory_space<vmem>>
    %dma_wait3A_170 = arith.constant 0 : i32
    %dma_wait3A_171 = arith.constant 0 : i32
    %dma_wait3A_172 = tpu.memref_slice %arg2[%dma_wait3A_170, %dma_wait3A_171] : memref<10000x112xbf16, #tpu.memory_space<hbm>> -> memref<10000x112xbf16, #tpu.memory_space<hbm>>
    tpu.wait_indirect_dma semaphore(%arg13 : memref<!tpu.dma_semaphore, #tpu.memory_space<semaphore_mem>>) src(%dma_wait3A_172 : memref<10000x112xbf16, #tpu.memory_space<hbm>>) dst(%dma_wait3A_166 : memref<128x112xbf16, #tpu.memory_space<vmem>>)
    %dma_start3A_173 = arith.constant 2 : i32
    %dma_start3A_174 = arith.constant 77 : i32
    %dma_start3A_175 = arith.constant 0 : i32
    %dma_start3A_176 = arith.constant 0 : i32
    %dma_start3A_177 = tpu.memref_slice %arg9[%dma_start3A_173, %dma_start3A_175, %dma_start3A_176] : memref<5x128x112xbf16, #tpu.memory_space<vmem>> -> memref<1x128x112xbf16, #tpu.memory_space<vmem>>
    %dma_start3A_178 = tpu.memref_squeeze %dma_start3A_177 : memref<1x128x112xbf16, #tpu.memory_space<vmem>> -> memref<128x112xbf16, #tpu.memory_space<vmem>>
    %dma_start3A_179 = arith.constant 0 : i32
    %dma_start3A_180 = tpu.memref_slice %arg8[%dma_start3A_174, %dma_start3A_179] : memref<80x128xi32, #tpu.memory_space<vmem>> -> memref<1x128xi32, #tpu.memory_space<vmem>>
    %dma_start3A_181 = tpu.memref_squeeze %dma_start3A_180 : memref<1x128xi32, #tpu.memory_space<vmem>> -> memref<128xi32, #tpu.memory_space<vmem>>
    %dma_start3A_182 = arith.constant 0 : i32
    %dma_start3A_183 = arith.constant 0 : i32
    %dma_start3A_184 = tpu.memref_slice %arg10[%dma_start3A_182, %dma_start3A_183] : memref<10112x112xbf16, #tpu.memory_space<vmem_shared>> -> memref<10112x112xbf16, #tpu.memory_space<vmem_shared>>
    tpu.enqueue_indirect_dma source(%dma_start3A_178 : memref<128x112xbf16, #tpu.memory_space<vmem>>) target(%dma_start3A_184 : memref<10112x112xbf16, #tpu.memory_space<vmem_shared>>) offsets(%dma_start3A_181 : memref<128xi32, #tpu.memory_space<vmem>>) semaphore(%arg18 : memref<!tpu.dma_semaphore, #tpu.memory_space<semaphore_mem>>) {add = true}
    %dma_wait3A_185 = arith.constant 2 : i32
    %dma_wait3A_186 = arith.constant 77 : i32
    %dma_wait3A_187 = arith.constant 0 : i32
    %dma_wait3A_188 = arith.constant 0 : i32
    %dma_wait3A_189 = tpu.memref_slice %arg9[%dma_wait3A_185, %dma_wait3A_187, %dma_wait3A_188] : memref<5x128x112xbf16, #tpu.memory_space<vmem>> -> memref<1x128x112xbf16, #tpu.memory_space<vmem>>
    %dma_wait3A_190 = tpu.memref_squeeze %dma_wait3A_189 : memref<1x128x112xbf16, #tpu.memory_space<vmem>> -> memref<128x112xbf16, #tpu.memory_space<vmem>>
    %dma_wait3A_191 = arith.constant 0 : i32
    %dma_wait3A_192 = tpu.memref_slice %arg8[%dma_wait3A_186, %dma_wait3A_191] : memref<80x128xi32, #tpu.memory_space<vmem>> -> memref<1x128xi32, #tpu.memory_space<vmem>>
    %dma_wait3A_193 = tpu.memref_squeeze %dma_wait3A_192 : memref<1x128xi32, #tpu.memory_space<vmem>> -> memref<128xi32, #tpu.memory_space<vmem>>
    %dma_wait3A_194 = arith.constant 0 : i32
    %dma_wait3A_195 = arith.constant 0 : i32
    %dma_wait3A_196 = tpu.memref_slice %arg10[%dma_wait3A_194, %dma_wait3A_195] : memref<10112x112xbf16, #tpu.memory_space<vmem_shared>> -> memref<10112x112xbf16, #tpu.memory_space<vmem_shared>>
    tpu.wait_indirect_dma semaphore(%arg18 : memref<!tpu.dma_semaphore, #tpu.memory_space<semaphore_mem>>) src(%dma_wait3A_190 : memref<128x112xbf16, #tpu.memory_space<vmem>>) dst(%dma_wait3A_196 : memref<10112x112xbf16, #tpu.memory_space<vmem_shared>>)
    %dma_wait3A_197 = arith.constant 78 : i32
    %dma_wait3A_198 = arith.constant 3 : i32
    %dma_wait3A_199 = arith.constant 0 : i32
    %dma_wait3A_200 = arith.constant 0 : i32
    %dma_wait3A_201 = tpu.memref_slice %arg9[%dma_wait3A_198, %dma_wait3A_199, %dma_wait3A_200] : memref<5x128x112xbf16, #tpu.memory_space<vmem>> -> memref<1x128x112xbf16, #tpu.memory_space<vmem>>
    %dma_wait3A_202 = tpu.memref_squeeze %dma_wait3A_201 : memref<1x128x112xbf16, #tpu.memory_space<vmem>> -> memref<128x112xbf16, #tpu.memory_space<vmem>>
    %dma_wait3A_203 = arith.constant 0 : i32
    %dma_wait3A_204 = tpu.memref_slice %arg7[%dma_wait3A_197, %dma_wait3A_203] : memref<80x128xi32, #tpu.memory_space<vmem>> -> memref<1x128xi32, #tpu.memory_space<vmem>>
    %dma_wait3A_205 = tpu.memref_squeeze %dma_wait3A_204 : memref<1x128xi32, #tpu.memory_space<vmem>> -> memref<128xi32, #tpu.memory_space<vmem>>
    %dma_wait3A_206 = arith.constant 0 : i32
    %dma_wait3A_207 = arith.constant 0 : i32
    %dma_wait3A_208 = tpu.memref_slice %arg2[%dma_wait3A_206, %dma_wait3A_207] : memref<10000x112xbf16, #tpu.memory_space<hbm>> -> memref<10000x112xbf16, #tpu.memory_space<hbm>>
    tpu.wait_indirect_dma semaphore(%arg14 : memref<!tpu.dma_semaphore, #tpu.memory_space<semaphore_mem>>) src(%dma_wait3A_208 : memref<10000x112xbf16, #tpu.memory_space<hbm>>) dst(%dma_wait3A_202 : memref<128x112xbf16, #tpu.memory_space<vmem>>)
    %dma_start3A_209 = arith.constant 3 : i32
    %dma_start3A_210 = arith.constant 78 : i32
    %dma_start3A_211 = arith.constant 0 : i32
    %dma_start3A_212 = arith.constant 0 : i32
    %dma_start3A_213 = tpu.memref_slice %arg9[%dma_start3A_209, %dma_start3A_211, %dma_start3A_212] : memref<5x128x112xbf16, #tpu.memory_space<vmem>> -> memref<1x128x112xbf16, #tpu.memory_space<vmem>>
    %dma_start3A_214 = tpu.memref_squeeze %dma_start3A_213 : memref<1x128x112xbf16, #tpu.memory_space<vmem>> -> memref<128x112xbf16, #tpu.memory_space<vmem>>
    %dma_start3A_215 = arith.constant 0 : i32
    %dma_start3A_216 = tpu.memref_slice %arg8[%dma_start3A_210, %dma_start3A_215] : memref<80x128xi32, #tpu.memory_space<vmem>> -> memref<1x128xi32, #tpu.memory_space<vmem>>
    %dma_start3A_217 = tpu.memref_squeeze %dma_start3A_216 : memref<1x128xi32, #tpu.memory_space<vmem>> -> memref<128xi32, #tpu.memory_space<vmem>>
    %dma_start3A_218 = arith.constant 0 : i32
    %dma_start3A_219 = arith.constant 0 : i32
    %dma_start3A_220 = tpu.memref_slice %arg10[%dma_start3A_218, %dma_start3A_219] : memref<10112x112xbf16, #tpu.memory_space<vmem_shared>> -> memref<10112x112xbf16, #tpu.memory_space<vmem_shared>>
    tpu.enqueue_indirect_dma source(%dma_start3A_214 : memref<128x112xbf16, #tpu.memory_space<vmem>>) target(%dma_start3A_220 : memref<10112x112xbf16, #tpu.memory_space<vmem_shared>>) offsets(%dma_start3A_217 : memref<128xi32, #tpu.memory_space<vmem>>) semaphore(%arg19 : memref<!tpu.dma_semaphore, #tpu.memory_space<semaphore_mem>>) {add = true}
    %dma_wait3A_221 = arith.constant 3 : i32
    %dma_wait3A_222 = arith.constant 78 : i32
    %dma_wait3A_223 = arith.constant 0 : i32
    %dma_wait3A_224 = arith.constant 0 : i32
    %dma_wait3A_225 = tpu.memref_slice %arg9[%dma_wait3A_221, %dma_wait3A_223, %dma_wait3A_224] : memref<5x128x112xbf16, #tpu.memory_space<vmem>> -> memref<1x128x112xbf16, #tpu.memory_space<vmem>>
    %dma_wait3A_226 = tpu.memref_squeeze %dma_wait3A_225 : memref<1x128x112xbf16, #tpu.memory_space<vmem>> -> memref<128x112xbf16, #tpu.memory_space<vmem>>
    %dma_wait3A_227 = arith.constant 0 : i32
    %dma_wait3A_228 = tpu.memref_slice %arg8[%dma_wait3A_222, %dma_wait3A_227] : memref<80x128xi32, #tpu.memory_space<vmem>> -> memref<1x128xi32, #tpu.memory_space<vmem>>
    %dma_wait3A_229 = tpu.memref_squeeze %dma_wait3A_228 : memref<1x128xi32, #tpu.memory_space<vmem>> -> memref<128xi32, #tpu.memory_space<vmem>>
    %dma_wait3A_230 = arith.constant 0 : i32
    %dma_wait3A_231 = arith.constant 0 : i32
    %dma_wait3A_232 = tpu.memref_slice %arg10[%dma_wait3A_230, %dma_wait3A_231] : memref<10112x112xbf16, #tpu.memory_space<vmem_shared>> -> memref<10112x112xbf16, #tpu.memory_space<vmem_shared>>
    tpu.wait_indirect_dma semaphore(%arg19 : memref<!tpu.dma_semaphore, #tpu.memory_space<semaphore_mem>>) src(%dma_wait3A_226 : memref<128x112xbf16, #tpu.memory_space<vmem>>) dst(%dma_wait3A_232 : memref<10112x112xbf16, #tpu.memory_space<vmem_shared>>)
    %dma_wait3A_233 = arith.constant 79 : i32
    %dma_wait3A_234 = arith.constant 4 : i32
    %dma_wait3A_235 = arith.constant 0 : i32
    %dma_wait3A_236 = arith.constant 0 : i32
    %dma_wait3A_237 = tpu.memref_slice %arg9[%dma_wait3A_234, %dma_wait3A_235, %dma_wait3A_236] : memref<5x128x112xbf16, #tpu.memory_space<vmem>> -> memref<1x128x112xbf16, #tpu.memory_space<vmem>>
    %dma_wait3A_238 = tpu.memref_squeeze %dma_wait3A_237 : memref<1x128x112xbf16, #tpu.memory_space<vmem>> -> memref<128x112xbf16, #tpu.memory_space<vmem>>
    %dma_wait3A_239 = arith.constant 0 : i32
    %dma_wait3A_240 = tpu.memref_slice %arg7[%dma_wait3A_233, %dma_wait3A_239] : memref<80x128xi32, #tpu.memory_space<vmem>> -> memref<1x128xi32, #tpu.memory_space<vmem>>
    %dma_wait3A_241 = tpu.memref_squeeze %dma_wait3A_240 : memref<1x128xi32, #tpu.memory_space<vmem>> -> memref<128xi32, #tpu.memory_space<vmem>>
    %dma_wait3A_242 = arith.constant 0 : i32
    %dma_wait3A_243 = arith.constant 0 : i32
    %dma_wait3A_244 = tpu.memref_slice %arg2[%dma_wait3A_242, %dma_wait3A_243] : memref<10000x112xbf16, #tpu.memory_space<hbm>> -> memref<10000x112xbf16, #tpu.memory_space<hbm>>
    tpu.wait_indirect_dma semaphore(%arg15 : memref<!tpu.dma_semaphore, #tpu.memory_space<semaphore_mem>>) src(%dma_wait3A_244 : memref<10000x112xbf16, #tpu.memory_space<hbm>>) dst(%dma_wait3A_238 : memref<128x112xbf16, #tpu.memory_space<vmem>>)
    %dma_start3A_245 = arith.constant 4 : i32
    %dma_start3A_246 = arith.constant 79 : i32
    %dma_start3A_247 = arith.constant 0 : i32
    %dma_start3A_248 = arith.constant 0 : i32
    %dma_start3A_249 = tpu.memref_slice %arg9[%dma_start3A_245, %dma_start3A_247, %dma_start3A_248] : memref<5x128x112xbf16, #tpu.memory_space<vmem>> -> memref<1x128x112xbf16, #tpu.memory_space<vmem>>
    %dma_start3A_250 = tpu.memref_squeeze %dma_start3A_249 : memref<1x128x112xbf16, #tpu.memory_space<vmem>> -> memref<128x112xbf16, #tpu.memory_space<vmem>>
    %dma_start3A_251 = arith.constant 0 : i32
    %dma_start3A_252 = tpu.memref_slice %arg8[%dma_start3A_246, %dma_start3A_251] : memref<80x128xi32, #tpu.memory_space<vmem>> -> memref<1x128xi32, #tpu.memory_space<vmem>>
    %dma_start3A_253 = tpu.memref_squeeze %dma_start3A_252 : memref<1x128xi32, #tpu.memory_space<vmem>> -> memref<128xi32, #tpu.memory_space<vmem>>
    %dma_start3A_254 = arith.constant 0 : i32
    %dma_start3A_255 = arith.constant 0 : i32
    %dma_start3A_256 = tpu.memref_slice %arg10[%dma_start3A_254, %dma_start3A_255] : memref<10112x112xbf16, #tpu.memory_space<vmem_shared>> -> memref<10112x112xbf16, #tpu.memory_space<vmem_shared>>
    tpu.enqueue_indirect_dma source(%dma_start3A_250 : memref<128x112xbf16, #tpu.memory_space<vmem>>) target(%dma_start3A_256 : memref<10112x112xbf16, #tpu.memory_space<vmem_shared>>) offsets(%dma_start3A_253 : memref<128xi32, #tpu.memory_space<vmem>>) semaphore(%arg20 : memref<!tpu.dma_semaphore, #tpu.memory_space<semaphore_mem>>) {add = true}
    %dma_wait3A_257 = arith.constant 4 : i32
    %dma_wait3A_258 = arith.constant 79 : i32
    %dma_wait3A_259 = arith.constant 0 : i32
    %dma_wait3A_260 = arith.constant 0 : i32
    %dma_wait3A_261 = tpu.memref_slice %arg9[%dma_wait3A_257, %dma_wait3A_259, %dma_wait3A_260] : memref<5x128x112xbf16, #tpu.memory_space<vmem>> -> memref<1x128x112xbf16, #tpu.memory_space<vmem>>
    %dma_wait3A_262 = tpu.memref_squeeze %dma_wait3A_261 : memref<1x128x112xbf16, #tpu.memory_space<vmem>> -> memref<128x112xbf16, #tpu.memory_space<vmem>>
    %dma_wait3A_263 = arith.constant 0 : i32
    %dma_wait3A_264 = tpu.memref_slice %arg8[%dma_wait3A_258, %dma_wait3A_263] : memref<80x128xi32, #tpu.memory_space<vmem>> -> memref<1x128xi32, #tpu.memory_space<vmem>>
    %dma_wait3A_265 = tpu.memref_squeeze %dma_wait3A_264 : memref<1x128xi32, #tpu.memory_space<vmem>> -> memref<128xi32, #tpu.memory_space<vmem>>
    %dma_wait3A_266 = arith.constant 0 : i32
    %dma_wait3A_267 = arith.constant 0 : i32
    %dma_wait3A_268 = tpu.memref_slice %arg10[%dma_wait3A_266, %dma_wait3A_267] : memref<10112x112xbf16, #tpu.memory_space<vmem_shared>> -> memref<10112x112xbf16, #tpu.memory_space<vmem_shared>>
    tpu.wait_indirect_dma semaphore(%arg20 : memref<!tpu.dma_semaphore, #tpu.memory_space<semaphore_mem>>) src(%dma_wait3A_262 : memref<128x112xbf16, #tpu.memory_space<vmem>>) dst(%dma_wait3A_268 : memref<10112x112xbf16, #tpu.memory_space<vmem_shared>>)
    %barrier3A_269 = arith.constant 0 : index
    tpu.barrier barrier_id(%barrier3A_269)
    %mul3A_270 = arith.constant 632 : i32
    %mul3A_271 = arith.muli %arg1, %mul3A_270 : i32
    %add3A_272 = arith.constant 0 : i32
    %add3A_273 = arith.addi %mul3A_271, %add3A_272 : i32
    %run_scoped3A_274 = arith.constant 0 : i32
    "tpu.region"() ({
      %run_scoped3A_335 = tpu.sem_alloc : memref<!tpu.dma_semaphore, #tpu.memory_space<semaphore_mem>>
      %dma_start3A_336 = arith.constant 0 : i32
      %dma_start3A_337 = arith.constant 0 : i32
      %dma_start3A_338 = tpu.memref_slice %arg9[%run_scoped3A_274, %dma_start3A_336, %dma_start3A_337] : memref<5x128x112xbf16, #tpu.memory_space<vmem>> -> memref<1x128x112xbf16, #tpu.memory_space<vmem>>
      %dma_start3A_339 = tpu.memref_squeeze %dma_start3A_338 : memref<1x128x112xbf16, #tpu.memory_space<vmem>> -> memref<128x112xbf16, #tpu.memory_space<vmem>>
      %dma_start3A_340 = arith.constant 0 : i32
      %dma_start3A_341 = arith.constant 0 : i32
      %dma_start3A_342 = tpu.memref_slice %dma_start3A_339[%dma_start3A_340, %dma_start3A_341] : memref<128x112xbf16, #tpu.memory_space<vmem>> -> memref<128x112xbf16, #tpu.memory_space<vmem>>
      %dma_start3A_343 = arith.constant 0 : i32
      %dma_start3A_344 = tpu.memref_slice %arg10[%add3A_273, %dma_start3A_343] : memref<10112x112xbf16, #tpu.memory_space<vmem_shared>> -> memref<128x112xbf16, #tpu.memory_space<vmem_shared>>
      %dma_start3A_345 = arith.constant 0 : i32
      %dma_start3A_346 = arith.constant 0 : i32
      %dma_start3A_347 = tpu.memref_slice %arg9[%run_scoped3A_274, %dma_start3A_345, %dma_start3A_346] : memref<5x128x112xbf16, #tpu.memory_space<vmem>> -> memref<1x128x112xbf16, #tpu.memory_space<vmem>>
      %dma_start3A_348 = tpu.memref_squeeze %dma_start3A_347 : memref<1x128x112xbf16, #tpu.memory_space<vmem>> -> memref<128x112xbf16, #tpu.memory_space<vmem>>
      %dma_start3A_349 = arith.constant 0 : i32
      %dma_start3A_350 = arith.constant 0 : i32
      %dma_start3A_351 = tpu.memref_slice %dma_start3A_348[%dma_start3A_349, %dma_start3A_350] : memref<128x112xbf16, #tpu.memory_space<vmem>> -> memref<128x112xbf16, #tpu.memory_space<vmem>>
      %dma_start3A_352 = arith.constant 0 : i32
      %dma_start3A_353 = tpu.memref_slice %arg10[%add3A_273, %dma_start3A_352] : memref<10112x112xbf16, #tpu.memory_space<vmem_shared>> -> memref<128x112xbf16, #tpu.memory_space<vmem_shared>>
      tpu.enqueue_dma source(%dma_start3A_353 : memref<128x112xbf16, #tpu.memory_space<vmem_shared>>) target(%dma_start3A_351 : memref<128x112xbf16, #tpu.memory_space<vmem>>) target_semaphore(%run_scoped3A_335 : memref<!tpu.dma_semaphore, #tpu.memory_space<semaphore_mem>>)
      %dma_wait3A_354 = arith.constant 0 : i32
      %dma_wait3A_355 = arith.constant 0 : i32
      %dma_wait3A_356 = tpu.memref_slice %arg9[%run_scoped3A_274, %dma_wait3A_354, %dma_wait3A_355] : memref<5x128x112xbf16, #tpu.memory_space<vmem>> -> memref<1x128x112xbf16, #tpu.memory_space<vmem>>
      %dma_wait3A_357 = tpu.memref_squeeze %dma_wait3A_356 : memref<1x128x112xbf16, #tpu.memory_space<vmem>> -> memref<128x112xbf16, #tpu.memory_space<vmem>>
      %dma_wait3A_358 = arith.constant 0 : i32
      %dma_wait3A_359 = arith.constant 0 : i32
      %dma_wait3A_360 = tpu.memref_slice %dma_wait3A_357[%dma_wait3A_358, %dma_wait3A_359] : memref<128x112xbf16, #tpu.memory_space<vmem>> -> memref<128x112xbf16, #tpu.memory_space<vmem>>
      %dma_wait3A_361 = arith.constant 0 : i32
      %dma_wait3A_362 = tpu.memref_slice %arg10[%add3A_273, %dma_wait3A_361] : memref<10112x112xbf16, #tpu.memory_space<vmem_shared>> -> memref<128x112xbf16, #tpu.memory_space<vmem_shared>>
      %dma_wait3A_363 = arith.constant 0 : i32
      %dma_wait3A_364 = arith.constant 0 : i32
      %dma_wait3A_365 = tpu.memref_slice %arg9[%run_scoped3A_274, %dma_wait3A_363, %dma_wait3A_364] : memref<5x128x112xbf16, #tpu.memory_space<vmem>> -> memref<1x128x112xbf16, #tpu.memory_space<vmem>>
      %dma_wait3A_366 = tpu.memref_squeeze %dma_wait3A_365 : memref<1x128x112xbf16, #tpu.memory_space<vmem>> -> memref<128x112xbf16, #tpu.memory_space<vmem>>
      %dma_wait3A_367 = arith.constant 0 : i32
      %dma_wait3A_368 = arith.constant 0 : i32
      %dma_wait3A_369 = tpu.memref_slice %dma_wait3A_366[%dma_wait3A_367, %dma_wait3A_368] : memref<128x112xbf16, #tpu.memory_space<vmem>> -> memref<128x112xbf16, #tpu.memory_space<vmem>>
      %dma_wait3A_370 = arith.constant 0 : i32
      %dma_wait3A_371 = tpu.memref_slice %arg10[%add3A_273, %dma_wait3A_370] : memref<10112x112xbf16, #tpu.memory_space<vmem_shared>> -> memref<128x112xbf16, #tpu.memory_space<vmem_shared>>
      tpu.wait_dma2 semaphore(%run_scoped3A_335 : memref<!tpu.dma_semaphore, #tpu.memory_space<semaphore_mem>>) src(%dma_wait3A_371 : memref<128x112xbf16, #tpu.memory_space<vmem_shared>>) dst(%dma_wait3A_369 : memref<128x112xbf16, #tpu.memory_space<vmem>>)
      tpu.yield
    }) : () -> ()
    %mul3A_275 = arith.constant 10112 : i32
    %mul3A_276 = arith.muli %arg0, %mul3A_275 : i32
    %mul3A_277 = arith.constant 632 : i32
    %mul3A_278 = arith.muli %arg1, %mul3A_277 : i32
    %add3A_279 = arith.addi %mul3A_276, %mul3A_278 : i32
    %add3A_280 = arith.constant 0 : i32
    %add3A_281 = arith.addi %add3A_279, %add3A_280 : i32
    %run_scoped3A_282 = arith.constant 0 : i32
    "tpu.region"() ({
      %run_scoped3A_335 = tpu.sem_alloc : memref<!tpu.dma_semaphore, #tpu.memory_space<semaphore_mem>>
      %dma_start3A_336 = arith.constant 0 : i32
      %dma_start3A_337 = arith.constant 0 : i32
      %dma_start3A_338 = tpu.memref_slice %arg9[%run_scoped3A_282, %dma_start3A_336, %dma_start3A_337] : memref<5x128x112xbf16, #tpu.memory_space<vmem>> -> memref<1x128x112xbf16, #tpu.memory_space<vmem>>
      %dma_start3A_339 = tpu.memref_squeeze %dma_start3A_338 : memref<1x128x112xbf16, #tpu.memory_space<vmem>> -> memref<128x112xbf16, #tpu.memory_space<vmem>>
      %dma_start3A_340 = arith.constant 0 : i32
      %dma_start3A_341 = arith.constant 0 : i32
      %dma_start3A_342 = tpu.memref_slice %dma_start3A_339[%dma_start3A_340, %dma_start3A_341] : memref<128x112xbf16, #tpu.memory_space<vmem>> -> memref<128x112xbf16, #tpu.memory_space<vmem>>
      %dma_start3A_343 = arith.constant 0 : i32
      %dma_start3A_344 = tpu.memref_slice %arg6[%add3A_281, %dma_start3A_343] : memref<20224x112xbf16, #tpu.memory_space<hbm>> -> memref<128x112xbf16, #tpu.memory_space<hbm>>
      %dma_start3A_345 = arith.constant 0 : i32
      %dma_start3A_346 = tpu.memref_slice %arg6[%add3A_281, %dma_start3A_345] : memref<20224x112xbf16, #tpu.memory_space<hbm>> -> memref<128x112xbf16, #tpu.memory_space<hbm>>
      %dma_start3A_347 = arith.constant 0 : i32
      %dma_start3A_348 = arith.constant 0 : i32
      %dma_start3A_349 = tpu.memref_slice %arg9[%run_scoped3A_282, %dma_start3A_347, %dma_start3A_348] : memref<5x128x112xbf16, #tpu.memory_space<vmem>> -> memref<1x128x112xbf16, #tpu.memory_space<vmem>>
      %dma_start3A_350 = tpu.memref_squeeze %dma_start3A_349 : memref<1x128x112xbf16, #tpu.memory_space<vmem>> -> memref<128x112xbf16, #tpu.memory_space<vmem>>
      %dma_start3A_351 = arith.constant 0 : i32
      %dma_start3A_352 = arith.constant 0 : i32
      %dma_start3A_353 = tpu.memref_slice %dma_start3A_350[%dma_start3A_351, %dma_start3A_352] : memref<128x112xbf16, #tpu.memory_space<vmem>> -> memref<128x112xbf16, #tpu.memory_space<vmem>>
      tpu.enqueue_dma source(%dma_start3A_353 : memref<128x112xbf16, #tpu.memory_space<vmem>>) target(%dma_start3A_346 : memref<128x112xbf16, #tpu.memory_space<hbm>>) target_semaphore(%run_scoped3A_335 : memref<!tpu.dma_semaphore, #tpu.memory_space<semaphore_mem>>)
      %dma_wait3A_354 = arith.constant 0 : i32
      %dma_wait3A_355 = arith.constant 0 : i32
      %dma_wait3A_356 = tpu.memref_slice %arg9[%run_scoped3A_282, %dma_wait3A_354, %dma_wait3A_355] : memref<5x128x112xbf16, #tpu.memory_space<vmem>> -> memref<1x128x112xbf16, #tpu.memory_space<vmem>>
      %dma_wait3A_357 = tpu.memref_squeeze %dma_wait3A_356 : memref<1x128x112xbf16, #tpu.memory_space<vmem>> -> memref<128x112xbf16, #tpu.memory_space<vmem>>
      %dma_wait3A_358 = arith.constant 0 : i32
      %dma_wait3A_359 = arith.constant 0 : i32
      %dma_wait3A_360 = tpu.memref_slice %dma_wait3A_357[%dma_wait3A_358, %dma_wait3A_359] : memref<128x112xbf16, #tpu.memory_space<vmem>> -> memref<128x112xbf16, #tpu.memory_space<vmem>>
      %dma_wait3A_361 = arith.constant 0 : i32
      %dma_wait3A_362 = tpu.memref_slice %arg6[%add3A_281, %dma_wait3A_361] : memref<20224x112xbf16, #tpu.memory_space<hbm>> -> memref<128x112xbf16, #tpu.memory_space<hbm>>
      %dma_wait3A_363 = arith.constant 0 : i32
      %dma_wait3A_364 = tpu.memref_slice %arg6[%add3A_281, %dma_wait3A_363] : memref<20224x112xbf16, #tpu.memory_space<hbm>> -> memref<128x112xbf16, #tpu.memory_space<hbm>>
      %dma_wait3A_365 = arith.constant 0 : i32
      %dma_wait3A_366 = arith.constant 0 : i32
      %dma_wait3A_367 = tpu.memref_slice %arg9[%run_scoped3A_282, %dma_wait3A_365, %dma_wait3A_366] : memref<5x128x112xbf16, #tpu.memory_space<vmem>> -> memref<1x128x112xbf16, #tpu.memory_space<vmem>>
      %dma_wait3A_368 = tpu.memref_squeeze %dma_wait3A_367 : memref<1x128x112xbf16, #tpu.memory_space<vmem>> -> memref<128x112xbf16, #tpu.memory_space<vmem>>
      %dma_wait3A_369 = arith.constant 0 : i32
      %dma_wait3A_370 = arith.constant 0 : i32
      %dma_wait3A_371 = tpu.memref_slice %dma_wait3A_368[%dma_wait3A_369, %dma_wait3A_370] : memref<128x112xbf16, #tpu.memory_space<vmem>> -> memref<128x112xbf16, #tpu.memory_space<vmem>>
      tpu.wait_dma2 semaphore(%run_scoped3A_335 : memref<!tpu.dma_semaphore, #tpu.memory_space<semaphore_mem>>) src(%dma_wait3A_371 : memref<128x112xbf16, #tpu.memory_space<vmem>>) dst(%dma_wait3A_364 : memref<128x112xbf16, #tpu.memory_space<hbm>>)
      tpu.yield
    }) : () -> ()
    %mul3A_283 = arith.constant 632 : i32
    %mul3A_284 = arith.muli %arg1, %mul3A_283 : i32
    %add3A_285 = arith.constant 128 : i32
    %add3A_286 = arith.addi %mul3A_284, %add3A_285 : i32
    %run_scoped3A_287 = arith.constant 0 : i32
    "tpu.region"() ({
      %run_scoped3A_335 = tpu.sem_alloc : memref<!tpu.dma_semaphore, #tpu.memory_space<semaphore_mem>>
      %dma_start3A_336 = arith.constant 0 : i32
      %dma_start3A_337 = arith.constant 0 : i32
      %dma_start3A_338 = tpu.memref_slice %arg9[%run_scoped3A_287, %dma_start3A_336, %dma_start3A_337] : memref<5x128x112xbf16, #tpu.memory_space<vmem>> -> memref<1x128x112xbf16, #tpu.memory_space<vmem>>
      %dma_start3A_339 = tpu.memref_squeeze %dma_start3A_338 : memref<1x128x112xbf16, #tpu.memory_space<vmem>> -> memref<128x112xbf16, #tpu.memory_space<vmem>>
      %dma_start3A_340 = arith.constant 0 : i32
      %dma_start3A_341 = arith.constant 0 : i32
      %dma_start3A_342 = tpu.memref_slice %dma_start3A_339[%dma_start3A_340, %dma_start3A_341] : memref<128x112xbf16, #tpu.memory_space<vmem>> -> memref<128x112xbf16, #tpu.memory_space<vmem>>
      %dma_start3A_343 = arith.constant 0 : i32
      %dma_start3A_344 = tpu.memref_slice %arg10[%add3A_286, %dma_start3A_343] : memref<10112x112xbf16, #tpu.memory_space<vmem_shared>> -> memref<128x112xbf16, #tpu.memory_space<vmem_shared>>
      %dma_start3A_345 = arith.constant 0 : i32
      %dma_start3A_346 = arith.constant 0 : i32
      %dma_start3A_347 = tpu.memref_slice %arg9[%run_scoped3A_287, %dma_start3A_345, %dma_start3A_346] : memref<5x128x112xbf16, #tpu.memory_space<vmem>> -> memref<1x128x112xbf16, #tpu.memory_space<vmem>>
      %dma_start3A_348 = tpu.memref_squeeze %dma_start3A_347 : memref<1x128x112xbf16, #tpu.memory_space<vmem>> -> memref<128x112xbf16, #tpu.memory_space<vmem>>
      %dma_start3A_349 = arith.constant 0 : i32
      %dma_start3A_350 = arith.constant 0 : i32
      %dma_start3A_351 = tpu.memref_slice %dma_start3A_348[%dma_start3A_349, %dma_start3A_350] : memref<128x112xbf16, #tpu.memory_space<vmem>> -> memref<128x112xbf16, #tpu.memory_space<vmem>>
      %dma_start3A_352 = arith.constant 0 : i32
      %dma_start3A_353 = tpu.memref_slice %arg10[%add3A_286, %dma_start3A_352] : memref<10112x112xbf16, #tpu.memory_space<vmem_shared>> -> memref<128x112xbf16, #tpu.memory_space<vmem_shared>>
      tpu.enqueue_dma source(%dma_start3A_353 : memref<128x112xbf16, #tpu.memory_space<vmem_shared>>) target(%dma_start3A_351 : memref<128x112xbf16, #tpu.memory_space<vmem>>) target_semaphore(%run_scoped3A_335 : memref<!tpu.dma_semaphore, #tpu.memory_space<semaphore_mem>>)
      %dma_wait3A_354 = arith.constant 0 : i32
      %dma_wait3A_355 = arith.constant 0 : i32
      %dma_wait3A_356 = tpu.memref_slice %arg9[%run_scoped3A_287, %dma_wait3A_354, %dma_wait3A_355] : memref<5x128x112xbf16, #tpu.memory_space<vmem>> -> memref<1x128x112xbf16, #tpu.memory_space<vmem>>
      %dma_wait3A_357 = tpu.memref_squeeze %dma_wait3A_356 : memref<1x128x112xbf16, #tpu.memory_space<vmem>> -> memref<128x112xbf16, #tpu.memory_space<vmem>>
      %dma_wait3A_358 = arith.constant 0 : i32
      %dma_wait3A_359 = arith.constant 0 : i32
      %dma_wait3A_360 = tpu.memref_slice %dma_wait3A_357[%dma_wait3A_358, %dma_wait3A_359] : memref<128x112xbf16, #tpu.memory_space<vmem>> -> memref<128x112xbf16, #tpu.memory_space<vmem>>
      %dma_wait3A_361 = arith.constant 0 : i32
      %dma_wait3A_362 = tpu.memref_slice %arg10[%add3A_286, %dma_wait3A_361] : memref<10112x112xbf16, #tpu.memory_space<vmem_shared>> -> memref<128x112xbf16, #tpu.memory_space<vmem_shared>>
      %dma_wait3A_363 = arith.constant 0 : i32
      %dma_wait3A_364 = arith.constant 0 : i32
      %dma_wait3A_365 = tpu.memref_slice %arg9[%run_scoped3A_287, %dma_wait3A_363, %dma_wait3A_364] : memref<5x128x112xbf16, #tpu.memory_space<vmem>> -> memref<1x128x112xbf16, #tpu.memory_space<vmem>>
      %dma_wait3A_366 = tpu.memref_squeeze %dma_wait3A_365 : memref<1x128x112xbf16, #tpu.memory_space<vmem>> -> memref<128x112xbf16, #tpu.memory_space<vmem>>
      %dma_wait3A_367 = arith.constant 0 : i32
      %dma_wait3A_368 = arith.constant 0 : i32
      %dma_wait3A_369 = tpu.memref_slice %dma_wait3A_366[%dma_wait3A_367, %dma_wait3A_368] : memref<128x112xbf16, #tpu.memory_space<vmem>> -> memref<128x112xbf16, #tpu.memory_space<vmem>>
      %dma_wait3A_370 = arith.constant 0 : i32
      %dma_wait3A_371 = tpu.memref_slice %arg10[%add3A_286, %dma_wait3A_370] : memref<10112x112xbf16, #tpu.memory_space<vmem_shared>> -> memref<128x112xbf16, #tpu.memory_space<vmem_shared>>
      tpu.wait_dma2 semaphore(%run_scoped3A_335 : memref<!tpu.dma_semaphore, #tpu.memory_space<semaphore_mem>>) src(%dma_wait3A_371 : memref<128x112xbf16, #tpu.memory_space<vmem_shared>>) dst(%dma_wait3A_369 : memref<128x112xbf16, #tpu.memory_space<vmem>>)
      tpu.yield
    }) : () -> ()
    %mul3A_288 = arith.constant 10112 : i32
    %mul3A_289 = arith.muli %arg0, %mul3A_288 : i32
    %mul3A_290 = arith.constant 632 : i32
    %mul3A_291 = arith.muli %arg1, %mul3A_290 : i32
    %add3A_292 = arith.addi %mul3A_289, %mul3A_291 : i32
    %add3A_293 = arith.constant 128 : i32
    %add3A_294 = arith.addi %add3A_292, %add3A_293 : i32
    %run_scoped3A_295 = arith.constant 0 : i32
    "tpu.region"() ({
      %run_scoped3A_335 = tpu.sem_alloc : memref<!tpu.dma_semaphore, #tpu.memory_space<semaphore_mem>>
      %dma_start3A_336 = arith.constant 0 : i32
      %dma_start3A_337 = arith.constant 0 : i32
      %dma_start3A_338 = tpu.memref_slice %arg9[%run_scoped3A_295, %dma_start3A_336, %dma_start3A_337] : memref<5x128x112xbf16, #tpu.memory_space<vmem>> -> memref<1x128x112xbf16, #tpu.memory_space<vmem>>
      %dma_start3A_339 = tpu.memref_squeeze %dma_start3A_338 : memref<1x128x112xbf16, #tpu.memory_space<vmem>> -> memref<128x112xbf16, #tpu.memory_space<vmem>>
      %dma_start3A_340 = arith.constant 0 : i32
      %dma_start3A_341 = arith.constant 0 : i32
      %dma_start3A_342 = tpu.memref_slice %dma_start3A_339[%dma_start3A_340, %dma_start3A_341] : memref<128x112xbf16, #tpu.memory_space<vmem>> -> memref<128x112xbf16, #tpu.memory_space<vmem>>
      %dma_start3A_343 = arith.constant 0 : i32
      %dma_start3A_344 = tpu.memref_slice %arg6[%add3A_294, %dma_start3A_343] : memref<20224x112xbf16, #tpu.memory_space<hbm>> -> memref<128x112xbf16, #tpu.memory_space<hbm>>
      %dma_start3A_345 = arith.constant 0 : i32
      %dma_start3A_346 = tpu.memref_slice %arg6[%add3A_294, %dma_start3A_345] : memref<20224x112xbf16, #tpu.memory_space<hbm>> -> memref<128x112xbf16, #tpu.memory_space<hbm>>
      %dma_start3A_347 = arith.constant 0 : i32
      %dma_start3A_348 = arith.constant 0 : i32
      %dma_start3A_349 = tpu.memref_slice %arg9[%run_scoped3A_295, %dma_start3A_347, %dma_start3A_348] : memref<5x128x112xbf16, #tpu.memory_space<vmem>> -> memref<1x128x112xbf16, #tpu.memory_space<vmem>>
      %dma_start3A_350 = tpu.memref_squeeze %dma_start3A_349 : memref<1x128x112xbf16, #tpu.memory_space<vmem>> -> memref<128x112xbf16, #tpu.memory_space<vmem>>
      %dma_start3A_351 = arith.constant 0 : i32
      %dma_start3A_352 = arith.constant 0 : i32
      %dma_start3A_353 = tpu.memref_slice %dma_start3A_350[%dma_start3A_351, %dma_start3A_352] : memref<128x112xbf16, #tpu.memory_space<vmem>> -> memref<128x112xbf16, #tpu.memory_space<vmem>>
      tpu.enqueue_dma source(%dma_start3A_353 : memref<128x112xbf16, #tpu.memory_space<vmem>>) target(%dma_start3A_346 : memref<128x112xbf16, #tpu.memory_space<hbm>>) target_semaphore(%run_scoped3A_335 : memref<!tpu.dma_semaphore, #tpu.memory_space<semaphore_mem>>)
      %dma_wait3A_354 = arith.constant 0 : i32
      %dma_wait3A_355 = arith.constant 0 : i32
      %dma_wait3A_356 = tpu.memref_slice %arg9[%run_scoped3A_295, %dma_wait3A_354, %dma_wait3A_355] : memref<5x128x112xbf16, #tpu.memory_space<vmem>> -> memref<1x128x112xbf16, #tpu.memory_space<vmem>>
      %dma_wait3A_357 = tpu.memref_squeeze %dma_wait3A_356 : memref<1x128x112xbf16, #tpu.memory_space<vmem>> -> memref<128x112xbf16, #tpu.memory_space<vmem>>
      %dma_wait3A_358 = arith.constant 0 : i32
      %dma_wait3A_359 = arith.constant 0 : i32
      %dma_wait3A_360 = tpu.memref_slice %dma_wait3A_357[%dma_wait3A_358, %dma_wait3A_359] : memref<128x112xbf16, #tpu.memory_space<vmem>> -> memref<128x112xbf16, #tpu.memory_space<vmem>>
      %dma_wait3A_361 = arith.constant 0 : i32
      %dma_wait3A_362 = tpu.memref_slice %arg6[%add3A_294, %dma_wait3A_361] : memref<20224x112xbf16, #tpu.memory_space<hbm>> -> memref<128x112xbf16, #tpu.memory_space<hbm>>
      %dma_wait3A_363 = arith.constant 0 : i32
      %dma_wait3A_364 = tpu.memref_slice %arg6[%add3A_294, %dma_wait3A_363] : memref<20224x112xbf16, #tpu.memory_space<hbm>> -> memref<128x112xbf16, #tpu.memory_space<hbm>>
      %dma_wait3A_365 = arith.constant 0 : i32
      %dma_wait3A_366 = arith.constant 0 : i32
      %dma_wait3A_367 = tpu.memref_slice %arg9[%run_scoped3A_295, %dma_wait3A_365, %dma_wait3A_366] : memref<5x128x112xbf16, #tpu.memory_space<vmem>> -> memref<1x128x112xbf16, #tpu.memory_space<vmem>>
      %dma_wait3A_368 = tpu.memref_squeeze %dma_wait3A_367 : memref<1x128x112xbf16, #tpu.memory_space<vmem>> -> memref<128x112xbf16, #tpu.memory_space<vmem>>
      %dma_wait3A_369 = arith.constant 0 : i32
      %dma_wait3A_370 = arith.constant 0 : i32
      %dma_wait3A_371 = tpu.memref_slice %dma_wait3A_368[%dma_wait3A_369, %dma_wait3A_370] : memref<128x112xbf16, #tpu.memory_space<vmem>> -> memref<128x112xbf16, #tpu.memory_space<vmem>>
      tpu.wait_dma2 semaphore(%run_scoped3A_335 : memref<!tpu.dma_semaphore, #tpu.memory_space<semaphore_mem>>) src(%dma_wait3A_371 : memref<128x112xbf16, #tpu.memory_space<vmem>>) dst(%dma_wait3A_364 : memref<128x112xbf16, #tpu.memory_space<hbm>>)
      tpu.yield
    }) : () -> ()
    %mul3A_296 = arith.constant 632 : i32
    %mul3A_297 = arith.muli %arg1, %mul3A_296 : i32
    %add3A_298 = arith.constant 256 : i32
    %add3A_299 = arith.addi %mul3A_297, %add3A_298 : i32
    %run_scoped3A_300 = arith.constant 0 : i32
    "tpu.region"() ({
      %run_scoped3A_335 = tpu.sem_alloc : memref<!tpu.dma_semaphore, #tpu.memory_space<semaphore_mem>>
      %dma_start3A_336 = arith.constant 0 : i32
      %dma_start3A_337 = arith.constant 0 : i32
      %dma_start3A_338 = tpu.memref_slice %arg9[%run_scoped3A_300, %dma_start3A_336, %dma_start3A_337] : memref<5x128x112xbf16, #tpu.memory_space<vmem>> -> memref<1x128x112xbf16, #tpu.memory_space<vmem>>
      %dma_start3A_339 = tpu.memref_squeeze %dma_start3A_338 : memref<1x128x112xbf16, #tpu.memory_space<vmem>> -> memref<128x112xbf16, #tpu.memory_space<vmem>>
      %dma_start3A_340 = arith.constant 0 : i32
      %dma_start3A_341 = arith.constant 0 : i32
      %dma_start3A_342 = tpu.memref_slice %dma_start3A_339[%dma_start3A_340, %dma_start3A_341] : memref<128x112xbf16, #tpu.memory_space<vmem>> -> memref<128x112xbf16, #tpu.memory_space<vmem>>
      %dma_start3A_343 = arith.constant 0 : i32
      %dma_start3A_344 = tpu.memref_slice %arg10[%add3A_299, %dma_start3A_343] : memref<10112x112xbf16, #tpu.memory_space<vmem_shared>> -> memref<128x112xbf16, #tpu.memory_space<vmem_shared>>
      %dma_start3A_345 = arith.constant 0 : i32
      %dma_start3A_346 = arith.constant 0 : i32
      %dma_start3A_347 = tpu.memref_slice %arg9[%run_scoped3A_300, %dma_start3A_345, %dma_start3A_346] : memref<5x128x112xbf16, #tpu.memory_space<vmem>> -> memref<1x128x112xbf16, #tpu.memory_space<vmem>>
      %dma_start3A_348 = tpu.memref_squeeze %dma_start3A_347 : memref<1x128x112xbf16, #tpu.memory_space<vmem>> -> memref<128x112xbf16, #tpu.memory_space<vmem>>
      %dma_start3A_349 = arith.constant 0 : i32
      %dma_start3A_350 = arith.constant 0 : i32
      %dma_start3A_351 = tpu.memref_slice %dma_start3A_348[%dma_start3A_349, %dma_start3A_350] : memref<128x112xbf16, #tpu.memory_space<vmem>> -> memref<128x112xbf16, #tpu.memory_space<vmem>>
      %dma_start3A_352 = arith.constant 0 : i32
      %dma_start3A_353 = tpu.memref_slice %arg10[%add3A_299, %dma_start3A_352] : memref<10112x112xbf16, #tpu.memory_space<vmem_shared>> -> memref<128x112xbf16, #tpu.memory_space<vmem_shared>>
      tpu.enqueue_dma source(%dma_start3A_353 : memref<128x112xbf16, #tpu.memory_space<vmem_shared>>) target(%dma_start3A_351 : memref<128x112xbf16, #tpu.memory_space<vmem>>) target_semaphore(%run_scoped3A_335 : memref<!tpu.dma_semaphore, #tpu.memory_space<semaphore_mem>>)
      %dma_wait3A_354 = arith.constant 0 : i32
      %dma_wait3A_355 = arith.constant 0 : i32
      %dma_wait3A_356 = tpu.memref_slice %arg9[%run_scoped3A_300, %dma_wait3A_354, %dma_wait3A_355] : memref<5x128x112xbf16, #tpu.memory_space<vmem>> -> memref<1x128x112xbf16, #tpu.memory_space<vmem>>
      %dma_wait3A_357 = tpu.memref_squeeze %dma_wait3A_356 : memref<1x128x112xbf16, #tpu.memory_space<vmem>> -> memref<128x112xbf16, #tpu.memory_space<vmem>>
      %dma_wait3A_358 = arith.constant 0 : i32
      %dma_wait3A_359 = arith.constant 0 : i32
      %dma_wait3A_360 = tpu.memref_slice %dma_wait3A_357[%dma_wait3A_358, %dma_wait3A_359] : memref<128x112xbf16, #tpu.memory_space<vmem>> -> memref<128x112xbf16, #tpu.memory_space<vmem>>
      %dma_wait3A_361 = arith.constant 0 : i32
      %dma_wait3A_362 = tpu.memref_slice %arg10[%add3A_299, %dma_wait3A_361] : memref<10112x112xbf16, #tpu.memory_space<vmem_shared>> -> memref<128x112xbf16, #tpu.memory_space<vmem_shared>>
      %dma_wait3A_363 = arith.constant 0 : i32
      %dma_wait3A_364 = arith.constant 0 : i32
      %dma_wait3A_365 = tpu.memref_slice %arg9[%run_scoped3A_300, %dma_wait3A_363, %dma_wait3A_364] : memref<5x128x112xbf16, #tpu.memory_space<vmem>> -> memref<1x128x112xbf16, #tpu.memory_space<vmem>>
      %dma_wait3A_366 = tpu.memref_squeeze %dma_wait3A_365 : memref<1x128x112xbf16, #tpu.memory_space<vmem>> -> memref<128x112xbf16, #tpu.memory_space<vmem>>
      %dma_wait3A_367 = arith.constant 0 : i32
      %dma_wait3A_368 = arith.constant 0 : i32
      %dma_wait3A_369 = tpu.memref_slice %dma_wait3A_366[%dma_wait3A_367, %dma_wait3A_368] : memref<128x112xbf16, #tpu.memory_space<vmem>> -> memref<128x112xbf16, #tpu.memory_space<vmem>>
      %dma_wait3A_370 = arith.constant 0 : i32
      %dma_wait3A_371 = tpu.memref_slice %arg10[%add3A_299, %dma_wait3A_370] : memref<10112x112xbf16, #tpu.memory_space<vmem_shared>> -> memref<128x112xbf16, #tpu.memory_space<vmem_shared>>
      tpu.wait_dma2 semaphore(%run_scoped3A_335 : memref<!tpu.dma_semaphore, #tpu.memory_space<semaphore_mem>>) src(%dma_wait3A_371 : memref<128x112xbf16, #tpu.memory_space<vmem_shared>>) dst(%dma_wait3A_369 : memref<128x112xbf16, #tpu.memory_space<vmem>>)
      tpu.yield
    }) : () -> ()
    %mul3A_301 = arith.constant 10112 : i32
    %mul3A_302 = arith.muli %arg0, %mul3A_301 : i32
    %mul3A_303 = arith.constant 632 : i32
    %mul3A_304 = arith.muli %arg1, %mul3A_303 : i32
    %add3A_305 = arith.addi %mul3A_302, %mul3A_304 : i32
    %add3A_306 = arith.constant 256 : i32
    %add3A_307 = arith.addi %add3A_305, %add3A_306 : i32
    %run_scoped3A_308 = arith.constant 0 : i32
    "tpu.region"() ({
      %run_scoped3A_335 = tpu.sem_alloc : memref<!tpu.dma_semaphore, #tpu.memory_space<semaphore_mem>>
      %dma_start3A_336 = arith.constant 0 : i32
      %dma_start3A_337 = arith.constant 0 : i32
      %dma_start3A_338 = tpu.memref_slice %arg9[%run_scoped3A_308, %dma_start3A_336, %dma_start3A_337] : memref<5x128x112xbf16, #tpu.memory_space<vmem>> -> memref<1x128x112xbf16, #tpu.memory_space<vmem>>
      %dma_start3A_339 = tpu.memref_squeeze %dma_start3A_338 : memref<1x128x112xbf16, #tpu.memory_space<vmem>> -> memref<128x112xbf16, #tpu.memory_space<vmem>>
      %dma_start3A_340 = arith.constant 0 : i32
      %dma_start3A_341 = arith.constant 0 : i32
      %dma_start3A_342 = tpu.memref_slice %dma_start3A_339[%dma_start3A_340, %dma_start3A_341] : memref<128x112xbf16, #tpu.memory_space<vmem>> -> memref<128x112xbf16, #tpu.memory_space<vmem>>
      %dma_start3A_343 = arith.constant 0 : i32
      %dma_start3A_344 = tpu.memref_slice %arg6[%add3A_307, %dma_start3A_343] : memref<20224x112xbf16, #tpu.memory_space<hbm>> -> memref<128x112xbf16, #tpu.memory_space<hbm>>
      %dma_start3A_345 = arith.constant 0 : i32
      %dma_start3A_346 = tpu.memref_slice %arg6[%add3A_307, %dma_start3A_345] : memref<20224x112xbf16, #tpu.memory_space<hbm>> -> memref<128x112xbf16, #tpu.memory_space<hbm>>
      %dma_start3A_347 = arith.constant 0 : i32
      %dma_start3A_348 = arith.constant 0 : i32
      %dma_start3A_349 = tpu.memref_slice %arg9[%run_scoped3A_308, %dma_start3A_347, %dma_start3A_348] : memref<5x128x112xbf16, #tpu.memory_space<vmem>> -> memref<1x128x112xbf16, #tpu.memory_space<vmem>>
      %dma_start3A_350 = tpu.memref_squeeze %dma_start3A_349 : memref<1x128x112xbf16, #tpu.memory_space<vmem>> -> memref<128x112xbf16, #tpu.memory_space<vmem>>
      %dma_start3A_351 = arith.constant 0 : i32
      %dma_start3A_352 = arith.constant 0 : i32
      %dma_start3A_353 = tpu.memref_slice %dma_start3A_350[%dma_start3A_351, %dma_start3A_352] : memref<128x112xbf16, #tpu.memory_space<vmem>> -> memref<128x112xbf16, #tpu.memory_space<vmem>>
      tpu.enqueue_dma source(%dma_start3A_353 : memref<128x112xbf16, #tpu.memory_space<vmem>>) target(%dma_start3A_346 : memref<128x112xbf16, #tpu.memory_space<hbm>>) target_semaphore(%run_scoped3A_335 : memref<!tpu.dma_semaphore, #tpu.memory_space<semaphore_mem>>)
      %dma_wait3A_354 = arith.constant 0 : i32
      %dma_wait3A_355 = arith.constant 0 : i32
      %dma_wait3A_356 = tpu.memref_slice %arg9[%run_scoped3A_308, %dma_wait3A_354, %dma_wait3A_355] : memref<5x128x112xbf16, #tpu.memory_space<vmem>> -> memref<1x128x112xbf16, #tpu.memory_space<vmem>>
      %dma_wait3A_357 = tpu.memref_squeeze %dma_wait3A_356 : memref<1x128x112xbf16, #tpu.memory_space<vmem>> -> memref<128x112xbf16, #tpu.memory_space<vmem>>
      %dma_wait3A_358 = arith.constant 0 : i32
      %dma_wait3A_359 = arith.constant 0 : i32
      %dma_wait3A_360 = tpu.memref_slice %dma_wait3A_357[%dma_wait3A_358, %dma_wait3A_359] : memref<128x112xbf16, #tpu.memory_space<vmem>> -> memref<128x112xbf16, #tpu.memory_space<vmem>>
      %dma_wait3A_361 = arith.constant 0 : i32
      %dma_wait3A_362 = tpu.memref_slice %arg6[%add3A_307, %dma_wait3A_361] : memref<20224x112xbf16, #tpu.memory_space<hbm>> -> memref<128x112xbf16, #tpu.memory_space<hbm>>
      %dma_wait3A_363 = arith.constant 0 : i32
      %dma_wait3A_364 = tpu.memref_slice %arg6[%add3A_307, %dma_wait3A_363] : memref<20224x112xbf16, #tpu.memory_space<hbm>> -> memref<128x112xbf16, #tpu.memory_space<hbm>>
      %dma_wait3A_365 = arith.constant 0 : i32
      %dma_wait3A_366 = arith.constant 0 : i32
      %dma_wait3A_367 = tpu.memref_slice %arg9[%run_scoped3A_308, %dma_wait3A_365, %dma_wait3A_366] : memref<5x128x112xbf16, #tpu.memory_space<vmem>> -> memref<1x128x112xbf16, #tpu.memory_space<vmem>>
      %dma_wait3A_368 = tpu.memref_squeeze %dma_wait3A_367 : memref<1x128x112xbf16, #tpu.memory_space<vmem>> -> memref<128x112xbf16, #tpu.memory_space<vmem>>
      %dma_wait3A_369 = arith.constant 0 : i32
      %dma_wait3A_370 = arith.constant 0 : i32
      %dma_wait3A_371 = tpu.memref_slice %dma_wait3A_368[%dma_wait3A_369, %dma_wait3A_370] : memref<128x112xbf16, #tpu.memory_space<vmem>> -> memref<128x112xbf16, #tpu.memory_space<vmem>>
      tpu.wait_dma2 semaphore(%run_scoped3A_335 : memref<!tpu.dma_semaphore, #tpu.memory_space<semaphore_mem>>) src(%dma_wait3A_371 : memref<128x112xbf16, #tpu.memory_space<vmem>>) dst(%dma_wait3A_364 : memref<128x112xbf16, #tpu.memory_space<hbm>>)
      tpu.yield
    }) : () -> ()
    %mul3A_309 = arith.constant 632 : i32
    %mul3A_310 = arith.muli %arg1, %mul3A_309 : i32
    %add3A_311 = arith.constant 384 : i32
    %add3A_312 = arith.addi %mul3A_310, %add3A_311 : i32
    %run_scoped3A_313 = arith.constant 0 : i32
    "tpu.region"() ({
      %run_scoped3A_335 = tpu.sem_alloc : memref<!tpu.dma_semaphore, #tpu.memory_space<semaphore_mem>>
      %dma_start3A_336 = arith.constant 0 : i32
      %dma_start3A_337 = arith.constant 0 : i32
      %dma_start3A_338 = tpu.memref_slice %arg9[%run_scoped3A_313, %dma_start3A_336, %dma_start3A_337] : memref<5x128x112xbf16, #tpu.memory_space<vmem>> -> memref<1x128x112xbf16, #tpu.memory_space<vmem>>
      %dma_start3A_339 = tpu.memref_squeeze %dma_start3A_338 : memref<1x128x112xbf16, #tpu.memory_space<vmem>> -> memref<128x112xbf16, #tpu.memory_space<vmem>>
      %dma_start3A_340 = arith.constant 0 : i32
      %dma_start3A_341 = arith.constant 0 : i32
      %dma_start3A_342 = tpu.memref_slice %dma_start3A_339[%dma_start3A_340, %dma_start3A_341] : memref<128x112xbf16, #tpu.memory_space<vmem>> -> memref<128x112xbf16, #tpu.memory_space<vmem>>
      %dma_start3A_343 = arith.constant 0 : i32
      %dma_start3A_344 = tpu.memref_slice %arg10[%add3A_312, %dma_start3A_343] : memref<10112x112xbf16, #tpu.memory_space<vmem_shared>> -> memref<128x112xbf16, #tpu.memory_space<vmem_shared>>
      %dma_start3A_345 = arith.constant 0 : i32
      %dma_start3A_346 = arith.constant 0 : i32
      %dma_start3A_347 = tpu.memref_slice %arg9[%run_scoped3A_313, %dma_start3A_345, %dma_start3A_346] : memref<5x128x112xbf16, #tpu.memory_space<vmem>> -> memref<1x128x112xbf16, #tpu.memory_space<vmem>>
      %dma_start3A_348 = tpu.memref_squeeze %dma_start3A_347 : memref<1x128x112xbf16, #tpu.memory_space<vmem>> -> memref<128x112xbf16, #tpu.memory_space<vmem>>
      %dma_start3A_349 = arith.constant 0 : i32
      %dma_start3A_350 = arith.constant 0 : i32
      %dma_start3A_351 = tpu.memref_slice %dma_start3A_348[%dma_start3A_349, %dma_start3A_350] : memref<128x112xbf16, #tpu.memory_space<vmem>> -> memref<128x112xbf16, #tpu.memory_space<vmem>>
      %dma_start3A_352 = arith.constant 0 : i32
      %dma_start3A_353 = tpu.memref_slice %arg10[%add3A_312, %dma_start3A_352] : memref<10112x112xbf16, #tpu.memory_space<vmem_shared>> -> memref<128x112xbf16, #tpu.memory_space<vmem_shared>>
      tpu.enqueue_dma source(%dma_start3A_353 : memref<128x112xbf16, #tpu.memory_space<vmem_shared>>) target(%dma_start3A_351 : memref<128x112xbf16, #tpu.memory_space<vmem>>) target_semaphore(%run_scoped3A_335 : memref<!tpu.dma_semaphore, #tpu.memory_space<semaphore_mem>>)
      %dma_wait3A_354 = arith.constant 0 : i32
      %dma_wait3A_355 = arith.constant 0 : i32
      %dma_wait3A_356 = tpu.memref_slice %arg9[%run_scoped3A_313, %dma_wait3A_354, %dma_wait3A_355] : memref<5x128x112xbf16, #tpu.memory_space<vmem>> -> memref<1x128x112xbf16, #tpu.memory_space<vmem>>
      %dma_wait3A_357 = tpu.memref_squeeze %dma_wait3A_356 : memref<1x128x112xbf16, #tpu.memory_space<vmem>> -> memref<128x112xbf16, #tpu.memory_space<vmem>>
      %dma_wait3A_358 = arith.constant 0 : i32
      %dma_wait3A_359 = arith.constant 0 : i32
      %dma_wait3A_360 = tpu.memref_slice %dma_wait3A_357[%dma_wait3A_358, %dma_wait3A_359] : memref<128x112xbf16, #tpu.memory_space<vmem>> -> memref<128x112xbf16, #tpu.memory_space<vmem>>
      %dma_wait3A_361 = arith.constant 0 : i32
      %dma_wait3A_362 = tpu.memref_slice %arg10[%add3A_312, %dma_wait3A_361] : memref<10112x112xbf16, #tpu.memory_space<vmem_shared>> -> memref<128x112xbf16, #tpu.memory_space<vmem_shared>>
      %dma_wait3A_363 = arith.constant 0 : i32
      %dma_wait3A_364 = arith.constant 0 : i32
      %dma_wait3A_365 = tpu.memref_slice %arg9[%run_scoped3A_313, %dma_wait3A_363, %dma_wait3A_364] : memref<5x128x112xbf16, #tpu.memory_space<vmem>> -> memref<1x128x112xbf16, #tpu.memory_space<vmem>>
      %dma_wait3A_366 = tpu.memref_squeeze %dma_wait3A_365 : memref<1x128x112xbf16, #tpu.memory_space<vmem>> -> memref<128x112xbf16, #tpu.memory_space<vmem>>
      %dma_wait3A_367 = arith.constant 0 : i32
      %dma_wait3A_368 = arith.constant 0 : i32
      %dma_wait3A_369 = tpu.memref_slice %dma_wait3A_366[%dma_wait3A_367, %dma_wait3A_368] : memref<128x112xbf16, #tpu.memory_space<vmem>> -> memref<128x112xbf16, #tpu.memory_space<vmem>>
      %dma_wait3A_370 = arith.constant 0 : i32
      %dma_wait3A_371 = tpu.memref_slice %arg10[%add3A_312, %dma_wait3A_370] : memref<10112x112xbf16, #tpu.memory_space<vmem_shared>> -> memref<128x112xbf16, #tpu.memory_space<vmem_shared>>
      tpu.wait_dma2 semaphore(%run_scoped3A_335 : memref<!tpu.dma_semaphore, #tpu.memory_space<semaphore_mem>>) src(%dma_wait3A_371 : memref<128x112xbf16, #tpu.memory_space<vmem_shared>>) dst(%dma_wait3A_369 : memref<128x112xbf16, #tpu.memory_space<vmem>>)
      tpu.yield
    }) : () -> ()
    %mul3A_314 = arith.constant 10112 : i32
    %mul3A_315 = arith.muli %arg0, %mul3A_314 : i32
    %mul3A_316 = arith.constant 632 : i32
    %mul3A_317 = arith.muli %arg1, %mul3A_316 : i32
    %add3A_318 = arith.addi %mul3A_315, %mul3A_317 : i32
    %add3A_319 = arith.constant 384 : i32
    %add3A_320 = arith.addi %add3A_318, %add3A_319 : i32
    %run_scoped3A_321 = arith.constant 0 : i32
    "tpu.region"() ({
      %run_scoped3A_335 = tpu.sem_alloc : memref<!tpu.dma_semaphore, #tpu.memory_space<semaphore_mem>>
      %dma_start3A_336 = arith.constant 0 : i32
      %dma_start3A_337 = arith.constant 0 : i32
      %dma_start3A_338 = tpu.memref_slice %arg9[%run_scoped3A_321, %dma_start3A_336, %dma_start3A_337] : memref<5x128x112xbf16, #tpu.memory_space<vmem>> -> memref<1x128x112xbf16, #tpu.memory_space<vmem>>
      %dma_start3A_339 = tpu.memref_squeeze %dma_start3A_338 : memref<1x128x112xbf16, #tpu.memory_space<vmem>> -> memref<128x112xbf16, #tpu.memory_space<vmem>>
      %dma_start3A_340 = arith.constant 0 : i32
      %dma_start3A_341 = arith.constant 0 : i32
      %dma_start3A_342 = tpu.memref_slice %dma_start3A_339[%dma_start3A_340, %dma_start3A_341] : memref<128x112xbf16, #tpu.memory_space<vmem>> -> memref<128x112xbf16, #tpu.memory_space<vmem>>
      %dma_start3A_343 = arith.constant 0 : i32
      %dma_start3A_344 = tpu.memref_slice %arg6[%add3A_320, %dma_start3A_343] : memref<20224x112xbf16, #tpu.memory_space<hbm>> -> memref<128x112xbf16, #tpu.memory_space<hbm>>
      %dma_start3A_345 = arith.constant 0 : i32
      %dma_start3A_346 = tpu.memref_slice %arg6[%add3A_320, %dma_start3A_345] : memref<20224x112xbf16, #tpu.memory_space<hbm>> -> memref<128x112xbf16, #tpu.memory_space<hbm>>
      %dma_start3A_347 = arith.constant 0 : i32
      %dma_start3A_348 = arith.constant 0 : i32
      %dma_start3A_349 = tpu.memref_slice %arg9[%run_scoped3A_321, %dma_start3A_347, %dma_start3A_348] : memref<5x128x112xbf16, #tpu.memory_space<vmem>> -> memref<1x128x112xbf16, #tpu.memory_space<vmem>>
      %dma_start3A_350 = tpu.memref_squeeze %dma_start3A_349 : memref<1x128x112xbf16, #tpu.memory_space<vmem>> -> memref<128x112xbf16, #tpu.memory_space<vmem>>
      %dma_start3A_351 = arith.constant 0 : i32
      %dma_start3A_352 = arith.constant 0 : i32
      %dma_start3A_353 = tpu.memref_slice %dma_start3A_350[%dma_start3A_351, %dma_start3A_352] : memref<128x112xbf16, #tpu.memory_space<vmem>> -> memref<128x112xbf16, #tpu.memory_space<vmem>>
      tpu.enqueue_dma source(%dma_start3A_353 : memref<128x112xbf16, #tpu.memory_space<vmem>>) target(%dma_start3A_346 : memref<128x112xbf16, #tpu.memory_space<hbm>>) target_semaphore(%run_scoped3A_335 : memref<!tpu.dma_semaphore, #tpu.memory_space<semaphore_mem>>)
      %dma_wait3A_354 = arith.constant 0 : i32
      %dma_wait3A_355 = arith.constant 0 : i32
      %dma_wait3A_356 = tpu.memref_slice %arg9[%run_scoped3A_321, %dma_wait3A_354, %dma_wait3A_355] : memref<5x128x112xbf16, #tpu.memory_space<vmem>> -> memref<1x128x112xbf16, #tpu.memory_space<vmem>>
      %dma_wait3A_357 = tpu.memref_squeeze %dma_wait3A_356 : memref<1x128x112xbf16, #tpu.memory_space<vmem>> -> memref<128x112xbf16, #tpu.memory_space<vmem>>
      %dma_wait3A_358 = arith.constant 0 : i32
      %dma_wait3A_359 = arith.constant 0 : i32
      %dma_wait3A_360 = tpu.memref_slice %dma_wait3A_357[%dma_wait3A_358, %dma_wait3A_359] : memref<128x112xbf16, #tpu.memory_space<vmem>> -> memref<128x112xbf16, #tpu.memory_space<vmem>>
      %dma_wait3A_361 = arith.constant 0 : i32
      %dma_wait3A_362 = tpu.memref_slice %arg6[%add3A_320, %dma_wait3A_361] : memref<20224x112xbf16, #tpu.memory_space<hbm>> -> memref<128x112xbf16, #tpu.memory_space<hbm>>
      %dma_wait3A_363 = arith.constant 0 : i32
      %dma_wait3A_364 = tpu.memref_slice %arg6[%add3A_320, %dma_wait3A_363] : memref<20224x112xbf16, #tpu.memory_space<hbm>> -> memref<128x112xbf16, #tpu.memory_space<hbm>>
      %dma_wait3A_365 = arith.constant 0 : i32
      %dma_wait3A_366 = arith.constant 0 : i32
      %dma_wait3A_367 = tpu.memref_slice %arg9[%run_scoped3A_321, %dma_wait3A_365, %dma_wait3A_366] : memref<5x128x112xbf16, #tpu.memory_space<vmem>> -> memref<1x128x112xbf16, #tpu.memory_space<vmem>>
      %dma_wait3A_368 = tpu.memref_squeeze %dma_wait3A_367 : memref<1x128x112xbf16, #tpu.memory_space<vmem>> -> memref<128x112xbf16, #tpu.memory_space<vmem>>
      %dma_wait3A_369 = arith.constant 0 : i32
      %dma_wait3A_370 = arith.constant 0 : i32
      %dma_wait3A_371 = tpu.memref_slice %dma_wait3A_368[%dma_wait3A_369, %dma_wait3A_370] : memref<128x112xbf16, #tpu.memory_space<vmem>> -> memref<128x112xbf16, #tpu.memory_space<vmem>>
      tpu.wait_dma2 semaphore(%run_scoped3A_335 : memref<!tpu.dma_semaphore, #tpu.memory_space<semaphore_mem>>) src(%dma_wait3A_371 : memref<128x112xbf16, #tpu.memory_space<vmem>>) dst(%dma_wait3A_364 : memref<128x112xbf16, #tpu.memory_space<hbm>>)
      tpu.yield
    }) : () -> ()
    %mul3A_322 = arith.constant 632 : i32
    %mul3A_323 = arith.muli %arg1, %mul3A_322 : i32
    %add3A_324 = arith.constant 512 : i32
    %add3A_325 = arith.addi %mul3A_323, %add3A_324 : i32
    %run_scoped3A_326 = arith.constant 0 : i32
    "tpu.region"() ({
      %run_scoped3A_335 = tpu.sem_alloc : memref<!tpu.dma_semaphore, #tpu.memory_space<semaphore_mem>>
      %dma_start3A_336 = arith.constant 0 : i32
      %dma_start3A_337 = arith.constant 0 : i32
      %dma_start3A_338 = tpu.memref_slice %arg9[%run_scoped3A_326, %dma_start3A_336, %dma_start3A_337] : memref<5x128x112xbf16, #tpu.memory_space<vmem>> -> memref<1x128x112xbf16, #tpu.memory_space<vmem>>
      %dma_start3A_339 = tpu.memref_squeeze %dma_start3A_338 : memref<1x128x112xbf16, #tpu.memory_space<vmem>> -> memref<128x112xbf16, #tpu.memory_space<vmem>>
      %dma_start3A_340 = arith.constant 0 : i32
      %dma_start3A_341 = arith.constant 0 : i32
      %dma_start3A_342 = tpu.memref_slice %dma_start3A_339[%dma_start3A_340, %dma_start3A_341] : memref<128x112xbf16, #tpu.memory_space<vmem>> -> memref<120x112xbf16, #tpu.memory_space<vmem>>
      %dma_start3A_343 = arith.constant 0 : i32
      %dma_start3A_344 = tpu.memref_slice %arg10[%add3A_325, %dma_start3A_343] : memref<10112x112xbf16, #tpu.memory_space<vmem_shared>> -> memref<120x112xbf16, #tpu.memory_space<vmem_shared>>
      %dma_start3A_345 = arith.constant 0 : i32
      %dma_start3A_346 = arith.constant 0 : i32
      %dma_start3A_347 = tpu.memref_slice %arg9[%run_scoped3A_326, %dma_start3A_345, %dma_start3A_346] : memref<5x128x112xbf16, #tpu.memory_space<vmem>> -> memref<1x128x112xbf16, #tpu.memory_space<vmem>>
      %dma_start3A_348 = tpu.memref_squeeze %dma_start3A_347 : memref<1x128x112xbf16, #tpu.memory_space<vmem>> -> memref<128x112xbf16, #tpu.memory_space<vmem>>
      %dma_start3A_349 = arith.constant 0 : i32
      %dma_start3A_350 = arith.constant 0 : i32
      %dma_start3A_351 = tpu.memref_slice %dma_start3A_348[%dma_start3A_349, %dma_start3A_350] : memref<128x112xbf16, #tpu.memory_space<vmem>> -> memref<120x112xbf16, #tpu.memory_space<vmem>>
      %dma_start3A_352 = arith.constant 0 : i32
      %dma_start3A_353 = tpu.memref_slice %arg10[%add3A_325, %dma_start3A_352] : memref<10112x112xbf16, #tpu.memory_space<vmem_shared>> -> memref<120x112xbf16, #tpu.memory_space<vmem_shared>>
      tpu.enqueue_dma source(%dma_start3A_353 : memref<120x112xbf16, #tpu.memory_space<vmem_shared>>) target(%dma_start3A_351 : memref<120x112xbf16, #tpu.memory_space<vmem>>) target_semaphore(%run_scoped3A_335 : memref<!tpu.dma_semaphore, #tpu.memory_space<semaphore_mem>>)
      %dma_wait3A_354 = arith.constant 0 : i32
      %dma_wait3A_355 = arith.constant 0 : i32
      %dma_wait3A_356 = tpu.memref_slice %arg9[%run_scoped3A_326, %dma_wait3A_354, %dma_wait3A_355] : memref<5x128x112xbf16, #tpu.memory_space<vmem>> -> memref<1x128x112xbf16, #tpu.memory_space<vmem>>
      %dma_wait3A_357 = tpu.memref_squeeze %dma_wait3A_356 : memref<1x128x112xbf16, #tpu.memory_space<vmem>> -> memref<128x112xbf16, #tpu.memory_space<vmem>>
      %dma_wait3A_358 = arith.constant 0 : i32
      %dma_wait3A_359 = arith.constant 0 : i32
      %dma_wait3A_360 = tpu.memref_slice %dma_wait3A_357[%dma_wait3A_358, %dma_wait3A_359] : memref<128x112xbf16, #tpu.memory_space<vmem>> -> memref<120x112xbf16, #tpu.memory_space<vmem>>
      %dma_wait3A_361 = arith.constant 0 : i32
      %dma_wait3A_362 = tpu.memref_slice %arg10[%add3A_325, %dma_wait3A_361] : memref<10112x112xbf16, #tpu.memory_space<vmem_shared>> -> memref<120x112xbf16, #tpu.memory_space<vmem_shared>>
      %dma_wait3A_363 = arith.constant 0 : i32
      %dma_wait3A_364 = arith.constant 0 : i32
      %dma_wait3A_365 = tpu.memref_slice %arg9[%run_scoped3A_326, %dma_wait3A_363, %dma_wait3A_364] : memref<5x128x112xbf16, #tpu.memory_space<vmem>> -> memref<1x128x112xbf16, #tpu.memory_space<vmem>>
      %dma_wait3A_366 = tpu.memref_squeeze %dma_wait3A_365 : memref<1x128x112xbf16, #tpu.memory_space<vmem>> -> memref<128x112xbf16, #tpu.memory_space<vmem>>
      %dma_wait3A_367 = arith.constant 0 : i32
      %dma_wait3A_368 = arith.constant 0 : i32
      %dma_wait3A_369 = tpu.memref_slice %dma_wait3A_366[%dma_wait3A_367, %dma_wait3A_368] : memref<128x112xbf16, #tpu.memory_space<vmem>> -> memref<120x112xbf16, #tpu.memory_space<vmem>>
      %dma_wait3A_370 = arith.constant 0 : i32
      %dma_wait3A_371 = tpu.memref_slice %arg10[%add3A_325, %dma_wait3A_370] : memref<10112x112xbf16, #tpu.memory_space<vmem_shared>> -> memref<120x112xbf16, #tpu.memory_space<vmem_shared>>
      tpu.wait_dma2 semaphore(%run_scoped3A_335 : memref<!tpu.dma_semaphore, #tpu.memory_space<semaphore_mem>>) src(%dma_wait3A_371 : memref<120x112xbf16, #tpu.memory_space<vmem_shared>>) dst(%dma_wait3A_369 : memref<120x112xbf16, #tpu.memory_space<vmem>>)
      tpu.yield
    }) : () -> ()
    %mul3A_327 = arith.constant 10112 : i32
    %mul3A_328 = arith.muli %arg0, %mul3A_327 : i32
    %mul3A_329 = arith.constant 632 : i32
    %mul3A_330 = arith.muli %arg1, %mul3A_329 : i32
    %add3A_331 = arith.addi %mul3A_328, %mul3A_330 : i32
    %add3A_332 = arith.constant 512 : i32
    %add3A_333 = arith.addi %add3A_331, %add3A_332 : i32
    %run_scoped3A_334 = arith.constant 0 : i32
    "tpu.region"() ({
      %run_scoped3A_335 = tpu.sem_alloc : memref<!tpu.dma_semaphore, #tpu.memory_space<semaphore_mem>>
      %dma_start3A_336 = arith.constant 0 : i32
      %dma_start3A_337 = arith.constant 0 : i32
      %dma_start3A_338 = tpu.memref_slice %arg9[%run_scoped3A_334, %dma_start3A_336, %dma_start3A_337] : memref<5x128x112xbf16, #tpu.memory_space<vmem>> -> memref<1x128x112xbf16, #tpu.memory_space<vmem>>
      %dma_start3A_339 = tpu.memref_squeeze %dma_start3A_338 : memref<1x128x112xbf16, #tpu.memory_space<vmem>> -> memref<128x112xbf16, #tpu.memory_space<vmem>>
      %dma_start3A_340 = arith.constant 0 : i32
      %dma_start3A_341 = arith.constant 0 : i32
      %dma_start3A_342 = tpu.memref_slice %dma_start3A_339[%dma_start3A_340, %dma_start3A_341] : memref<128x112xbf16, #tpu.memory_space<vmem>> -> memref<120x112xbf16, #tpu.memory_space<vmem>>
      %dma_start3A_343 = arith.constant 0 : i32
      %dma_start3A_344 = tpu.memref_slice %arg6[%add3A_333, %dma_start3A_343] : memref<20224x112xbf16, #tpu.memory_space<hbm>> -> memref<120x112xbf16, #tpu.memory_space<hbm>>
      %dma_start3A_345 = arith.constant 0 : i32
      %dma_start3A_346 = tpu.memref_slice %arg6[%add3A_333, %dma_start3A_345] : memref<20224x112xbf16, #tpu.memory_space<hbm>> -> memref<120x112xbf16, #tpu.memory_space<hbm>>
      %dma_start3A_347 = arith.constant 0 : i32
      %dma_start3A_348 = arith.constant 0 : i32
      %dma_start3A_349 = tpu.memref_slice %arg9[%run_scoped3A_334, %dma_start3A_347, %dma_start3A_348] : memref<5x128x112xbf16, #tpu.memory_space<vmem>> -> memref<1x128x112xbf16, #tpu.memory_space<vmem>>
      %dma_start3A_350 = tpu.memref_squeeze %dma_start3A_349 : memref<1x128x112xbf16, #tpu.memory_space<vmem>> -> memref<128x112xbf16, #tpu.memory_space<vmem>>
      %dma_start3A_351 = arith.constant 0 : i32
      %dma_start3A_352 = arith.constant 0 : i32
      %dma_start3A_353 = tpu.memref_slice %dma_start3A_350[%dma_start3A_351, %dma_start3A_352] : memref<128x112xbf16, #tpu.memory_space<vmem>> -> memref<120x112xbf16, #tpu.memory_space<vmem>>
      tpu.enqueue_dma source(%dma_start3A_353 : memref<120x112xbf16, #tpu.memory_space<vmem>>) target(%dma_start3A_346 : memref<120x112xbf16, #tpu.memory_space<hbm>>) target_semaphore(%run_scoped3A_335 : memref<!tpu.dma_semaphore, #tpu.memory_space<semaphore_mem>>)
      %dma_wait3A_354 = arith.constant 0 : i32
      %dma_wait3A_355 = arith.constant 0 : i32
      %dma_wait3A_356 = tpu.memref_slice %arg9[%run_scoped3A_334, %dma_wait3A_354, %dma_wait3A_355] : memref<5x128x112xbf16, #tpu.memory_space<vmem>> -> memref<1x128x112xbf16, #tpu.memory_space<vmem>>
      %dma_wait3A_357 = tpu.memref_squeeze %dma_wait3A_356 : memref<1x128x112xbf16, #tpu.memory_space<vmem>> -> memref<128x112xbf16, #tpu.memory_space<vmem>>
      %dma_wait3A_358 = arith.constant 0 : i32
      %dma_wait3A_359 = arith.constant 0 : i32
      %dma_wait3A_360 = tpu.memref_slice %dma_wait3A_357[%dma_wait3A_358, %dma_wait3A_359] : memref<128x112xbf16, #tpu.memory_space<vmem>> -> memref<120x112xbf16, #tpu.memory_space<vmem>>
      %dma_wait3A_361 = arith.constant 0 : i32
      %dma_wait3A_362 = tpu.memref_slice %arg6[%add3A_333, %dma_wait3A_361] : memref<20224x112xbf16, #tpu.memory_space<hbm>> -> memref<120x112xbf16, #tpu.memory_space<hbm>>
      %dma_wait3A_363 = arith.constant 0 : i32
      %dma_wait3A_364 = tpu.memref_slice %arg6[%add3A_333, %dma_wait3A_363] : memref<20224x112xbf16, #tpu.memory_space<hbm>> -> memref<120x112xbf16, #tpu.memory_space<hbm>>
      %dma_wait3A_365 = arith.constant 0 : i32
      %dma_wait3A_366 = arith.constant 0 : i32
      %dma_wait3A_367 = tpu.memref_slice %arg9[%run_scoped3A_334, %dma_wait3A_365, %dma_wait3A_366] : memref<5x128x112xbf16, #tpu.memory_space<vmem>> -> memref<1x128x112xbf16, #tpu.memory_space<vmem>>
      %dma_wait3A_368 = tpu.memref_squeeze %dma_wait3A_367 : memref<1x128x112xbf16, #tpu.memory_space<vmem>> -> memref<128x112xbf16, #tpu.memory_space<vmem>>
      %dma_wait3A_369 = arith.constant 0 : i32
      %dma_wait3A_370 = arith.constant 0 : i32
      %dma_wait3A_371 = tpu.memref_slice %dma_wait3A_368[%dma_wait3A_369, %dma_wait3A_370] : memref<128x112xbf16, #tpu.memory_space<vmem>> -> memref<120x112xbf16, #tpu.memory_space<vmem>>
      tpu.wait_dma2 semaphore(%run_scoped3A_335 : memref<!tpu.dma_semaphore, #tpu.memory_space<semaphore_mem>>) src(%dma_wait3A_371 : memref<120x112xbf16, #tpu.memory_space<vmem>>) dst(%dma_wait3A_364 : memref<120x112xbf16, #tpu.memory_space<hbm>>)
      tpu.yield
    }) : () -> ()
    return
  }
}

module attributes {stable_mosaic.version = 14 : i64} {
  func.func @_tc1_body(%arg0: memref<20224xf32, #tpu.memory_space<vmem>>, %arg1: memref<10000x128xf32, #tpu.memory_space<vmem>>, %arg2: memref<128x112xf32, #tpu.memory_space<vmem>>, %arg3: memref<10112xf32, #tpu.memory_space<vmem>>, %arg4: memref<10000x112xbf16, #tpu.memory_space<vmem>>) attributes {dimension_semantics = [], scalar_prefetch = 0 : i64, scratch_operands = 0 : i64, tpu.core_type = #tpu.core_type<tc>} {
    %get3A = arith.constant 0 : index
    %get3A_0 = vector.load %arg0[%get3A] : memref<20224xf32, #tpu.memory_space<vmem>>, vector<20224xf32>
    %slice3A = vector.extract_strided_slice %get3A_0 {offsets = [0], sizes = [10112], strides = [1]} : vector<20224xf32> to vector<10112xf32>
    %slice3A_1 = vector.extract_strided_slice %get3A_0 {offsets = [10112], sizes = [10112], strides = [1]} : vector<20224xf32> to vector<10112xf32>
    %add3A = arith.addf %slice3A, %slice3A_1 : vector<10112xf32>
    %add3A_2 = arith.constant 1.000000e+00 : f32
    %add3A_3 = vector.broadcast %add3A_2 : f32 to vector<10112xf32>
    %add3A_4 = arith.addf %add3A, %add3A_3 : vector<10112xf32>
    %max3A = arith.constant 1.000000e+00 : f32
    %max3A_5 = vector.broadcast %max3A : f32 to vector<10112xf32>
    %max3A_6 = arith.maximumf %add3A_4, %max3A_5 : vector<10112xf32>
    %rsqrt3A = math.rsqrt %max3A_6 : vector<10112xf32>
    %swap3A = arith.constant 0 : index
    %swap3A_7 = vector.load %arg3[%swap3A] : memref<10112xf32, #tpu.memory_space<vmem>>, vector<10112xf32>
    tpu.vector_store %arg3[%swap3A], %rsqrt3A {strides = array<i32>} : memref<10112xf32, #tpu.memory_space<vmem>>, vector<10112xf32>,
    %get3A_8 = arith.constant 0 : index
    %get3A_9 = arith.constant 0 : index
    %get3A_10 = vector.load %arg1[%get3A_8, %get3A_9] : memref<10000x128xf32, #tpu.memory_space<vmem>>, vector<10000x128xf32>
    %get3A_11 = arith.constant 0 : index
    %get3A_12 = arith.constant 0 : index
    %get3A_13 = vector.load %arg2[%get3A_11, %get3A_12] : memref<128x112xf32, #tpu.memory_space<vmem>>, vector<128x112xf32>
    %dot_general3A = arith.constant dense<0.000000e+00> : vector<10000x112xf32>
    %dot_general3A_14 = tpu.matmul %get3A_10, %get3A_13, %dot_general3A {dimension_numbers = #tpu.dot_dimension_numbers<[1], [0], [0], [1], [0, 0, 1, 1], [], []>, transpose_lhs_hint = false} : vector<10000x128xf32>, vector<128x112xf32>, vector<10000x112xf32> -> vector<10000x112xf32>
    %slice3A_15 = vector.extract_strided_slice %rsqrt3A {offsets = [0], sizes = [10000], strides = [1]} : vector<10112xf32> to vector<10000xf32>
    %broadcast_in_dim3A = vector.shape_cast %slice3A_15 : vector<10000xf32> to vector<10000x1xf32>
    %mul3A = vector.broadcast %broadcast_in_dim3A : vector<10000x1xf32> to vector<10000x112xf32>
    %mul3A_16 = arith.mulf %mul3A, %dot_general3A_14 : vector<10000x112xf32>
    %convert_element_type3A = arith.truncf %mul3A_16 : vector<10000x112xf32> to vector<10000x112xbf16>
    %swap3A_17 = arith.constant 0 : index
    %swap3A_18 = arith.constant 0 : index
    %swap3A_19 = vector.load %arg4[%swap3A_17, %swap3A_18] : memref<10000x112xbf16, #tpu.memory_space<vmem>>, vector<10000x112xbf16>
    tpu.vector_store %arg4[%swap3A_17, %swap3A_18], %convert_element_type3A {strides = array<i32>} : memref<10000x112xbf16, #tpu.memory_space<vmem>>, vector<10000x112xbf16>,
    return
  }
}

module attributes {stable_mosaic.version = 14 : i64} {
  func.func @_tc2_body(%arg0: memref<20224x112xbf16, #tpu.memory_space<vmem>>, %arg1: memref<10000x112xbf16, #tpu.memory_space<vmem>>, %arg2: memref<10112xf32, #tpu.memory_space<vmem>>, %arg3: memref<112xf32, #tpu.memory_space<vmem>>, %arg4: memref<112x64xf32, #tpu.memory_space<vmem>>, %arg5: memref<10000x64xbf16, #tpu.memory_space<vmem>>) attributes {dimension_semantics = [], scalar_prefetch = 0 : i64, scratch_operands = 0 : i64, tpu.core_type = #tpu.core_type<tc>} {
    %get3A = arith.constant 0 : index
    %get3A_0 = vector.load %arg2[%get3A] : memref<10112xf32, #tpu.memory_space<vmem>>, vector<10112xf32>
    %get3A_1 = arith.constant 0 : index
    %get3A_2 = arith.constant 0 : index
    %get3A_3 = vector.load %arg0[%get3A_1, %get3A_2] : memref<20224x112xbf16, #tpu.memory_space<vmem>>, vector<10000x112xbf16>
    %convert_element_type3A = arith.extf %get3A_3 : vector<10000x112xbf16> to vector<10000x112xf32>
    %get3A_4 = arith.constant 10112 : index
    %get3A_5 = arith.constant 0 : index
    %get3A_6 = vector.load %arg0[%get3A_4, %get3A_5] : memref<20224x112xbf16, #tpu.memory_space<vmem>>, vector<10000x112xbf16>
    %convert_element_type3A_7 = arith.extf %get3A_6 : vector<10000x112xbf16> to vector<10000x112xf32>
    %add3A = arith.addf %convert_element_type3A, %convert_element_type3A_7 : vector<10000x112xf32>
    %get3A_8 = arith.constant 0 : index
    %get3A_9 = arith.constant 0 : index
    %get3A_10 = vector.load %arg1[%get3A_8, %get3A_9] : memref<10000x112xbf16, #tpu.memory_space<vmem>>, vector<10000x112xbf16>
    %convert_element_type3A_11 = arith.extf %get3A_10 : vector<10000x112xbf16> to vector<10000x112xf32>
    %add3A_12 = arith.addf %add3A, %convert_element_type3A_11 : vector<10000x112xf32>
    %slice3A = vector.extract_strided_slice %get3A_0 {offsets = [0], sizes = [10000], strides = [1]} : vector<10112xf32> to vector<10000xf32>
    %broadcast_in_dim3A = vector.shape_cast %slice3A : vector<10000xf32> to vector<10000x1xf32>
    %mul3A = vector.broadcast %broadcast_in_dim3A : vector<10000x1xf32> to vector<10000x112xf32>
    %mul3A_13 = arith.mulf %mul3A, %add3A_12 : vector<10000x112xf32>
    %get3A_14 = arith.constant 0 : index
    %get3A_15 = vector.load %arg3[%get3A_14] : memref<112xf32, #tpu.memory_space<vmem>>, vector<112xf32>
    %broadcast_in_dim3A_16 = vector.shape_cast %get3A_15 : vector<112xf32> to vector<1x112xf32>
    %add3A_17 = vector.broadcast %broadcast_in_dim3A_16 : vector<1x112xf32> to vector<10000x112xf32>
    %add3A_18 = arith.addf %mul3A_13, %add3A_17 : vector<10000x112xf32>
    %max3A = arith.constant 0.000000e+00 : f32
    %max3A_19 = vector.broadcast %max3A : f32 to vector<10000x112xf32>
    %max3A_20 = arith.maximumf %add3A_18, %max3A_19 : vector<10000x112xf32>
    %get3A_21 = arith.constant 0 : index
    %get3A_22 = arith.constant 0 : index
    %get3A_23 = vector.load %arg4[%get3A_21, %get3A_22] : memref<112x64xf32, #tpu.memory_space<vmem>>, vector<112x64xf32>
    %dot_general3A = arith.constant dense<0.000000e+00> : vector<10000x64xf32>
    %dot_general3A_24 = tpu.matmul %max3A_20, %get3A_23, %dot_general3A {dimension_numbers = #tpu.dot_dimension_numbers<[1], [0], [0], [1], [0, 0, 1, 1], [], []>, transpose_lhs_hint = false} : vector<10000x112xf32>, vector<112x64xf32>, vector<10000x64xf32> -> vector<10000x64xf32>
    %slice3A_25 = vector.extract_strided_slice %get3A_0 {offsets = [0], sizes = [10000], strides = [1]} : vector<10112xf32> to vector<10000xf32>
    %broadcast_in_dim3A_26 = vector.shape_cast %slice3A_25 : vector<10000xf32> to vector<10000x1xf32>
    %mul3A_27 = vector.broadcast %broadcast_in_dim3A_26 : vector<10000x1xf32> to vector<10000x64xf32>
    %mul3A_28 = arith.mulf %mul3A_27, %dot_general3A_24 : vector<10000x64xf32>
    %convert_element_type3A_29 = arith.truncf %mul3A_28 : vector<10000x64xf32> to vector<10000x64xbf16>
    %swap3A = arith.constant 0 : index
    %swap3A_30 = arith.constant 0 : index
    %swap3A_31 = vector.load %arg5[%swap3A, %swap3A_30] : memref<10000x64xbf16, #tpu.memory_space<vmem>>, vector<10000x64xbf16>
    tpu.vector_store %arg5[%swap3A, %swap3A_30], %convert_element_type3A_29 {strides = array<i32>} : memref<10000x64xbf16, #tpu.memory_space<vmem>>, vector<10000x64xbf16>,
    return
  }
}

module attributes {stable_mosaic.version = 14 : i64} {
  func.func @_tc3_body(%arg0: memref<20224x64xbf16, #tpu.memory_space<vmem>>, %arg1: memref<10000x64xbf16, #tpu.memory_space<vmem>>, %arg2: memref<10112xf32, #tpu.memory_space<vmem>>, %arg3: memref<64xf32, #tpu.memory_space<vmem>>, %arg4: memref<64x4xf32, #tpu.memory_space<vmem>>, %arg5: memref<4xf32, #tpu.memory_space<vmem>>, %arg6: memref<10000x4xf32, #tpu.memory_space<vmem>>) attributes {dimension_semantics = [], scalar_prefetch = 0 : i64, scratch_operands = 0 : i64, tpu.core_type = #tpu.core_type<tc>} {
    %get3A = arith.constant 0 : index
    %get3A_0 = vector.load %arg2[%get3A] : memref<10112xf32, #tpu.memory_space<vmem>>, vector<10112xf32>
    %get3A_1 = arith.constant 0 : index
    %get3A_2 = arith.constant 0 : index
    %get3A_3 = vector.load %arg0[%get3A_1, %get3A_2] : memref<20224x64xbf16, #tpu.memory_space<vmem>>, vector<10000x64xbf16>
    %convert_element_type3A = arith.extf %get3A_3 : vector<10000x64xbf16> to vector<10000x64xf32>
    %get3A_4 = arith.constant 10112 : index
    %get3A_5 = arith.constant 0 : index
    %get3A_6 = vector.load %arg0[%get3A_4, %get3A_5] : memref<20224x64xbf16, #tpu.memory_space<vmem>>, vector<10000x64xbf16>
    %convert_element_type3A_7 = arith.extf %get3A_6 : vector<10000x64xbf16> to vector<10000x64xf32>
    %add3A = arith.addf %convert_element_type3A, %convert_element_type3A_7 : vector<10000x64xf32>
    %get3A_8 = arith.constant 0 : index
    %get3A_9 = arith.constant 0 : index
    %get3A_10 = vector.load %arg1[%get3A_8, %get3A_9] : memref<10000x64xbf16, #tpu.memory_space<vmem>>, vector<10000x64xbf16>
    %convert_element_type3A_11 = arith.extf %get3A_10 : vector<10000x64xbf16> to vector<10000x64xf32>
    %add3A_12 = arith.addf %add3A, %convert_element_type3A_11 : vector<10000x64xf32>
    %slice3A = vector.extract_strided_slice %get3A_0 {offsets = [0], sizes = [10000], strides = [1]} : vector<10112xf32> to vector<10000xf32>
    %broadcast_in_dim3A = vector.shape_cast %slice3A : vector<10000xf32> to vector<10000x1xf32>
    %mul3A = vector.broadcast %broadcast_in_dim3A : vector<10000x1xf32> to vector<10000x64xf32>
    %mul3A_13 = arith.mulf %mul3A, %add3A_12 : vector<10000x64xf32>
    %get3A_14 = arith.constant 0 : index
    %get3A_15 = vector.load %arg3[%get3A_14] : memref<64xf32, #tpu.memory_space<vmem>>, vector<64xf32>
    %broadcast_in_dim3A_16 = vector.shape_cast %get3A_15 : vector<64xf32> to vector<1x64xf32>
    %add3A_17 = vector.broadcast %broadcast_in_dim3A_16 : vector<1x64xf32> to vector<10000x64xf32>
    %add3A_18 = arith.addf %mul3A_13, %add3A_17 : vector<10000x64xf32>
    %max3A = arith.constant 0.000000e+00 : f32
    %max3A_19 = vector.broadcast %max3A : f32 to vector<10000x64xf32>
    %max3A_20 = arith.maximumf %add3A_18, %max3A_19 : vector<10000x64xf32>
    %get3A_21 = arith.constant 0 : index
    %get3A_22 = arith.constant 0 : index
    %get3A_23 = vector.load %arg4[%get3A_21, %get3A_22] : memref<64x4xf32, #tpu.memory_space<vmem>>, vector<64x4xf32>
    %dot_general3A = arith.constant dense<0.000000e+00> : vector<10000x4xf32>
    %dot_general3A_24 = tpu.matmul %max3A_20, %get3A_23, %dot_general3A {dimension_numbers = #tpu.dot_dimension_numbers<[1], [0], [0], [1], [0, 0, 1, 1], [], []>, transpose_lhs_hint = false} : vector<10000x64xf32>, vector<64x4xf32>, vector<10000x4xf32> -> vector<10000x4xf32>
    %get3A_25 = arith.constant 0 : index
    %get3A_26 = vector.load %arg5[%get3A_25] : memref<4xf32, #tpu.memory_space<vmem>>, vector<4xf32>
    %broadcast_in_dim3A_27 = vector.shape_cast %get3A_26 : vector<4xf32> to vector<1x4xf32>
    %add3A_28 = vector.broadcast %broadcast_in_dim3A_27 : vector<1x4xf32> to vector<10000x4xf32>
    %add3A_29 = arith.addf %dot_general3A_24, %add3A_28 : vector<10000x4xf32>
    %reduce_max3A = arith.constant dense<0xFF800000> : vector<10000xf32>
    %reduce_max3A_30 = vector.multi_reduction <maximumf>, %add3A_29, %reduce_max3A [1] : vector<10000x4xf32> to vector<10000xf32>
    %broadcast_in_dim3A_31 = vector.shape_cast %reduce_max3A_30 : vector<10000xf32> to vector<10000x1xf32>
    %sub3A = vector.broadcast %broadcast_in_dim3A_31 : vector<10000x1xf32> to vector<10000x4xf32>
    %sub3A_32 = arith.subf %add3A_29, %sub3A : vector<10000x4xf32>
    %exp3A = math.exp %sub3A_32 : vector<10000x4xf32>
    %reduce_sum3A = arith.constant dense<0.000000e+00> : vector<10000xf32>
    %reduce_sum3A_33 = vector.multi_reduction <add>, %exp3A, %reduce_sum3A [1] : vector<10000x4xf32> to vector<10000xf32>
    %broadcast_in_dim3A_34 = vector.shape_cast %reduce_sum3A_33 : vector<10000xf32> to vector<10000x1xf32>
    %log3A = math.log %broadcast_in_dim3A_34 : vector<10000x1xf32>
    %sub3A_35 = vector.broadcast %log3A : vector<10000x1xf32> to vector<10000x4xf32>
    %sub3A_36 = arith.subf %sub3A_32, %sub3A_35 : vector<10000x4xf32>
    %swap3A = arith.constant 0 : index
    %swap3A_37 = arith.constant 0 : index
    %swap3A_38 = vector.load %arg6[%swap3A, %swap3A_37] : memref<10000x4xf32, #tpu.memory_space<vmem>>, vector<10000x4xf32>
    tpu.vector_store %arg6[%swap3A, %swap3A_37], %sub3A_36 {strides = array<i32>} : memref<10000x4xf32, #tpu.memory_space<vmem>>, vector<10000x4xf32>,
    return
  }
}

</mosaic_0001>

<sc_bundles>
// kernel: kernel.11.cloned.1.call-start
scs
__scs_entry_jumppad:
0x0: {  	(pc) =	sbr.rel $0x88, $3  }
0x1: {  	(tag) =	ssettag $0x0;
	lr =	simm.s32 $0x1  }
0x2: {  	[smem:$0x3F99] =	sst lr;
	_ =	strace $0xD0000000  }
0x3: {  	_ = 	snop  }
0x4: {  	_ = 	snop  }
0x5: {  	_ = 	snop  }
0x6: {  	_ = 	snop  }
0x7: {  	_ = 	snop  }
__scs_overlays_trampoline_lowered:
0x8: {  	[smem:$0x3FA8] =	sst s0  }
0x9: {  	[smem:$0x3FA9] =	sst s1  }
0xa: {  	[smem:$0x3FAA] =	sst s2  }
0xb: {  	[smem:$0x3FAB] =	sst s3  }
0xc: {  	[smem:$0x3FAC] =	sst s4  }
0xd: {  	[smem:$0x3FAD] =	sst s5  }
0xe: {  	[smem:$0x3FAE] =	sst s6  }
0xf: {  	[smem:$0x3FAF] =	sst s7  }
0x10: {  	[smem:$0x3FB0] =	sst s8  }
0x11: {  	[smem:$0x3FB1] =	sst s9;
	s0 =	simm.s32 @!p0 $0x0  }
0x12: {  	s1 =	sld [smem:$0x3F97];
	s0 =	simm.s32 @p0 $0x1  }
0x13: {  	[smem:$0x3FB2] =	sst s0;
	s0 =	simm.s32 @!p1 $0x0  }
0x14: {  	s2 =	sld [smem:$0x3F96];
	s0 =	simm.s32 @p1 $0x1  }
0x15: {  	[smem:$0x3FB3] =	sst s0;
	s0 =	simm.s32 @!p2 $0x0  }
0x16: {  	s3 =	sld [smem:$0x3FDB];
	s0 =	simm.s32 @p2 $0x1  }
0x17: {  	s4 =	simm.s32 $0x1BF5;
	[smem:$0x3FB5] =	sst s0  }
0x18: {  	s0 =	sld [smem:$0x3F98];
	_ =	swait.ge [sflag:s4], $0x0  }
0x19: {  	s7 =	sld [smem:$0x3F99]  }
0x1a: {  	s8 =	sadd.s32 $0xFFFFE003, lr  }
0x1b: {  	s9 =	sadd.s32 $0xFFFFFEF7, lr;
	s5 =	simm.s32 $0xFFFFFFFF;
	p2 =	slt.u32 s8, $0xFFFFF086  }
0x1c: {  	p1 =	slt.u32 s9, $0xF7A;
	s5 =	simm.s32 @!p2 $0x0  }
0x1d: {  	s5 =	simm.s32 @p1 $0x1;
	p0 =	seq.s32 s7, s2  }
0x1e: {  	s7 =	smul.u32 @!p0 $0xF7A, s2;
	p2 =	seq.s32 @!p0 s5, $0x0  }
0x1f: {  	s9 =	smul.u32 $0xF7A, s1;
	s8 =	simm.s32 @!p0 $0x1BF5;
	p2 =	por !p2, p0  }
0x20: {  	[sflag:s8] =	ssyncset.s32 @!p0 $0xFFFFF086;
	s6 =	sadd.s32 @!p0 s3, s7;
	s7 =	simm.s32 @!p0 $0x108  }
0x21: {  	s3 =	sadd.s32 s3, s9;
	s6 =	sadd.s32 @!p0 $0x88, s6;
	s7 =	simm.s32 @p2 $0x1082  }
0x22: {  	[simem:s7], [sflag:s8] =	dma.local @!p0 [hbm:s6], $0xF7A  }
0x23: {  	s9 =	sor.u32 $0xD0000000, s2;
	s6 =	simm.s32 $0x108;
	_ =	swait.ge @!p0 [sflag:s8], $0x0  }
0x24: {  	s3 =	sadd.s32 $0x88, s3;
	s6 =	simm.s32 @!p1 $0x1082;
	[sflag:s4] =	ssyncset.s32 $0xFFFFF086  }
0x25: {  	[simem:s6], [sflag:s4] =	dma.local [hbm:s3], $0xF7A  }
0x26: {  	[smem:$0x3F99] =	sst s1;
	(tag) =	ssettag s2;
	_ =	strace s9  }
0x27: {  	s1 =	sld [smem:$0x3FA9]  }
0x28: {  	s2 =	sld [smem:$0x3FAA]  }
0x29: {  	s4 =	sld [smem:$0x3FAC]  }
0x2a: {  	p0 =	seq.s32 s5, $0x0;
	s5 =	sld [smem:$0x3FAD]  }
0x2b: {  	s6 =	sld [smem:$0x3FAE]  }
0x2c: {  	s7 =	sld [smem:$0x3FAF]  }
0x2d: {  	s3 =	simm.s32 $0x108;
	s8 =	sld [smem:$0x3FB0]  }
0x2e: {  	s3 =	simm.s32 @!p0 $0x1082;
	s9 =	sld [smem:$0x3FB1]  }
0x2f: {  	lr =	sadd.s32 s0, s3;
	s0 =	sld [smem:$0x3FA8]  }
0x30: {  	s3 =	sld [smem:$0x3FAB]  }
0x31: {  	[smem:$0x3FB4] =	sst s10  }
0x32: {  	s10 =	sld [smem:$0x3FB2];
	_ =	sdelay $0x3  }
0x33: {  	p0 =	seq.s32 s10, $0x1;
	s10 =	sld [smem:$0x3FB4];
	_ =	sdelay $0x3  }
0x34: {  	[smem:$0x3FB4] =	sst s10  }
0x35: {  	s10 =	sld [smem:$0x3FB3];
	_ =	sdelay $0x3  }
0x36: {  	p1 =	seq.s32 s10, $0x1;
	s10 =	sld [smem:$0x3FB4];
	_ =	sdelay $0x3  }
0x37: {  	[smem:$0x3FB4] =	sst s10  }
0x38: {  	s10 =	sld [smem:$0x3FB5]  }
0x39: {  	_ = 	snop;
	(pc) =	sbr.ind lr, $3  }
0x3a: {  	_ = 	snop  }
0x3b: {  	_ = 	snop  }
0x3c: {  	p2 =	seq.s32 s10, $0x1;
	s10 =	sld [smem:$0x3FB4]  }
0x3d: {  	_ =	shalt  }
0x3e: {  	_ =	shalt  }
0x3f: {  	_ =	shalt  }
0x40: {  	_ =	shalt  }
0x41: {  	_ =	shalt  }
0x42: {  	_ =	shalt  }
0x43: {  	_ =	shalt  }
0x44: {  	_ =	shalt  }
0x45: {  	_ =	shalt  }
0x46: {  	_ =	shalt  }
0x47: {  	_ =	shalt  }
0x48: {  	_ =	shalt  }
0x49: {  	_ =	shalt  }
0x4a: {  	_ =	shalt  }
0x4b: {  	_ =	shalt  }
0x4c: {  	_ =	shalt  }
0x4d: {  	_ =	shalt  }
0x4e: {  	_ =	shalt  }
0x4f: {  	_ =	shalt  }
0x50: {  	_ =	shalt  }
0x51: {  	_ =	shalt  }
0x52: {  	_ =	shalt  }
0x53: {  	_ =	shalt  }
0x54: {  	_ =	shalt  }
0x55: {  	_ =	shalt  }
0x56: {  	_ =	shalt  }
0x57: {  	_ =	shalt  }
0x58: {  	_ =	shalt  }
0x59: {  	_ =	shalt  }
0x5a: {  	_ =	shalt  }
0x5b: {  	_ =	shalt  }
0x5c: {  	_ =	shalt  }
0x5d: {  	_ =	shalt  }
0x5e: {  	_ =	shalt  }
0x5f: {  	_ =	shalt  }
0x60: {  	_ =	shalt  }
0x61: {  	_ =	shalt  }
0x62: {  	_ =	shalt  }
0x63: {  	_ =	shalt  }
0x64: {  	_ =	shalt  }
0x65: {  	_ =	shalt  }
0x66: {  	_ =	shalt  }
0x67: {  	_ =	shalt  }
0x68: {  	_ =	shalt  }
0x69: {  	_ =	shalt  }
0x6a: {  	_ =	shalt  }
0x6b: {  	_ =	shalt  }
0x6c: {  	_ =	shalt  }
0x6d: {  	_ =	shalt  }
0x6e: {  	_ =	shalt  }
0x6f: {  	_ =	shalt  }
0x70: {  	_ =	shalt  }
0x71: {  	_ =	shalt  }
0x72: {  	_ =	shalt  }
0x73: {  	_ =	shalt  }
0x74: {  	_ =	shalt  }
0x75: {  	_ =	shalt  }
0x76: {  	_ =	shalt  }
0x77: {  	_ =	shalt  }
0x78: {  	_ =	shalt  }
0x79: {  	_ =	shalt  }
0x7a: {  	_ =	shalt  }
0x7b: {  	_ =	shalt  }
0x7c: {  	_ =	shalt  }
0x7d: {  	_ =	shalt  }
0x7e: {  	_ =	shalt  }
0x7f: {  	_ =	shalt  }
0x80: {  	_ =	shalt  }
0x81: {  	_ =	shalt  }
0x82: {  	_ =	shalt  }
0x83: {  	_ =	shalt  }
0x84: {  	_ =	shalt  }
0x85: {  	_ =	shalt  }
0x86: {  	_ =	shalt  }
0x87: {  	_ =	shalt  }
.Lfunc_end0:
.L_simem_size_0:
called_computation.1_lowered:
.L_overlay_start_0:
0x88: {  	s2 =	sld [smem:$0x3FD9]  }
0x89: {  	s3 =	sld [smem:$0x3FFE];
	_ =	sdelay $0x1  }
0x8a: {  	s1 =	srdreg.scid  }
0x8b: {  	s0 =	sand.u32 $0x1, s1  }
0x8c: {  	s16 =	sshll.u32 s0, $0xA;
	s2 =	sadd.s32 s3, s2  }
0x8d: {  	s2 =	sadd.s32 s2, s16  }
0x8e: {  	[smem:$0x3FC0] =	sst s2  }
0x8f: {  	_ = 	snop  }
0x90: {  	(tm) =	ssettm $0x1  }
0x91: {  	s17 =	sld [smem:$0x3FFB];
	_ =	sdelay $0x3  }
0x92: {  	_ =	strace s17  }
0x93: {  	s2 =	sld [smem:$0x3FFC];
	_ =	sdelay $0x3  }
0x94: {  	_ =	strace s2  }
0x95: {  	s2 =	sld [smem:$0x3FFD];
	_ =	sdelay $0x3  }
0x96: {  	_ =	strace s2  }
0x97: {  	_ =	strace $0x8FFFFFFF  }
0x98: {  	s18 =	sld [smem:$0x3FDB];
	_ =	sdelay $0x1  }
0x99: {  	s19 =	simm.s32 $_scs_section_size  }
0x9a: {  	s4 =	simm.s32 $_size__tile_overlayer_lowered;
	s5 =	simm.s32 $_tile_overlayer_lowered  }
0x9b: {  	s22 =	simm.s32 $0x1BFF;
	s21 =	sshll.u32 s5, $0x1;
	s2 =	sadd.s32 s19, s18  }
0x9c: {  	s6 =	simm.s32 $0x0;
	s20 =	sshll.u32 s4, $0x1;
	s4 =	sadd.s32 s21, s2  }
0x9d: {  	[timem:s6], [sflag:s22] =	dma.local [hbm:s4], s20  }
0x9e: {  	_ =	swait.ge [sflag:s22], s20  }
0x9f: {  	s3 =	ssub.s32 $0x0, s20;
	[sflag:s22] =	ssyncset.done $0x0  }
0xa0: {  	[sflag:s22] =	ssyncadd.s32 s3;
	_ =	sdelay $0x1  }
0xa1: {  	s23 =	simm.s32 $0x1B8B  }
0xa2: {  	_ =	swait.ge [sflag:s23], $0x1  }
0xa3: {  	[sflag:s23] =	ssyncset.done $0x0  }
0xa4: {  	s25 =	simm.s32 $0x1B8E;
	s24 =	sld [smem:$0x3FFE];
	[sflag:s23] =	ssyncadd.s32 $0xFFFFFFFF  }
0xa5: {  	s26 =	simm.s32 $execute0_lowered;
	[smem:$0x3FD2] =	sst s25  }
0xa6: {  	s4 =	sshll.u32 s26, $0x1;
	_ =	strace $0x80000049;
	[dreg:$0x1] =	wrdreg $0xFFFFFFFF  }
0xa7: {  	s28 =	simm.s32 $_size_execute0_lowered;
	s2 =	sadd.s32 s2, s4;
	[dreg:$0x0] =	wrdreg $0x0  }
0xa8: {  	s4 =	sshll.u32 s28, $0x1;
	[dreg:$0x2] =	wrdreg s2  }
0xa9: {  	[dreg:$0x3] =	wrdreg s4  }
0xaa: {  	[dreg:$0x4] =	wrdreg $0xC0  }
0xab: {  	_ =	task [dreg:s6], $0x5FFFF  }
0xac: {  	[dreg:$0x1] =	wrdreg $0xFFFFFFFF  }
0xad: {  	[dreg:$0x0] =	wrdreg $0x60  }
0xae: {  	[dreg:$0x2] =	wrdreg s24  }
0xaf: {  	[dreg:$0x3] =	wrdreg $0xDC000  }
0xb0: {  	[dreg:$0x4] =	wrdreg $0x9  }
0xb1: {  	_ =	task.clear_ibuf [dreg:s6], $0x5FFFF;
	_ =	strace $0x90000049  }
0xb2: {  	s29 =	simm.s32 $0x9;
	_ =	strace $0x8000004B  }
0xb3: {  	_ =	swait.ge [sflag:s29], $0x1  }
0xb4: {  	[sflag:s29] =	ssyncadd.s32 $0xFFFFFFFF  }
0xb5: {  	_ =	strace $0x9000004B  }
0xb6: {  	_ =	sfence  }
0xb7: {  	s30 =	sld [smem:$0x0];
	_ =	sdelay $0x2  }
0xb8: {  	s31 =	sshll.u32 s1, $0xD;
	s1 =	sshrl.u32 s1, $0x2  }
0xb9: {  	s3 =	sand.u32 $0x4000, s31;
	s1 =	sadd.s32 s1, s30  }
0xba: {  	s0 =	sor.u32 s3, s0;
	s1 =	sshll.u32 s1, $0x11  }
0xbb: {  	s0 =	sor.u32 s1, s0  }
0xbc: {  	s0 =	sadd.s32 $0x8F2B, s0  }
0xbd: {  	[sflag:s0] =	ssyncadd.remote.s32 $0x1  }
0xbe: {  	_ =	sfence.sel $0xFFFF  }
0xbf: {  	[dreg:$0x0] =	wrdreg $0xFFFFFFFF;
	(pc) =	sbr.abs _section_cstart, $3  }
0xc0: {  	[dreg:$0x1] =	wrdreg $0xFFFFFFFF  }
0xc1: {  	_ =	task.clear_ibuf [dreg:s6], $0x2FFFF;
	_ =	strace $0x9FFFFFFF  }
0xc2: {  	(tm) =	ssettm $0x7FFFFFFF  }
0xc3: {  	_ =	shalt  }
tec
execute0_lowered:
.L_overlay_start_1:
0x0: {  	(tag) =	ssettag $0x1  }
0x1: {  	s0 =	srdreg.scid;
	s1 =	rddreg [dreg:$0x0]  }
0x2: {  	s7 =	stileid.u32;
	s2 =	rddreg [dreg:$0x1];
	s19 =	simm.s32 $0x5000  }
0x3: {  	s20 =	simm.s32 $0xB;
	s28 =	simm.s32 $0xA400;
	s30 =	simm.s32 $0xC000  }
0x4: {  	s31 =	simm.s32 $0x1;
	s21 =	simm.s32 $0x7;
	s29 =	simm.s32 $0x4  }
0x5: {  	s0 =	sand.u32 $0x1, s0;
	s3 =	sshll.u32 s7, $0x1;
	s6 =	smul.u32 $0x278, s7  }
0x6: {  	s7 =	smul.u32 $0x22900, s7;
	s9 =	sadd.s32 $0x16000, s1;
	s4 =	sor.u32 s0, s3  }
0x7: {  	s3 =	simm.s32 $0x0;
	s8 =	smul.u32 $0x2780, s0;
	s0 =	ssub.s32 $0x2, s0  }
0x8: {  	s5 =	smul.u32 $0x500, s4;
	[smem:$0x7FF] =	sst s3;
	s4 =	sadd.s32 $0x16400, s1  }
0x9: {  	s22 =	sshrl.u32 s0, $0x1;
	s7 =	sshrl.u32 s7, $0x2;
	_ =	strace $0x8000004A  }
0xa: {  	[dreg:$0x3] =	wrdreg s9;
	s11 =	sadd.s32 s6, s8;
	s0 =	ssub.s32 s0, s22  }
0xb: {  	s6 =	sadd.s32 s7, s2;
	s22 =	simm.s32 $0x80;
	s5 =	sadd.s32 s5, s1  }
0xc: {  	s1 =	sadd.s32 $0x27600, s1;
	s12 =	smul.u32 $0x70, s11;
	s7 =	sadd.s32 $0x1C00, s6  }
0xd: {  	s8 =	sadd.s32 $0x3800, s6;
	s9 =	sadd.s32 $0x5400, s6;
	s10 =	sadd.s32 $0x7000, s6  }
0xe: {  	s11 =	smul.u32 $0x7, s11;
	s18 =	smax.u32 s0, $0x1;
	s13 =	sadd.s32 $0xBE00, s5  }
0xf: {  	s0 =	simm.s32 $0x2;
	s5 =	sadd.s32 $0x1E00, s5;
	[dreg:$0x4] =	wrdreg s13  }
0x10: {  	s12 =	sshrl.u32 s12, $0x4;
	[dreg:$0x5] =	wrdreg s5;
	s5 =	simm.s32 $0x9  }
0x11: {  	s13 =	simm.s32 $0x0;
	s23 =	sadd.s32 s1, s12;
	s1 =	sadd.s32 s1, s11  }
0x12: {  	s11 =	simm.s32 $0x5;
	[dreg:$0x6] =	wrdreg s1;
	s24 =	sadd.s32 $0x380, s23  }
0x13: {  	s12 =	simm.s32 $0xA;
	s25 =	sadd.s32 $0x700, s23;
	[dreg:$0x7] =	wrdreg s24  }
0x14: {  	s26 =	sadd.s32 $0xA80, s23;
	s17 =	sadd.s32 $0xE00, s23;
	[dreg:$0x8] =	wrdreg s25  }
0x15: {  	s23 =	simm.s32 $0x6C00;
	s1 =	simm.s32 $0x6;
	[dreg:$0x9] =	wrdreg s26  }
0x16: {  	s25 =	simm.s32 $0x8800;
	s24 =	simm.s32 $0x3;
	s26 =	simm.s32 $0x8  }
.LBB2_1:
0x17: {  	s14 =	rddreg [dreg:$0x3]  }
0x18: {  	[tilespmem:s19], [sflag:$0xB] =	stream.linear.gather [hbm4b:s14+s3], $0x1C00, $0x38;
	[tilespmem:$0x16640] =	vst v63  }
0x19: {  	_ =	swait.ge [sflag:s20], $0x1C00  }
0x1a: {  	[sflag:s20] =	ssyncset.done $0x0  }
0x1b: {  	[sflag:s20] =	ssyncadd.s32 $0xFFFFE400  }
0x1c: {  	[spmem:s6] =	stream.linear.scatter [tilespmem:s19], [sflag:$0xB], $0x1C00, $0x38;
	[tilespmem:$0x16640] =	vst v63  }
0x1d: {  	_ =	swait.ge [sflag:s20], $0x1C00  }
0x1e: {  	[sflag:s20] =	ssyncset.done $0x0  }
0x1f: {  	[sflag:s20] =	ssyncadd.s32 $0xFFFFE400  }
0x20: {  	[spmem:s7] =	stream.linear.scatter [tilespmem:s19], [sflag:$0xB], $0x1C00, $0x38;
	[tilespmem:$0x16640] =	vst v63  }
0x21: {  	_ =	swait.ge [sflag:s20], $0x1C00  }
0x22: {  	[sflag:s20] =	ssyncset.done $0x0  }
0x23: {  	[sflag:s20] =	ssyncadd.s32 $0xFFFFE400  }
0x24: {  	[spmem:s8] =	stream.linear.scatter [tilespmem:s19], [sflag:$0xB], $0x1C00, $0x38;
	[tilespmem:$0x16640] =	vst v63  }
0x25: {  	_ =	swait.ge [sflag:s20], $0x1C00  }
0x26: {  	[sflag:s20] =	ssyncset.done $0x0  }
0x27: {  	[sflag:s20] =	ssyncadd.s32 $0xFFFFE400  }
0x28: {  	[spmem:s9] =	stream.linear.scatter [tilespmem:s19], [sflag:$0xB], $0x1C00, $0x38;
	[tilespmem:$0x16640] =	vst v63  }
0x29: {  	_ =	swait.ge [sflag:s20], $0x1C00  }
0x2a: {  	[sflag:s20] =	ssyncset.done $0x0  }
0x2b: {  	[sflag:s20] =	ssyncadd.s32 $0xFFFFE400  }
0x2c: {  	[spmem:s10] =	stream.linear.scatter [tilespmem:s19], [sflag:$0xB], $0x1A40, $0x38;
	[tilespmem:$0x16640] =	vst v63  }
0x2d: {  	_ =	swait.ge [sflag:s20], $0x1A40  }
0x2e: {  	[sflag:s20] =	ssyncset.done $0x0  }
0x2f: {  	s15 =	rddreg [dreg:$0x4];
	[sflag:s20] =	ssyncadd.s32 $0xFFFFE5C0  }
0x30: {  	[tilespmem:s3], [sflag:$0xB] =	stream.linear.gather [hbm4b:s15+s3], $0x2800, $0x38;
	[tilespmem:$0x16640] =	vst v63  }
0x31: {  	_ =	swait.ge [sflag:s20], $0x2800  }
0x32: {  	[sflag:s20] =	ssyncset.done $0x0  }
0x33: {  	s15 =	simm.s32 $0x2800;
	s16 =	rddreg [dreg:$0x5];
	[sflag:s20] =	ssyncadd.s32 $0xFFFFD800  }
0x34: {  	[tilespmem:s15], [sflag:$0xB] =	stream.linear.gather [hbm4b:s16+s3], $0x2800, $0x38;
	[tilespmem:$0x16640] =	vst v63  }
0x35: {  	_ =	swait.ge [sflag:s20], $0x2800  }
0x36: {  	[sflag:s20] =	ssyncset.done $0x0  }
0x37: {  	[sflag:s20] =	ssyncadd.s32 $0xFFFFD800  }
0x38: {  	[bflag:$0x0] =	sbarrier.arrive $0xFFFF  }
0x39: {  	[tilespmem:s19], [sflag:$0x1] =	stream.indirect.gather [hbm4b:s4+s22], $0x38, s3, s22, $0xb8;
	[tilespmem:$0x16640] =	vst v63  }
0x3a: {  	_ = 	snop  }
0x3b: {  	[tilespmem:s23], [sflag:$0x2] =	stream.indirect.gather [hbm4b:s4+s22], $0x38, s22, s22, $0xb8;
	[tilespmem:$0x16640] =	vst v63  }
0x3c: {  	s15 =	simm.s32 $0x100  }
0x3d: {  	[tilespmem:s25], [sflag:$0x3] =	stream.indirect.gather [hbm4b:s4+s22], $0x38, s15, s22, $0xb8;
	[tilespmem:$0x16640] =	vst v63  }
0x3e: {  	s16 =	simm.s32 $0x180  }
0x3f: {  	[tilespmem:s28], [sflag:$0x4] =	stream.indirect.gather [hbm4b:s4+s22], $0x38, s16, s22, $0xb8;
	[tilespmem:$0x16640] =	vst v63  }
0x40: {  	s15 =	simm.s32 $0x200  }
0x41: {  	[tilespmem:s30], [sflag:$0x5] =	stream.indirect.gather [hbm4b:s4+s22], $0x38, s15, s22, $0xb8;
	[tilespmem:$0x16640] =	vst v63  }
0x42: {  	_ =	swait.ge [sflag:s31], $0x1C00  }
0x43: {  	[sflag:s31] =	ssyncset.done $0x0  }
0x44: {  	s16 =	simm.s32 $0x2800;
	[sflag:s31] =	ssyncadd.s32 $0xFFFFE400  }
0x45: {  	[spmem:s2] =	stream.indirect.scatter.add.bf16 [tilespmem:s19], [sflag:$0x6], $0x38, s16, s22, $0xb8;
	[tilespmem:$0x16640] =	vst v63  }
0x46: {  	_ =	swait.ge [sflag:s1], $0x1C00  }
0x47: {  	[sflag:s1] =	ssyncset.done $0x0  }
0x48: {  	s15 =	simm.s32 $0x280;
	[sflag:s1] =	ssyncadd.s32 $0xFFFFE400  }
0x49: {  	[tilespmem:s19], [sflag:$0x1] =	stream.indirect.gather [hbm4b:s4+s22], $0x38, s15, s22, $0xb8;
	[tilespmem:$0x16640] =	vst v63  }
0x4a: {  	_ =	swait.ge [sflag:s0], $0x1C00  }
0x4b: {  	[sflag:s0] =	ssyncset.done $0x0  }
0x4c: {  	s16 =	simm.s32 $0x2880;
	[sflag:s0] =	ssyncadd.s32 $0xFFFFE400  }
0x4d: {  	[spmem:s2] =	stream.indirect.scatter.add.bf16 [tilespmem:s23], [sflag:$0x7], $0x38, s16, s22, $0xb8;
	[tilespmem:$0x16640] =	vst v63  }
0x4e: {  	_ =	swait.ge [sflag:s21], $0x1C00  }
0x4f: {  	[sflag:s21] =	ssyncset.done $0x0  }
0x50: {  	s15 =	simm.s32 $0x300;
	[sflag:s21] =	ssyncadd.s32 $0xFFFFE400  }
0x51: {  	[tilespmem:s23], [sflag:$0x2] =	stream.indirect.gather [hbm4b:s4+s22], $0x38, s15, s22, $0xb8;
	[tilespmem:$0x16640] =	vst v63  }
0x52: {  	_ =	swait.ge [sflag:s24], $0x1C00  }
0x53: {  	[sflag:s24] =	ssyncset.done $0x0  }
0x54: {  	s16 =	simm.s32 $0x2900;
	[sflag:s24] =	ssyncadd.s32 $0xFFFFE400  }
0x55: {  	[spmem:s2] =	stream.indirect.scatter.add.bf16 [tilespmem:s25], [sflag:$0x8], $0x38, s16, s22, $0xb8;
	[tilespmem:$0x16640] =	vst v63  }
0x56: {  	_ =	swait.ge [sflag:s26], $0x1C00  }
0x57: {  	[sflag:s26] =	ssyncset.done $0x0  }
0x58: {  	s15 =	simm.s32 $0x380;
	[sflag:s26] =	ssyncadd.s32 $0xFFFFE400  }
0x59: {  	[tilespmem:s25], [sflag:$0x3] =	stream.indirect.gather [hbm4b:s4+s22], $0x38, s15, s22, $0xb8;
	[tilespmem:$0x16640] =	vst v63  }
0x5a: {  	_ =	swait.ge [sflag:s29], $0x1C00  }
0x5b: {  	[sflag:s29] =	ssyncset.done $0x0  }
0x5c: {  	s16 =	simm.s32 $0x2980;
	[sflag:s29] =	ssyncadd.s32 $0xFFFFE400  }
0x5d: {  	[spmem:s2] =	stream.indirect.scatter.add.bf16 [tilespmem:s28], [sflag:$0x9], $0x38, s16, s22, $0xb8;
	[tilespmem:$0x16640] =	vst v63  }
0x5e: {  	_ =	swait.ge [sflag:s5], $0x1C00  }
0x5f: {  	[sflag:s5] =	ssyncset.done $0x0  }
0x60: {  	s15 =	simm.s32 $0x400;
	[sflag:s5] =	ssyncadd.s32 $0xFFFFE400  }
0x61: {  	[tilespmem:s28], [sflag:$0x4] =	stream.indirect.gather [hbm4b:s4+s22], $0x38, s15, s22, $0xb8;
	[tilespmem:$0x16640] =	vst v63  }
0x62: {  	_ =	swait.ge [sflag:s11], $0x1C00  }
0x63: {  	[sflag:s11] =	ssyncset.done $0x0  }
0x64: {  	s16 =	simm.s32 $0x2A00;
	[sflag:s11] =	ssyncadd.s32 $0xFFFFE400  }
0x65: {  	[spmem:s2] =	stream.indirect.scatter.add.bf16 [tilespmem:s30], [sflag:$0xA], $0x38, s16, s22, $0xb8;
	[tilespmem:$0x16640] =	vst v63  }
0x66: {  	_ =	swait.ge [sflag:s12], $0x1C00  }
0x67: {  	[sflag:s12] =	ssyncset.done $0x0  }
0x68: {  	s14 =	simm.s32 $0xA00;
	s15 =	simm.s32 $0x480;
	[sflag:s12] =	ssyncadd.s32 $0xFFFFE400  }
.LBB2_2:
0x69: {  	[tilespmem:s30], [sflag:$0x5] =	stream.indirect.gather [hbm4b:s4+s22], $0x38, s15, s22, $0xb8;
	[tilespmem:$0x16640] =	vst v63  }
0x6a: {  	s15 =	smov.u32 s14  }
0x6b: {  	p0 =	sne.s32 s14, $0x8C00;
	s14 =	sadd.s32 $0xA00, s14;
	_ =	swait.ge [sflag:s31], $0x1C00  }
0x6c: {  	s15 =	sshra.s32 s15, $0x2;
	[sflag:s31] =	ssyncset.done $0x0  }
0x6d: {  	s16 =	sadd.s32 $0x2800, s15;
	[sflag:s31] =	ssyncadd.s32 $0xFFFFE400  }
0x6e: {  	[spmem:s2] =	stream.indirect.scatter.add.bf16 [tilespmem:s19], [sflag:$0x6], $0x38, s16, s22, $0xb8;
	[tilespmem:$0x16640] =	vst v63  }
0x6f: {  	_ =	swait.ge [sflag:s1], $0x1C00  }
0x70: {  	[sflag:s1] =	ssyncset.done $0x0  }
0x71: {  	s16 =	sadd.s32 $0x280, s15;
	[sflag:s1] =	ssyncadd.s32 $0xFFFFE400  }
0x72: {  	[tilespmem:s19], [sflag:$0x1] =	stream.indirect.gather [hbm4b:s4+s22], $0x38, s16, s22, $0xb8;
	[tilespmem:$0x16640] =	vst v63  }
0x73: {  	_ =	swait.ge [sflag:s0], $0x1C00  }
0x74: {  	[sflag:s0] =	ssyncset.done $0x0  }
0x75: {  	s16 =	sadd.s32 $0x2880, s15;
	[sflag:s0] =	ssyncadd.s32 $0xFFFFE400  }
0x76: {  	[spmem:s2] =	stream.indirect.scatter.add.bf16 [tilespmem:s23], [sflag:$0x7], $0x38, s16, s22, $0xb8;
	[tilespmem:$0x16640] =	vst v63  }
0x77: {  	_ =	swait.ge [sflag:s21], $0x1C00  }
0x78: {  	[sflag:s21] =	ssyncset.done $0x0  }
0x79: {  	s16 =	sadd.s32 $0x300, s15;
	[sflag:s21] =	ssyncadd.s32 $0xFFFFE400  }
0x7a: {  	[tilespmem:s23], [sflag:$0x2] =	stream.indirect.gather [hbm4b:s4+s22], $0x38, s16, s22, $0xb8;
	[tilespmem:$0x16640] =	vst v63  }
0x7b: {  	_ =	swait.ge [sflag:s24], $0x1C00  }
0x7c: {  	[sflag:s24] =	ssyncset.done $0x0  }
0x7d: {  	s16 =	sadd.s32 $0x2900, s15;
	[sflag:s24] =	ssyncadd.s32 $0xFFFFE400  }
0x7e: {  	[spmem:s2] =	stream.indirect.scatter.add.bf16 [tilespmem:s25], [sflag:$0x8], $0x38, s16, s22, $0xb8;
	[tilespmem:$0x16640] =	vst v63  }
0x7f: {  	_ =	swait.ge [sflag:s26], $0x1C00  }
0x80: {  	[sflag:s26] =	ssyncset.done $0x0  }
0x81: {  	s16 =	sadd.s32 $0x380, s15;
	[sflag:s26] =	ssyncadd.s32 $0xFFFFE400  }
0x82: {  	[tilespmem:s25], [sflag:$0x3] =	stream.indirect.gather [hbm4b:s4+s22], $0x38, s16, s22, $0xb8;
	[tilespmem:$0x16640] =	vst v63  }
0x83: {  	_ =	swait.ge [sflag:s29], $0x1C00  }
0x84: {  	[sflag:s29] =	ssyncset.done $0x0  }
0x85: {  	s16 =	sadd.s32 $0x2980, s15;
	[sflag:s29] =	ssyncadd.s32 $0xFFFFE400  }
0x86: {  	[spmem:s2] =	stream.indirect.scatter.add.bf16 [tilespmem:s28], [sflag:$0x9], $0x38, s16, s22, $0xb8;
	[tilespmem:$0x16640] =	vst v63  }
0x87: {  	_ =	swait.ge [sflag:s5], $0x1C00  }
0x88: {  	[sflag:s5] =	ssyncset.done $0x0  }
0x89: {  	s16 =	sadd.s32 $0x400, s15;
	[sflag:s5] =	ssyncadd.s32 $0xFFFFE400  }
0x8a: {  	[tilespmem:s28], [sflag:$0x4] =	stream.indirect.gather [hbm4b:s4+s22], $0x38, s16, s22, $0xb8;
	[tilespmem:$0x16640] =	vst v63  }
0x8b: {  	_ =	swait.ge [sflag:s11], $0x1C00  }
0x8c: {  	[sflag:s11] =	ssyncset.done $0x0  }
.Ltmp0:
0x8d: {  	s16 =	sadd.s32 $0x2A00, s15;
	[sflag:s11] =	ssyncadd.s32 $0xFFFFE400;
	(pc) =	sbr.rel @p0 .LBB2_2-.Ltmp0, $4  }
0x8e: {  	[spmem:s2] =	stream.indirect.scatter.add.bf16 [tilespmem:s30], [sflag:$0xA], $0x38, s16, s22, $0xb8;
	[tilespmem:$0x16640] =	vst v63  }
0x8f: {  	_ =	swait.ge [sflag:s12], $0x1C00  }
0x90: {  	[sflag:s12] =	ssyncset.done $0x0  }
0x91: {  	s15 =	sadd.s32 $0x480, s15;
	[sflag:s12] =	ssyncadd.s32 $0xFFFFE400  }
0x92: {  	[tilespmem:s30], [sflag:$0x5] =	stream.indirect.gather [hbm4b:s4+s22], $0x38, s15, s22, $0xb8;
	[tilespmem:$0x16640] =	vst v63  }
0x93: {  	_ =	swait.ge [sflag:s31], $0x1C00  }
0x94: {  	[sflag:s31] =	ssyncset.done $0x0  }
0x95: {  	s14 =	simm.s32 $0x4D80;
	[sflag:s31] =	ssyncadd.s32 $0xFFFFE400  }
0x96: {  	[spmem:s2] =	stream.indirect.scatter.add.bf16 [tilespmem:s19], [sflag:$0x6], $0x38, s14, s22, $0xb8;
	[tilespmem:$0x16640] =	vst v63  }
0x97: {  	_ =	swait.ge [sflag:s1], $0x1C00  }
0x98: {  	[sflag:s1] =	ssyncset.done $0x0  }
0x99: {  	[sflag:s1] =	ssyncadd.s32 $0xFFFFE400  }
0x9a: {  	_ =	swait.ge [sflag:s0], $0x1C00  }
0x9b: {  	[sflag:s0] =	ssyncset.done $0x0  }
0x9c: {  	s15 =	simm.s32 $0x4E00;
	[sflag:s0] =	ssyncadd.s32 $0xFFFFE400  }
0x9d: {  	[spmem:s2] =	stream.indirect.scatter.add.bf16 [tilespmem:s23], [sflag:$0x7], $0x38, s15, s22, $0xb8;
	[tilespmem:$0x16640] =	vst v63  }
0x9e: {  	_ =	swait.ge [sflag:s21], $0x1C00  }
0x9f: {  	[sflag:s21] =	ssyncset.done $0x0  }
0xa0: {  	[sflag:s21] =	ssyncadd.s32 $0xFFFFE400  }
0xa1: {  	_ =	swait.ge [sflag:s24], $0x1C00  }
0xa2: {  	[sflag:s24] =	ssyncset.done $0x0  }
0xa3: {  	s16 =	simm.s32 $0x4E80;
	[sflag:s24] =	ssyncadd.s32 $0xFFFFE400  }
0xa4: {  	[spmem:s2] =	stream.indirect.scatter.add.bf16 [tilespmem:s25], [sflag:$0x8], $0x38, s16, s22, $0xb8;
	[tilespmem:$0x16640] =	vst v63  }
0xa5: {  	_ =	swait.ge [sflag:s26], $0x1C00  }
0xa6: {  	[sflag:s26] =	ssyncset.done $0x0  }
0xa7: {  	[sflag:s26] =	ssyncadd.s32 $0xFFFFE400  }
0xa8: {  	_ =	swait.ge [sflag:s29], $0x1C00  }
0xa9: {  	[sflag:s29] =	ssyncset.done $0x0  }
0xaa: {  	s15 =	simm.s32 $0x4F00;
	[sflag:s29] =	ssyncadd.s32 $0xFFFFE400  }
0xab: {  	[spmem:s2] =	stream.indirect.scatter.add.bf16 [tilespmem:s28], [sflag:$0x9], $0x38, s15, s22, $0xb8;
	[tilespmem:$0x16640] =	vst v63  }
0xac: {  	_ =	swait.ge [sflag:s5], $0x1C00  }
0xad: {  	[sflag:s5] =	ssyncset.done $0x0  }
0xae: {  	[sflag:s5] =	ssyncadd.s32 $0xFFFFE400  }
0xaf: {  	_ =	swait.ge [sflag:s11], $0x1C00  }
0xb0: {  	[sflag:s11] =	ssyncset.done $0x0  }
0xb1: {  	s16 =	simm.s32 $0x4F80;
	[sflag:s11] =	ssyncadd.s32 $0xFFFFE400  }
0xb2: {  	[spmem:s2] =	stream.indirect.scatter.add.bf16 [tilespmem:s30], [sflag:$0xA], $0x38, s16, s22, $0xb8;
	[tilespmem:$0x16640] =	vst v63  }
0xb3: {  	_ =	swait.ge [sflag:s12], $0x1C00  }
0xb4: {  	[sflag:s12] =	ssyncset.done $0x0  }
0xb5: {  	[sflag:s12] =	ssyncadd.s32 $0xFFFFE400  }
0xb6: {  	[bflag:$0x0] =	sbarrier.arrive $0xFFFF  }
0xb7: {  	[tilespmem:s19], [sflag:$0xB] =	stream.linear.gather [spmem:s6], $0x1C00, $0x38;
	[tilespmem:$0x16640] =	vst v63  }
0xb8: {  	_ =	swait.ge [sflag:s20], $0x1C00  }
0xb9: {  	[sflag:s20] =	ssyncset.done $0x0  }
0xba: {  	s15 =	rddreg [dreg:$0x6];
	[sflag:s20] =	ssyncadd.s32 $0xFFFFE400  }
0xbb: {  	[hbm4b:s15+s3] =	stream.linear.scatter [tilespmem:s19], [sflag:$0xB], $0x1C00, $0x38;
	[tilespmem:$0x16640] =	vst v63  }
0xbc: {  	_ =	swait.ge [sflag:s20], $0x1C00  }
0xbd: {  	[sflag:s20] =	ssyncset.done $0x0  }
0xbe: {  	[sflag:s20] =	ssyncadd.s32 $0xFFFFE400  }
0xbf: {  	[tilespmem:s19], [sflag:$0xB] =	stream.linear.gather [spmem:s7], $0x1C00, $0x38;
	[tilespmem:$0x16640] =	vst v63  }
0xc0: {  	_ =	swait.ge [sflag:s20], $0x1C00  }
0xc1: {  	[sflag:s20] =	ssyncset.done $0x0  }
0xc2: {  	s16 =	rddreg [dreg:$0x7];
	[sflag:s20] =	ssyncadd.s32 $0xFFFFE400  }
0xc3: {  	[hbm4b:s16+s3] =	stream.linear.scatter [tilespmem:s19], [sflag:$0xB], $0x1C00, $0x38;
	[tilespmem:$0x16640] =	vst v63  }
0xc4: {  	_ =	swait.ge [sflag:s20], $0x1C00  }
0xc5: {  	[sflag:s20] =	ssyncset.done $0x0  }
0xc6: {  	[sflag:s20] =	ssyncadd.s32 $0xFFFFE400  }
0xc7: {  	[tilespmem:s19], [sflag:$0xB] =	stream.linear.gather [spmem:s8], $0x1C00, $0x38;
	[tilespmem:$0x16640] =	vst v63  }
0xc8: {  	_ =	swait.ge [sflag:s20], $0x1C00  }
0xc9: {  	[sflag:s20] =	ssyncset.done $0x0  }
0xca: {  	s15 =	rddreg [dreg:$0x8];
	[sflag:s20] =	ssyncadd.s32 $0xFFFFE400  }
0xcb: {  	[hbm4b:s15+s3] =	stream.linear.scatter [tilespmem:s19], [sflag:$0xB], $0x1C00, $0x38;
	[tilespmem:$0x16640] =	vst v63  }
0xcc: {  	_ =	swait.ge [sflag:s20], $0x1C00  }
0xcd: {  	[sflag:s20] =	ssyncset.done $0x0  }
0xce: {  	[sflag:s20] =	ssyncadd.s32 $0xFFFFE400  }
0xcf: {  	[tilespmem:s19], [sflag:$0xB] =	stream.linear.gather [spmem:s9], $0x1C00, $0x38;
	[tilespmem:$0x16640] =	vst v63  }
0xd0: {  	_ =	swait.ge [sflag:s20], $0x1C00  }
0xd1: {  	[sflag:s20] =	ssyncset.done $0x0  }
0xd2: {  	s16 =	rddreg [dreg:$0x9];
	[sflag:s20] =	ssyncadd.s32 $0xFFFFE400  }
0xd3: {  	[hbm4b:s16+s3] =	stream.linear.scatter [tilespmem:s19], [sflag:$0xB], $0x1C00, $0x38;
	[tilespmem:$0x16640] =	vst v63  }
0xd4: {  	_ =	swait.ge [sflag:s20], $0x1C00  }
0xd5: {  	[sflag:s20] =	ssyncset.done $0x0  }
0xd6: {  	[sflag:s20] =	ssyncadd.s32 $0xFFFFE400  }
0xd7: {  	[tilespmem:s19], [sflag:$0xB] =	stream.linear.gather [spmem:s10], $0x1A40, $0x38;
	[tilespmem:$0x16640] =	vst v63  }
0xd8: {  	s13 =	sadd.s32 $0x1, s13;
	_ =	swait.ge [sflag:s20], $0x1A40  }
0xd9: {  	p0 =	sne.s32 s13, s18;
	[sflag:s20] =	ssyncset.done $0x0  }
.Ltmp1:
0xda: {  	[sflag:s20] =	ssyncadd.s32 $0xFFFFE5C0;
	(pc) =	sbr.rel @p0 .LBB2_1-.Ltmp1, $4  }
0xdb: {  	[hbm4b:s17+s3] =	stream.linear.scatter [tilespmem:s19], [sflag:$0xB], $0x1A40, $0x38;
	[tilespmem:$0x16640] =	vst v63  }
0xdc: {  	_ =	swait.ge [sflag:s20], $0x1A40  }
0xdd: {  	[sflag:s20] =	ssyncset.done $0x0  }
0xde: {  	[sflag:s20] =	ssyncadd.s32 $0xFFFFE5C0  }
0xdf: {  	_ =	sfence.sel $0x180000  }
0xe0: {  	[bflag:$0x0] =	sbarrier.arrive $0xFFFF  }
0xe1: {  	_ =	strace $0x9000004A  }
0xe2: {  	s0 =	stileid.u32;
	[bflag:$0x2] =	sbarrier.arrive $0xFFFF  }
0xe3: {  	p0 =	sne.s32 s0, $0x0;
	s0 =	rddreg [dreg:$0x2]  }
0xe4: {  	s0 =	sadd.s32 @!p0 $0x100000, s0  }
0xe5: {  	[sflag:s0] =	ssyncadd.tile.s32 @!p0 $0x1;
	_ =	shalt  }
.Lfunc_end2:
_tile_overlayer_lowered:
.L_overlay_start_2:
0xe6: {  	(tag) =	ssettag $0x2  }
0xe7: {  	s0 =	rddreg [dreg:$0x0];
	s2 =	stileid.u32  }
0xe8: {  	s1 =	rddreg [dreg:$0x1];
	p0 =	sne.s32 s2, $0x0  }
0xe9: {  	s3 =	rddreg [dreg:$0x2];
	[bflag:$0x3] =	sbarrier.arrive $0xFFFF;
	s2 =	simm.s32 @!p0 $0x1C0B  }
0xea: {  	[timem:s3], [sflag:s2] =	dma.local @!p0 [hbm:s0], s1  }
0xeb: {  	s0 =	simm.s32 @!p0 $0xB  }
0xec: {  	_ =	swait.ge @!p0 [sflag:s0], s1  }
0xed: {  	s1 =	ssub.s32 @!p0 $0x0, s1;
	[sflag:s0] =	ssyncset.done @!p0 $0x0  }
0xee: {  	[sflag:s0] =	ssyncadd.s32 @!p0 s1  }
0xef: {  	[bflag:$0x3] =	sbarrier.arrive $0xFFFF  }
0xf0: {  	_ =	shalt  }

// kernel: kernel.14.cloned.1.call-start
scs
__scs_entry_jumppad:
0x0: {  	(pc) =	sbr.rel $0x88, $3  }
0x1: {  	(tag) =	ssettag $0x0;
	lr =	simm.s32 $0x1  }
0x2: {  	[smem:$0x3F99] =	sst lr;
	_ =	strace $0xD0000000  }
0x3: {  	_ = 	snop  }
0x4: {  	_ = 	snop  }
0x5: {  	_ = 	snop  }
0x6: {  	_ = 	snop  }
0x7: {  	_ = 	snop  }
__scs_overlays_trampoline_lowered:
0x8: {  	[smem:$0x3FA8] =	sst s0  }
0x9: {  	[smem:$0x3FA9] =	sst s1  }
0xa: {  	[smem:$0x3FAA] =	sst s2  }
0xb: {  	[smem:$0x3FAB] =	sst s3  }
0xc: {  	[smem:$0x3FAC] =	sst s4  }
0xd: {  	[smem:$0x3FAD] =	sst s5  }
0xe: {  	[smem:$0x3FAE] =	sst s6  }
0xf: {  	[smem:$0x3FAF] =	sst s7  }
0x10: {  	[smem:$0x3FB0] =	sst s8  }
0x11: {  	[smem:$0x3FB1] =	sst s9;
	s0 =	simm.s32 @!p0 $0x0  }
0x12: {  	s1 =	sld [smem:$0x3F97];
	s0 =	simm.s32 @p0 $0x1  }
0x13: {  	[smem:$0x3FB2] =	sst s0;
	s0 =	simm.s32 @!p1 $0x0  }
0x14: {  	s2 =	sld [smem:$0x3F96];
	s0 =	simm.s32 @p1 $0x1  }
0x15: {  	[smem:$0x3FB3] =	sst s0;
	s0 =	simm.s32 @!p2 $0x0  }
0x16: {  	s3 =	sld [smem:$0x3FDB];
	s0 =	simm.s32 @p2 $0x1  }
0x17: {  	s4 =	simm.s32 $0x1BF5;
	[smem:$0x3FB5] =	sst s0  }
0x18: {  	s0 =	sld [smem:$0x3F98];
	_ =	swait.ge [sflag:s4], $0x0  }
0x19: {  	s7 =	sld [smem:$0x3F99]  }
0x1a: {  	s8 =	sadd.s32 $0xFFFFE003, lr  }
0x1b: {  	s9 =	sadd.s32 $0xFFFFFEF7, lr;
	s5 =	simm.s32 $0xFFFFFFFF;
	p2 =	slt.u32 s8, $0xFFFFF086  }
0x1c: {  	p1 =	slt.u32 s9, $0xF7A;
	s5 =	simm.s32 @!p2 $0x0  }
0x1d: {  	s5 =	simm.s32 @p1 $0x1;
	p0 =	seq.s32 s7, s2  }
0x1e: {  	s7 =	smul.u32 @!p0 $0xF7A, s2;
	p2 =	seq.s32 @!p0 s5, $0x0  }
0x1f: {  	s9 =	smul.u32 $0xF7A, s1;
	s8 =	simm.s32 @!p0 $0x1BF5;
	p2 =	por !p2, p0  }
0x20: {  	[sflag:s8] =	ssyncset.s32 @!p0 $0xFFFFF086;
	s6 =	sadd.s32 @!p0 s3, s7;
	s7 =	simm.s32 @!p0 $0x108  }
0x21: {  	s3 =	sadd.s32 s3, s9;
	s6 =	sadd.s32 @!p0 $0x88, s6;
	s7 =	simm.s32 @p2 $0x1082  }
0x22: {  	[simem:s7], [sflag:s8] =	dma.local @!p0 [hbm:s6], $0xF7A  }
0x23: {  	s9 =	sor.u32 $0xD0000000, s2;
	s6 =	simm.s32 $0x108;
	_ =	swait.ge @!p0 [sflag:s8], $0x0  }
0x24: {  	s3 =	sadd.s32 $0x88, s3;
	s6 =	simm.s32 @!p1 $0x1082;
	[sflag:s4] =	ssyncset.s32 $0xFFFFF086  }
0x25: {  	[simem:s6], [sflag:s4] =	dma.local [hbm:s3], $0xF7A  }
0x26: {  	[smem:$0x3F99] =	sst s1;
	(tag) =	ssettag s2;
	_ =	strace s9  }
0x27: {  	s1 =	sld [smem:$0x3FA9]  }
0x28: {  	s2 =	sld [smem:$0x3FAA]  }
0x29: {  	s4 =	sld [smem:$0x3FAC]  }
0x2a: {  	p0 =	seq.s32 s5, $0x0;
	s5 =	sld [smem:$0x3FAD]  }
0x2b: {  	s6 =	sld [smem:$0x3FAE]  }
0x2c: {  	s7 =	sld [smem:$0x3FAF]  }
0x2d: {  	s3 =	simm.s32 $0x108;
	s8 =	sld [smem:$0x3FB0]  }
0x2e: {  	s3 =	simm.s32 @!p0 $0x1082;
	s9 =	sld [smem:$0x3FB1]  }
0x2f: {  	lr =	sadd.s32 s0, s3;
	s0 =	sld [smem:$0x3FA8]  }
0x30: {  	s3 =	sld [smem:$0x3FAB]  }
0x31: {  	[smem:$0x3FB4] =	sst s10  }
0x32: {  	s10 =	sld [smem:$0x3FB2];
	_ =	sdelay $0x3  }
0x33: {  	p0 =	seq.s32 s10, $0x1;
	s10 =	sld [smem:$0x3FB4];
	_ =	sdelay $0x3  }
0x34: {  	[smem:$0x3FB4] =	sst s10  }
0x35: {  	s10 =	sld [smem:$0x3FB3];
	_ =	sdelay $0x3  }
0x36: {  	p1 =	seq.s32 s10, $0x1;
	s10 =	sld [smem:$0x3FB4];
	_ =	sdelay $0x3  }
0x37: {  	[smem:$0x3FB4] =	sst s10  }
0x38: {  	s10 =	sld [smem:$0x3FB5]  }
0x39: {  	_ = 	snop;
	(pc) =	sbr.ind lr, $3  }
0x3a: {  	_ = 	snop  }
0x3b: {  	_ = 	snop  }
0x3c: {  	p2 =	seq.s32 s10, $0x1;
	s10 =	sld [smem:$0x3FB4]  }
0x3d: {  	_ =	shalt  }
0x3e: {  	_ =	shalt  }
0x3f: {  	_ =	shalt  }
0x40: {  	_ =	shalt  }
0x41: {  	_ =	shalt  }
0x42: {  	_ =	shalt  }
0x43: {  	_ =	shalt  }
0x44: {  	_ =	shalt  }
0x45: {  	_ =	shalt  }
0x46: {  	_ =	shalt  }
0x47: {  	_ =	shalt  }
0x48: {  	_ =	shalt  }
0x49: {  	_ =	shalt  }
0x4a: {  	_ =	shalt  }
0x4b: {  	_ =	shalt  }
0x4c: {  	_ =	shalt  }
0x4d: {  	_ =	shalt  }
0x4e: {  	_ =	shalt  }
0x4f: {  	_ =	shalt  }
0x50: {  	_ =	shalt  }
0x51: {  	_ =	shalt  }
0x52: {  	_ =	shalt  }
0x53: {  	_ =	shalt  }
0x54: {  	_ =	shalt  }
0x55: {  	_ =	shalt  }
0x56: {  	_ =	shalt  }
0x57: {  	_ =	shalt  }
0x58: {  	_ =	shalt  }
0x59: {  	_ =	shalt  }
0x5a: {  	_ =	shalt  }
0x5b: {  	_ =	shalt  }
0x5c: {  	_ =	shalt  }
0x5d: {  	_ =	shalt  }
0x5e: {  	_ =	shalt  }
0x5f: {  	_ =	shalt  }
0x60: {  	_ =	shalt  }
0x61: {  	_ =	shalt  }
0x62: {  	_ =	shalt  }
0x63: {  	_ =	shalt  }
0x64: {  	_ =	shalt  }
0x65: {  	_ =	shalt  }
0x66: {  	_ =	shalt  }
0x67: {  	_ =	shalt  }
0x68: {  	_ =	shalt  }
0x69: {  	_ =	shalt  }
0x6a: {  	_ =	shalt  }
0x6b: {  	_ =	shalt  }
0x6c: {  	_ =	shalt  }
0x6d: {  	_ =	shalt  }
0x6e: {  	_ =	shalt  }
0x6f: {  	_ =	shalt  }
0x70: {  	_ =	shalt  }
0x71: {  	_ =	shalt  }
0x72: {  	_ =	shalt  }
0x73: {  	_ =	shalt  }
0x74: {  	_ =	shalt  }
0x75: {  	_ =	shalt  }
0x76: {  	_ =	shalt  }
0x77: {  	_ =	shalt  }
0x78: {  	_ =	shalt  }
0x79: {  	_ =	shalt  }
0x7a: {  	_ =	shalt  }
0x7b: {  	_ =	shalt  }
0x7c: {  	_ =	shalt  }
0x7d: {  	_ =	shalt  }
0x7e: {  	_ =	shalt  }
0x7f: {  	_ =	shalt  }
0x80: {  	_ =	shalt  }
0x81: {  	_ =	shalt  }
0x82: {  	_ =	shalt  }
0x83: {  	_ =	shalt  }
0x84: {  	_ =	shalt  }
0x85: {  	_ =	shalt  }
0x86: {  	_ =	shalt  }
0x87: {  	_ =	shalt  }
.Lfunc_end0:
.L_simem_size_0:
called_computation.2_lowered:
.L_overlay_start_0:
0x88: {  	s2 =	sld [smem:$0x3FD9]  }
0x89: {  	s3 =	sld [smem:$0x3FFE];
	_ =	sdelay $0x1  }
0x8a: {  	s1 =	srdreg.scid  }
0x8b: {  	s0 =	sand.u32 $0x1, s1  }
0x8c: {  	s17 =	sshll.u32 s0, $0xA;
	s2 =	sadd.s32 s3, s2  }
0x8d: {  	s2 =	sadd.s32 s2, s17  }
0x8e: {  	[smem:$0x3FC0] =	sst s2  }
0x8f: {  	_ = 	snop  }
0x90: {  	s2 =	sld [smem:$0x3FD0];
	(tm) =	ssettm $0x1  }
0x91: {  	s18 =	sld [smem:$0x3FFB];
	_ =	sdelay $0x3  }
0x92: {  	_ =	strace s18  }
0x93: {  	s3 =	sld [smem:$0x3FFC];
	_ =	sdelay $0x3  }
0x94: {  	_ =	strace s3  }
0x95: {  	s3 =	sld [smem:$0x3FFD];
	_ =	sdelay $0x3  }
0x96: {  	_ =	strace s3  }
0x97: {  	_ =	strace $0x8FFFFFFF  }
0x98: {  	s19 =	sld [smem:$0x3FDB];
	_ =	sdelay $0x1  }
0x99: {  	s4 =	simm.s32 $_scs_section_size  }
0x9a: {  	s5 =	simm.s32 $_size__tile_overlayer_lowered;
	s6 =	simm.s32 $_tile_overlayer_lowered  }
0x9b: {  	s22 =	simm.s32 $0x1BFF;
	s21 =	sshll.u32 s6, $0x1;
	s3 =	sadd.s32 s4, s19  }
0x9c: {  	s7 =	simm.s32 $0x0;
	s20 =	sshll.u32 s5, $0x1;
	s5 =	sadd.s32 s21, s3  }
0x9d: {  	[timem:s7], [sflag:s22] =	dma.local [hbm:s5], s20  }
0x9e: {  	_ =	swait.ge [sflag:s22], s20  }
0x9f: {  	s4 =	ssub.s32 $0x0, s20;
	[sflag:s22] =	ssyncset.done $0x0  }
0xa0: {  	[sflag:s22] =	ssyncadd.s32 s4;
	_ =	sdelay $0x1  }
0xa1: {  	s23 =	simm.s32 $0x1B8B  }
0xa2: {  	_ =	swait.ge [sflag:s23], $0x1  }
0xa3: {  	[sflag:s23] =	ssyncset.done $0x0  }
0xa4: {  	s25 =	simm.s32 $0x1B8E;
	s24 =	sld [smem:$0x3FFE];
	[sflag:s23] =	ssyncadd.s32 $0xFFFFFFFF  }
0xa5: {  	s26 =	simm.s32 $execute0_lowered;
	[smem:$0x3FD2] =	sst s25  }
0xa6: {  	s5 =	sshll.u32 s26, $0x1;
	_ =	strace $0x8000004C;
	[dreg:$0x1] =	wrdreg $0xFFFFFFFF  }
0xa7: {  	s28 =	simm.s32 $_size_execute0_lowered;
	s3 =	sadd.s32 s3, s5;
	[dreg:$0x0] =	wrdreg $0x0  }
0xa8: {  	s5 =	sshll.u32 s28, $0x1;
	[dreg:$0x2] =	wrdreg s3  }
0xa9: {  	[dreg:$0x3] =	wrdreg s5  }
0xaa: {  	[dreg:$0x4] =	wrdreg $0xC0  }
0xab: {  	_ =	task [dreg:s7], $0x5FFFF  }
0xac: {  	[dreg:$0x1] =	wrdreg $0xFFFFFFFF  }
0xad: {  	[dreg:$0x0] =	wrdreg $0x60  }
0xae: {  	[dreg:$0x2] =	wrdreg s24  }
0xaf: {  	[dreg:$0x3] =	wrdreg s2  }
0xb0: {  	[dreg:$0x4] =	wrdreg $0xA0000  }
0xb1: {  	[dreg:$0x5] =	wrdreg $0x9  }
0xb2: {  	_ =	task.clear_ibuf [dreg:s7], $0x6FFFF;
	_ =	strace $0x9000004C  }
0xb3: {  	s29 =	simm.s32 $0x9;
	_ =	strace $0x8000004E  }
0xb4: {  	_ =	swait.ge [sflag:s29], $0x1  }
0xb5: {  	[sflag:s29] =	ssyncadd.s32 $0xFFFFFFFF  }
0xb6: {  	_ =	strace $0x9000004E  }
0xb7: {  	_ =	sfence  }
0xb8: {  	s30 =	sld [smem:$0x0];
	_ =	sdelay $0x2  }
0xb9: {  	s31 =	sshll.u32 s1, $0xD;
	s1 =	sshrl.u32 s1, $0x2  }
0xba: {  	s3 =	sand.u32 $0x4000, s31;
	s1 =	sadd.s32 s1, s30  }
0xbb: {  	s0 =	sor.u32 s3, s0;
	s1 =	sshll.u32 s1, $0x11  }
0xbc: {  	s0 =	sor.u32 s1, s0  }
0xbd: {  	s0 =	sadd.s32 $0x8F2B, s0  }
0xbe: {  	[sflag:s0] =	ssyncadd.remote.s32 $0x1  }
0xbf: {  	_ =	sfence.sel $0xFFFF  }
0xc0: {  	[dreg:$0x0] =	wrdreg $0xFFFFFFFF;
	(pc) =	sbr.abs _section_cstart, $3  }
0xc1: {  	[dreg:$0x1] =	wrdreg $0xFFFFFFFF  }
0xc2: {  	_ =	task.clear_ibuf [dreg:s7], $0x2FFFF;
	_ =	strace $0x9FFFFFFF  }
0xc3: {  	(tm) =	ssettm $0x7FFFFFFF  }
tec
execute0_lowered:
.L_overlay_start_1:
0x0: {  	(tag) =	ssettag $0x1  }
0x1: {  	s0 =	srdreg.scid  }
0x2: {  	s8 =	stileid.u32;
	s1 =	rddreg [dreg:$0x0]  }
0x3: {  	s3 =	rddreg [dreg:$0x2];
	s4 =	simm.s32 $0x0;
	s19 =	simm.s32 $0x5000  }
0x4: {  	s20 =	simm.s32 $0xB;
	s28 =	simm.s32 $0x8000;
	s30 =	simm.s32 $0x9000  }
0x5: {  	s31 =	simm.s32 $0x1;
	s21 =	simm.s32 $0x3;
	s29 =	simm.s32 $0x9  }
0x6: {  	s12 =	simm.s32 $0xA;
	s13 =	simm.s32 $0x0;
	s0 =	sand.u32 $0x1, s0  }
0x7: {  	s2 =	sshll.u32 s8, $0x1;
	s6 =	smul.u32 $0x278, s8;
	[smem:$0x7FF] =	sst s4  }
0x8: {  	s5 =	sadd.s32 $0x15E00, s1;
	s8 =	smul.u32 $0x13C00, s8;
	s2 =	sor.u32 s0, s2  }
0x9: {  	s7 =	smul.u32 $0x2780, s0;
	_ =	strace $0x8000004D;
	s0 =	ssub.s32 $0x2, s0  }
0xa: {  	s2 =	smul.u32 $0x500, s2;
	s22 =	sshrl.u32 s0, $0x1;
	s8 =	sshrl.u32 s8, $0x2  }
0xb: {  	s6 =	sadd.s32 s6, s7;
	s0 =	ssub.s32 s0, s22;
	s22 =	simm.s32 $0x80  }
0xc: {  	s2 =	sadd.s32 s2, s1;
	s6 =	sshll.u32 s6, $0x2;
	s18 =	smax.u32 s0, $0x1  }
0xd: {  	s0 =	simm.s32 $0x2;
	s1 =	sadd.s32 s6, s1;
	s6 =	sadd.s32 s8, s3  }
0xe: {  	s11 =	sadd.s32 $0xBE00, s2;
	s2 =	sadd.s32 $0x1E00, s2;
	s7 =	sadd.s32 $0x1000, s6  }
0xf: {  	s8 =	sadd.s32 $0x2000, s6;
	s9 =	sadd.s32 $0x3000, s6;
	[dreg:$0x4] =	wrdreg s11  }
0x10: {  	s10 =	sadd.s32 $0x4000, s6;
	[dreg:$0x5] =	wrdreg s2;
	s23 =	sadd.s32 $0x1FC00, s1  }
0x11: {  	s24 =	sadd.s32 $0x1FE00, s1;
	s25 =	sadd.s32 $0x20000, s1;
	[dreg:$0x6] =	wrdreg s23  }
0x12: {  	s26 =	sadd.s32 $0x20200, s1;
	s17 =	sadd.s32 $0x20400, s1;
	[dreg:$0x7] =	wrdreg s24  }
0x13: {  	s1 =	simm.s32 $0x6;
	s2 =	simm.s32 $0x7;
	[dreg:$0x8] =	wrdreg s25  }
0x14: {  	s11 =	simm.s32 $0x5;
	[dreg:$0x9] =	wrdreg s26;
	s23 =	simm.s32 $0x6000  }
0x15: {  	s25 =	simm.s32 $0x7000;
	s24 =	simm.s32 $0x8;
	s26 =	simm.s32 $0x4  }
.LBB2_1:
0x16: {  	s14 =	rddreg [dreg:$0x1]  }
0x17: {  	[tilespmem:s19], [sflag:$0xB] =	stream.linear.gather [hbm4b:s14+s4], $0x1000, $0x38;
	[tilespmem:$0xEF00] =	vst v63  }
0x18: {  	_ =	swait.ge [sflag:s20], $0x1000  }
0x19: {  	[sflag:s20] =	ssyncset.done $0x0  }
0x1a: {  	[sflag:s20] =	ssyncadd.s32 $0xFFFFF000  }
0x1b: {  	[spmem:s6] =	stream.linear.scatter [tilespmem:s19], [sflag:$0xB], $0x1000, $0x38;
	[tilespmem:$0xEF00] =	vst v63  }
0x1c: {  	_ =	swait.ge [sflag:s20], $0x1000  }
0x1d: {  	[sflag:s20] =	ssyncset.done $0x0  }
0x1e: {  	[sflag:s20] =	ssyncadd.s32 $0xFFFFF000  }
0x1f: {  	[spmem:s7] =	stream.linear.scatter [tilespmem:s19], [sflag:$0xB], $0x1000, $0x38;
	[tilespmem:$0xEF00] =	vst v63  }
0x20: {  	_ =	swait.ge [sflag:s20], $0x1000  }
0x21: {  	[sflag:s20] =	ssyncset.done $0x0  }
0x22: {  	[sflag:s20] =	ssyncadd.s32 $0xFFFFF000  }
0x23: {  	[spmem:s8] =	stream.linear.scatter [tilespmem:s19], [sflag:$0xB], $0x1000, $0x38;
	[tilespmem:$0xEF00] =	vst v63  }
0x24: {  	_ =	swait.ge [sflag:s20], $0x1000  }
0x25: {  	[sflag:s20] =	ssyncset.done $0x0  }
0x26: {  	[sflag:s20] =	ssyncadd.s32 $0xFFFFF000  }
0x27: {  	[spmem:s9] =	stream.linear.scatter [tilespmem:s19], [sflag:$0xB], $0x1000, $0x38;
	[tilespmem:$0xEF00] =	vst v63  }
0x28: {  	_ =	swait.ge [sflag:s20], $0x1000  }
0x29: {  	[sflag:s20] =	ssyncset.done $0x0  }
0x2a: {  	[sflag:s20] =	ssyncadd.s32 $0xFFFFF000  }
0x2b: {  	[spmem:s10] =	stream.linear.scatter [tilespmem:s19], [sflag:$0xB], $0xF00, $0x38;
	[tilespmem:$0xEF00] =	vst v63  }
0x2c: {  	_ =	swait.ge [sflag:s20], $0xF00  }
0x2d: {  	[sflag:s20] =	ssyncset.done $0x0  }
0x2e: {  	s15 =	rddreg [dreg:$0x4];
	[sflag:s20] =	ssyncadd.s32 $0xFFFFF100  }
0x2f: {  	[tilespmem:s4], [sflag:$0xB] =	stream.linear.gather [hbm4b:s15+s4], $0x2800, $0x38;
	[tilespmem:$0xEF00] =	vst v63  }
0x30: {  	_ =	swait.ge [sflag:s20], $0x2800  }
0x31: {  	[sflag:s20] =	ssyncset.done $0x0  }
0x32: {  	s15 =	simm.s32 $0x2800;
	s16 =	rddreg [dreg:$0x5];
	[sflag:s20] =	ssyncadd.s32 $0xFFFFD800  }
0x33: {  	[tilespmem:s15], [sflag:$0xB] =	stream.linear.gather [hbm4b:s16+s4], $0x2800, $0x38;
	[tilespmem:$0xEF00] =	vst v63  }
0x34: {  	_ =	swait.ge [sflag:s20], $0x2800  }
0x35: {  	[sflag:s20] =	ssyncset.done $0x0  }
0x36: {  	[sflag:s20] =	ssyncadd.s32 $0xFFFFD800  }
0x37: {  	[bflag:$0x0] =	sbarrier.arrive $0xFFFF  }
0x38: {  	[tilespmem:s19], [sflag:$0x1] =	stream.indirect.gather [hbm4b:s5+s22], $0x20, s4, s22, $0xb8;
	[tilespmem:$0xEF00] =	vst v63  }
0x39: {  	_ = 	snop  }
0x3a: {  	[tilespmem:s23], [sflag:$0x2] =	stream.indirect.gather [hbm4b:s5+s22], $0x20, s22, s22, $0xb8;
	[tilespmem:$0xEF00] =	vst v63  }
0x3b: {  	s15 =	simm.s32 $0x100  }
0x3c: {  	[tilespmem:s25], [sflag:$0x3] =	stream.indirect.gather [hbm4b:s5+s22], $0x20, s15, s22, $0xb8;
	[tilespmem:$0xEF00] =	vst v63  }
0x3d: {  	s16 =	simm.s32 $0x180  }
0x3e: {  	[tilespmem:s28], [sflag:$0x4] =	stream.indirect.gather [hbm4b:s5+s22], $0x20, s16, s22, $0xb8;
	[tilespmem:$0xEF00] =	vst v63  }
0x3f: {  	s15 =	simm.s32 $0x200  }
0x40: {  	[tilespmem:s30], [sflag:$0x5] =	stream.indirect.gather [hbm4b:s5+s22], $0x20, s15, s22, $0xb8;
	[tilespmem:$0xEF00] =	vst v63  }
0x41: {  	_ =	swait.ge [sflag:s31], $0x1000  }
0x42: {  	[sflag:s31] =	ssyncset.done $0x0  }
0x43: {  	s16 =	simm.s32 $0x2800;
	[sflag:s31] =	ssyncadd.s32 $0xFFFFF000  }
0x44: {  	[spmem:s3] =	stream.indirect.scatter.add.bf16 [tilespmem:s19], [sflag:$0x6], $0x20, s16, s22, $0xb8;
	[tilespmem:$0xEF00] =	vst v63  }
0x45: {  	_ =	swait.ge [sflag:s1], $0x1000  }
0x46: {  	[sflag:s1] =	ssyncset.done $0x0  }
0x47: {  	s15 =	simm.s32 $0x280;
	[sflag:s1] =	ssyncadd.s32 $0xFFFFF000  }
0x48: {  	[tilespmem:s19], [sflag:$0x1] =	stream.indirect.gather [hbm4b:s5+s22], $0x20, s15, s22, $0xb8;
	[tilespmem:$0xEF00] =	vst v63  }
0x49: {  	_ =	swait.ge [sflag:s0], $0x1000  }
0x4a: {  	[sflag:s0] =	ssyncset.done $0x0  }
0x4b: {  	s16 =	simm.s32 $0x2880;
	[sflag:s0] =	ssyncadd.s32 $0xFFFFF000  }
0x4c: {  	[spmem:s3] =	stream.indirect.scatter.add.bf16 [tilespmem:s23], [sflag:$0x7], $0x20, s16, s22, $0xb8;
	[tilespmem:$0xEF00] =	vst v63  }
0x4d: {  	_ =	swait.ge [sflag:s2], $0x1000  }
0x4e: {  	[sflag:s2] =	ssyncset.done $0x0  }
0x4f: {  	s15 =	simm.s32 $0x300;
	[sflag:s2] =	ssyncadd.s32 $0xFFFFF000  }
0x50: {  	[tilespmem:s23], [sflag:$0x2] =	stream.indirect.gather [hbm4b:s5+s22], $0x20, s15, s22, $0xb8;
	[tilespmem:$0xEF00] =	vst v63  }
0x51: {  	_ =	swait.ge [sflag:s21], $0x1000  }
0x52: {  	[sflag:s21] =	ssyncset.done $0x0  }
0x53: {  	s16 =	simm.s32 $0x2900;
	[sflag:s21] =	ssyncadd.s32 $0xFFFFF000  }
0x54: {  	[spmem:s3] =	stream.indirect.scatter.add.bf16 [tilespmem:s25], [sflag:$0x8], $0x20, s16, s22, $0xb8;
	[tilespmem:$0xEF00] =	vst v63  }
0x55: {  	_ =	swait.ge [sflag:s24], $0x1000  }
0x56: {  	[sflag:s24] =	ssyncset.done $0x0  }
0x57: {  	s15 =	simm.s32 $0x380;
	[sflag:s24] =	ssyncadd.s32 $0xFFFFF000  }
0x58: {  	[tilespmem:s25], [sflag:$0x3] =	stream.indirect.gather [hbm4b:s5+s22], $0x20, s15, s22, $0xb8;
	[tilespmem:$0xEF00] =	vst v63  }
0x59: {  	_ =	swait.ge [sflag:s26], $0x1000  }
0x5a: {  	[sflag:s26] =	ssyncset.done $0x0  }
0x5b: {  	s16 =	simm.s32 $0x2980;
	[sflag:s26] =	ssyncadd.s32 $0xFFFFF000  }
0x5c: {  	[spmem:s3] =	stream.indirect.scatter.add.bf16 [tilespmem:s28], [sflag:$0x9], $0x20, s16, s22, $0xb8;
	[tilespmem:$0xEF00] =	vst v63  }
0x5d: {  	_ =	swait.ge [sflag:s29], $0x1000  }
0x5e: {  	[sflag:s29] =	ssyncset.done $0x0  }
0x5f: {  	s15 =	simm.s32 $0x400;
	[sflag:s29] =	ssyncadd.s32 $0xFFFFF000  }
0x60: {  	[tilespmem:s28], [sflag:$0x4] =	stream.indirect.gather [hbm4b:s5+s22], $0x20, s15, s22, $0xb8;
	[tilespmem:$0xEF00] =	vst v63  }
0x61: {  	_ =	swait.ge [sflag:s11], $0x1000  }
0x62: {  	[sflag:s11] =	ssyncset.done $0x0  }
0x63: {  	s16 =	simm.s32 $0x2A00;
	[sflag:s11] =	ssyncadd.s32 $0xFFFFF000  }
0x64: {  	[spmem:s3] =	stream.indirect.scatter.add.bf16 [tilespmem:s30], [sflag:$0xA], $0x20, s16, s22, $0xb8;
	[tilespmem:$0xEF00] =	vst v63  }
0x65: {  	_ =	swait.ge [sflag:s12], $0x1000  }
0x66: {  	[sflag:s12] =	ssyncset.done $0x0  }
0x67: {  	s14 =	simm.s32 $0xA00;
	s15 =	simm.s32 $0x480;
	[sflag:s12] =	ssyncadd.s32 $0xFFFFF000  }
.LBB2_2:
0x68: {  	[tilespmem:s30], [sflag:$0x5] =	stream.indirect.gather [hbm4b:s5+s22], $0x20, s15, s22, $0xb8;
	[tilespmem:$0xEF00] =	vst v63  }
0x69: {  	s15 =	smov.u32 s14  }
0x6a: {  	p0 =	sne.s32 s14, $0x8C00;
	s14 =	sadd.s32 $0xA00, s14;
	_ =	swait.ge [sflag:s31], $0x1000  }
0x6b: {  	s15 =	sshra.s32 s15, $0x2;
	[sflag:s31] =	ssyncset.done $0x0  }
0x6c: {  	s16 =	sadd.s32 $0x2800, s15;
	[sflag:s31] =	ssyncadd.s32 $0xFFFFF000  }
0x6d: {  	[spmem:s3] =	stream.indirect.scatter.add.bf16 [tilespmem:s19], [sflag:$0x6], $0x20, s16, s22, $0xb8;
	[tilespmem:$0xEF00] =	vst v63  }
0x6e: {  	_ =	swait.ge [sflag:s1], $0x1000  }
0x6f: {  	[sflag:s1] =	ssyncset.done $0x0  }
0x70: {  	s16 =	sadd.s32 $0x280, s15;
	[sflag:s1] =	ssyncadd.s32 $0xFFFFF000  }
0x71: {  	[tilespmem:s19], [sflag:$0x1] =	stream.indirect.gather [hbm4b:s5+s22], $0x20, s16, s22, $0xb8;
	[tilespmem:$0xEF00] =	vst v63  }
0x72: {  	_ =	swait.ge [sflag:s0], $0x1000  }
0x73: {  	[sflag:s0] =	ssyncset.done $0x0  }
0x74: {  	s16 =	sadd.s32 $0x2880, s15;
	[sflag:s0] =	ssyncadd.s32 $0xFFFFF000  }
0x75: {  	[spmem:s3] =	stream.indirect.scatter.add.bf16 [tilespmem:s23], [sflag:$0x7], $0x20, s16, s22, $0xb8;
	[tilespmem:$0xEF00] =	vst v63  }
0x76: {  	_ =	swait.ge [sflag:s2], $0x1000  }
0x77: {  	[sflag:s2] =	ssyncset.done $0x0  }
0x78: {  	s16 =	sadd.s32 $0x300, s15;
	[sflag:s2] =	ssyncadd.s32 $0xFFFFF000  }
0x79: {  	[tilespmem:s23], [sflag:$0x2] =	stream.indirect.gather [hbm4b:s5+s22], $0x20, s16, s22, $0xb8;
	[tilespmem:$0xEF00] =	vst v63  }
0x7a: {  	_ =	swait.ge [sflag:s21], $0x1000  }
0x7b: {  	[sflag:s21] =	ssyncset.done $0x0  }
0x7c: {  	s16 =	sadd.s32 $0x2900, s15;
	[sflag:s21] =	ssyncadd.s32 $0xFFFFF000  }
0x7d: {  	[spmem:s3] =	stream.indirect.scatter.add.bf16 [tilespmem:s25], [sflag:$0x8], $0x20, s16, s22, $0xb8;
	[tilespmem:$0xEF00] =	vst v63  }
0x7e: {  	_ =	swait.ge [sflag:s24], $0x1000  }
0x7f: {  	[sflag:s24] =	ssyncset.done $0x0  }
0x80: {  	s16 =	sadd.s32 $0x380, s15;
	[sflag:s24] =	ssyncadd.s32 $0xFFFFF000  }
0x81: {  	[tilespmem:s25], [sflag:$0x3] =	stream.indirect.gather [hbm4b:s5+s22], $0x20, s16, s22, $0xb8;
	[tilespmem:$0xEF00] =	vst v63  }
0x82: {  	_ =	swait.ge [sflag:s26], $0x1000  }
0x83: {  	[sflag:s26] =	ssyncset.done $0x0  }
0x84: {  	s16 =	sadd.s32 $0x2980, s15;
	[sflag:s26] =	ssyncadd.s32 $0xFFFFF000  }
0x85: {  	[spmem:s3] =	stream.indirect.scatter.add.bf16 [tilespmem:s28], [sflag:$0x9], $0x20, s16, s22, $0xb8;
	[tilespmem:$0xEF00] =	vst v63  }
0x86: {  	_ =	swait.ge [sflag:s29], $0x1000  }
0x87: {  	[sflag:s29] =	ssyncset.done $0x0  }
0x88: {  	s16 =	sadd.s32 $0x400, s15;
	[sflag:s29] =	ssyncadd.s32 $0xFFFFF000  }
0x89: {  	[tilespmem:s28], [sflag:$0x4] =	stream.indirect.gather [hbm4b:s5+s22], $0x20, s16, s22, $0xb8;
	[tilespmem:$0xEF00] =	vst v63  }
0x8a: {  	_ =	swait.ge [sflag:s11], $0x1000  }
0x8b: {  	[sflag:s11] =	ssyncset.done $0x0  }
.Ltmp0:
0x8c: {  	s16 =	sadd.s32 $0x2A00, s15;
	[sflag:s11] =	ssyncadd.s32 $0xFFFFF000;
	(pc) =	sbr.rel @p0 .LBB2_2-.Ltmp0, $4  }
0x8d: {  	[spmem:s3] =	stream.indirect.scatter.add.bf16 [tilespmem:s30], [sflag:$0xA], $0x20, s16, s22, $0xb8;
	[tilespmem:$0xEF00] =	vst v63  }
0x8e: {  	_ =	swait.ge [sflag:s12], $0x1000  }
0x8f: {  	[sflag:s12] =	ssyncset.done $0x0  }
0x90: {  	s15 =	sadd.s32 $0x480, s15;
	[sflag:s12] =	ssyncadd.s32 $0xFFFFF000  }
0x91: {  	[tilespmem:s30], [sflag:$0x5] =	stream.indirect.gather [hbm4b:s5+s22], $0x20, s15, s22, $0xb8;
	[tilespmem:$0xEF00] =	vst v63  }
0x92: {  	_ =	swait.ge [sflag:s31], $0x1000  }
0x93: {  	[sflag:s31] =	ssyncset.done $0x0  }
0x94: {  	s14 =	simm.s32 $0x4D80;
	[sflag:s31] =	ssyncadd.s32 $0xFFFFF000  }
0x95: {  	[spmem:s3] =	stream.indirect.scatter.add.bf16 [tilespmem:s19], [sflag:$0x6], $0x20, s14, s22, $0xb8;
	[tilespmem:$0xEF00] =	vst v63  }
0x96: {  	_ =	swait.ge [sflag:s1], $0x1000  }
0x97: {  	[sflag:s1] =	ssyncset.done $0x0  }
0x98: {  	[sflag:s1] =	ssyncadd.s32 $0xFFFFF000  }
0x99: {  	_ =	swait.ge [sflag:s0], $0x1000  }
0x9a: {  	[sflag:s0] =	ssyncset.done $0x0  }
0x9b: {  	s15 =	simm.s32 $0x4E00;
	[sflag:s0] =	ssyncadd.s32 $0xFFFFF000  }
0x9c: {  	[spmem:s3] =	stream.indirect.scatter.add.bf16 [tilespmem:s23], [sflag:$0x7], $0x20, s15, s22, $0xb8;
	[tilespmem:$0xEF00] =	vst v63  }
0x9d: {  	_ =	swait.ge [sflag:s2], $0x1000  }
0x9e: {  	[sflag:s2] =	ssyncset.done $0x0  }
0x9f: {  	[sflag:s2] =	ssyncadd.s32 $0xFFFFF000  }
0xa0: {  	_ =	swait.ge [sflag:s21], $0x1000  }
0xa1: {  	[sflag:s21] =	ssyncset.done $0x0  }
0xa2: {  	s16 =	simm.s32 $0x4E80;
	[sflag:s21] =	ssyncadd.s32 $0xFFFFF000  }
0xa3: {  	[spmem:s3] =	stream.indirect.scatter.add.bf16 [tilespmem:s25], [sflag:$0x8], $0x20, s16, s22, $0xb8;
	[tilespmem:$0xEF00] =	vst v63  }
0xa4: {  	_ =	swait.ge [sflag:s24], $0x1000  }
0xa5: {  	[sflag:s24] =	ssyncset.done $0x0  }
0xa6: {  	[sflag:s24] =	ssyncadd.s32 $0xFFFFF000  }
0xa7: {  	_ =	swait.ge [sflag:s26], $0x1000  }
0xa8: {  	[sflag:s26] =	ssyncset.done $0x0  }
0xa9: {  	s15 =	simm.s32 $0x4F00;
	[sflag:s26] =	ssyncadd.s32 $0xFFFFF000  }
0xaa: {  	[spmem:s3] =	stream.indirect.scatter.add.bf16 [tilespmem:s28], [sflag:$0x9], $0x20, s15, s22, $0xb8;
	[tilespmem:$0xEF00] =	vst v63  }
0xab: {  	_ =	swait.ge [sflag:s29], $0x1000  }
0xac: {  	[sflag:s29] =	ssyncset.done $0x0  }
0xad: {  	[sflag:s29] =	ssyncadd.s32 $0xFFFFF000  }
0xae: {  	_ =	swait.ge [sflag:s11], $0x1000  }
0xaf: {  	[sflag:s11] =	ssyncset.done $0x0  }
0xb0: {  	s16 =	simm.s32 $0x4F80;
	[sflag:s11] =	ssyncadd.s32 $0xFFFFF000  }
0xb1: {  	[spmem:s3] =	stream.indirect.scatter.add.bf16 [tilespmem:s30], [sflag:$0xA], $0x20, s16, s22, $0xb8;
	[tilespmem:$0xEF00] =	vst v63  }
0xb2: {  	_ =	swait.ge [sflag:s12], $0x1000  }
0xb3: {  	[sflag:s12] =	ssyncset.done $0x0  }
0xb4: {  	[sflag:s12] =	ssyncadd.s32 $0xFFFFF000  }
0xb5: {  	[bflag:$0x0] =	sbarrier.arrive $0xFFFF  }
0xb6: {  	[tilespmem:s19], [sflag:$0xB] =	stream.linear.gather [spmem:s6], $0x1000, $0x38;
	[tilespmem:$0xEF00] =	vst v63  }
0xb7: {  	_ =	swait.ge [sflag:s20], $0x1000  }
0xb8: {  	[sflag:s20] =	ssyncset.done $0x0  }
0xb9: {  	s15 =	rddreg [dreg:$0x6];
	[sflag:s20] =	ssyncadd.s32 $0xFFFFF000  }
0xba: {  	[hbm4b:s15+s4] =	stream.linear.scatter [tilespmem:s19], [sflag:$0xB], $0x1000, $0x38;
	[tilespmem:$0xEF00] =	vst v63  }
0xbb: {  	_ =	swait.ge [sflag:s20], $0x1000  }
0xbc: {  	[sflag:s20] =	ssyncset.done $0x0  }
0xbd: {  	[sflag:s20] =	ssyncadd.s32 $0xFFFFF000  }
0xbe: {  	[tilespmem:s19], [sflag:$0xB] =	stream.linear.gather [spmem:s7], $0x1000, $0x38;
	[tilespmem:$0xEF00] =	vst v63  }
0xbf: {  	_ =	swait.ge [sflag:s20], $0x1000  }
0xc0: {  	[sflag:s20] =	ssyncset.done $0x0  }
0xc1: {  	s16 =	rddreg [dreg:$0x7];
	[sflag:s20] =	ssyncadd.s32 $0xFFFFF000  }
0xc2: {  	[hbm4b:s16+s4] =	stream.linear.scatter [tilespmem:s19], [sflag:$0xB], $0x1000, $0x38;
	[tilespmem:$0xEF00] =	vst v63  }
0xc3: {  	_ =	swait.ge [sflag:s20], $0x1000  }
0xc4: {  	[sflag:s20] =	ssyncset.done $0x0  }
0xc5: {  	[sflag:s20] =	ssyncadd.s32 $0xFFFFF000  }
0xc6: {  	[tilespmem:s19], [sflag:$0xB] =	stream.linear.gather [spmem:s8], $0x1000, $0x38;
	[tilespmem:$0xEF00] =	vst v63  }
0xc7: {  	_ =	swait.ge [sflag:s20], $0x1000  }
0xc8: {  	[sflag:s20] =	ssyncset.done $0x0  }
0xc9: {  	s15 =	rddreg [dreg:$0x8];
	[sflag:s20] =	ssyncadd.s32 $0xFFFFF000  }
0xca: {  	[hbm4b:s15+s4] =	stream.linear.scatter [tilespmem:s19], [sflag:$0xB], $0x1000, $0x38;
	[tilespmem:$0xEF00] =	vst v63  }
0xcb: {  	_ =	swait.ge [sflag:s20], $0x1000  }
0xcc: {  	[sflag:s20] =	ssyncset.done $0x0  }
0xcd: {  	[sflag:s20] =	ssyncadd.s32 $0xFFFFF000  }
0xce: {  	[tilespmem:s19], [sflag:$0xB] =	stream.linear.gather [spmem:s9], $0x1000, $0x38;
	[tilespmem:$0xEF00] =	vst v63  }
0xcf: {  	_ =	swait.ge [sflag:s20], $0x1000  }
0xd0: {  	[sflag:s20] =	ssyncset.done $0x0  }
0xd1: {  	s16 =	rddreg [dreg:$0x9];
	[sflag:s20] =	ssyncadd.s32 $0xFFFFF000  }
0xd2: {  	[hbm4b:s16+s4] =	stream.linear.scatter [tilespmem:s19], [sflag:$0xB], $0x1000, $0x38;
	[tilespmem:$0xEF00] =	vst v63  }
0xd3: {  	_ =	swait.ge [sflag:s20], $0x1000  }
0xd4: {  	[sflag:s20] =	ssyncset.done $0x0  }
0xd5: {  	[sflag:s20] =	ssyncadd.s32 $0xFFFFF000  }
0xd6: {  	[tilespmem:s19], [sflag:$0xB] =	stream.linear.gather [spmem:s10], $0xF00, $0x38;
	[tilespmem:$0xEF00] =	vst v63  }
0xd7: {  	s13 =	sadd.s32 $0x1, s13;
	_ =	swait.ge [sflag:s20], $0xF00  }
0xd8: {  	p0 =	sne.s32 s13, s18;
	[sflag:s20] =	ssyncset.done $0x0  }
.Ltmp1:
0xd9: {  	[sflag:s20] =	ssyncadd.s32 $0xFFFFF100;
	(pc) =	sbr.rel @p0 .LBB2_1-.Ltmp1, $4  }
0xda: {  	[hbm4b:s17+s4] =	stream.linear.scatter [tilespmem:s19], [sflag:$0xB], $0xF00, $0x38;
	[tilespmem:$0xEF00] =	vst v63  }
0xdb: {  	_ =	swait.ge [sflag:s20], $0xF00  }
0xdc: {  	[sflag:s20] =	ssyncset.done $0x0  }
0xdd: {  	[sflag:s20] =	ssyncadd.s32 $0xFFFFF100  }
0xde: {  	_ =	sfence.sel $0x180000  }
0xdf: {  	[bflag:$0x0] =	sbarrier.arrive $0xFFFF  }
0xe0: {  	_ =	strace $0x9000004D  }
0xe1: {  	s0 =	stileid.u32;
	[bflag:$0x2] =	sbarrier.arrive $0xFFFF  }
0xe2: {  	p0 =	sne.s32 s0, $0x0;
	s0 =	rddreg [dreg:$0x3]  }
0xe3: {  	s0 =	sadd.s32 @!p0 $0x100000, s0  }
0xe4: {  	[sflag:s0] =	ssyncadd.tile.s32 @!p0 $0x1;
	_ =	shalt  }
.Lfunc_end2:
_tile_overlayer_lowered:
.L_overlay_start_2:
0xe5: {  	(tag) =	ssettag $0x2  }
0xe6: {  	s0 =	rddreg [dreg:$0x0];
	s2 =	stileid.u32  }
0xe7: {  	s1 =	rddreg [dreg:$0x1];
	p0 =	sne.s32 s2, $0x0  }
0xe8: {  	s3 =	rddreg [dreg:$0x2];
	[bflag:$0x3] =	sbarrier.arrive $0xFFFF;
	s2 =	simm.s32 @!p0 $0x1C0B  }
0xe9: {  	[timem:s3], [sflag:s2] =	dma.local @!p0 [hbm:s0], s1  }
0xea: {  	s0 =	simm.s32 @!p0 $0xB  }
0xeb: {  	_ =	swait.ge @!p0 [sflag:s0], s1  }
0xec: {  	s1 =	ssub.s32 @!p0 $0x0, s1;
	[sflag:s0] =	ssyncset.done @!p0 $0x0  }
0xed: {  	[sflag:s0] =	ssyncadd.s32 @!p0 s1  }
0xee: {  	[bflag:$0x3] =	sbarrier.arrive $0xFFFF  }
0xef: {  	_ =	shalt  }

// kernel: kernel.8.cloned.1.call-start
scs
__scs_entry_jumppad:
0x0: {  	(pc) =	sbr.rel $0x88, $3  }
0x1: {  	(tag) =	ssettag $0x0;
	lr =	simm.s32 $0x1  }
0x2: {  	[smem:$0x3F99] =	sst lr;
	_ =	strace $0xD0000000  }
0x3: {  	_ = 	snop  }
0x4: {  	_ = 	snop  }
0x5: {  	_ = 	snop  }
0x6: {  	_ = 	snop  }
0x7: {  	_ = 	snop  }
__scs_overlays_trampoline_lowered:
0x8: {  	[smem:$0x3FA8] =	sst s0  }
0x9: {  	[smem:$0x3FA9] =	sst s1  }
0xa: {  	[smem:$0x3FAA] =	sst s2  }
0xb: {  	[smem:$0x3FAB] =	sst s3  }
0xc: {  	[smem:$0x3FAC] =	sst s4  }
0xd: {  	[smem:$0x3FAD] =	sst s5  }
0xe: {  	[smem:$0x3FAE] =	sst s6  }
0xf: {  	[smem:$0x3FAF] =	sst s7  }
0x10: {  	[smem:$0x3FB0] =	sst s8  }
0x11: {  	[smem:$0x3FB1] =	sst s9;
	s0 =	simm.s32 @!p0 $0x0  }
0x12: {  	s1 =	sld [smem:$0x3F97];
	s0 =	simm.s32 @p0 $0x1  }
0x13: {  	[smem:$0x3FB2] =	sst s0;
	s0 =	simm.s32 @!p1 $0x0  }
0x14: {  	s2 =	sld [smem:$0x3F96];
	s0 =	simm.s32 @p1 $0x1  }
0x15: {  	[smem:$0x3FB3] =	sst s0;
	s0 =	simm.s32 @!p2 $0x0  }
0x16: {  	s3 =	sld [smem:$0x3FDB];
	s0 =	simm.s32 @p2 $0x1  }
0x17: {  	s4 =	simm.s32 $0x1BF5;
	[smem:$0x3FB5] =	sst s0  }
0x18: {  	s0 =	sld [smem:$0x3F98];
	_ =	swait.ge [sflag:s4], $0x0  }
0x19: {  	s7 =	sld [smem:$0x3F99]  }
0x1a: {  	s8 =	sadd.s32 $0xFFFFE003, lr  }
0x1b: {  	s9 =	sadd.s32 $0xFFFFFEF7, lr;
	s5 =	simm.s32 $0xFFFFFFFF;
	p2 =	slt.u32 s8, $0xFFFFF086  }
0x1c: {  	p1 =	slt.u32 s9, $0xF7A;
	s5 =	simm.s32 @!p2 $0x0  }
0x1d: {  	s5 =	simm.s32 @p1 $0x1;
	p0 =	seq.s32 s7, s2  }
0x1e: {  	s7 =	smul.u32 @!p0 $0xF7A, s2;
	p2 =	seq.s32 @!p0 s5, $0x0  }
0x1f: {  	s9 =	smul.u32 $0xF7A, s1;
	s8 =	simm.s32 @!p0 $0x1BF5;
	p2 =	por !p2, p0  }
0x20: {  	[sflag:s8] =	ssyncset.s32 @!p0 $0xFFFFF086;
	s6 =	sadd.s32 @!p0 s3, s7;
	s7 =	simm.s32 @!p0 $0x108  }
0x21: {  	s3 =	sadd.s32 s3, s9;
	s6 =	sadd.s32 @!p0 $0x88, s6;
	s7 =	simm.s32 @p2 $0x1082  }
0x22: {  	[simem:s7], [sflag:s8] =	dma.local @!p0 [hbm:s6], $0xF7A  }
0x23: {  	s9 =	sor.u32 $0xD0000000, s2;
	s6 =	simm.s32 $0x108;
	_ =	swait.ge @!p0 [sflag:s8], $0x0  }
0x24: {  	s3 =	sadd.s32 $0x88, s3;
	s6 =	simm.s32 @!p1 $0x1082;
	[sflag:s4] =	ssyncset.s32 $0xFFFFF086  }
0x25: {  	[simem:s6], [sflag:s4] =	dma.local [hbm:s3], $0xF7A  }
0x26: {  	[smem:$0x3F99] =	sst s1;
	(tag) =	ssettag s2;
	_ =	strace s9  }
0x27: {  	s1 =	sld [smem:$0x3FA9]  }
0x28: {  	s2 =	sld [smem:$0x3FAA]  }
0x29: {  	s4 =	sld [smem:$0x3FAC]  }
0x2a: {  	p0 =	seq.s32 s5, $0x0;
	s5 =	sld [smem:$0x3FAD]  }
0x2b: {  	s6 =	sld [smem:$0x3FAE]  }
0x2c: {  	s7 =	sld [smem:$0x3FAF]  }
0x2d: {  	s3 =	simm.s32 $0x108;
	s8 =	sld [smem:$0x3FB0]  }
0x2e: {  	s3 =	simm.s32 @!p0 $0x1082;
	s9 =	sld [smem:$0x3FB1]  }
0x2f: {  	lr =	sadd.s32 s0, s3;
	s0 =	sld [smem:$0x3FA8]  }
0x30: {  	s3 =	sld [smem:$0x3FAB]  }
0x31: {  	[smem:$0x3FB4] =	sst s10  }
0x32: {  	s10 =	sld [smem:$0x3FB2];
	_ =	sdelay $0x3  }
0x33: {  	p0 =	seq.s32 s10, $0x1;
	s10 =	sld [smem:$0x3FB4];
	_ =	sdelay $0x3  }
0x34: {  	[smem:$0x3FB4] =	sst s10  }
0x35: {  	s10 =	sld [smem:$0x3FB3];
	_ =	sdelay $0x3  }
0x36: {  	p1 =	seq.s32 s10, $0x1;
	s10 =	sld [smem:$0x3FB4];
	_ =	sdelay $0x3  }
0x37: {  	[smem:$0x3FB4] =	sst s10  }
0x38: {  	s10 =	sld [smem:$0x3FB5]  }
0x39: {  	_ = 	snop;
	(pc) =	sbr.ind lr, $3  }
0x3a: {  	_ = 	snop  }
0x3b: {  	_ = 	snop  }
0x3c: {  	p2 =	seq.s32 s10, $0x1;
	s10 =	sld [smem:$0x3FB4]  }
0x3d: {  	_ =	shalt  }
0x3e: {  	_ =	shalt  }
0x3f: {  	_ =	shalt  }
0x40: {  	_ =	shalt  }
0x41: {  	_ =	shalt  }
0x42: {  	_ =	shalt  }
0x43: {  	_ =	shalt  }
0x44: {  	_ =	shalt  }
0x45: {  	_ =	shalt  }
0x46: {  	_ =	shalt  }
0x47: {  	_ =	shalt  }
0x48: {  	_ =	shalt  }
0x49: {  	_ =	shalt  }
0x4a: {  	_ =	shalt  }
0x4b: {  	_ =	shalt  }
0x4c: {  	_ =	shalt  }
0x4d: {  	_ =	shalt  }
0x4e: {  	_ =	shalt  }
0x4f: {  	_ =	shalt  }
0x50: {  	_ =	shalt  }
0x51: {  	_ =	shalt  }
0x52: {  	_ =	shalt  }
0x53: {  	_ =	shalt  }
0x54: {  	_ =	shalt  }
0x55: {  	_ =	shalt  }
0x56: {  	_ =	shalt  }
0x57: {  	_ =	shalt  }
0x58: {  	_ =	shalt  }
0x59: {  	_ =	shalt  }
0x5a: {  	_ =	shalt  }
0x5b: {  	_ =	shalt  }
0x5c: {  	_ =	shalt  }
0x5d: {  	_ =	shalt  }
0x5e: {  	_ =	shalt  }
0x5f: {  	_ =	shalt  }
0x60: {  	_ =	shalt  }
0x61: {  	_ =	shalt  }
0x62: {  	_ =	shalt  }
0x63: {  	_ =	shalt  }
0x64: {  	_ =	shalt  }
0x65: {  	_ =	shalt  }
0x66: {  	_ =	shalt  }
0x67: {  	_ =	shalt  }
0x68: {  	_ =	shalt  }
0x69: {  	_ =	shalt  }
0x6a: {  	_ =	shalt  }
0x6b: {  	_ =	shalt  }
0x6c: {  	_ =	shalt  }
0x6d: {  	_ =	shalt  }
0x6e: {  	_ =	shalt  }
0x6f: {  	_ =	shalt  }
0x70: {  	_ =	shalt  }
0x71: {  	_ =	shalt  }
0x72: {  	_ =	shalt  }
0x73: {  	_ =	shalt  }
0x74: {  	_ =	shalt  }
0x75: {  	_ =	shalt  }
0x76: {  	_ =	shalt  }
0x77: {  	_ =	shalt  }
0x78: {  	_ =	shalt  }
0x79: {  	_ =	shalt  }
0x7a: {  	_ =	shalt  }
0x7b: {  	_ =	shalt  }
0x7c: {  	_ =	shalt  }
0x7d: {  	_ =	shalt  }
0x7e: {  	_ =	shalt  }
0x7f: {  	_ =	shalt  }
0x80: {  	_ =	shalt  }
0x81: {  	_ =	shalt  }
0x82: {  	_ =	shalt  }
0x83: {  	_ =	shalt  }
0x84: {  	_ =	shalt  }
0x85: {  	_ =	shalt  }
0x86: {  	_ =	shalt  }
0x87: {  	_ =	shalt  }
.Lfunc_end0:
.L_simem_size_0:
called_computation_lowered:
.L_overlay_start_0:
0x88: {  	s2 =	sld [smem:$0x3FD9]  }
0x89: {  	s3 =	sld [smem:$0x3FFE];
	_ =	sdelay $0x1  }
0x8a: {  	s1 =	srdreg.scid  }
0x8b: {  	s0 =	sand.u32 $0x1, s1  }
0x8c: {  	s17 =	sshll.u32 s0, $0xA;
	s2 =	sadd.s32 s3, s2  }
0x8d: {  	s2 =	sadd.s32 s2, s17  }
0x8e: {  	[smem:$0x3FC0] =	sst s2  }
0x8f: {  	_ = 	snop  }
0x90: {  	s2 =	sld [smem:$0x3FD0];
	(tm) =	ssettm $0x1  }
0x91: {  	s18 =	sld [smem:$0x3FFB];
	_ =	sdelay $0x3  }
0x92: {  	_ =	strace s18  }
0x93: {  	s3 =	sld [smem:$0x3FFC];
	_ =	sdelay $0x3  }
0x94: {  	_ =	strace s3  }
0x95: {  	s3 =	sld [smem:$0x3FFD];
	_ =	sdelay $0x3  }
0x96: {  	_ =	strace s3  }
0x97: {  	_ =	strace $0x8FFFFFFF  }
0x98: {  	s19 =	sld [smem:$0x3FDB];
	_ =	sdelay $0x1  }
0x99: {  	s4 =	simm.s32 $_scs_section_size  }
0x9a: {  	s5 =	simm.s32 $_size__tile_overlayer_lowered;
	s6 =	simm.s32 $_tile_overlayer_lowered  }
0x9b: {  	s22 =	simm.s32 $0x1BFF;
	s21 =	sshll.u32 s6, $0x1;
	s3 =	sadd.s32 s4, s19  }
0x9c: {  	s7 =	simm.s32 $0x0;
	s20 =	sshll.u32 s5, $0x1;
	s5 =	sadd.s32 s21, s3  }
0x9d: {  	[timem:s7], [sflag:s22] =	dma.local [hbm:s5], s20  }
0x9e: {  	_ =	swait.ge [sflag:s22], s20  }
0x9f: {  	s4 =	ssub.s32 $0x0, s20;
	[sflag:s22] =	ssyncset.done $0x0  }
0xa0: {  	[sflag:s22] =	ssyncadd.s32 s4;
	_ =	sdelay $0x1  }
0xa1: {  	s23 =	simm.s32 $0x1B8B  }
0xa2: {  	_ =	swait.ge [sflag:s23], $0x1  }
0xa3: {  	[sflag:s23] =	ssyncset.done $0x0  }
0xa4: {  	s25 =	simm.s32 $0x1B8E;
	s24 =	sld [smem:$0x3FFE];
	[sflag:s23] =	ssyncadd.s32 $0xFFFFFFFF  }
0xa5: {  	s26 =	simm.s32 $execute0_lowered;
	[smem:$0x3FD2] =	sst s25  }
0xa6: {  	s5 =	sshll.u32 s26, $0x1;
	_ =	strace $0x80000046;
	[dreg:$0x1] =	wrdreg $0xFFFFFFFF  }
0xa7: {  	s28 =	simm.s32 $_size_execute0_lowered;
	s3 =	sadd.s32 s3, s5;
	[dreg:$0x0] =	wrdreg $0x0  }
0xa8: {  	s5 =	sshll.u32 s28, $0x1;
	[dreg:$0x2] =	wrdreg s3  }
0xa9: {  	[dreg:$0x3] =	wrdreg s5  }
0xaa: {  	[dreg:$0x4] =	wrdreg $0xC0  }
0xab: {  	_ =	task [dreg:s7], $0x5FFFF  }
0xac: {  	[dreg:$0x1] =	wrdreg $0xFFFFFFFF  }
0xad: {  	[dreg:$0x0] =	wrdreg $0x60  }
0xae: {  	[dreg:$0x2] =	wrdreg s24  }
0xaf: {  	[dreg:$0x3] =	wrdreg s2  }
0xb0: {  	[dreg:$0x4] =	wrdreg $0x29000  }
0xb1: {  	[dreg:$0x5] =	wrdreg $0x9  }
0xb2: {  	_ =	task.clear_ibuf [dreg:s7], $0x6FFFF;
	_ =	strace $0x90000046  }
0xb3: {  	s29 =	simm.s32 $0x9;
	_ =	strace $0x80000048  }
0xb4: {  	_ =	swait.ge [sflag:s29], $0x1  }
0xb5: {  	[sflag:s29] =	ssyncadd.s32 $0xFFFFFFFF  }
0xb6: {  	_ =	strace $0x90000048  }
0xb7: {  	_ =	sfence  }
0xb8: {  	s30 =	sld [smem:$0x0];
	_ =	sdelay $0x2  }
0xb9: {  	s31 =	sshll.u32 s1, $0xD;
	s1 =	sshrl.u32 s1, $0x2  }
0xba: {  	s3 =	sand.u32 $0x4000, s31;
	s1 =	sadd.s32 s1, s30  }
0xbb: {  	s0 =	sor.u32 s3, s0;
	s1 =	sshll.u32 s1, $0x11  }
0xbc: {  	s0 =	sor.u32 s1, s0  }
0xbd: {  	s0 =	sadd.s32 $0x8F2B, s0  }
0xbe: {  	[sflag:s0] =	ssyncadd.remote.s32 $0x1  }
0xbf: {  	_ =	sfence.sel $0xFFFF  }
0xc0: {  	[dreg:$0x0] =	wrdreg $0xFFFFFFFF;
	(pc) =	sbr.abs _section_cstart, $3  }
0xc1: {  	[dreg:$0x1] =	wrdreg $0xFFFFFFFF  }
0xc2: {  	_ =	task.clear_ibuf [dreg:s7], $0x2FFFF;
	_ =	strace $0x9FFFFFFF  }
0xc3: {  	(tm) =	ssettm $0x7FFFFFFF  }
tec
execute0_lowered:
.L_overlay_start_1:
0x0: {  	(tag) =	ssettag $0x1  }
0x1: {  	s4 =	rddreg [dreg:$0x0];
	s1 =	srdreg.scid  }
0x2: {  	s0 =	stileid.u32;
	s10 =	rddreg [dreg:$0x1]  }
0x3: {  	s2 =	rddreg [dreg:$0x2];
	s3 =	simm.s32 $0x0;
	s17 =	simm.s32 $0x2880  }
0x4: {  	s18 =	simm.s32 $0x2;
	s19 =	simm.s32 $0x80;
	s20 =	simm.s32 $0x2800  }
0x5: {  	s21 =	simm.s32 $0x1;
	s5 =	sand.u32 $0x1, s1;
	s1 =	rddreg [dreg:$0x3]  }
0x6: {  	s22 =	simm.s32 $0x0;
	s29 =	sshll.u32 s0, $0x1;
	[smem:$0x7FF] =	sst s3  }
0x7: {  	s7 =	smul.u32 $0x278, s0;
	s6 =	sor.u32 s5, s29;
	s8 =	ssub.s32 $0x2, s5  }
0x8: {  	_ =	strace $0x80000047;
	s9 =	smul.u32 $0x2780, s5;
	s30 =	sshrl.u32 s8, $0x1  }
0x9: {  	s6 =	smul.u32 $0x500, s6;
	s5 =	sadd.s32 s7, s2;
	s16 =	ssub.s32 s8, s30  }
0xa: {  	s31 =	sadd.s32 s7, s9;
	s7 =	sadd.s32 $0x100, s5;
	s8 =	sadd.s32 $0x180, s5  }
0xb: {  	s9 =	sadd.s32 $0x200, s5;
	s11 =	sadd.s32 s6, s4;
	s12 =	sshrl.u32 s31, $0x3  }
0xc: {  	s4 =	sadd.s32 $0x15E00, s4;
	s6 =	sadd.s32 $0x80, s5;
	s10 =	sadd.s32 s10, s12  }
0xd: {  	s16 =	smax.u32 s16, $0x1;
	s11 =	sadd.s32 $0x1E00, s11;
	s12 =	sadd.s32 $0x10, s10  }
0xe: {  	v0 =	vimm.f32 $1.000000000e+00;
	s13 =	sadd.s32 $0x20, s10;
	s14 =	sadd.s32 $0x30, s10;
	s15 =	sadd.s32 $0x40, s10  }
.LBB2_1:
0xf: {  	[tilespmem:s17], [sflag:$0x2] =	stream.linear.gather [hbm4b:s4+s3], $0x80, $0x38;
	[tilespmem:$0x2B78] =	vst v63  }
0x10: {  	_ =	swait.ge [sflag:s18], $0x80  }
0x11: {  	[sflag:s18] =	ssyncset.done $0x0  }
0x12: {  	[sflag:s18] =	ssyncadd.s32 $0xFFFFFF80  }
0x13: {  	[spmem:s5] =	stream.linear.scatter [tilespmem:s17], [sflag:$0x2], $0x80, $0x38;
	[tilespmem:$0x2B78] =	vst v63  }
0x14: {  	_ =	swait.ge [sflag:s18], $0x80  }
0x15: {  	[sflag:s18] =	ssyncset.done $0x0  }
0x16: {  	[sflag:s18] =	ssyncadd.s32 $0xFFFFFF80  }
0x17: {  	[spmem:s6] =	stream.linear.scatter [tilespmem:s17], [sflag:$0x2], $0x80, $0x38;
	[tilespmem:$0x2B78] =	vst v63  }
0x18: {  	_ =	swait.ge [sflag:s18], $0x80  }
0x19: {  	[sflag:s18] =	ssyncset.done $0x0  }
0x1a: {  	[sflag:s18] =	ssyncadd.s32 $0xFFFFFF80  }
0x1b: {  	[spmem:s7] =	stream.linear.scatter [tilespmem:s17], [sflag:$0x2], $0x80, $0x38;
	[tilespmem:$0x2B78] =	vst v63  }
0x1c: {  	_ =	swait.ge [sflag:s18], $0x80  }
0x1d: {  	[sflag:s18] =	ssyncset.done $0x0  }
0x1e: {  	[sflag:s18] =	ssyncadd.s32 $0xFFFFFF80  }
0x1f: {  	[spmem:s8] =	stream.linear.scatter [tilespmem:s17], [sflag:$0x2], $0x80, $0x38;
	[tilespmem:$0x2B78] =	vst v63  }
0x20: {  	_ =	swait.ge [sflag:s18], $0x80  }
0x21: {  	[sflag:s18] =	ssyncset.done $0x0  }
0x22: {  	[sflag:s18] =	ssyncadd.s32 $0xFFFFFF80  }
0x23: {  	[spmem:s9] =	stream.linear.scatter [tilespmem:s17], [sflag:$0x2], $0x78, $0x38;
	[tilespmem:$0x2B78] =	vst v63  }
0x24: {  	_ =	swait.ge [sflag:s18], $0x78  }
0x25: {  	[sflag:s18] =	ssyncset.done $0x0  }
0x26: {  	[sflag:s18] =	ssyncadd.s32 $0xFFFFFF88  }
0x27: {  	[tilespmem:s3], [sflag:$0x2] =	stream.linear.gather [hbm4b:s11+s3], $0x2800, $0x38;
	[tilespmem:$0x2B78] =	vst v63  }
0x28: {  	_ =	swait.ge [sflag:s18], $0x2800  }
0x29: {  	[sflag:s18] =	ssyncset.done $0x0  }
0x2a: {  	[sflag:s18] =	ssyncadd.s32 $0xFFFFD800  }
0x2b: {  	[tilespmem:$0x2800] =	vst v0  }
0x2c: {  	[tilespmem:$0x2810] =	vst v0  }
0x2d: {  	[tilespmem:$0x2820] =	vst v0  }
0x2e: {  	[tilespmem:$0x2830] =	vst v0  }
0x2f: {  	[tilespmem:$0x2840] =	vst v0  }
0x30: {  	[tilespmem:$0x2850] =	vst v0  }
0x31: {  	[tilespmem:$0x2860] =	vst v0  }
0x32: {  	[tilespmem:$0x2870] =	vst v0  }
0x33: {  	s23 =	simm.s32 $0x0;
	[bflag:$0x0] =	sbarrier.arrive $0xFFFF  }
.LBB2_2:
0x34: {  	p0 =	sne.s32 s23, $0x9E00  }
.Ltmp0:
0x35: {  	_ = 	snop;
	(pc) =	sbr.rel @p0 .LBB2_2-.Ltmp0, $3  }
0x36: {  	_ =	sdelay $0x1  }
0x37: {  	s24 =	sshra.s32 s23, $0x2;
	s23 =	sadd.s32 $0x200, s23  }
0x38: {  	[spmem:s2] =	stream.indirect.scatter.add.f32 [tilespmem:s20], [sflag:$0x1], $0x1, s24, s19, $0xb8;
	[tilespmem:$0x2B78] =	vst v63  }
0x39: {  	_ =	swait.ge [sflag:s21], $0x80  }
0x3a: {  	s23 =	simm.s32 $0x4F;
	[sflag:s21] =	ssyncset.done $0x0  }
.LBB2_4:
0x3b: {  	p0 =	sne.s32 s23, $0x1;
	s23 =	sadd.s32 $0xFFFFFFFF, s23;
	[sflag:s21] =	ssyncadd.s32 $0xFFFFFF80  }
.Ltmp1:
0x3c: {  	(pc) =	sbr.rel @p0 .LBB2_4-.Ltmp1, $3  }
0x3d: {  	_ =	sdelay $0x1  }
0x3e: {  	_ =	swait.ge [sflag:s21], $0x80  }
0x3f: {  	[sflag:s21] =	ssyncset.done $0x0  }
0x40: {  	[sflag:s21] =	ssyncadd.s32 $0xFFFFFF80  }
0x41: {  	[bflag:$0x0] =	sbarrier.arrive $0xFFFF  }
0x42: {  	[tilespmem:s17], [sflag:$0x2] =	stream.linear.gather [spmem:s5], $0x80, $0x38;
	[tilespmem:$0x2B78] =	vst v63  }
0x43: {  	_ =	swait.ge [sflag:s18], $0x80  }
0x44: {  	[sflag:s18] =	ssyncset.done $0x0  }
0x45: {  	[sflag:s18] =	ssyncadd.s32 $0xFFFFFF80  }
0x46: {  	[hbm4b:s10+s3] =	stream.linear.scatter [tilespmem:s17], [sflag:$0x2], $0x80, $0x38;
	[tilespmem:$0x2B78] =	vst v63  }
0x47: {  	_ =	swait.ge [sflag:s18], $0x80  }
0x48: {  	[sflag:s18] =	ssyncset.done $0x0  }
0x49: {  	[sflag:s18] =	ssyncadd.s32 $0xFFFFFF80  }
0x4a: {  	[tilespmem:s17], [sflag:$0x2] =	stream.linear.gather [spmem:s6], $0x80, $0x38;
	[tilespmem:$0x2B78] =	vst v63  }
0x4b: {  	_ =	swait.ge [sflag:s18], $0x80  }
0x4c: {  	[sflag:s18] =	ssyncset.done $0x0  }
0x4d: {  	[sflag:s18] =	ssyncadd.s32 $0xFFFFFF80  }
0x4e: {  	[hbm4b:s12+s3] =	stream.linear.scatter [tilespmem:s17], [sflag:$0x2], $0x80, $0x38;
	[tilespmem:$0x2B78] =	vst v63  }
0x4f: {  	_ =	swait.ge [sflag:s18], $0x80  }
0x50: {  	[sflag:s18] =	ssyncset.done $0x0  }
0x51: {  	[sflag:s18] =	ssyncadd.s32 $0xFFFFFF80  }
0x52: {  	[tilespmem:s17], [sflag:$0x2] =	stream.linear.gather [spmem:s7], $0x80, $0x38;
	[tilespmem:$0x2B78] =	vst v63  }
0x53: {  	_ =	swait.ge [sflag:s18], $0x80  }
0x54: {  	[sflag:s18] =	ssyncset.done $0x0  }
0x55: {  	[sflag:s18] =	ssyncadd.s32 $0xFFFFFF80  }
0x56: {  	[hbm4b:s13+s3] =	stream.linear.scatter [tilespmem:s17], [sflag:$0x2], $0x80, $0x38;
	[tilespmem:$0x2B78] =	vst v63  }
0x57: {  	_ =	swait.ge [sflag:s18], $0x80  }
0x58: {  	[sflag:s18] =	ssyncset.done $0x0  }
0x59: {  	[sflag:s18] =	ssyncadd.s32 $0xFFFFFF80  }
0x5a: {  	[tilespmem:s17], [sflag:$0x2] =	stream.linear.gather [spmem:s8], $0x80, $0x38;
	[tilespmem:$0x2B78] =	vst v63  }
0x5b: {  	_ =	swait.ge [sflag:s18], $0x80  }
0x5c: {  	[sflag:s18] =	ssyncset.done $0x0  }
0x5d: {  	[sflag:s18] =	ssyncadd.s32 $0xFFFFFF80  }
0x5e: {  	[hbm4b:s14+s3] =	stream.linear.scatter [tilespmem:s17], [sflag:$0x2], $0x80, $0x38;
	[tilespmem:$0x2B78] =	vst v63  }
0x5f: {  	_ =	swait.ge [sflag:s18], $0x80  }
0x60: {  	[sflag:s18] =	ssyncset.done $0x0  }
0x61: {  	[sflag:s18] =	ssyncadd.s32 $0xFFFFFF80  }
0x62: {  	[tilespmem:s17], [sflag:$0x2] =	stream.linear.gather [spmem:s9], $0x78, $0x38;
	[tilespmem:$0x2B78] =	vst v63  }
0x63: {  	s22 =	sadd.s32 $0x1, s22;
	_ =	swait.ge [sflag:s18], $0x78  }
0x64: {  	p0 =	sne.s32 s22, s16;
	[sflag:s18] =	ssyncset.done $0x0  }
.Ltmp2:
0x65: {  	[sflag:s18] =	ssyncadd.s32 $0xFFFFFF88;
	(pc) =	sbr.rel @p0 .LBB2_1-.Ltmp2, $4  }
0x66: {  	[hbm4b:s15+s3] =	stream.linear.scatter [tilespmem:s17], [sflag:$0x2], $0x78, $0x38;
	[tilespmem:$0x2B78] =	vst v63  }
0x67: {  	_ =	swait.ge [sflag:s18], $0x78  }
0x68: {  	[sflag:s18] =	ssyncset.done $0x0  }
0x69: {  	[sflag:s18] =	ssyncadd.s32 $0xFFFFFF88  }
0x6a: {  	_ =	sfence.sel $0x180000  }
0x6b: {  	[bflag:$0x0] =	sbarrier.arrive $0xFFFF  }
0x6c: {  	p0 =	sne.s32 s0, $0x0;
	_ =	strace $0x90000047  }
0x6d: {  	s0 =	sadd.s32 @!p0 $0x100000, s1;
	[bflag:$0x2] =	sbarrier.arrive $0xFFFF  }
0x6e: {  	[sflag:s0] =	ssyncadd.tile.s32 @!p0 $0x1;
	_ =	shalt  }
.Lfunc_end2:
_tile_overlayer_lowered:
.L_overlay_start_2:
0x6f: {  	(tag) =	ssettag $0x2  }
0x70: {  	s0 =	rddreg [dreg:$0x0];
	s2 =	stileid.u32  }
0x71: {  	s1 =	rddreg [dreg:$0x1];
	p0 =	sne.s32 s2, $0x0  }
0x72: {  	s3 =	rddreg [dreg:$0x2];
	[bflag:$0x3] =	sbarrier.arrive $0xFFFF;
	s2 =	simm.s32 @!p0 $0x1C02  }
0x73: {  	[timem:s3], [sflag:s2] =	dma.local @!p0 [hbm:s0], s1  }
0x74: {  	s0 =	simm.s32 @!p0 $0x2  }
0x75: {  	_ =	swait.ge @!p0 [sflag:s0], s1  }
0x76: {  	s1 =	ssub.s32 @!p0 $0x0, s1;
	[sflag:s0] =	ssyncset.done @!p0 $0x0  }
0x77: {  	[sflag:s0] =	ssyncadd.s32 @!p0 s1  }
0x78: {  	[bflag:$0x3] =	sbarrier.arrive $0xFFFF  }
0x79: {  	_ =	shalt  }

</sc_bundles>
